<compile_context>
chip_gen: v7x
topology: tpu7x:2x2x1
jax: 0.10.2.dev20260603
libtpu: 0.0.44.dev20260713+nightly
codegen_flags: <defaults>
</compile_context>

<pallas_src>
import functools

import jax
import jax.numpy as jnp
from jax import lax
from jax.experimental import pallas as pl
from jax.experimental.pallas import tpu as pltpu
from jax.experimental.pallas import tpu_sc as plsc

N = 10000
D = 128
E = 320000

NC = 2
NS = 16
NW = NC * NS

CH = 80
CPW = 125
EPW = CH * CPW
ROWS_PER_TILE = 640
N_PAD = ROWS_PER_TILE * NS

def _mesh():
    return plsc.VectorSubcoreMesh(core_axis_name="c", subcore_axis_name="s",
                                  num_cores=NC, num_subcores=NS)


def _deg_body(dstp, z1, degp0, degp1, deg_sh, ones_v, stage_v, didx, isem,
              ssem):
    cid = lax.axis_index("c")
    sid = lax.axis_index("s")
    wid = cid * NS + sid
    ebase = wid * EPW

    for j in range(CH // 16):
        ones_v[pl.ds(j * 16, 16)] = jnp.ones((16,), jnp.float32)
    row0 = sid * ROWS_PER_TILE
    pltpu.sync_copy(z1.at[pl.ds(0, ROWS_PER_TILE)], stage_v)
    pltpu.sync_copy(stage_v, deg_sh.at[pl.ds(row0, ROWS_PER_TILE)])
    plsc.subcore_barrier()

    nbuf = len(didx)
    done = 0
    while done < CPW:
        cur = min(nbuf, CPW - done)
        descs = [
            pltpu.async_copy(dstp.at[pl.ds(ebase + (done + k) * CH, CH)],
                             didx[k], isem) for k in range(cur)
        ]
        for d in descs:
            d.wait()
        descs = [
            pltpu.async_copy(ones_v, deg_sh.at[didx[k]], ssem, add=True)
            for k in range(cur)
        ]
        for d in descs:
            d.wait()
        done += cur

    plsc.subcore_barrier()
    pltpu.sync_copy(deg_sh.at[pl.ds(row0, ROWS_PER_TILE)], stage_v)

    @pl.when(cid == 0)
    def _():
        pltpu.sync_copy(stage_v, degp0.at[pl.ds(row0, ROWS_PER_TILE)])

    @pl.when(cid == 1)
    def _():
        pltpu.sync_copy(stage_v, degp1.at[pl.ds(row0, ROWS_PER_TILE)])


def _edge_body(srcp, dstp, y, z2, accp, sidx_all, didx0, didx1, didx2, rows0,
               rows1, rows2, acc_sh, isem0, isem1, isem2, gsem0, gsem1, gsem2,
               ssem0, ssem1, ssem2):
    cid = lax.axis_index("c")
    sid = lax.axis_index("s")
    wid = cid * NS + sid
    ebase = wid * EPW

    didx = (didx0, didx1, didx2)
    rows = (rows0, rows1, rows2)
    isem = (isem0, isem1, isem2)
    gsem = (gsem0, gsem1, gsem2)
    ssem = (ssem0, ssem1, ssem2)
    QR = ROWS_PER_TILE // 8

    pltpu.sync_copy(srcp.at[pl.ds(ebase, EPW)], sidx_all)
    row0 = sid * ROWS_PER_TILE
    pltpu.sync_copy(z2.at[pl.ds(0, QR)], rows0)
    for k in range(8):
        pltpu.sync_copy(rows0, acc_sh.at[pl.ds(row0 + k * QR, QR)])
    plsc.subcore_barrier()

    def gather(c, b):
        pltpu.async_copy(y.at[sidx_all.at[pl.ds(c * CH, CH)]], rows[b],
                         gsem[b])

    def gather_wait(b):
        pltpu.make_async_copy(y.at[sidx_all.at[pl.ds(0, CH)]], rows[b],
                              gsem[b]).wait()

    def idx_fetch(c, b):
        pltpu.async_copy(dstp.at[pl.ds(ebase + c * CH, CH)], didx[b], isem[b])

    def idx_wait(b):
        pltpu.make_async_copy(dstp.at[pl.ds(ebase, CH)], didx[b],
                              isem[b]).wait()

    def scatter(b):
        pltpu.async_copy(rows[b], acc_sh.at[didx[b]], ssem[b], add=True)

    def scatter_wait(b):
        pltpu.make_async_copy(rows[b], acc_sh.at[didx[b]], ssem[b]).wait()

    last = CPW - 1

    idx_fetch(0, 0)
    gather(0, 0)
    for i in (0, 1):
        idx_fetch(i + 1, (i + 1) % 3)
        gather(i + 1, (i + 1) % 3)
        gather_wait(i % 3)
        idx_wait(i % 3)
        scatter(i % 3)

    def step(g, _):
        for b3 in range(3):
            i = 3 * g + 2 + b3
            bi = (2 + b3) % 3
            bn = (b3) % 3
            scatter_wait(bn)
            idx_fetch(jnp.minimum(i + 1, last), bn)
            gather(jnp.minimum(i + 1, last), bn)
            gather_wait(bi)
            idx_wait(bi)
            scatter(bi)
        return 0

    lax.fori_loop(0, (CPW - 2) // 3, step, 0)

    scatter_wait(0)
    scatter_wait(1)
    gather_wait(2)
    idx_wait(2)

    plsc.subcore_barrier()
    for k in range(8):
        pltpu.sync_copy(acc_sh.at[pl.ds(row0 + k * QR, QR)], rows0)
        pltpu.sync_copy(rows0, accp.at[cid, pl.ds(row0 + k * QR, QR)])


def _scale_body(x_ref, w_ref, d0_ref, d1_ref, y_ref):
    deg = d0_ref[...] + d1_ref[...] + 1.0
    dinv = lax.rsqrt(deg)
    xw = jnp.dot(x_ref[...], w_ref[...], preferred_element_type=jnp.float32)
    y_ref[...] = xw * dinv


def _combine_body(a0_ref, a1_ref, y_ref, d0_ref, d1_ref, b_ref, out_ref,
                  st_ref):
    j = pl.program_id(0)
    deg = d0_ref[...] + d1_ref[...] + 1.0
    dinv = lax.rsqrt(deg)
    acc = a0_ref[0] + a1_ref[0] + y_ref[...]
    out = dinv * acc + b_ref[...]
    out_ref[...] = out
    st = jnp.stack([jnp.sum(out, axis=0), jnp.sum(out * out, axis=0)])

    @pl.when(j == 0)
    def _():
        st_ref[...] = st

    @pl.when(j > 0)
    def _():
        st_ref[...] += st


def _bn_body(out_ref, x_ref, st_ref, g_ref, bt_ref, f_ref):
    inv_n = 1.0 / N
    mean = st_ref[0:1, :] * inv_n
    var = st_ref[1:2, :] * inv_n - mean * mean
    rstd = lax.rsqrt(var + 1e-5)
    h = (out_ref[...] - mean) * rstd * g_ref[...] + bt_ref[...]
    h = jnp.where(h > 0, h, jnp.exp(h) - 1.0)
    f_ref[...] = h + x_ref[...]


def kernel(x, edge_index, W, b, gamma, beta):
    srcp = edge_index[0].astype(jnp.int32)
    dstp = edge_index[1].astype(jnp.int32)
    z1 = jnp.zeros((N_PAD,), jnp.float32)
    z2 = jnp.zeros((N_PAD, D), jnp.float32)

    deg_kernel = pl.kernel(
        _deg_body,
        out_type=[
            jax.ShapeDtypeStruct((N_PAD,), jnp.float32),
            jax.ShapeDtypeStruct((N_PAD,), jnp.float32),
        ],
        mesh=_mesh(),
        scratch_types=[
            pltpu.VMEM_SHARED((N_PAD,), jnp.float32),
            pltpu.VMEM((CH,), jnp.float32),
            pltpu.VMEM((ROWS_PER_TILE,), jnp.float32),
            [pltpu.VMEM((CH,), jnp.int32) for _ in range(16)],
            pltpu.SemaphoreType.DMA,
            pltpu.SemaphoreType.DMA,
        ],
    )
    degp0, degp1 = deg_kernel(dstp, z1)
    degp0 = degp0.reshape(N_PAD, 1)
    degp1 = degp1.reshape(N_PAD, 1)

    R = 1000
    G = N // R
    dspec = pl.BlockSpec((R, 1), lambda j: (j, 0))
    y = pl.pallas_call(
        _scale_body,
        grid=(G,),
        in_specs=[
            pl.BlockSpec((R, D), lambda j: (j, 0)),
            pl.BlockSpec((D, D), lambda j: (0, 0)),
            dspec,
            dspec,
        ],
        out_specs=pl.BlockSpec((R, D), lambda j: (j, 0)),
        out_shape=jax.ShapeDtypeStruct((N, D), jnp.float32),
    )(x, W, degp0, degp1)

    edge_kernel = pl.kernel(
        _edge_body,
        out_type=jax.ShapeDtypeStruct((NC, N_PAD, D), jnp.float32),
        mesh=_mesh(),
        scratch_types=[
            pltpu.VMEM((EPW,), jnp.int32),
            pltpu.VMEM((CH,), jnp.int32),
            pltpu.VMEM((CH,), jnp.int32),
            pltpu.VMEM((CH,), jnp.int32),
            pltpu.VMEM((CH, D), jnp.float32),
            pltpu.VMEM((CH, D), jnp.float32),
            pltpu.VMEM((CH, D), jnp.float32),
            pltpu.VMEM_SHARED((N_PAD, D), jnp.float32),
        ] + [pltpu.SemaphoreType.DMA] * 9,
    )
    accp = edge_kernel(srcp, dstp, y, z2)

    out, stats = pl.pallas_call(
        _combine_body,
        grid=(G,),
        in_specs=[
            pl.BlockSpec((1, R, D), lambda j: (0, j, 0)),
            pl.BlockSpec((1, R, D), lambda j: (1, j, 0)),
            pl.BlockSpec((R, D), lambda j: (j, 0)),
            dspec,
            dspec,
            pl.BlockSpec((1, D), lambda j: (0, 0)),
        ],
        out_specs=[
            pl.BlockSpec((R, D), lambda j: (j, 0)),
            pl.BlockSpec((2, D), lambda j: (0, 0)),
        ],
        out_shape=[
            jax.ShapeDtypeStruct((N, D), jnp.float32),
            jax.ShapeDtypeStruct((2, D), jnp.float32),
        ],
    )(accp, accp, y, degp0, degp1, b.reshape(1, D))

    final = pl.pallas_call(
        _bn_body,
        grid=(G,),
        in_specs=[
            pl.BlockSpec((R, D), lambda j: (j, 0)),
            pl.BlockSpec((R, D), lambda j: (j, 0)),
            pl.BlockSpec((2, D), lambda j: (0, 0)),
            pl.BlockSpec((1, D), lambda j: (0, 0)),
            pl.BlockSpec((1, D), lambda j: (0, 0)),
        ],
        out_specs=pl.BlockSpec((R, D), lambda j: (j, 0)),
        out_shape=jax.ShapeDtypeStruct((N, D), jnp.float32),
    )(out, x, stats, gamma.reshape(1, D), beta.reshape(1, D))

    return final

# --- scband reference (transcript-rebuilt; emitter-appended) ---
"""Pipeline reference for scband-improved-gcnlayer-52707838656822 (READ-ONLY COPY).

The authoritative reference and input builder live on the scoring server;
editing this copy changes nothing except your own understanding.
"""

import jax, jax.numpy as jnp
import numpy as np

N = 10000
E = 320000
D = 128


def setup_inputs(seed: int = 0) -> dict:
    key = jax.random.key(seed)
    k1, k2, k3 = jax.random.split(key, 3)
    x = jax.random.normal(k1, (N, D), dtype=jnp.float32)
    edge_index = jax.random.randint(k2, (2, E), 0, N)
    # Learned parameters
    W = jax.random.normal(k3, (D, D), dtype=jnp.float32) * 0.05  # GCNConv linear weight
    b = jnp.zeros((D,), dtype=jnp.float32)                        # GCNConv bias (added post-aggregation)
    gamma = jnp.ones((D,), dtype=jnp.float32)                     # BatchNorm weight
    beta = jnp.zeros((D,), dtype=jnp.float32)                     # BatchNorm bias
    return {"x": x, "edge_index": edge_index, "W": W, "b": b, "gamma": gamma, "beta": beta}


def reference(x, edge_index, W, b, gamma, beta):
    n = x.shape[0]
    src = edge_index[0]
    dst = edge_index[1]
    # GCNConv: add self-loops
    loop = jnp.arange(n, dtype=src.dtype)
    src = jnp.concatenate([src, loop])
    dst = jnp.concatenate([dst, loop])
    # Linear transform first (PyG GCNConv: lin has no bias; bias added after aggregation)
    xw = x @ W
    # Symmetric normalization D^{-1/2} A_hat D^{-1/2}
    ones = jnp.ones(src.shape[0], dtype=x.dtype)
    deg = jax.ops.segment_sum(ones, dst, num_segments=n)
    dinv = jnp.where(deg > 0, 1.0 / jnp.sqrt(deg), 0.0)
    norm = dinv[src] * dinv[dst]
    # Gather messages and scatter-add to destinations
    msg = xw[src] * norm[:, None]
    agg = jnp.zeros((n, xw.shape[1]), dtype=x.dtype).at[dst].add(msg)
    out = agg + b
    # BatchNorm over nodes (training-mode batch statistics, biased variance, eps=1e-5)
    mean = out.mean(axis=0)
    var = out.var(axis=0)
    h = (out - mean) / jnp.sqrt(var + 1e-5) * gamma + beta
    # ELU activation
    h = jax.nn.elu(h)
    # Dropout is identity in eval mode; residual (Identity since in_channels == out_channels)
    return h + x

if __name__ == "__main__":
    import jax
    _d = setup_inputs()
    print(jax.jit(kernel)(*tuple(_d.values())))

</pallas_src>

<mosaic_0001>
#map = affine_map<(d0, d1) -> (0)>
#map1 = affine_map<(d0, d1) -> (0, 0)>
#map2 = affine_map<(d0, d1) -> (0, 0, 0)>
module attributes {stable_mosaic.version = 14 : i64} {
  func.func @_edge_body(%arg0: i32, %arg1: i32, %arg2: memref<320000xi32, #tpu.memory_space<hbm>>, %arg3: memref<320000xi32, #tpu.memory_space<hbm>>, %arg4: memref<10000x128xf32, #tpu.memory_space<hbm>>, %arg5: memref<10240x128xf32, #tpu.memory_space<hbm>>, %arg6: memref<2x10240x128xf32, #tpu.memory_space<hbm>>, %arg7: memref<10000xi32, #tpu.memory_space<vmem>>, %arg8: memref<80xi32, #tpu.memory_space<vmem>>, %arg9: memref<80xi32, #tpu.memory_space<vmem>>, %arg10: memref<80xi32, #tpu.memory_space<vmem>>, %arg11: memref<80x128xf32, #tpu.memory_space<vmem>>, %arg12: memref<80x128xf32, #tpu.memory_space<vmem>>, %arg13: memref<80x128xf32, #tpu.memory_space<vmem>>, %arg14: memref<10240x128xf32, #tpu.memory_space<vmem_shared>>, %arg15: memref<!tpu.dma_semaphore, #tpu.memory_space<semaphore_mem>>, %arg16: memref<!tpu.dma_semaphore, #tpu.memory_space<semaphore_mem>>, %arg17: memref<!tpu.dma_semaphore, #tpu.memory_space<semaphore_mem>>, %arg18: memref<!tpu.dma_semaphore, #tpu.memory_space<semaphore_mem>>, %arg19: memref<!tpu.dma_semaphore, #tpu.memory_space<semaphore_mem>>, %arg20: memref<!tpu.dma_semaphore, #tpu.memory_space<semaphore_mem>>, %arg21: memref<!tpu.dma_semaphore, #tpu.memory_space<semaphore_mem>>, %arg22: memref<!tpu.dma_semaphore, #tpu.memory_space<semaphore_mem>>, %arg23: memref<!tpu.dma_semaphore, #tpu.memory_space<semaphore_mem>>) attributes {dimension_semantics = [#tpu.dimension_semantics<core_parallel>, #tpu.dimension_semantics<subcore_parallel>], iteration_bounds = array<i64: 2, 16>, scalar_prefetch = 0 : i64, scratch_operands = 17 : i64, tpu.core_type = #tpu.core_type<sc_vector_subcore>, window_params = [{transform_indices = #map}, {transform_indices = #map}, {transform_indices = #map1}, {transform_indices = #map1}, {transform_indices = #map2}]} {
    %mul3A = arith.constant 16 : i32
    %mul3A_0 = arith.muli %arg0, %mul3A : i32
    %add3A = arith.addi %mul3A_0, %arg1 : i32
    %mul3A_1 = arith.constant 10000 : i32
    %mul3A_2 = arith.muli %add3A, %mul3A_1 : i32
    "tpu.region"() ({
      %run_scoped3A = tpu.sem_alloc : memref<!tpu.dma_semaphore, #tpu.memory_space<semaphore_mem>>
      %dma_start3A_118 = tpu.memref_slice %arg2[%mul3A_2] : memref<320000xi32, #tpu.memory_space<hbm>> -> memref<10000xi32, #tpu.memory_space<hbm>>
      %dma_start3A_119 = tpu.memref_slice %arg2[%mul3A_2] : memref<320000xi32, #tpu.memory_space<hbm>> -> memref<10000xi32, #tpu.memory_space<hbm>>
      tpu.enqueue_dma source(%dma_start3A_119 : memref<10000xi32, #tpu.memory_space<hbm>>) target(%arg7 : memref<10000xi32, #tpu.memory_space<vmem>>) target_semaphore(%run_scoped3A : memref<!tpu.dma_semaphore, #tpu.memory_space<semaphore_mem>>)
      %dma_wait3A_120 = tpu.memref_slice %arg2[%mul3A_2] : memref<320000xi32, #tpu.memory_space<hbm>> -> memref<10000xi32, #tpu.memory_space<hbm>>
      %dma_wait3A_121 = tpu.memref_slice %arg2[%mul3A_2] : memref<320000xi32, #tpu.memory_space<hbm>> -> memref<10000xi32, #tpu.memory_space<hbm>>
      tpu.wait_dma2 semaphore(%run_scoped3A : memref<!tpu.dma_semaphore, #tpu.memory_space<semaphore_mem>>) src(%dma_wait3A_121 : memref<10000xi32, #tpu.memory_space<hbm>>) dst(%arg7 : memref<10000xi32, #tpu.memory_space<vmem>>)
      tpu.yield
    }) : () -> ()
    %mul3A_3 = arith.constant 640 : i32
    %mul3A_4 = arith.muli %arg1, %mul3A_3 : i32
    "tpu.region"() ({
      %run_scoped3A = tpu.sem_alloc : memref<!tpu.dma_semaphore, #tpu.memory_space<semaphore_mem>>
      %dma_start3A_118 = arith.constant 0 : i32
      %dma_start3A_119 = arith.constant 0 : i32
      %dma_start3A_120 = tpu.memref_slice %arg5[%dma_start3A_118, %dma_start3A_119] : memref<10240x128xf32, #tpu.memory_space<hbm>> -> memref<80x128xf32, #tpu.memory_space<hbm>>
      %dma_start3A_121 = arith.constant 0 : i32
      %dma_start3A_122 = arith.constant 0 : i32
      %dma_start3A_123 = tpu.memref_slice %arg5[%dma_start3A_121, %dma_start3A_122] : memref<10240x128xf32, #tpu.memory_space<hbm>> -> memref<80x128xf32, #tpu.memory_space<hbm>>
      tpu.enqueue_dma source(%dma_start3A_123 : memref<80x128xf32, #tpu.memory_space<hbm>>) target(%arg11 : memref<80x128xf32, #tpu.memory_space<vmem>>) target_semaphore(%run_scoped3A : memref<!tpu.dma_semaphore, #tpu.memory_space<semaphore_mem>>)
      %dma_wait3A_124 = arith.constant 0 : i32
      %dma_wait3A_125 = arith.constant 0 : i32
      %dma_wait3A_126 = tpu.memref_slice %arg5[%dma_wait3A_124, %dma_wait3A_125] : memref<10240x128xf32, #tpu.memory_space<hbm>> -> memref<80x128xf32, #tpu.memory_space<hbm>>
      %dma_wait3A_127 = arith.constant 0 : i32
      %dma_wait3A_128 = arith.constant 0 : i32
      %dma_wait3A_129 = tpu.memref_slice %arg5[%dma_wait3A_127, %dma_wait3A_128] : memref<10240x128xf32, #tpu.memory_space<hbm>> -> memref<80x128xf32, #tpu.memory_space<hbm>>
      tpu.wait_dma2 semaphore(%run_scoped3A : memref<!tpu.dma_semaphore, #tpu.memory_space<semaphore_mem>>) src(%dma_wait3A_129 : memref<80x128xf32, #tpu.memory_space<hbm>>) dst(%arg11 : memref<80x128xf32, #tpu.memory_space<vmem>>)
      tpu.yield
    }) : () -> ()
    %add3A_5 = arith.constant 0 : i32
    %add3A_6 = arith.addi %mul3A_4, %add3A_5 : i32
    "tpu.region"() ({
      %run_scoped3A = tpu.sem_alloc : memref<!tpu.dma_semaphore, #tpu.memory_space<semaphore_mem>>
      %dma_start3A_118 = arith.constant 0 : i32
      %dma_start3A_119 = tpu.memref_slice %arg14[%add3A_6, %dma_start3A_118] : memref<10240x128xf32, #tpu.memory_space<vmem_shared>> -> memref<80x128xf32, #tpu.memory_space<vmem_shared>>
      %dma_start3A_120 = arith.constant 0 : i32
      %dma_start3A_121 = tpu.memref_slice %arg14[%add3A_6, %dma_start3A_120] : memref<10240x128xf32, #tpu.memory_space<vmem_shared>> -> memref<80x128xf32, #tpu.memory_space<vmem_shared>>
      tpu.enqueue_dma source(%arg11 : memref<80x128xf32, #tpu.memory_space<vmem>>) target(%dma_start3A_121 : memref<80x128xf32, #tpu.memory_space<vmem_shared>>) target_semaphore(%run_scoped3A : memref<!tpu.dma_semaphore, #tpu.memory_space<semaphore_mem>>)
      %dma_wait3A_122 = arith.constant 0 : i32
      %dma_wait3A_123 = tpu.memref_slice %arg14[%add3A_6, %dma_wait3A_122] : memref<10240x128xf32, #tpu.memory_space<vmem_shared>> -> memref<80x128xf32, #tpu.memory_space<vmem_shared>>
      %dma_wait3A_124 = arith.constant 0 : i32
      %dma_wait3A_125 = tpu.memref_slice %arg14[%add3A_6, %dma_wait3A_124] : memref<10240x128xf32, #tpu.memory_space<vmem_shared>> -> memref<80x128xf32, #tpu.memory_space<vmem_shared>>
      tpu.wait_dma2 semaphore(%run_scoped3A : memref<!tpu.dma_semaphore, #tpu.memory_space<semaphore_mem>>) src(%arg11 : memref<80x128xf32, #tpu.memory_space<vmem>>) dst(%dma_wait3A_125 : memref<80x128xf32, #tpu.memory_space<vmem_shared>>)
      tpu.yield
    }) : () -> ()
    %add3A_7 = arith.constant 80 : i32
    %add3A_8 = arith.addi %mul3A_4, %add3A_7 : i32
    "tpu.region"() ({
      %run_scoped3A = tpu.sem_alloc : memref<!tpu.dma_semaphore, #tpu.memory_space<semaphore_mem>>
      %dma_start3A_118 = arith.constant 0 : i32
      %dma_start3A_119 = tpu.memref_slice %arg14[%add3A_8, %dma_start3A_118] : memref<10240x128xf32, #tpu.memory_space<vmem_shared>> -> memref<80x128xf32, #tpu.memory_space<vmem_shared>>
      %dma_start3A_120 = arith.constant 0 : i32
      %dma_start3A_121 = tpu.memref_slice %arg14[%add3A_8, %dma_start3A_120] : memref<10240x128xf32, #tpu.memory_space<vmem_shared>> -> memref<80x128xf32, #tpu.memory_space<vmem_shared>>
      tpu.enqueue_dma source(%arg11 : memref<80x128xf32, #tpu.memory_space<vmem>>) target(%dma_start3A_121 : memref<80x128xf32, #tpu.memory_space<vmem_shared>>) target_semaphore(%run_scoped3A : memref<!tpu.dma_semaphore, #tpu.memory_space<semaphore_mem>>)
      %dma_wait3A_122 = arith.constant 0 : i32
      %dma_wait3A_123 = tpu.memref_slice %arg14[%add3A_8, %dma_wait3A_122] : memref<10240x128xf32, #tpu.memory_space<vmem_shared>> -> memref<80x128xf32, #tpu.memory_space<vmem_shared>>
      %dma_wait3A_124 = arith.constant 0 : i32
      %dma_wait3A_125 = tpu.memref_slice %arg14[%add3A_8, %dma_wait3A_124] : memref<10240x128xf32, #tpu.memory_space<vmem_shared>> -> memref<80x128xf32, #tpu.memory_space<vmem_shared>>
      tpu.wait_dma2 semaphore(%run_scoped3A : memref<!tpu.dma_semaphore, #tpu.memory_space<semaphore_mem>>) src(%arg11 : memref<80x128xf32, #tpu.memory_space<vmem>>) dst(%dma_wait3A_125 : memref<80x128xf32, #tpu.memory_space<vmem_shared>>)
      tpu.yield
    }) : () -> ()
    %add3A_9 = arith.constant 160 : i32
    %add3A_10 = arith.addi %mul3A_4, %add3A_9 : i32
    "tpu.region"() ({
      %run_scoped3A = tpu.sem_alloc : memref<!tpu.dma_semaphore, #tpu.memory_space<semaphore_mem>>
      %dma_start3A_118 = arith.constant 0 : i32
      %dma_start3A_119 = tpu.memref_slice %arg14[%add3A_10, %dma_start3A_118] : memref<10240x128xf32, #tpu.memory_space<vmem_shared>> -> memref<80x128xf32, #tpu.memory_space<vmem_shared>>
      %dma_start3A_120 = arith.constant 0 : i32
      %dma_start3A_121 = tpu.memref_slice %arg14[%add3A_10, %dma_start3A_120] : memref<10240x128xf32, #tpu.memory_space<vmem_shared>> -> memref<80x128xf32, #tpu.memory_space<vmem_shared>>
      tpu.enqueue_dma source(%arg11 : memref<80x128xf32, #tpu.memory_space<vmem>>) target(%dma_start3A_121 : memref<80x128xf32, #tpu.memory_space<vmem_shared>>) target_semaphore(%run_scoped3A : memref<!tpu.dma_semaphore, #tpu.memory_space<semaphore_mem>>)
      %dma_wait3A_122 = arith.constant 0 : i32
      %dma_wait3A_123 = tpu.memref_slice %arg14[%add3A_10, %dma_wait3A_122] : memref<10240x128xf32, #tpu.memory_space<vmem_shared>> -> memref<80x128xf32, #tpu.memory_space<vmem_shared>>
      %dma_wait3A_124 = arith.constant 0 : i32
      %dma_wait3A_125 = tpu.memref_slice %arg14[%add3A_10, %dma_wait3A_124] : memref<10240x128xf32, #tpu.memory_space<vmem_shared>> -> memref<80x128xf32, #tpu.memory_space<vmem_shared>>
      tpu.wait_dma2 semaphore(%run_scoped3A : memref<!tpu.dma_semaphore, #tpu.memory_space<semaphore_mem>>) src(%arg11 : memref<80x128xf32, #tpu.memory_space<vmem>>) dst(%dma_wait3A_125 : memref<80x128xf32, #tpu.memory_space<vmem_shared>>)
      tpu.yield
    }) : () -> ()
    %add3A_11 = arith.constant 240 : i32
    %add3A_12 = arith.addi %mul3A_4, %add3A_11 : i32
    "tpu.region"() ({
      %run_scoped3A = tpu.sem_alloc : memref<!tpu.dma_semaphore, #tpu.memory_space<semaphore_mem>>
      %dma_start3A_118 = arith.constant 0 : i32
      %dma_start3A_119 = tpu.memref_slice %arg14[%add3A_12, %dma_start3A_118] : memref<10240x128xf32, #tpu.memory_space<vmem_shared>> -> memref<80x128xf32, #tpu.memory_space<vmem_shared>>
      %dma_start3A_120 = arith.constant 0 : i32
      %dma_start3A_121 = tpu.memref_slice %arg14[%add3A_12, %dma_start3A_120] : memref<10240x128xf32, #tpu.memory_space<vmem_shared>> -> memref<80x128xf32, #tpu.memory_space<vmem_shared>>
      tpu.enqueue_dma source(%arg11 : memref<80x128xf32, #tpu.memory_space<vmem>>) target(%dma_start3A_121 : memref<80x128xf32, #tpu.memory_space<vmem_shared>>) target_semaphore(%run_scoped3A : memref<!tpu.dma_semaphore, #tpu.memory_space<semaphore_mem>>)
      %dma_wait3A_122 = arith.constant 0 : i32
      %dma_wait3A_123 = tpu.memref_slice %arg14[%add3A_12, %dma_wait3A_122] : memref<10240x128xf32, #tpu.memory_space<vmem_shared>> -> memref<80x128xf32, #tpu.memory_space<vmem_shared>>
      %dma_wait3A_124 = arith.constant 0 : i32
      %dma_wait3A_125 = tpu.memref_slice %arg14[%add3A_12, %dma_wait3A_124] : memref<10240x128xf32, #tpu.memory_space<vmem_shared>> -> memref<80x128xf32, #tpu.memory_space<vmem_shared>>
      tpu.wait_dma2 semaphore(%run_scoped3A : memref<!tpu.dma_semaphore, #tpu.memory_space<semaphore_mem>>) src(%arg11 : memref<80x128xf32, #tpu.memory_space<vmem>>) dst(%dma_wait3A_125 : memref<80x128xf32, #tpu.memory_space<vmem_shared>>)
      tpu.yield
    }) : () -> ()
    %add3A_13 = arith.constant 320 : i32
    %add3A_14 = arith.addi %mul3A_4, %add3A_13 : i32
    "tpu.region"() ({
      %run_scoped3A = tpu.sem_alloc : memref<!tpu.dma_semaphore, #tpu.memory_space<semaphore_mem>>
      %dma_start3A_118 = arith.constant 0 : i32
      %dma_start3A_119 = tpu.memref_slice %arg14[%add3A_14, %dma_start3A_118] : memref<10240x128xf32, #tpu.memory_space<vmem_shared>> -> memref<80x128xf32, #tpu.memory_space<vmem_shared>>
      %dma_start3A_120 = arith.constant 0 : i32
      %dma_start3A_121 = tpu.memref_slice %arg14[%add3A_14, %dma_start3A_120] : memref<10240x128xf32, #tpu.memory_space<vmem_shared>> -> memref<80x128xf32, #tpu.memory_space<vmem_shared>>
      tpu.enqueue_dma source(%arg11 : memref<80x128xf32, #tpu.memory_space<vmem>>) target(%dma_start3A_121 : memref<80x128xf32, #tpu.memory_space<vmem_shared>>) target_semaphore(%run_scoped3A : memref<!tpu.dma_semaphore, #tpu.memory_space<semaphore_mem>>)
      %dma_wait3A_122 = arith.constant 0 : i32
      %dma_wait3A_123 = tpu.memref_slice %arg14[%add3A_14, %dma_wait3A_122] : memref<10240x128xf32, #tpu.memory_space<vmem_shared>> -> memref<80x128xf32, #tpu.memory_space<vmem_shared>>
      %dma_wait3A_124 = arith.constant 0 : i32
      %dma_wait3A_125 = tpu.memref_slice %arg14[%add3A_14, %dma_wait3A_124] : memref<10240x128xf32, #tpu.memory_space<vmem_shared>> -> memref<80x128xf32, #tpu.memory_space<vmem_shared>>
      tpu.wait_dma2 semaphore(%run_scoped3A : memref<!tpu.dma_semaphore, #tpu.memory_space<semaphore_mem>>) src(%arg11 : memref<80x128xf32, #tpu.memory_space<vmem>>) dst(%dma_wait3A_125 : memref<80x128xf32, #tpu.memory_space<vmem_shared>>)
      tpu.yield
    }) : () -> ()
    %add3A_15 = arith.constant 400 : i32
    %add3A_16 = arith.addi %mul3A_4, %add3A_15 : i32
    "tpu.region"() ({
      %run_scoped3A = tpu.sem_alloc : memref<!tpu.dma_semaphore, #tpu.memory_space<semaphore_mem>>
      %dma_start3A_118 = arith.constant 0 : i32
      %dma_start3A_119 = tpu.memref_slice %arg14[%add3A_16, %dma_start3A_118] : memref<10240x128xf32, #tpu.memory_space<vmem_shared>> -> memref<80x128xf32, #tpu.memory_space<vmem_shared>>
      %dma_start3A_120 = arith.constant 0 : i32
      %dma_start3A_121 = tpu.memref_slice %arg14[%add3A_16, %dma_start3A_120] : memref<10240x128xf32, #tpu.memory_space<vmem_shared>> -> memref<80x128xf32, #tpu.memory_space<vmem_shared>>
      tpu.enqueue_dma source(%arg11 : memref<80x128xf32, #tpu.memory_space<vmem>>) target(%dma_start3A_121 : memref<80x128xf32, #tpu.memory_space<vmem_shared>>) target_semaphore(%run_scoped3A : memref<!tpu.dma_semaphore, #tpu.memory_space<semaphore_mem>>)
      %dma_wait3A_122 = arith.constant 0 : i32
      %dma_wait3A_123 = tpu.memref_slice %arg14[%add3A_16, %dma_wait3A_122] : memref<10240x128xf32, #tpu.memory_space<vmem_shared>> -> memref<80x128xf32, #tpu.memory_space<vmem_shared>>
      %dma_wait3A_124 = arith.constant 0 : i32
      %dma_wait3A_125 = tpu.memref_slice %arg14[%add3A_16, %dma_wait3A_124] : memref<10240x128xf32, #tpu.memory_space<vmem_shared>> -> memref<80x128xf32, #tpu.memory_space<vmem_shared>>
      tpu.wait_dma2 semaphore(%run_scoped3A : memref<!tpu.dma_semaphore, #tpu.memory_space<semaphore_mem>>) src(%arg11 : memref<80x128xf32, #tpu.memory_space<vmem>>) dst(%dma_wait3A_125 : memref<80x128xf32, #tpu.memory_space<vmem_shared>>)
      tpu.yield
    }) : () -> ()
    %add3A_17 = arith.constant 480 : i32
    %add3A_18 = arith.addi %mul3A_4, %add3A_17 : i32
    "tpu.region"() ({
      %run_scoped3A = tpu.sem_alloc : memref<!tpu.dma_semaphore, #tpu.memory_space<semaphore_mem>>
      %dma_start3A_118 = arith.constant 0 : i32
      %dma_start3A_119 = tpu.memref_slice %arg14[%add3A_18, %dma_start3A_118] : memref<10240x128xf32, #tpu.memory_space<vmem_shared>> -> memref<80x128xf32, #tpu.memory_space<vmem_shared>>
      %dma_start3A_120 = arith.constant 0 : i32
      %dma_start3A_121 = tpu.memref_slice %arg14[%add3A_18, %dma_start3A_120] : memref<10240x128xf32, #tpu.memory_space<vmem_shared>> -> memref<80x128xf32, #tpu.memory_space<vmem_shared>>
      tpu.enqueue_dma source(%arg11 : memref<80x128xf32, #tpu.memory_space<vmem>>) target(%dma_start3A_121 : memref<80x128xf32, #tpu.memory_space<vmem_shared>>) target_semaphore(%run_scoped3A : memref<!tpu.dma_semaphore, #tpu.memory_space<semaphore_mem>>)
      %dma_wait3A_122 = arith.constant 0 : i32
      %dma_wait3A_123 = tpu.memref_slice %arg14[%add3A_18, %dma_wait3A_122] : memref<10240x128xf32, #tpu.memory_space<vmem_shared>> -> memref<80x128xf32, #tpu.memory_space<vmem_shared>>
      %dma_wait3A_124 = arith.constant 0 : i32
      %dma_wait3A_125 = tpu.memref_slice %arg14[%add3A_18, %dma_wait3A_124] : memref<10240x128xf32, #tpu.memory_space<vmem_shared>> -> memref<80x128xf32, #tpu.memory_space<vmem_shared>>
      tpu.wait_dma2 semaphore(%run_scoped3A : memref<!tpu.dma_semaphore, #tpu.memory_space<semaphore_mem>>) src(%arg11 : memref<80x128xf32, #tpu.memory_space<vmem>>) dst(%dma_wait3A_125 : memref<80x128xf32, #tpu.memory_space<vmem_shared>>)
      tpu.yield
    }) : () -> ()
    %add3A_19 = arith.constant 560 : i32
    %add3A_20 = arith.addi %mul3A_4, %add3A_19 : i32
    "tpu.region"() ({
      %run_scoped3A = tpu.sem_alloc : memref<!tpu.dma_semaphore, #tpu.memory_space<semaphore_mem>>
      %dma_start3A_118 = arith.constant 0 : i32
      %dma_start3A_119 = tpu.memref_slice %arg14[%add3A_20, %dma_start3A_118] : memref<10240x128xf32, #tpu.memory_space<vmem_shared>> -> memref<80x128xf32, #tpu.memory_space<vmem_shared>>
      %dma_start3A_120 = arith.constant 0 : i32
      %dma_start3A_121 = tpu.memref_slice %arg14[%add3A_20, %dma_start3A_120] : memref<10240x128xf32, #tpu.memory_space<vmem_shared>> -> memref<80x128xf32, #tpu.memory_space<vmem_shared>>
      tpu.enqueue_dma source(%arg11 : memref<80x128xf32, #tpu.memory_space<vmem>>) target(%dma_start3A_121 : memref<80x128xf32, #tpu.memory_space<vmem_shared>>) target_semaphore(%run_scoped3A : memref<!tpu.dma_semaphore, #tpu.memory_space<semaphore_mem>>)
      %dma_wait3A_122 = arith.constant 0 : i32
      %dma_wait3A_123 = tpu.memref_slice %arg14[%add3A_20, %dma_wait3A_122] : memref<10240x128xf32, #tpu.memory_space<vmem_shared>> -> memref<80x128xf32, #tpu.memory_space<vmem_shared>>
      %dma_wait3A_124 = arith.constant 0 : i32
      %dma_wait3A_125 = tpu.memref_slice %arg14[%add3A_20, %dma_wait3A_124] : memref<10240x128xf32, #tpu.memory_space<vmem_shared>> -> memref<80x128xf32, #tpu.memory_space<vmem_shared>>
      tpu.wait_dma2 semaphore(%run_scoped3A : memref<!tpu.dma_semaphore, #tpu.memory_space<semaphore_mem>>) src(%arg11 : memref<80x128xf32, #tpu.memory_space<vmem>>) dst(%dma_wait3A_125 : memref<80x128xf32, #tpu.memory_space<vmem_shared>>)
      tpu.yield
    }) : () -> ()
    %barrier3A = arith.constant 0 : index
    tpu.barrier barrier_id(%barrier3A)
    %add3A_21 = arith.constant 0 : i32
    %add3A_22 = arith.addi %mul3A_2, %add3A_21 : i32
    %dma_start3A = tpu.memref_slice %arg3[%add3A_22] : memref<320000xi32, #tpu.memory_space<hbm>> -> memref<80xi32, #tpu.memory_space<hbm>>
    %dma_start3A_23 = tpu.memref_slice %arg3[%add3A_22] : memref<320000xi32, #tpu.memory_space<hbm>> -> memref<80xi32, #tpu.memory_space<hbm>>
    tpu.enqueue_dma source(%dma_start3A_23 : memref<80xi32, #tpu.memory_space<hbm>>) target(%arg8 : memref<80xi32, #tpu.memory_space<vmem>>) target_semaphore(%arg15 : memref<!tpu.dma_semaphore, #tpu.memory_space<semaphore_mem>>)
    %dma_start3A_24 = arith.constant 0 : i32
    %dma_start3A_25 = tpu.memref_slice %arg7[%dma_start3A_24] : memref<10000xi32, #tpu.memory_space<vmem>> -> memref<80xi32, #tpu.memory_space<vmem>>
    %dma_start3A_26 = arith.constant 0 : i32
    %dma_start3A_27 = arith.constant 0 : i32
    %dma_start3A_28 = tpu.memref_slice %arg4[%dma_start3A_26, %dma_start3A_27] : memref<10000x128xf32, #tpu.memory_space<hbm>> -> memref<10000x128xf32, #tpu.memory_space<hbm>>
    tpu.enqueue_indirect_dma source(%dma_start3A_28 : memref<10000x128xf32, #tpu.memory_space<hbm>>) target(%arg11 : memref<80x128xf32, #tpu.memory_space<vmem>>) offsets(%dma_start3A_25 : memref<80xi32, #tpu.memory_space<vmem>>) semaphore(%arg18 : memref<!tpu.dma_semaphore, #tpu.memory_space<semaphore_mem>>)
    %add3A_29 = arith.constant 80 : i32
    %add3A_30 = arith.addi %mul3A_2, %add3A_29 : i32
    %dma_start3A_31 = tpu.memref_slice %arg3[%add3A_30] : memref<320000xi32, #tpu.memory_space<hbm>> -> memref<80xi32, #tpu.memory_space<hbm>>
    %dma_start3A_32 = tpu.memref_slice %arg3[%add3A_30] : memref<320000xi32, #tpu.memory_space<hbm>> -> memref<80xi32, #tpu.memory_space<hbm>>
    tpu.enqueue_dma source(%dma_start3A_32 : memref<80xi32, #tpu.memory_space<hbm>>) target(%arg9 : memref<80xi32, #tpu.memory_space<vmem>>) target_semaphore(%arg16 : memref<!tpu.dma_semaphore, #tpu.memory_space<semaphore_mem>>)
    %dma_start3A_33 = arith.constant 80 : i32
    %dma_start3A_34 = tpu.memref_slice %arg7[%dma_start3A_33] : memref<10000xi32, #tpu.memory_space<vmem>> -> memref<80xi32, #tpu.memory_space<vmem>>
    %dma_start3A_35 = arith.constant 0 : i32
    %dma_start3A_36 = arith.constant 0 : i32
    %dma_start3A_37 = tpu.memref_slice %arg4[%dma_start3A_35, %dma_start3A_36] : memref<10000x128xf32, #tpu.memory_space<hbm>> -> memref<10000x128xf32, #tpu.memory_space<hbm>>
    tpu.enqueue_indirect_dma source(%dma_start3A_37 : memref<10000x128xf32, #tpu.memory_space<hbm>>) target(%arg12 : memref<80x128xf32, #tpu.memory_space<vmem>>) offsets(%dma_start3A_34 : memref<80xi32, #tpu.memory_space<vmem>>) semaphore(%arg19 : memref<!tpu.dma_semaphore, #tpu.memory_space<semaphore_mem>>)
    %dma_wait3A = arith.constant 0 : i32
    %dma_wait3A_38 = tpu.memref_slice %arg7[%dma_wait3A] : memref<10000xi32, #tpu.memory_space<vmem>> -> memref<80xi32, #tpu.memory_space<vmem>>
    %dma_wait3A_39 = arith.constant 0 : i32
    %dma_wait3A_40 = arith.constant 0 : i32
    %dma_wait3A_41 = tpu.memref_slice %arg4[%dma_wait3A_39, %dma_wait3A_40] : memref<10000x128xf32, #tpu.memory_space<hbm>> -> memref<10000x128xf32, #tpu.memory_space<hbm>>
    tpu.wait_indirect_dma semaphore(%arg18 : memref<!tpu.dma_semaphore, #tpu.memory_space<semaphore_mem>>) src(%dma_wait3A_41 : memref<10000x128xf32, #tpu.memory_space<hbm>>) dst(%arg11 : memref<80x128xf32, #tpu.memory_space<vmem>>)
    %dma_wait3A_42 = tpu.memref_slice %arg3[%mul3A_2] : memref<320000xi32, #tpu.memory_space<hbm>> -> memref<80xi32, #tpu.memory_space<hbm>>
    %dma_wait3A_43 = tpu.memref_slice %arg3[%mul3A_2] : memref<320000xi32, #tpu.memory_space<hbm>> -> memref<80xi32, #tpu.memory_space<hbm>>
    tpu.wait_dma2 semaphore(%arg15 : memref<!tpu.dma_semaphore, #tpu.memory_space<semaphore_mem>>) src(%dma_wait3A_43 : memref<80xi32, #tpu.memory_space<hbm>>) dst(%arg8 : memref<80xi32, #tpu.memory_space<vmem>>)
    %dma_start3A_44 = arith.constant 0 : i32
    %dma_start3A_45 = arith.constant 0 : i32
    %dma_start3A_46 = tpu.memref_slice %arg14[%dma_start3A_44, %dma_start3A_45] : memref<10240x128xf32, #tpu.memory_space<vmem_shared>> -> memref<10240x128xf32, #tpu.memory_space<vmem_shared>>
    tpu.enqueue_indirect_dma source(%arg11 : memref<80x128xf32, #tpu.memory_space<vmem>>) target(%dma_start3A_46 : memref<10240x128xf32, #tpu.memory_space<vmem_shared>>) offsets(%arg8 : memref<80xi32, #tpu.memory_space<vmem>>) semaphore(%arg21 : memref<!tpu.dma_semaphore, #tpu.memory_space<semaphore_mem>>) {add = true}
    %add3A_47 = arith.constant 160 : i32
    %add3A_48 = arith.addi %mul3A_2, %add3A_47 : i32
    %dma_start3A_49 = tpu.memref_slice %arg3[%add3A_48] : memref<320000xi32, #tpu.memory_space<hbm>> -> memref<80xi32, #tpu.memory_space<hbm>>
    %dma_start3A_50 = tpu.memref_slice %arg3[%add3A_48] : memref<320000xi32, #tpu.memory_space<hbm>> -> memref<80xi32, #tpu.memory_space<hbm>>
    tpu.enqueue_dma source(%dma_start3A_50 : memref<80xi32, #tpu.memory_space<hbm>>) target(%arg10 : memref<80xi32, #tpu.memory_space<vmem>>) target_semaphore(%arg17 : memref<!tpu.dma_semaphore, #tpu.memory_space<semaphore_mem>>)
    %dma_start3A_51 = arith.constant 160 : i32
    %dma_start3A_52 = tpu.memref_slice %arg7[%dma_start3A_51] : memref<10000xi32, #tpu.memory_space<vmem>> -> memref<80xi32, #tpu.memory_space<vmem>>
    %dma_start3A_53 = arith.constant 0 : i32
    %dma_start3A_54 = arith.constant 0 : i32
    %dma_start3A_55 = tpu.memref_slice %arg4[%dma_start3A_53, %dma_start3A_54] : memref<10000x128xf32, #tpu.memory_space<hbm>> -> memref<10000x128xf32, #tpu.memory_space<hbm>>
    tpu.enqueue_indirect_dma source(%dma_start3A_55 : memref<10000x128xf32, #tpu.memory_space<hbm>>) target(%arg13 : memref<80x128xf32, #tpu.memory_space<vmem>>) offsets(%dma_start3A_52 : memref<80xi32, #tpu.memory_space<vmem>>) semaphore(%arg20 : memref<!tpu.dma_semaphore, #tpu.memory_space<semaphore_mem>>)
    %dma_wait3A_56 = arith.constant 0 : i32
    %dma_wait3A_57 = tpu.memref_slice %arg7[%dma_wait3A_56] : memref<10000xi32, #tpu.memory_space<vmem>> -> memref<80xi32, #tpu.memory_space<vmem>>
    %dma_wait3A_58 = arith.constant 0 : i32
    %dma_wait3A_59 = arith.constant 0 : i32
    %dma_wait3A_60 = tpu.memref_slice %arg4[%dma_wait3A_58, %dma_wait3A_59] : memref<10000x128xf32, #tpu.memory_space<hbm>> -> memref<10000x128xf32, #tpu.memory_space<hbm>>
    tpu.wait_indirect_dma semaphore(%arg19 : memref<!tpu.dma_semaphore, #tpu.memory_space<semaphore_mem>>) src(%dma_wait3A_60 : memref<10000x128xf32, #tpu.memory_space<hbm>>) dst(%arg12 : memref<80x128xf32, #tpu.memory_space<vmem>>)
    %dma_wait3A_61 = tpu.memref_slice %arg3[%mul3A_2] : memref<320000xi32, #tpu.memory_space<hbm>> -> memref<80xi32, #tpu.memory_space<hbm>>
    %dma_wait3A_62 = tpu.memref_slice %arg3[%mul3A_2] : memref<320000xi32, #tpu.memory_space<hbm>> -> memref<80xi32, #tpu.memory_space<hbm>>
    tpu.wait_dma2 semaphore(%arg16 : memref<!tpu.dma_semaphore, #tpu.memory_space<semaphore_mem>>) src(%dma_wait3A_62 : memref<80xi32, #tpu.memory_space<hbm>>) dst(%arg9 : memref<80xi32, #tpu.memory_space<vmem>>)
    %dma_start3A_63 = arith.constant 0 : i32
    %dma_start3A_64 = arith.constant 0 : i32
    %dma_start3A_65 = tpu.memref_slice %arg14[%dma_start3A_63, %dma_start3A_64] : memref<10240x128xf32, #tpu.memory_space<vmem_shared>> -> memref<10240x128xf32, #tpu.memory_space<vmem_shared>>
    tpu.enqueue_indirect_dma source(%arg12 : memref<80x128xf32, #tpu.memory_space<vmem>>) target(%dma_start3A_65 : memref<10240x128xf32, #tpu.memory_space<vmem_shared>>) offsets(%arg9 : memref<80xi32, #tpu.memory_space<vmem>>) semaphore(%arg22 : memref<!tpu.dma_semaphore, #tpu.memory_space<semaphore_mem>>) {add = true}
    %scan3A = arith.constant 0 : i32
    %scan3A_66 = arith.constant 0 : i32
    %scan3A_67 = arith.constant 41 : i32
    %scan3A_68 = arith.addi %scan3A_66, %scan3A_67 : i32
    %scan3A_69 = arith.constant 1 : i32
    %scan3A_70 = scf.for %scan3A_118 = %scan3A_66 to %scan3A_68 step %scan3A_69 iter_args(%scan3A_119 = %scan3A) -> (i32)  : i32 {
      %mul3A_120 = arith.constant 3 : i32
      %mul3A_121 = arith.muli %mul3A_120, %scan3A_118 : i32
      %add3A_122 = arith.constant 2 : i32
      %add3A_123 = arith.addi %mul3A_121, %add3A_122 : i32
      %add3A_124 = arith.constant 0 : i32
      %add3A_125 = arith.addi %add3A_123, %add3A_124 : i32
      %dma_wait3A_126 = arith.constant 0 : i32
      %dma_wait3A_127 = arith.constant 0 : i32
      %dma_wait3A_128 = tpu.memref_slice %arg14[%dma_wait3A_126, %dma_wait3A_127] : memref<10240x128xf32, #tpu.memory_space<vmem_shared>> -> memref<10240x128xf32, #tpu.memory_space<vmem_shared>>
      tpu.wait_indirect_dma semaphore(%arg21 : memref<!tpu.dma_semaphore, #tpu.memory_space<semaphore_mem>>) src(%arg11 : memref<80x128xf32, #tpu.memory_space<vmem>>) dst(%dma_wait3A_128 : memref<10240x128xf32, #tpu.memory_space<vmem_shared>>)
      %add3A_129 = arith.constant 1 : i32
      %add3A_130 = arith.addi %add3A_125, %add3A_129 : i32
      %min3A = arith.constant 124 : i32
      %min3A_131 = arith.minsi %add3A_130, %min3A : i32
      %mul3A_132 = arith.constant 80 : i32
      %mul3A_133 = arith.muli %min3A_131, %mul3A_132 : i32
      %add3A_134 = arith.addi %mul3A_2, %mul3A_133 : i32
      %dma_start3A_135 = tpu.memref_slice %arg3[%add3A_134] : memref<320000xi32, #tpu.memory_space<hbm>> -> memref<80xi32, #tpu.memory_space<hbm>>
      %dma_start3A_136 = tpu.memref_slice %arg3[%add3A_134] : memref<320000xi32, #tpu.memory_space<hbm>> -> memref<80xi32, #tpu.memory_space<hbm>>
      tpu.enqueue_dma source(%dma_start3A_136 : memref<80xi32, #tpu.memory_space<hbm>>) target(%arg8 : memref<80xi32, #tpu.memory_space<vmem>>) target_semaphore(%arg15 : memref<!tpu.dma_semaphore, #tpu.memory_space<semaphore_mem>>)
      %add3A_137 = arith.constant 1 : i32
      %add3A_138 = arith.addi %add3A_125, %add3A_137 : i32
      %min3A_139 = arith.constant 124 : i32
      %min3A_140 = arith.minsi %add3A_138, %min3A_139 : i32
      %mul3A_141 = arith.constant 80 : i32
      %mul3A_142 = arith.muli %min3A_140, %mul3A_141 : i32
      %dma_start3A_143 = tpu.memref_slice %arg7[%mul3A_142] : memref<10000xi32, #tpu.memory_space<vmem>> -> memref<80xi32, #tpu.memory_space<vmem>>
      %dma_start3A_144 = arith.constant 0 : i32
      %dma_start3A_145 = arith.constant 0 : i32
      %dma_start3A_146 = tpu.memref_slice %arg4[%dma_start3A_144, %dma_start3A_145] : memref<10000x128xf32, #tpu.memory_space<hbm>> -> memref<10000x128xf32, #tpu.memory_space<hbm>>
      tpu.enqueue_indirect_dma source(%dma_start3A_146 : memref<10000x128xf32, #tpu.memory_space<hbm>>) target(%arg11 : memref<80x128xf32, #tpu.memory_space<vmem>>) offsets(%dma_start3A_143 : memref<80xi32, #tpu.memory_space<vmem>>) semaphore(%arg18 : memref<!tpu.dma_semaphore, #tpu.memory_space<semaphore_mem>>)
      %dma_wait3A_147 = arith.constant 0 : i32
      %dma_wait3A_148 = tpu.memref_slice %arg7[%dma_wait3A_147] : memref<10000xi32, #tpu.memory_space<vmem>> -> memref<80xi32, #tpu.memory_space<vmem>>
      %dma_wait3A_149 = arith.constant 0 : i32
      %dma_wait3A_150 = arith.constant 0 : i32
      %dma_wait3A_151 = tpu.memref_slice %arg4[%dma_wait3A_149, %dma_wait3A_150] : memref<10000x128xf32, #tpu.memory_space<hbm>> -> memref<10000x128xf32, #tpu.memory_space<hbm>>
      tpu.wait_indirect_dma semaphore(%arg20 : memref<!tpu.dma_semaphore, #tpu.memory_space<semaphore_mem>>) src(%dma_wait3A_151 : memref<10000x128xf32, #tpu.memory_space<hbm>>) dst(%arg13 : memref<80x128xf32, #tpu.memory_space<vmem>>)
      %dma_wait3A_152 = tpu.memref_slice %arg3[%mul3A_2] : memref<320000xi32, #tpu.memory_space<hbm>> -> memref<80xi32, #tpu.memory_space<hbm>>
      %dma_wait3A_153 = tpu.memref_slice %arg3[%mul3A_2] : memref<320000xi32, #tpu.memory_space<hbm>> -> memref<80xi32, #tpu.memory_space<hbm>>
      tpu.wait_dma2 semaphore(%arg17 : memref<!tpu.dma_semaphore, #tpu.memory_space<semaphore_mem>>) src(%dma_wait3A_153 : memref<80xi32, #tpu.memory_space<hbm>>) dst(%arg10 : memref<80xi32, #tpu.memory_space<vmem>>)
      %dma_start3A_154 = arith.constant 0 : i32
      %dma_start3A_155 = arith.constant 0 : i32
      %dma_start3A_156 = tpu.memref_slice %arg14[%dma_start3A_154, %dma_start3A_155] : memref<10240x128xf32, #tpu.memory_space<vmem_shared>> -> memref<10240x128xf32, #tpu.memory_space<vmem_shared>>
      tpu.enqueue_indirect_dma source(%arg13 : memref<80x128xf32, #tpu.memory_space<vmem>>) target(%dma_start3A_156 : memref<10240x128xf32, #tpu.memory_space<vmem_shared>>) offsets(%arg10 : memref<80xi32, #tpu.memory_space<vmem>>) semaphore(%arg23 : memref<!tpu.dma_semaphore, #tpu.memory_space<semaphore_mem>>) {add = true}
      %mul3A_157 = arith.constant 3 : i32
      %mul3A_158 = arith.muli %mul3A_157, %scan3A_118 : i32
      %add3A_159 = arith.constant 2 : i32
      %add3A_160 = arith.addi %mul3A_158, %add3A_159 : i32
      %add3A_161 = arith.constant 1 : i32
      %add3A_162 = arith.addi %add3A_160, %add3A_161 : i32
      %dma_wait3A_163 = arith.constant 0 : i32
      %dma_wait3A_164 = arith.constant 0 : i32
      %dma_wait3A_165 = tpu.memref_slice %arg14[%dma_wait3A_163, %dma_wait3A_164] : memref<10240x128xf32, #tpu.memory_space<vmem_shared>> -> memref<10240x128xf32, #tpu.memory_space<vmem_shared>>
      tpu.wait_indirect_dma semaphore(%arg22 : memref<!tpu.dma_semaphore, #tpu.memory_space<semaphore_mem>>) src(%arg12 : memref<80x128xf32, #tpu.memory_space<vmem>>) dst(%dma_wait3A_165 : memref<10240x128xf32, #tpu.memory_space<vmem_shared>>)
      %add3A_166 = arith.constant 1 : i32
      %add3A_167 = arith.addi %add3A_162, %add3A_166 : i32
      %min3A_168 = arith.constant 124 : i32
      %min3A_169 = arith.minsi %add3A_167, %min3A_168 : i32
      %mul3A_170 = arith.constant 80 : i32
      %mul3A_171 = arith.muli %min3A_169, %mul3A_170 : i32
      %add3A_172 = arith.addi %mul3A_2, %mul3A_171 : i32
      %dma_start3A_173 = tpu.memref_slice %arg3[%add3A_172] : memref<320000xi32, #tpu.memory_space<hbm>> -> memref<80xi32, #tpu.memory_space<hbm>>
      %dma_start3A_174 = tpu.memref_slice %arg3[%add3A_172] : memref<320000xi32, #tpu.memory_space<hbm>> -> memref<80xi32, #tpu.memory_space<hbm>>
      tpu.enqueue_dma source(%dma_start3A_174 : memref<80xi32, #tpu.memory_space<hbm>>) target(%arg9 : memref<80xi32, #tpu.memory_space<vmem>>) target_semaphore(%arg16 : memref<!tpu.dma_semaphore, #tpu.memory_space<semaphore_mem>>)
      %add3A_175 = arith.constant 1 : i32
      %add3A_176 = arith.addi %add3A_162, %add3A_175 : i32
      %min3A_177 = arith.constant 124 : i32
      %min3A_178 = arith.minsi %add3A_176, %min3A_177 : i32
      %mul3A_179 = arith.constant 80 : i32
      %mul3A_180 = arith.muli %min3A_178, %mul3A_179 : i32
      %dma_start3A_181 = tpu.memref_slice %arg7[%mul3A_180] : memref<10000xi32, #tpu.memory_space<vmem>> -> memref<80xi32, #tpu.memory_space<vmem>>
      %dma_start3A_182 = arith.constant 0 : i32
      %dma_start3A_183 = arith.constant 0 : i32
      %dma_start3A_184 = tpu.memref_slice %arg4[%dma_start3A_182, %dma_start3A_183] : memref<10000x128xf32, #tpu.memory_space<hbm>> -> memref<10000x128xf32, #tpu.memory_space<hbm>>
      tpu.enqueue_indirect_dma source(%dma_start3A_184 : memref<10000x128xf32, #tpu.memory_space<hbm>>) target(%arg12 : memref<80x128xf32, #tpu.memory_space<vmem>>) offsets(%dma_start3A_181 : memref<80xi32, #tpu.memory_space<vmem>>) semaphore(%arg19 : memref<!tpu.dma_semaphore, #tpu.memory_space<semaphore_mem>>)
      %dma_wait3A_185 = arith.constant 0 : i32
      %dma_wait3A_186 = tpu.memref_slice %arg7[%dma_wait3A_185] : memref<10000xi32, #tpu.memory_space<vmem>> -> memref<80xi32, #tpu.memory_space<vmem>>
      %dma_wait3A_187 = arith.constant 0 : i32
      %dma_wait3A_188 = arith.constant 0 : i32
      %dma_wait3A_189 = tpu.memref_slice %arg4[%dma_wait3A_187, %dma_wait3A_188] : memref<10000x128xf32, #tpu.memory_space<hbm>> -> memref<10000x128xf32, #tpu.memory_space<hbm>>
      tpu.wait_indirect_dma semaphore(%arg18 : memref<!tpu.dma_semaphore, #tpu.memory_space<semaphore_mem>>) src(%dma_wait3A_189 : memref<10000x128xf32, #tpu.memory_space<hbm>>) dst(%arg11 : memref<80x128xf32, #tpu.memory_space<vmem>>)
      %dma_wait3A_190 = tpu.memref_slice %arg3[%mul3A_2] : memref<320000xi32, #tpu.memory_space<hbm>> -> memref<80xi32, #tpu.memory_space<hbm>>
      %dma_wait3A_191 = tpu.memref_slice %arg3[%mul3A_2] : memref<320000xi32, #tpu.memory_space<hbm>> -> memref<80xi32, #tpu.memory_space<hbm>>
      tpu.wait_dma2 semaphore(%arg15 : memref<!tpu.dma_semaphore, #tpu.memory_space<semaphore_mem>>) src(%dma_wait3A_191 : memref<80xi32, #tpu.memory_space<hbm>>) dst(%arg8 : memref<80xi32, #tpu.memory_space<vmem>>)
      %dma_start3A_192 = arith.constant 0 : i32
      %dma_start3A_193 = arith.constant 0 : i32
      %dma_start3A_194 = tpu.memref_slice %arg14[%dma_start3A_192, %dma_start3A_193] : memref<10240x128xf32, #tpu.memory_space<vmem_shared>> -> memref<10240x128xf32, #tpu.memory_space<vmem_shared>>
      tpu.enqueue_indirect_dma source(%arg11 : memref<80x128xf32, #tpu.memory_space<vmem>>) target(%dma_start3A_194 : memref<10240x128xf32, #tpu.memory_space<vmem_shared>>) offsets(%arg8 : memref<80xi32, #tpu.memory_space<vmem>>) semaphore(%arg21 : memref<!tpu.dma_semaphore, #tpu.memory_space<semaphore_mem>>) {add = true}
      %mul3A_195 = arith.constant 3 : i32
      %mul3A_196 = arith.muli %mul3A_195, %scan3A_118 : i32
      %add3A_197 = arith.constant 2 : i32
      %add3A_198 = arith.addi %mul3A_196, %add3A_197 : i32
      %add3A_199 = arith.constant 2 : i32
      %add3A_200 = arith.addi %add3A_198, %add3A_199 : i32
      %dma_wait3A_201 = arith.constant 0 : i32
      %dma_wait3A_202 = arith.constant 0 : i32
      %dma_wait3A_203 = tpu.memref_slice %arg14[%dma_wait3A_201, %dma_wait3A_202] : memref<10240x128xf32, #tpu.memory_space<vmem_shared>> -> memref<10240x128xf32, #tpu.memory_space<vmem_shared>>
      tpu.wait_indirect_dma semaphore(%arg23 : memref<!tpu.dma_semaphore, #tpu.memory_space<semaphore_mem>>) src(%arg13 : memref<80x128xf32, #tpu.memory_space<vmem>>) dst(%dma_wait3A_203 : memref<10240x128xf32, #tpu.memory_space<vmem_shared>>)
      %add3A_204 = arith.constant 1 : i32
      %add3A_205 = arith.addi %add3A_200, %add3A_204 : i32
      %min3A_206 = arith.constant 124 : i32
      %min3A_207 = arith.minsi %add3A_205, %min3A_206 : i32
      %mul3A_208 = arith.constant 80 : i32
      %mul3A_209 = arith.muli %min3A_207, %mul3A_208 : i32
      %add3A_210 = arith.addi %mul3A_2, %mul3A_209 : i32
      %dma_start3A_211 = tpu.memref_slice %arg3[%add3A_210] : memref<320000xi32, #tpu.memory_space<hbm>> -> memref<80xi32, #tpu.memory_space<hbm>>
      %dma_start3A_212 = tpu.memref_slice %arg3[%add3A_210] : memref<320000xi32, #tpu.memory_space<hbm>> -> memref<80xi32, #tpu.memory_space<hbm>>
      tpu.enqueue_dma source(%dma_start3A_212 : memref<80xi32, #tpu.memory_space<hbm>>) target(%arg10 : memref<80xi32, #tpu.memory_space<vmem>>) target_semaphore(%arg17 : memref<!tpu.dma_semaphore, #tpu.memory_space<semaphore_mem>>)
      %add3A_213 = arith.constant 1 : i32
      %add3A_214 = arith.addi %add3A_200, %add3A_213 : i32
      %min3A_215 = arith.constant 124 : i32
      %min3A_216 = arith.minsi %add3A_214, %min3A_215 : i32
      %mul3A_217 = arith.constant 80 : i32
      %mul3A_218 = arith.muli %min3A_216, %mul3A_217 : i32
      %dma_start3A_219 = tpu.memref_slice %arg7[%mul3A_218] : memref<10000xi32, #tpu.memory_space<vmem>> -> memref<80xi32, #tpu.memory_space<vmem>>
      %dma_start3A_220 = arith.constant 0 : i32
      %dma_start3A_221 = arith.constant 0 : i32
      %dma_start3A_222 = tpu.memref_slice %arg4[%dma_start3A_220, %dma_start3A_221] : memref<10000x128xf32, #tpu.memory_space<hbm>> -> memref<10000x128xf32, #tpu.memory_space<hbm>>
      tpu.enqueue_indirect_dma source(%dma_start3A_222 : memref<10000x128xf32, #tpu.memory_space<hbm>>) target(%arg13 : memref<80x128xf32, #tpu.memory_space<vmem>>) offsets(%dma_start3A_219 : memref<80xi32, #tpu.memory_space<vmem>>) semaphore(%arg20 : memref<!tpu.dma_semaphore, #tpu.memory_space<semaphore_mem>>)
      %dma_wait3A_223 = arith.constant 0 : i32
      %dma_wait3A_224 = tpu.memref_slice %arg7[%dma_wait3A_223] : memref<10000xi32, #tpu.memory_space<vmem>> -> memref<80xi32, #tpu.memory_space<vmem>>
      %dma_wait3A_225 = arith.constant 0 : i32
      %dma_wait3A_226 = arith.constant 0 : i32
      %dma_wait3A_227 = tpu.memref_slice %arg4[%dma_wait3A_225, %dma_wait3A_226] : memref<10000x128xf32, #tpu.memory_space<hbm>> -> memref<10000x128xf32, #tpu.memory_space<hbm>>
      tpu.wait_indirect_dma semaphore(%arg19 : memref<!tpu.dma_semaphore, #tpu.memory_space<semaphore_mem>>) src(%dma_wait3A_227 : memref<10000x128xf32, #tpu.memory_space<hbm>>) dst(%arg12 : memref<80x128xf32, #tpu.memory_space<vmem>>)
      %dma_wait3A_228 = tpu.memref_slice %arg3[%mul3A_2] : memref<320000xi32, #tpu.memory_space<hbm>> -> memref<80xi32, #tpu.memory_space<hbm>>
      %dma_wait3A_229 = tpu.memref_slice %arg3[%mul3A_2] : memref<320000xi32, #tpu.memory_space<hbm>> -> memref<80xi32, #tpu.memory_space<hbm>>
      tpu.wait_dma2 semaphore(%arg16 : memref<!tpu.dma_semaphore, #tpu.memory_space<semaphore_mem>>) src(%dma_wait3A_229 : memref<80xi32, #tpu.memory_space<hbm>>) dst(%arg9 : memref<80xi32, #tpu.memory_space<vmem>>)
      %dma_start3A_230 = arith.constant 0 : i32
      %dma_start3A_231 = arith.constant 0 : i32
      %dma_start3A_232 = tpu.memref_slice %arg14[%dma_start3A_230, %dma_start3A_231] : memref<10240x128xf32, #tpu.memory_space<vmem_shared>> -> memref<10240x128xf32, #tpu.memory_space<vmem_shared>>
      tpu.enqueue_indirect_dma source(%arg12 : memref<80x128xf32, #tpu.memory_space<vmem>>) target(%dma_start3A_232 : memref<10240x128xf32, #tpu.memory_space<vmem_shared>>) offsets(%arg9 : memref<80xi32, #tpu.memory_space<vmem>>) semaphore(%arg22 : memref<!tpu.dma_semaphore, #tpu.memory_space<semaphore_mem>>) {add = true}
      %scan3A_233 = arith.constant 0 : i32
      scf.yield %scan3A_233 : i32
    }
    %scan3A_71 = arith.constant 41 : i32
    %dma_wait3A_72 = arith.constant 0 : i32
    %dma_wait3A_73 = arith.constant 0 : i32
    %dma_wait3A_74 = tpu.memref_slice %arg14[%dma_wait3A_72, %dma_wait3A_73] : memref<10240x128xf32, #tpu.memory_space<vmem_shared>> -> memref<10240x128xf32, #tpu.memory_space<vmem_shared>>
    tpu.wait_indirect_dma semaphore(%arg21 : memref<!tpu.dma_semaphore, #tpu.memory_space<semaphore_mem>>) src(%arg11 : memref<80x128xf32, #tpu.memory_space<vmem>>) dst(%dma_wait3A_74 : memref<10240x128xf32, #tpu.memory_space<vmem_shared>>)
    %dma_wait3A_75 = arith.constant 0 : i32
    %dma_wait3A_76 = arith.constant 0 : i32
    %dma_wait3A_77 = tpu.memref_slice %arg14[%dma_wait3A_75, %dma_wait3A_76] : memref<10240x128xf32, #tpu.memory_space<vmem_shared>> -> memref<10240x128xf32, #tpu.memory_space<vmem_shared>>
    tpu.wait_indirect_dma semaphore(%arg22 : memref<!tpu.dma_semaphore, #tpu.memory_space<semaphore_mem>>) src(%arg12 : memref<80x128xf32, #tpu.memory_space<vmem>>) dst(%dma_wait3A_77 : memref<10240x128xf32, #tpu.memory_space<vmem_shared>>)
    %dma_wait3A_78 = arith.constant 0 : i32
    %dma_wait3A_79 = tpu.memref_slice %arg7[%dma_wait3A_78] : memref<10000xi32, #tpu.memory_space<vmem>> -> memref<80xi32, #tpu.memory_space<vmem>>
    %dma_wait3A_80 = arith.constant 0 : i32
    %dma_wait3A_81 = arith.constant 0 : i32
    %dma_wait3A_82 = tpu.memref_slice %arg4[%dma_wait3A_80, %dma_wait3A_81] : memref<10000x128xf32, #tpu.memory_space<hbm>> -> memref<10000x128xf32, #tpu.memory_space<hbm>>
    tpu.wait_indirect_dma semaphore(%arg20 : memref<!tpu.dma_semaphore, #tpu.memory_space<semaphore_mem>>) src(%dma_wait3A_82 : memref<10000x128xf32, #tpu.memory_space<hbm>>) dst(%arg13 : memref<80x128xf32, #tpu.memory_space<vmem>>)
    %dma_wait3A_83 = tpu.memref_slice %arg3[%mul3A_2] : memref<320000xi32, #tpu.memory_space<hbm>> -> memref<80xi32, #tpu.memory_space<hbm>>
    %dma_wait3A_84 = tpu.memref_slice %arg3[%mul3A_2] : memref<320000xi32, #tpu.memory_space<hbm>> -> memref<80xi32, #tpu.memory_space<hbm>>
    tpu.wait_dma2 semaphore(%arg17 : memref<!tpu.dma_semaphore, #tpu.memory_space<semaphore_mem>>) src(%dma_wait3A_84 : memref<80xi32, #tpu.memory_space<hbm>>) dst(%arg10 : memref<80xi32, #tpu.memory_space<vmem>>)
    %barrier3A_85 = arith.constant 0 : index
    tpu.barrier barrier_id(%barrier3A_85)
    %add3A_86 = arith.constant 0 : i32
    %add3A_87 = arith.addi %mul3A_4, %add3A_86 : i32
    "tpu.region"() ({
      %run_scoped3A = tpu.sem_alloc : memref<!tpu.dma_semaphore, #tpu.memory_space<semaphore_mem>>
      %dma_start3A_118 = arith.constant 0 : i32
      %dma_start3A_119 = tpu.memref_slice %arg14[%add3A_87, %dma_start3A_118] : memref<10240x128xf32, #tpu.memory_space<vmem_shared>> -> memref<80x128xf32, #tpu.memory_space<vmem_shared>>
      %dma_start3A_120 = arith.constant 0 : i32
      %dma_start3A_121 = tpu.memref_slice %arg14[%add3A_87, %dma_start3A_120] : memref<10240x128xf32, #tpu.memory_space<vmem_shared>> -> memref<80x128xf32, #tpu.memory_space<vmem_shared>>
      tpu.enqueue_dma source(%dma_start3A_121 : memref<80x128xf32, #tpu.memory_space<vmem_shared>>) target(%arg11 : memref<80x128xf32, #tpu.memory_space<vmem>>) target_semaphore(%run_scoped3A : memref<!tpu.dma_semaphore, #tpu.memory_space<semaphore_mem>>)
      %dma_wait3A_122 = arith.constant 0 : i32
      %dma_wait3A_123 = tpu.memref_slice %arg14[%add3A_87, %dma_wait3A_122] : memref<10240x128xf32, #tpu.memory_space<vmem_shared>> -> memref<80x128xf32, #tpu.memory_space<vmem_shared>>
      %dma_wait3A_124 = arith.constant 0 : i32
      %dma_wait3A_125 = tpu.memref_slice %arg14[%add3A_87, %dma_wait3A_124] : memref<10240x128xf32, #tpu.memory_space<vmem_shared>> -> memref<80x128xf32, #tpu.memory_space<vmem_shared>>
      tpu.wait_dma2 semaphore(%run_scoped3A : memref<!tpu.dma_semaphore, #tpu.memory_space<semaphore_mem>>) src(%dma_wait3A_125 : memref<80x128xf32, #tpu.memory_space<vmem_shared>>) dst(%arg11 : memref<80x128xf32, #tpu.memory_space<vmem>>)
      tpu.yield
    }) : () -> ()
    %add3A_88 = arith.constant 0 : i32
    %add3A_89 = arith.addi %mul3A_4, %add3A_88 : i32
    "tpu.region"() ({
      %run_scoped3A = tpu.sem_alloc : memref<!tpu.dma_semaphore, #tpu.memory_space<semaphore_mem>>
      %dma_start3A_118 = arith.constant 0 : i32
      %dma_start3A_119 = tpu.memref_slice %arg6[%arg0, %add3A_89, %dma_start3A_118] : memref<2x10240x128xf32, #tpu.memory_space<hbm>> -> memref<1x80x128xf32, #tpu.memory_space<hbm>>
      %dma_start3A_120 = tpu.memref_squeeze %dma_start3A_119 : memref<1x80x128xf32, #tpu.memory_space<hbm>> -> memref<80x128xf32, #tpu.memory_space<hbm>>
      %dma_start3A_121 = arith.constant 0 : i32
      %dma_start3A_122 = tpu.memref_slice %arg6[%arg0, %add3A_89, %dma_start3A_121] : memref<2x10240x128xf32, #tpu.memory_space<hbm>> -> memref<1x80x128xf32, #tpu.memory_space<hbm>>
      %dma_start3A_123 = tpu.memref_squeeze %dma_start3A_122 : memref<1x80x128xf32, #tpu.memory_space<hbm>> -> memref<80x128xf32, #tpu.memory_space<hbm>>
      tpu.enqueue_dma source(%arg11 : memref<80x128xf32, #tpu.memory_space<vmem>>) target(%dma_start3A_123 : memref<80x128xf32, #tpu.memory_space<hbm>>) target_semaphore(%run_scoped3A : memref<!tpu.dma_semaphore, #tpu.memory_space<semaphore_mem>>)
      %dma_wait3A_124 = arith.constant 0 : i32
      %dma_wait3A_125 = tpu.memref_slice %arg6[%arg0, %add3A_89, %dma_wait3A_124] : memref<2x10240x128xf32, #tpu.memory_space<hbm>> -> memref<1x80x128xf32, #tpu.memory_space<hbm>>
      %dma_wait3A_126 = tpu.memref_squeeze %dma_wait3A_125 : memref<1x80x128xf32, #tpu.memory_space<hbm>> -> memref<80x128xf32, #tpu.memory_space<hbm>>
      %dma_wait3A_127 = arith.constant 0 : i32
      %dma_wait3A_128 = tpu.memref_slice %arg6[%arg0, %add3A_89, %dma_wait3A_127] : memref<2x10240x128xf32, #tpu.memory_space<hbm>> -> memref<1x80x128xf32, #tpu.memory_space<hbm>>
      %dma_wait3A_129 = tpu.memref_squeeze %dma_wait3A_128 : memref<1x80x128xf32, #tpu.memory_space<hbm>> -> memref<80x128xf32, #tpu.memory_space<hbm>>
      tpu.wait_dma2 semaphore(%run_scoped3A : memref<!tpu.dma_semaphore, #tpu.memory_space<semaphore_mem>>) src(%arg11 : memref<80x128xf32, #tpu.memory_space<vmem>>) dst(%dma_wait3A_129 : memref<80x128xf32, #tpu.memory_space<hbm>>)
      tpu.yield
    }) : () -> ()
    %add3A_90 = arith.constant 80 : i32
    %add3A_91 = arith.addi %mul3A_4, %add3A_90 : i32
    "tpu.region"() ({
      %run_scoped3A = tpu.sem_alloc : memref<!tpu.dma_semaphore, #tpu.memory_space<semaphore_mem>>
      %dma_start3A_118 = arith.constant 0 : i32
      %dma_start3A_119 = tpu.memref_slice %arg14[%add3A_91, %dma_start3A_118] : memref<10240x128xf32, #tpu.memory_space<vmem_shared>> -> memref<80x128xf32, #tpu.memory_space<vmem_shared>>
      %dma_start3A_120 = arith.constant 0 : i32
      %dma_start3A_121 = tpu.memref_slice %arg14[%add3A_91, %dma_start3A_120] : memref<10240x128xf32, #tpu.memory_space<vmem_shared>> -> memref<80x128xf32, #tpu.memory_space<vmem_shared>>
      tpu.enqueue_dma source(%dma_start3A_121 : memref<80x128xf32, #tpu.memory_space<vmem_shared>>) target(%arg11 : memref<80x128xf32, #tpu.memory_space<vmem>>) target_semaphore(%run_scoped3A : memref<!tpu.dma_semaphore, #tpu.memory_space<semaphore_mem>>)
      %dma_wait3A_122 = arith.constant 0 : i32
      %dma_wait3A_123 = tpu.memref_slice %arg14[%add3A_91, %dma_wait3A_122] : memref<10240x128xf32, #tpu.memory_space<vmem_shared>> -> memref<80x128xf32, #tpu.memory_space<vmem_shared>>
      %dma_wait3A_124 = arith.constant 0 : i32
      %dma_wait3A_125 = tpu.memref_slice %arg14[%add3A_91, %dma_wait3A_124] : memref<10240x128xf32, #tpu.memory_space<vmem_shared>> -> memref<80x128xf32, #tpu.memory_space<vmem_shared>>
      tpu.wait_dma2 semaphore(%run_scoped3A : memref<!tpu.dma_semaphore, #tpu.memory_space<semaphore_mem>>) src(%dma_wait3A_125 : memref<80x128xf32, #tpu.memory_space<vmem_shared>>) dst(%arg11 : memref<80x128xf32, #tpu.memory_space<vmem>>)
      tpu.yield
    }) : () -> ()
    %add3A_92 = arith.constant 80 : i32
    %add3A_93 = arith.addi %mul3A_4, %add3A_92 : i32
    "tpu.region"() ({
      %run_scoped3A = tpu.sem_alloc : memref<!tpu.dma_semaphore, #tpu.memory_space<semaphore_mem>>
      %dma_start3A_118 = arith.constant 0 : i32
      %dma_start3A_119 = tpu.memref_slice %arg6[%arg0, %add3A_93, %dma_start3A_118] : memref<2x10240x128xf32, #tpu.memory_space<hbm>> -> memref<1x80x128xf32, #tpu.memory_space<hbm>>
      %dma_start3A_120 = tpu.memref_squeeze %dma_start3A_119 : memref<1x80x128xf32, #tpu.memory_space<hbm>> -> memref<80x128xf32, #tpu.memory_space<hbm>>
      %dma_start3A_121 = arith.constant 0 : i32
      %dma_start3A_122 = tpu.memref_slice %arg6[%arg0, %add3A_93, %dma_start3A_121] : memref<2x10240x128xf32, #tpu.memory_space<hbm>> -> memref<1x80x128xf32, #tpu.memory_space<hbm>>
      %dma_start3A_123 = tpu.memref_squeeze %dma_start3A_122 : memref<1x80x128xf32, #tpu.memory_space<hbm>> -> memref<80x128xf32, #tpu.memory_space<hbm>>
      tpu.enqueue_dma source(%arg11 : memref<80x128xf32, #tpu.memory_space<vmem>>) target(%dma_start3A_123 : memref<80x128xf32, #tpu.memory_space<hbm>>) target_semaphore(%run_scoped3A : memref<!tpu.dma_semaphore, #tpu.memory_space<semaphore_mem>>)
      %dma_wait3A_124 = arith.constant 0 : i32
      %dma_wait3A_125 = tpu.memref_slice %arg6[%arg0, %add3A_93, %dma_wait3A_124] : memref<2x10240x128xf32, #tpu.memory_space<hbm>> -> memref<1x80x128xf32, #tpu.memory_space<hbm>>
      %dma_wait3A_126 = tpu.memref_squeeze %dma_wait3A_125 : memref<1x80x128xf32, #tpu.memory_space<hbm>> -> memref<80x128xf32, #tpu.memory_space<hbm>>
      %dma_wait3A_127 = arith.constant 0 : i32
      %dma_wait3A_128 = tpu.memref_slice %arg6[%arg0, %add3A_93, %dma_wait3A_127] : memref<2x10240x128xf32, #tpu.memory_space<hbm>> -> memref<1x80x128xf32, #tpu.memory_space<hbm>>
      %dma_wait3A_129 = tpu.memref_squeeze %dma_wait3A_128 : memref<1x80x128xf32, #tpu.memory_space<hbm>> -> memref<80x128xf32, #tpu.memory_space<hbm>>
      tpu.wait_dma2 semaphore(%run_scoped3A : memref<!tpu.dma_semaphore, #tpu.memory_space<semaphore_mem>>) src(%arg11 : memref<80x128xf32, #tpu.memory_space<vmem>>) dst(%dma_wait3A_129 : memref<80x128xf32, #tpu.memory_space<hbm>>)
      tpu.yield
    }) : () -> ()
    %add3A_94 = arith.constant 160 : i32
    %add3A_95 = arith.addi %mul3A_4, %add3A_94 : i32
    "tpu.region"() ({
      %run_scoped3A = tpu.sem_alloc : memref<!tpu.dma_semaphore, #tpu.memory_space<semaphore_mem>>
      %dma_start3A_118 = arith.constant 0 : i32
      %dma_start3A_119 = tpu.memref_slice %arg14[%add3A_95, %dma_start3A_118] : memref<10240x128xf32, #tpu.memory_space<vmem_shared>> -> memref<80x128xf32, #tpu.memory_space<vmem_shared>>
      %dma_start3A_120 = arith.constant 0 : i32
      %dma_start3A_121 = tpu.memref_slice %arg14[%add3A_95, %dma_start3A_120] : memref<10240x128xf32, #tpu.memory_space<vmem_shared>> -> memref<80x128xf32, #tpu.memory_space<vmem_shared>>
      tpu.enqueue_dma source(%dma_start3A_121 : memref<80x128xf32, #tpu.memory_space<vmem_shared>>) target(%arg11 : memref<80x128xf32, #tpu.memory_space<vmem>>) target_semaphore(%run_scoped3A : memref<!tpu.dma_semaphore, #tpu.memory_space<semaphore_mem>>)
      %dma_wait3A_122 = arith.constant 0 : i32
      %dma_wait3A_123 = tpu.memref_slice %arg14[%add3A_95, %dma_wait3A_122] : memref<10240x128xf32, #tpu.memory_space<vmem_shared>> -> memref<80x128xf32, #tpu.memory_space<vmem_shared>>
      %dma_wait3A_124 = arith.constant 0 : i32
      %dma_wait3A_125 = tpu.memref_slice %arg14[%add3A_95, %dma_wait3A_124] : memref<10240x128xf32, #tpu.memory_space<vmem_shared>> -> memref<80x128xf32, #tpu.memory_space<vmem_shared>>
      tpu.wait_dma2 semaphore(%run_scoped3A : memref<!tpu.dma_semaphore, #tpu.memory_space<semaphore_mem>>) src(%dma_wait3A_125 : memref<80x128xf32, #tpu.memory_space<vmem_shared>>) dst(%arg11 : memref<80x128xf32, #tpu.memory_space<vmem>>)
      tpu.yield
    }) : () -> ()
    %add3A_96 = arith.constant 160 : i32
    %add3A_97 = arith.addi %mul3A_4, %add3A_96 : i32
    "tpu.region"() ({
      %run_scoped3A = tpu.sem_alloc : memref<!tpu.dma_semaphore, #tpu.memory_space<semaphore_mem>>
      %dma_start3A_118 = arith.constant 0 : i32
      %dma_start3A_119 = tpu.memref_slice %arg6[%arg0, %add3A_97, %dma_start3A_118] : memref<2x10240x128xf32, #tpu.memory_space<hbm>> -> memref<1x80x128xf32, #tpu.memory_space<hbm>>
      %dma_start3A_120 = tpu.memref_squeeze %dma_start3A_119 : memref<1x80x128xf32, #tpu.memory_space<hbm>> -> memref<80x128xf32, #tpu.memory_space<hbm>>
      %dma_start3A_121 = arith.constant 0 : i32
      %dma_start3A_122 = tpu.memref_slice %arg6[%arg0, %add3A_97, %dma_start3A_121] : memref<2x10240x128xf32, #tpu.memory_space<hbm>> -> memref<1x80x128xf32, #tpu.memory_space<hbm>>
      %dma_start3A_123 = tpu.memref_squeeze %dma_start3A_122 : memref<1x80x128xf32, #tpu.memory_space<hbm>> -> memref<80x128xf32, #tpu.memory_space<hbm>>
      tpu.enqueue_dma source(%arg11 : memref<80x128xf32, #tpu.memory_space<vmem>>) target(%dma_start3A_123 : memref<80x128xf32, #tpu.memory_space<hbm>>) target_semaphore(%run_scoped3A : memref<!tpu.dma_semaphore, #tpu.memory_space<semaphore_mem>>)
      %dma_wait3A_124 = arith.constant 0 : i32
      %dma_wait3A_125 = tpu.memref_slice %arg6[%arg0, %add3A_97, %dma_wait3A_124] : memref<2x10240x128xf32, #tpu.memory_space<hbm>> -> memref<1x80x128xf32, #tpu.memory_space<hbm>>
      %dma_wait3A_126 = tpu.memref_squeeze %dma_wait3A_125 : memref<1x80x128xf32, #tpu.memory_space<hbm>> -> memref<80x128xf32, #tpu.memory_space<hbm>>
      %dma_wait3A_127 = arith.constant 0 : i32
      %dma_wait3A_128 = tpu.memref_slice %arg6[%arg0, %add3A_97, %dma_wait3A_127] : memref<2x10240x128xf32, #tpu.memory_space<hbm>> -> memref<1x80x128xf32, #tpu.memory_space<hbm>>
      %dma_wait3A_129 = tpu.memref_squeeze %dma_wait3A_128 : memref<1x80x128xf32, #tpu.memory_space<hbm>> -> memref<80x128xf32, #tpu.memory_space<hbm>>
      tpu.wait_dma2 semaphore(%run_scoped3A : memref<!tpu.dma_semaphore, #tpu.memory_space<semaphore_mem>>) src(%arg11 : memref<80x128xf32, #tpu.memory_space<vmem>>) dst(%dma_wait3A_129 : memref<80x128xf32, #tpu.memory_space<hbm>>)
      tpu.yield
    }) : () -> ()
    %add3A_98 = arith.constant 240 : i32
    %add3A_99 = arith.addi %mul3A_4, %add3A_98 : i32
    "tpu.region"() ({
      %run_scoped3A = tpu.sem_alloc : memref<!tpu.dma_semaphore, #tpu.memory_space<semaphore_mem>>
      %dma_start3A_118 = arith.constant 0 : i32
      %dma_start3A_119 = tpu.memref_slice %arg14[%add3A_99, %dma_start3A_118] : memref<10240x128xf32, #tpu.memory_space<vmem_shared>> -> memref<80x128xf32, #tpu.memory_space<vmem_shared>>
      %dma_start3A_120 = arith.constant 0 : i32
      %dma_start3A_121 = tpu.memref_slice %arg14[%add3A_99, %dma_start3A_120] : memref<10240x128xf32, #tpu.memory_space<vmem_shared>> -> memref<80x128xf32, #tpu.memory_space<vmem_shared>>
      tpu.enqueue_dma source(%dma_start3A_121 : memref<80x128xf32, #tpu.memory_space<vmem_shared>>) target(%arg11 : memref<80x128xf32, #tpu.memory_space<vmem>>) target_semaphore(%run_scoped3A : memref<!tpu.dma_semaphore, #tpu.memory_space<semaphore_mem>>)
      %dma_wait3A_122 = arith.constant 0 : i32
      %dma_wait3A_123 = tpu.memref_slice %arg14[%add3A_99, %dma_wait3A_122] : memref<10240x128xf32, #tpu.memory_space<vmem_shared>> -> memref<80x128xf32, #tpu.memory_space<vmem_shared>>
      %dma_wait3A_124 = arith.constant 0 : i32
      %dma_wait3A_125 = tpu.memref_slice %arg14[%add3A_99, %dma_wait3A_124] : memref<10240x128xf32, #tpu.memory_space<vmem_shared>> -> memref<80x128xf32, #tpu.memory_space<vmem_shared>>
      tpu.wait_dma2 semaphore(%run_scoped3A : memref<!tpu.dma_semaphore, #tpu.memory_space<semaphore_mem>>) src(%dma_wait3A_125 : memref<80x128xf32, #tpu.memory_space<vmem_shared>>) dst(%arg11 : memref<80x128xf32, #tpu.memory_space<vmem>>)
      tpu.yield
    }) : () -> ()
    %add3A_100 = arith.constant 240 : i32
    %add3A_101 = arith.addi %mul3A_4, %add3A_100 : i32
    "tpu.region"() ({
      %run_scoped3A = tpu.sem_alloc : memref<!tpu.dma_semaphore, #tpu.memory_space<semaphore_mem>>
      %dma_start3A_118 = arith.constant 0 : i32
      %dma_start3A_119 = tpu.memref_slice %arg6[%arg0, %add3A_101, %dma_start3A_118] : memref<2x10240x128xf32, #tpu.memory_space<hbm>> -> memref<1x80x128xf32, #tpu.memory_space<hbm>>
      %dma_start3A_120 = tpu.memref_squeeze %dma_start3A_119 : memref<1x80x128xf32, #tpu.memory_space<hbm>> -> memref<80x128xf32, #tpu.memory_space<hbm>>
      %dma_start3A_121 = arith.constant 0 : i32
      %dma_start3A_122 = tpu.memref_slice %arg6[%arg0, %add3A_101, %dma_start3A_121] : memref<2x10240x128xf32, #tpu.memory_space<hbm>> -> memref<1x80x128xf32, #tpu.memory_space<hbm>>
      %dma_start3A_123 = tpu.memref_squeeze %dma_start3A_122 : memref<1x80x128xf32, #tpu.memory_space<hbm>> -> memref<80x128xf32, #tpu.memory_space<hbm>>
      tpu.enqueue_dma source(%arg11 : memref<80x128xf32, #tpu.memory_space<vmem>>) target(%dma_start3A_123 : memref<80x128xf32, #tpu.memory_space<hbm>>) target_semaphore(%run_scoped3A : memref<!tpu.dma_semaphore, #tpu.memory_space<semaphore_mem>>)
      %dma_wait3A_124 = arith.constant 0 : i32
      %dma_wait3A_125 = tpu.memref_slice %arg6[%arg0, %add3A_101, %dma_wait3A_124] : memref<2x10240x128xf32, #tpu.memory_space<hbm>> -> memref<1x80x128xf32, #tpu.memory_space<hbm>>
      %dma_wait3A_126 = tpu.memref_squeeze %dma_wait3A_125 : memref<1x80x128xf32, #tpu.memory_space<hbm>> -> memref<80x128xf32, #tpu.memory_space<hbm>>
      %dma_wait3A_127 = arith.constant 0 : i32
      %dma_wait3A_128 = tpu.memref_slice %arg6[%arg0, %add3A_101, %dma_wait3A_127] : memref<2x10240x128xf32, #tpu.memory_space<hbm>> -> memref<1x80x128xf32, #tpu.memory_space<hbm>>
      %dma_wait3A_129 = tpu.memref_squeeze %dma_wait3A_128 : memref<1x80x128xf32, #tpu.memory_space<hbm>> -> memref<80x128xf32, #tpu.memory_space<hbm>>
      tpu.wait_dma2 semaphore(%run_scoped3A : memref<!tpu.dma_semaphore, #tpu.memory_space<semaphore_mem>>) src(%arg11 : memref<80x128xf32, #tpu.memory_space<vmem>>) dst(%dma_wait3A_129 : memref<80x128xf32, #tpu.memory_space<hbm>>)
      tpu.yield
    }) : () -> ()
    %add3A_102 = arith.constant 320 : i32
    %add3A_103 = arith.addi %mul3A_4, %add3A_102 : i32
    "tpu.region"() ({
      %run_scoped3A = tpu.sem_alloc : memref<!tpu.dma_semaphore, #tpu.memory_space<semaphore_mem>>
      %dma_start3A_118 = arith.constant 0 : i32
      %dma_start3A_119 = tpu.memref_slice %arg14[%add3A_103, %dma_start3A_118] : memref<10240x128xf32, #tpu.memory_space<vmem_shared>> -> memref<80x128xf32, #tpu.memory_space<vmem_shared>>
      %dma_start3A_120 = arith.constant 0 : i32
      %dma_start3A_121 = tpu.memref_slice %arg14[%add3A_103, %dma_start3A_120] : memref<10240x128xf32, #tpu.memory_space<vmem_shared>> -> memref<80x128xf32, #tpu.memory_space<vmem_shared>>
      tpu.enqueue_dma source(%dma_start3A_121 : memref<80x128xf32, #tpu.memory_space<vmem_shared>>) target(%arg11 : memref<80x128xf32, #tpu.memory_space<vmem>>) target_semaphore(%run_scoped3A : memref<!tpu.dma_semaphore, #tpu.memory_space<semaphore_mem>>)
      %dma_wait3A_122 = arith.constant 0 : i32
      %dma_wait3A_123 = tpu.memref_slice %arg14[%add3A_103, %dma_wait3A_122] : memref<10240x128xf32, #tpu.memory_space<vmem_shared>> -> memref<80x128xf32, #tpu.memory_space<vmem_shared>>
      %dma_wait3A_124 = arith.constant 0 : i32
      %dma_wait3A_125 = tpu.memref_slice %arg14[%add3A_103, %dma_wait3A_124] : memref<10240x128xf32, #tpu.memory_space<vmem_shared>> -> memref<80x128xf32, #tpu.memory_space<vmem_shared>>
      tpu.wait_dma2 semaphore(%run_scoped3A : memref<!tpu.dma_semaphore, #tpu.memory_space<semaphore_mem>>) src(%dma_wait3A_125 : memref<80x128xf32, #tpu.memory_space<vmem_shared>>) dst(%arg11 : memref<80x128xf32, #tpu.memory_space<vmem>>)
      tpu.yield
    }) : () -> ()
    %add3A_104 = arith.constant 320 : i32
    %add3A_105 = arith.addi %mul3A_4, %add3A_104 : i32
    "tpu.region"() ({
      %run_scoped3A = tpu.sem_alloc : memref<!tpu.dma_semaphore, #tpu.memory_space<semaphore_mem>>
      %dma_start3A_118 = arith.constant 0 : i32
      %dma_start3A_119 = tpu.memref_slice %arg6[%arg0, %add3A_105, %dma_start3A_118] : memref<2x10240x128xf32, #tpu.memory_space<hbm>> -> memref<1x80x128xf32, #tpu.memory_space<hbm>>
      %dma_start3A_120 = tpu.memref_squeeze %dma_start3A_119 : memref<1x80x128xf32, #tpu.memory_space<hbm>> -> memref<80x128xf32, #tpu.memory_space<hbm>>
      %dma_start3A_121 = arith.constant 0 : i32
      %dma_start3A_122 = tpu.memref_slice %arg6[%arg0, %add3A_105, %dma_start3A_121] : memref<2x10240x128xf32, #tpu.memory_space<hbm>> -> memref<1x80x128xf32, #tpu.memory_space<hbm>>
      %dma_start3A_123 = tpu.memref_squeeze %dma_start3A_122 : memref<1x80x128xf32, #tpu.memory_space<hbm>> -> memref<80x128xf32, #tpu.memory_space<hbm>>
      tpu.enqueue_dma source(%arg11 : memref<80x128xf32, #tpu.memory_space<vmem>>) target(%dma_start3A_123 : memref<80x128xf32, #tpu.memory_space<hbm>>) target_semaphore(%run_scoped3A : memref<!tpu.dma_semaphore, #tpu.memory_space<semaphore_mem>>)
      %dma_wait3A_124 = arith.constant 0 : i32
      %dma_wait3A_125 = tpu.memref_slice %arg6[%arg0, %add3A_105, %dma_wait3A_124] : memref<2x10240x128xf32, #tpu.memory_space<hbm>> -> memref<1x80x128xf32, #tpu.memory_space<hbm>>
      %dma_wait3A_126 = tpu.memref_squeeze %dma_wait3A_125 : memref<1x80x128xf32, #tpu.memory_space<hbm>> -> memref<80x128xf32, #tpu.memory_space<hbm>>
      %dma_wait3A_127 = arith.constant 0 : i32
      %dma_wait3A_128 = tpu.memref_slice %arg6[%arg0, %add3A_105, %dma_wait3A_127] : memref<2x10240x128xf32, #tpu.memory_space<hbm>> -> memref<1x80x128xf32, #tpu.memory_space<hbm>>
      %dma_wait3A_129 = tpu.memref_squeeze %dma_wait3A_128 : memref<1x80x128xf32, #tpu.memory_space<hbm>> -> memref<80x128xf32, #tpu.memory_space<hbm>>
      tpu.wait_dma2 semaphore(%run_scoped3A : memref<!tpu.dma_semaphore, #tpu.memory_space<semaphore_mem>>) src(%arg11 : memref<80x128xf32, #tpu.memory_space<vmem>>) dst(%dma_wait3A_129 : memref<80x128xf32, #tpu.memory_space<hbm>>)
      tpu.yield
    }) : () -> ()
    %add3A_106 = arith.constant 400 : i32
    %add3A_107 = arith.addi %mul3A_4, %add3A_106 : i32
    "tpu.region"() ({
      %run_scoped3A = tpu.sem_alloc : memref<!tpu.dma_semaphore, #tpu.memory_space<semaphore_mem>>
      %dma_start3A_118 = arith.constant 0 : i32
      %dma_start3A_119 = tpu.memref_slice %arg14[%add3A_107, %dma_start3A_118] : memref<10240x128xf32, #tpu.memory_space<vmem_shared>> -> memref<80x128xf32, #tpu.memory_space<vmem_shared>>
      %dma_start3A_120 = arith.constant 0 : i32
      %dma_start3A_121 = tpu.memref_slice %arg14[%add3A_107, %dma_start3A_120] : memref<10240x128xf32, #tpu.memory_space<vmem_shared>> -> memref<80x128xf32, #tpu.memory_space<vmem_shared>>
      tpu.enqueue_dma source(%dma_start3A_121 : memref<80x128xf32, #tpu.memory_space<vmem_shared>>) target(%arg11 : memref<80x128xf32, #tpu.memory_space<vmem>>) target_semaphore(%run_scoped3A : memref<!tpu.dma_semaphore, #tpu.memory_space<semaphore_mem>>)
      %dma_wait3A_122 = arith.constant 0 : i32
      %dma_wait3A_123 = tpu.memref_slice %arg14[%add3A_107, %dma_wait3A_122] : memref<10240x128xf32, #tpu.memory_space<vmem_shared>> -> memref<80x128xf32, #tpu.memory_space<vmem_shared>>
      %dma_wait3A_124 = arith.constant 0 : i32
      %dma_wait3A_125 = tpu.memref_slice %arg14[%add3A_107, %dma_wait3A_124] : memref<10240x128xf32, #tpu.memory_space<vmem_shared>> -> memref<80x128xf32, #tpu.memory_space<vmem_shared>>
      tpu.wait_dma2 semaphore(%run_scoped3A : memref<!tpu.dma_semaphore, #tpu.memory_space<semaphore_mem>>) src(%dma_wait3A_125 : memref<80x128xf32, #tpu.memory_space<vmem_shared>>) dst(%arg11 : memref<80x128xf32, #tpu.memory_space<vmem>>)
      tpu.yield
    }) : () -> ()
    %add3A_108 = arith.constant 400 : i32
    %add3A_109 = arith.addi %mul3A_4, %add3A_108 : i32
    "tpu.region"() ({
      %run_scoped3A = tpu.sem_alloc : memref<!tpu.dma_semaphore, #tpu.memory_space<semaphore_mem>>
      %dma_start3A_118 = arith.constant 0 : i32
      %dma_start3A_119 = tpu.memref_slice %arg6[%arg0, %add3A_109, %dma_start3A_118] : memref<2x10240x128xf32, #tpu.memory_space<hbm>> -> memref<1x80x128xf32, #tpu.memory_space<hbm>>
      %dma_start3A_120 = tpu.memref_squeeze %dma_start3A_119 : memref<1x80x128xf32, #tpu.memory_space<hbm>> -> memref<80x128xf32, #tpu.memory_space<hbm>>
      %dma_start3A_121 = arith.constant 0 : i32
      %dma_start3A_122 = tpu.memref_slice %arg6[%arg0, %add3A_109, %dma_start3A_121] : memref<2x10240x128xf32, #tpu.memory_space<hbm>> -> memref<1x80x128xf32, #tpu.memory_space<hbm>>
      %dma_start3A_123 = tpu.memref_squeeze %dma_start3A_122 : memref<1x80x128xf32, #tpu.memory_space<hbm>> -> memref<80x128xf32, #tpu.memory_space<hbm>>
      tpu.enqueue_dma source(%arg11 : memref<80x128xf32, #tpu.memory_space<vmem>>) target(%dma_start3A_123 : memref<80x128xf32, #tpu.memory_space<hbm>>) target_semaphore(%run_scoped3A : memref<!tpu.dma_semaphore, #tpu.memory_space<semaphore_mem>>)
      %dma_wait3A_124 = arith.constant 0 : i32
      %dma_wait3A_125 = tpu.memref_slice %arg6[%arg0, %add3A_109, %dma_wait3A_124] : memref<2x10240x128xf32, #tpu.memory_space<hbm>> -> memref<1x80x128xf32, #tpu.memory_space<hbm>>
      %dma_wait3A_126 = tpu.memref_squeeze %dma_wait3A_125 : memref<1x80x128xf32, #tpu.memory_space<hbm>> -> memref<80x128xf32, #tpu.memory_space<hbm>>
      %dma_wait3A_127 = arith.constant 0 : i32
      %dma_wait3A_128 = tpu.memref_slice %arg6[%arg0, %add3A_109, %dma_wait3A_127] : memref<2x10240x128xf32, #tpu.memory_space<hbm>> -> memref<1x80x128xf32, #tpu.memory_space<hbm>>
      %dma_wait3A_129 = tpu.memref_squeeze %dma_wait3A_128 : memref<1x80x128xf32, #tpu.memory_space<hbm>> -> memref<80x128xf32, #tpu.memory_space<hbm>>
      tpu.wait_dma2 semaphore(%run_scoped3A : memref<!tpu.dma_semaphore, #tpu.memory_space<semaphore_mem>>) src(%arg11 : memref<80x128xf32, #tpu.memory_space<vmem>>) dst(%dma_wait3A_129 : memref<80x128xf32, #tpu.memory_space<hbm>>)
      tpu.yield
    }) : () -> ()
    %add3A_110 = arith.constant 480 : i32
    %add3A_111 = arith.addi %mul3A_4, %add3A_110 : i32
    "tpu.region"() ({
      %run_scoped3A = tpu.sem_alloc : memref<!tpu.dma_semaphore, #tpu.memory_space<semaphore_mem>>
      %dma_start3A_118 = arith.constant 0 : i32
      %dma_start3A_119 = tpu.memref_slice %arg14[%add3A_111, %dma_start3A_118] : memref<10240x128xf32, #tpu.memory_space<vmem_shared>> -> memref<80x128xf32, #tpu.memory_space<vmem_shared>>
      %dma_start3A_120 = arith.constant 0 : i32
      %dma_start3A_121 = tpu.memref_slice %arg14[%add3A_111, %dma_start3A_120] : memref<10240x128xf32, #tpu.memory_space<vmem_shared>> -> memref<80x128xf32, #tpu.memory_space<vmem_shared>>
      tpu.enqueue_dma source(%dma_start3A_121 : memref<80x128xf32, #tpu.memory_space<vmem_shared>>) target(%arg11 : memref<80x128xf32, #tpu.memory_space<vmem>>) target_semaphore(%run_scoped3A : memref<!tpu.dma_semaphore, #tpu.memory_space<semaphore_mem>>)
      %dma_wait3A_122 = arith.constant 0 : i32
      %dma_wait3A_123 = tpu.memref_slice %arg14[%add3A_111, %dma_wait3A_122] : memref<10240x128xf32, #tpu.memory_space<vmem_shared>> -> memref<80x128xf32, #tpu.memory_space<vmem_shared>>
      %dma_wait3A_124 = arith.constant 0 : i32
      %dma_wait3A_125 = tpu.memref_slice %arg14[%add3A_111, %dma_wait3A_124] : memref<10240x128xf32, #tpu.memory_space<vmem_shared>> -> memref<80x128xf32, #tpu.memory_space<vmem_shared>>
      tpu.wait_dma2 semaphore(%run_scoped3A : memref<!tpu.dma_semaphore, #tpu.memory_space<semaphore_mem>>) src(%dma_wait3A_125 : memref<80x128xf32, #tpu.memory_space<vmem_shared>>) dst(%arg11 : memref<80x128xf32, #tpu.memory_space<vmem>>)
      tpu.yield
    }) : () -> ()
    %add3A_112 = arith.constant 480 : i32
    %add3A_113 = arith.addi %mul3A_4, %add3A_112 : i32
    "tpu.region"() ({
      %run_scoped3A = tpu.sem_alloc : memref<!tpu.dma_semaphore, #tpu.memory_space<semaphore_mem>>
      %dma_start3A_118 = arith.constant 0 : i32
      %dma_start3A_119 = tpu.memref_slice %arg6[%arg0, %add3A_113, %dma_start3A_118] : memref<2x10240x128xf32, #tpu.memory_space<hbm>> -> memref<1x80x128xf32, #tpu.memory_space<hbm>>
      %dma_start3A_120 = tpu.memref_squeeze %dma_start3A_119 : memref<1x80x128xf32, #tpu.memory_space<hbm>> -> memref<80x128xf32, #tpu.memory_space<hbm>>
      %dma_start3A_121 = arith.constant 0 : i32
      %dma_start3A_122 = tpu.memref_slice %arg6[%arg0, %add3A_113, %dma_start3A_121] : memref<2x10240x128xf32, #tpu.memory_space<hbm>> -> memref<1x80x128xf32, #tpu.memory_space<hbm>>
      %dma_start3A_123 = tpu.memref_squeeze %dma_start3A_122 : memref<1x80x128xf32, #tpu.memory_space<hbm>> -> memref<80x128xf32, #tpu.memory_space<hbm>>
      tpu.enqueue_dma source(%arg11 : memref<80x128xf32, #tpu.memory_space<vmem>>) target(%dma_start3A_123 : memref<80x128xf32, #tpu.memory_space<hbm>>) target_semaphore(%run_scoped3A : memref<!tpu.dma_semaphore, #tpu.memory_space<semaphore_mem>>)
      %dma_wait3A_124 = arith.constant 0 : i32
      %dma_wait3A_125 = tpu.memref_slice %arg6[%arg0, %add3A_113, %dma_wait3A_124] : memref<2x10240x128xf32, #tpu.memory_space<hbm>> -> memref<1x80x128xf32, #tpu.memory_space<hbm>>
      %dma_wait3A_126 = tpu.memref_squeeze %dma_wait3A_125 : memref<1x80x128xf32, #tpu.memory_space<hbm>> -> memref<80x128xf32, #tpu.memory_space<hbm>>
      %dma_wait3A_127 = arith.constant 0 : i32
      %dma_wait3A_128 = tpu.memref_slice %arg6[%arg0, %add3A_113, %dma_wait3A_127] : memref<2x10240x128xf32, #tpu.memory_space<hbm>> -> memref<1x80x128xf32, #tpu.memory_space<hbm>>
      %dma_wait3A_129 = tpu.memref_squeeze %dma_wait3A_128 : memref<1x80x128xf32, #tpu.memory_space<hbm>> -> memref<80x128xf32, #tpu.memory_space<hbm>>
      tpu.wait_dma2 semaphore(%run_scoped3A : memref<!tpu.dma_semaphore, #tpu.memory_space<semaphore_mem>>) src(%arg11 : memref<80x128xf32, #tpu.memory_space<vmem>>) dst(%dma_wait3A_129 : memref<80x128xf32, #tpu.memory_space<hbm>>)
      tpu.yield
    }) : () -> ()
    %add3A_114 = arith.constant 560 : i32
    %add3A_115 = arith.addi %mul3A_4, %add3A_114 : i32
    "tpu.region"() ({
      %run_scoped3A = tpu.sem_alloc : memref<!tpu.dma_semaphore, #tpu.memory_space<semaphore_mem>>
      %dma_start3A_118 = arith.constant 0 : i32
      %dma_start3A_119 = tpu.memref_slice %arg14[%add3A_115, %dma_start3A_118] : memref<10240x128xf32, #tpu.memory_space<vmem_shared>> -> memref<80x128xf32, #tpu.memory_space<vmem_shared>>
      %dma_start3A_120 = arith.constant 0 : i32
      %dma_start3A_121 = tpu.memref_slice %arg14[%add3A_115, %dma_start3A_120] : memref<10240x128xf32, #tpu.memory_space<vmem_shared>> -> memref<80x128xf32, #tpu.memory_space<vmem_shared>>
      tpu.enqueue_dma source(%dma_start3A_121 : memref<80x128xf32, #tpu.memory_space<vmem_shared>>) target(%arg11 : memref<80x128xf32, #tpu.memory_space<vmem>>) target_semaphore(%run_scoped3A : memref<!tpu.dma_semaphore, #tpu.memory_space<semaphore_mem>>)
      %dma_wait3A_122 = arith.constant 0 : i32
      %dma_wait3A_123 = tpu.memref_slice %arg14[%add3A_115, %dma_wait3A_122] : memref<10240x128xf32, #tpu.memory_space<vmem_shared>> -> memref<80x128xf32, #tpu.memory_space<vmem_shared>>
      %dma_wait3A_124 = arith.constant 0 : i32
      %dma_wait3A_125 = tpu.memref_slice %arg14[%add3A_115, %dma_wait3A_124] : memref<10240x128xf32, #tpu.memory_space<vmem_shared>> -> memref<80x128xf32, #tpu.memory_space<vmem_shared>>
      tpu.wait_dma2 semaphore(%run_scoped3A : memref<!tpu.dma_semaphore, #tpu.memory_space<semaphore_mem>>) src(%dma_wait3A_125 : memref<80x128xf32, #tpu.memory_space<vmem_shared>>) dst(%arg11 : memref<80x128xf32, #tpu.memory_space<vmem>>)
      tpu.yield
    }) : () -> ()
    %add3A_116 = arith.constant 560 : i32
    %add3A_117 = arith.addi %mul3A_4, %add3A_116 : i32
    "tpu.region"() ({
      %run_scoped3A = tpu.sem_alloc : memref<!tpu.dma_semaphore, #tpu.memory_space<semaphore_mem>>
      %dma_start3A_118 = arith.constant 0 : i32
      %dma_start3A_119 = tpu.memref_slice %arg6[%arg0, %add3A_117, %dma_start3A_118] : memref<2x10240x128xf32, #tpu.memory_space<hbm>> -> memref<1x80x128xf32, #tpu.memory_space<hbm>>
      %dma_start3A_120 = tpu.memref_squeeze %dma_start3A_119 : memref<1x80x128xf32, #tpu.memory_space<hbm>> -> memref<80x128xf32, #tpu.memory_space<hbm>>
      %dma_start3A_121 = arith.constant 0 : i32
      %dma_start3A_122 = tpu.memref_slice %arg6[%arg0, %add3A_117, %dma_start3A_121] : memref<2x10240x128xf32, #tpu.memory_space<hbm>> -> memref<1x80x128xf32, #tpu.memory_space<hbm>>
      %dma_start3A_123 = tpu.memref_squeeze %dma_start3A_122 : memref<1x80x128xf32, #tpu.memory_space<hbm>> -> memref<80x128xf32, #tpu.memory_space<hbm>>
      tpu.enqueue_dma source(%arg11 : memref<80x128xf32, #tpu.memory_space<vmem>>) target(%dma_start3A_123 : memref<80x128xf32, #tpu.memory_space<hbm>>) target_semaphore(%run_scoped3A : memref<!tpu.dma_semaphore, #tpu.memory_space<semaphore_mem>>)
      %dma_wait3A_124 = arith.constant 0 : i32
      %dma_wait3A_125 = tpu.memref_slice %arg6[%arg0, %add3A_117, %dma_wait3A_124] : memref<2x10240x128xf32, #tpu.memory_space<hbm>> -> memref<1x80x128xf32, #tpu.memory_space<hbm>>
      %dma_wait3A_126 = tpu.memref_squeeze %dma_wait3A_125 : memref<1x80x128xf32, #tpu.memory_space<hbm>> -> memref<80x128xf32, #tpu.memory_space<hbm>>
      %dma_wait3A_127 = arith.constant 0 : i32
      %dma_wait3A_128 = tpu.memref_slice %arg6[%arg0, %add3A_117, %dma_wait3A_127] : memref<2x10240x128xf32, #tpu.memory_space<hbm>> -> memref<1x80x128xf32, #tpu.memory_space<hbm>>
      %dma_wait3A_129 = tpu.memref_squeeze %dma_wait3A_128 : memref<1x80x128xf32, #tpu.memory_space<hbm>> -> memref<80x128xf32, #tpu.memory_space<hbm>>
      tpu.wait_dma2 semaphore(%run_scoped3A : memref<!tpu.dma_semaphore, #tpu.memory_space<semaphore_mem>>) src(%arg11 : memref<80x128xf32, #tpu.memory_space<vmem>>) dst(%dma_wait3A_129 : memref<80x128xf32, #tpu.memory_space<hbm>>)
      tpu.yield
    }) : () -> ()
    return
  }
}

#map = affine_map<(d0, d1) -> (0)>
module attributes {stable_mosaic.version = 14 : i64} {
  func.func @_deg_body(%arg0: i32, %arg1: i32, %arg2: memref<320000xi32, #tpu.memory_space<hbm>>, %arg3: memref<10240xf32, #tpu.memory_space<hbm>>, %arg4: memref<10240xf32, #tpu.memory_space<hbm>>, %arg5: memref<10240xf32, #tpu.memory_space<hbm>>, %arg6: memref<10240xf32, #tpu.memory_space<vmem_shared>>, %arg7: memref<80xf32, #tpu.memory_space<vmem>>, %arg8: memref<640xf32, #tpu.memory_space<vmem>>, %arg9: memref<80xi32, #tpu.memory_space<vmem>>, %arg10: memref<80xi32, #tpu.memory_space<vmem>>, %arg11: memref<80xi32, #tpu.memory_space<vmem>>, %arg12: memref<80xi32, #tpu.memory_space<vmem>>, %arg13: memref<80xi32, #tpu.memory_space<vmem>>, %arg14: memref<80xi32, #tpu.memory_space<vmem>>, %arg15: memref<80xi32, #tpu.memory_space<vmem>>, %arg16: memref<80xi32, #tpu.memory_space<vmem>>, %arg17: memref<80xi32, #tpu.memory_space<vmem>>, %arg18: memref<80xi32, #tpu.memory_space<vmem>>, %arg19: memref<80xi32, #tpu.memory_space<vmem>>, %arg20: memref<80xi32, #tpu.memory_space<vmem>>, %arg21: memref<80xi32, #tpu.memory_space<vmem>>, %arg22: memref<80xi32, #tpu.memory_space<vmem>>, %arg23: memref<80xi32, #tpu.memory_space<vmem>>, %arg24: memref<80xi32, #tpu.memory_space<vmem>>, %arg25: memref<!tpu.dma_semaphore, #tpu.memory_space<semaphore_mem>>, %arg26: memref<!tpu.dma_semaphore, #tpu.memory_space<semaphore_mem>>) attributes {dimension_semantics = [#tpu.dimension_semantics<core_parallel>, #tpu.dimension_semantics<subcore_parallel>], iteration_bounds = array<i64: 2, 16>, scalar_prefetch = 0 : i64, scratch_operands = 21 : i64, tpu.core_type = #tpu.core_type<sc_vector_subcore>, window_params = [{transform_indices = #map}, {transform_indices = #map}, {transform_indices = #map}, {transform_indices = #map}]} {
    %mul3A = arith.constant 16 : i32
    %mul3A_0 = arith.muli %arg0, %mul3A : i32
    %add3A = arith.addi %mul3A_0, %arg1 : i32
    %mul3A_1 = arith.constant 10000 : i32
    %mul3A_2 = arith.muli %add3A, %mul3A_1 : i32
    %broadcast_in_dim3A = arith.constant 1.000000e+00 : f32
    %broadcast_in_dim3A_3 = vector.broadcast %broadcast_in_dim3A : f32 to vector<16xf32>
    %swap3A = arith.constant 0 : index
    %swap3A_4 = tpu.vector_load %arg7[%swap3A] {strides = array<i32>} : memref<80xf32, #tpu.memory_space<vmem>>, vector<16xf32>,
    %swap3A_5 = vector.shape_cast %swap3A_4 : vector<16xf32> to vector<16xf32>
    %swap3A_6 = vector.shape_cast %broadcast_in_dim3A_3 : vector<16xf32> to vector<16xf32>
    tpu.vector_store %arg7[%swap3A], %swap3A_6 {strides = array<i32>} : memref<80xf32, #tpu.memory_space<vmem>>, vector<16xf32>,
    %broadcast_in_dim3A_7 = arith.constant 1.000000e+00 : f32
    %broadcast_in_dim3A_8 = vector.broadcast %broadcast_in_dim3A_7 : f32 to vector<16xf32>
    %swap3A_9 = arith.constant 16 : index
    %swap3A_10 = tpu.vector_load %arg7[%swap3A_9] {strides = array<i32>} : memref<80xf32, #tpu.memory_space<vmem>>, vector<16xf32>,
    %swap3A_11 = vector.shape_cast %swap3A_10 : vector<16xf32> to vector<16xf32>
    %swap3A_12 = vector.shape_cast %broadcast_in_dim3A_8 : vector<16xf32> to vector<16xf32>
    tpu.vector_store %arg7[%swap3A_9], %swap3A_12 {strides = array<i32>} : memref<80xf32, #tpu.memory_space<vmem>>, vector<16xf32>,
    %broadcast_in_dim3A_13 = arith.constant 1.000000e+00 : f32
    %broadcast_in_dim3A_14 = vector.broadcast %broadcast_in_dim3A_13 : f32 to vector<16xf32>
    %swap3A_15 = arith.constant 32 : index
    %swap3A_16 = tpu.vector_load %arg7[%swap3A_15] {strides = array<i32>} : memref<80xf32, #tpu.memory_space<vmem>>, vector<16xf32>,
    %swap3A_17 = vector.shape_cast %swap3A_16 : vector<16xf32> to vector<16xf32>
    %swap3A_18 = vector.shape_cast %broadcast_in_dim3A_14 : vector<16xf32> to vector<16xf32>
    tpu.vector_store %arg7[%swap3A_15], %swap3A_18 {strides = array<i32>} : memref<80xf32, #tpu.memory_space<vmem>>, vector<16xf32>,
    %broadcast_in_dim3A_19 = arith.constant 1.000000e+00 : f32
    %broadcast_in_dim3A_20 = vector.broadcast %broadcast_in_dim3A_19 : f32 to vector<16xf32>
    %swap3A_21 = arith.constant 48 : index
    %swap3A_22 = tpu.vector_load %arg7[%swap3A_21] {strides = array<i32>} : memref<80xf32, #tpu.memory_space<vmem>>, vector<16xf32>,
    %swap3A_23 = vector.shape_cast %swap3A_22 : vector<16xf32> to vector<16xf32>
    %swap3A_24 = vector.shape_cast %broadcast_in_dim3A_20 : vector<16xf32> to vector<16xf32>
    tpu.vector_store %arg7[%swap3A_21], %swap3A_24 {strides = array<i32>} : memref<80xf32, #tpu.memory_space<vmem>>, vector<16xf32>,
    %broadcast_in_dim3A_25 = arith.constant 1.000000e+00 : f32
    %broadcast_in_dim3A_26 = vector.broadcast %broadcast_in_dim3A_25 : f32 to vector<16xf32>
    %swap3A_27 = arith.constant 64 : index
    %swap3A_28 = tpu.vector_load %arg7[%swap3A_27] {strides = array<i32>} : memref<80xf32, #tpu.memory_space<vmem>>, vector<16xf32>,
    %swap3A_29 = vector.shape_cast %swap3A_28 : vector<16xf32> to vector<16xf32>
    %swap3A_30 = vector.shape_cast %broadcast_in_dim3A_26 : vector<16xf32> to vector<16xf32>
    tpu.vector_store %arg7[%swap3A_27], %swap3A_30 {strides = array<i32>} : memref<80xf32, #tpu.memory_space<vmem>>, vector<16xf32>,
    %mul3A_31 = arith.constant 640 : i32
    %mul3A_32 = arith.muli %arg1, %mul3A_31 : i32
    "tpu.region"() ({
      %run_scoped3A = tpu.sem_alloc : memref<!tpu.dma_semaphore, #tpu.memory_space<semaphore_mem>>
      %dma_start3A_1289 = arith.constant 0 : i32
      %dma_start3A_1290 = tpu.memref_slice %arg3[%dma_start3A_1289] : memref<10240xf32, #tpu.memory_space<hbm>> -> memref<640xf32, #tpu.memory_space<hbm>>
      %dma_start3A_1291 = arith.constant 0 : i32
      %dma_start3A_1292 = tpu.memref_slice %arg3[%dma_start3A_1291] : memref<10240xf32, #tpu.memory_space<hbm>> -> memref<640xf32, #tpu.memory_space<hbm>>
      tpu.enqueue_dma source(%dma_start3A_1292 : memref<640xf32, #tpu.memory_space<hbm>>) target(%arg8 : memref<640xf32, #tpu.memory_space<vmem>>) target_semaphore(%run_scoped3A : memref<!tpu.dma_semaphore, #tpu.memory_space<semaphore_mem>>)
      %dma_wait3A_1293 = arith.constant 0 : i32
      %dma_wait3A_1294 = tpu.memref_slice %arg3[%dma_wait3A_1293] : memref<10240xf32, #tpu.memory_space<hbm>> -> memref<640xf32, #tpu.memory_space<hbm>>
      %dma_wait3A_1295 = arith.constant 0 : i32
      %dma_wait3A_1296 = tpu.memref_slice %arg3[%dma_wait3A_1295] : memref<10240xf32, #tpu.memory_space<hbm>> -> memref<640xf32, #tpu.memory_space<hbm>>
      tpu.wait_dma2 semaphore(%run_scoped3A : memref<!tpu.dma_semaphore, #tpu.memory_space<semaphore_mem>>) src(%dma_wait3A_1296 : memref<640xf32, #tpu.memory_space<hbm>>) dst(%arg8 : memref<640xf32, #tpu.memory_space<vmem>>)
      tpu.yield
    }) : () -> ()
    "tpu.region"() ({
      %run_scoped3A = tpu.sem_alloc : memref<!tpu.dma_semaphore, #tpu.memory_space<semaphore_mem>>
      %dma_start3A_1289 = tpu.memref_slice %arg6[%mul3A_32] : memref<10240xf32, #tpu.memory_space<vmem_shared>> -> memref<640xf32, #tpu.memory_space<vmem_shared>>
      %dma_start3A_1290 = tpu.memref_slice %arg6[%mul3A_32] : memref<10240xf32, #tpu.memory_space<vmem_shared>> -> memref<640xf32, #tpu.memory_space<vmem_shared>>
      tpu.enqueue_dma source(%arg8 : memref<640xf32, #tpu.memory_space<vmem>>) target(%dma_start3A_1290 : memref<640xf32, #tpu.memory_space<vmem_shared>>) target_semaphore(%run_scoped3A : memref<!tpu.dma_semaphore, #tpu.memory_space<semaphore_mem>>)
      %dma_wait3A_1291 = tpu.memref_slice %arg6[%mul3A_32] : memref<10240xf32, #tpu.memory_space<vmem_shared>> -> memref<640xf32, #tpu.memory_space<vmem_shared>>
      %dma_wait3A_1292 = tpu.memref_slice %arg6[%mul3A_32] : memref<10240xf32, #tpu.memory_space<vmem_shared>> -> memref<640xf32, #tpu.memory_space<vmem_shared>>
      tpu.wait_dma2 semaphore(%run_scoped3A : memref<!tpu.dma_semaphore, #tpu.memory_space<semaphore_mem>>) src(%arg8 : memref<640xf32, #tpu.memory_space<vmem>>) dst(%dma_wait3A_1292 : memref<640xf32, #tpu.memory_space<vmem_shared>>)
      tpu.yield
    }) : () -> ()
    %barrier3A = arith.constant 0 : index
    tpu.barrier barrier_id(%barrier3A)
    %add3A_33 = arith.constant 0 : i32
    %add3A_34 = arith.addi %mul3A_2, %add3A_33 : i32
    %dma_start3A = tpu.memref_slice %arg2[%add3A_34] : memref<320000xi32, #tpu.memory_space<hbm>> -> memref<80xi32, #tpu.memory_space<hbm>>
    %dma_start3A_35 = tpu.memref_slice %arg2[%add3A_34] : memref<320000xi32, #tpu.memory_space<hbm>> -> memref<80xi32, #tpu.memory_space<hbm>>
    tpu.enqueue_dma source(%dma_start3A_35 : memref<80xi32, #tpu.memory_space<hbm>>) target(%arg9 : memref<80xi32, #tpu.memory_space<vmem>>) target_semaphore(%arg25 : memref<!tpu.dma_semaphore, #tpu.memory_space<semaphore_mem>>)
    %add3A_36 = arith.constant 80 : i32
    %add3A_37 = arith.addi %mul3A_2, %add3A_36 : i32
    %dma_start3A_38 = tpu.memref_slice %arg2[%add3A_37] : memref<320000xi32, #tpu.memory_space<hbm>> -> memref<80xi32, #tpu.memory_space<hbm>>
    %dma_start3A_39 = tpu.memref_slice %arg2[%add3A_37] : memref<320000xi32, #tpu.memory_space<hbm>> -> memref<80xi32, #tpu.memory_space<hbm>>
    tpu.enqueue_dma source(%dma_start3A_39 : memref<80xi32, #tpu.memory_space<hbm>>) target(%arg10 : memref<80xi32, #tpu.memory_space<vmem>>) target_semaphore(%arg25 : memref<!tpu.dma_semaphore, #tpu.memory_space<semaphore_mem>>)
    %add3A_40 = arith.constant 160 : i32
    %add3A_41 = arith.addi %mul3A_2, %add3A_40 : i32
    %dma_start3A_42 = tpu.memref_slice %arg2[%add3A_41] : memref<320000xi32, #tpu.memory_space<hbm>> -> memref<80xi32, #tpu.memory_space<hbm>>
    %dma_start3A_43 = tpu.memref_slice %arg2[%add3A_41] : memref<320000xi32, #tpu.memory_space<hbm>> -> memref<80xi32, #tpu.memory_space<hbm>>
    tpu.enqueue_dma source(%dma_start3A_43 : memref<80xi32, #tpu.memory_space<hbm>>) target(%arg11 : memref<80xi32, #tpu.memory_space<vmem>>) target_semaphore(%arg25 : memref<!tpu.dma_semaphore, #tpu.memory_space<semaphore_mem>>)
    %add3A_44 = arith.constant 240 : i32
    %add3A_45 = arith.addi %mul3A_2, %add3A_44 : i32
    %dma_start3A_46 = tpu.memref_slice %arg2[%add3A_45] : memref<320000xi32, #tpu.memory_space<hbm>> -> memref<80xi32, #tpu.memory_space<hbm>>
    %dma_start3A_47 = tpu.memref_slice %arg2[%add3A_45] : memref<320000xi32, #tpu.memory_space<hbm>> -> memref<80xi32, #tpu.memory_space<hbm>>
    tpu.enqueue_dma source(%dma_start3A_47 : memref<80xi32, #tpu.memory_space<hbm>>) target(%arg12 : memref<80xi32, #tpu.memory_space<vmem>>) target_semaphore(%arg25 : memref<!tpu.dma_semaphore, #tpu.memory_space<semaphore_mem>>)
    %add3A_48 = arith.constant 320 : i32
    %add3A_49 = arith.addi %mul3A_2, %add3A_48 : i32
    %dma_start3A_50 = tpu.memref_slice %arg2[%add3A_49] : memref<320000xi32, #tpu.memory_space<hbm>> -> memref<80xi32, #tpu.memory_space<hbm>>
    %dma_start3A_51 = tpu.memref_slice %arg2[%add3A_49] : memref<320000xi32, #tpu.memory_space<hbm>> -> memref<80xi32, #tpu.memory_space<hbm>>
    tpu.enqueue_dma source(%dma_start3A_51 : memref<80xi32, #tpu.memory_space<hbm>>) target(%arg13 : memref<80xi32, #tpu.memory_space<vmem>>) target_semaphore(%arg25 : memref<!tpu.dma_semaphore, #tpu.memory_space<semaphore_mem>>)
    %add3A_52 = arith.constant 400 : i32
    %add3A_53 = arith.addi %mul3A_2, %add3A_52 : i32
    %dma_start3A_54 = tpu.memref_slice %arg2[%add3A_53] : memref<320000xi32, #tpu.memory_space<hbm>> -> memref<80xi32, #tpu.memory_space<hbm>>
    %dma_start3A_55 = tpu.memref_slice %arg2[%add3A_53] : memref<320000xi32, #tpu.memory_space<hbm>> -> memref<80xi32, #tpu.memory_space<hbm>>
    tpu.enqueue_dma source(%dma_start3A_55 : memref<80xi32, #tpu.memory_space<hbm>>) target(%arg14 : memref<80xi32, #tpu.memory_space<vmem>>) target_semaphore(%arg25 : memref<!tpu.dma_semaphore, #tpu.memory_space<semaphore_mem>>)
    %add3A_56 = arith.constant 480 : i32
    %add3A_57 = arith.addi %mul3A_2, %add3A_56 : i32
    %dma_start3A_58 = tpu.memref_slice %arg2[%add3A_57] : memref<320000xi32, #tpu.memory_space<hbm>> -> memref<80xi32, #tpu.memory_space<hbm>>
    %dma_start3A_59 = tpu.memref_slice %arg2[%add3A_57] : memref<320000xi32, #tpu.memory_space<hbm>> -> memref<80xi32, #tpu.memory_space<hbm>>
    tpu.enqueue_dma source(%dma_start3A_59 : memref<80xi32, #tpu.memory_space<hbm>>) target(%arg15 : memref<80xi32, #tpu.memory_space<vmem>>) target_semaphore(%arg25 : memref<!tpu.dma_semaphore, #tpu.memory_space<semaphore_mem>>)
    %add3A_60 = arith.constant 560 : i32
    %add3A_61 = arith.addi %mul3A_2, %add3A_60 : i32
    %dma_start3A_62 = tpu.memref_slice %arg2[%add3A_61] : memref<320000xi32, #tpu.memory_space<hbm>> -> memref<80xi32, #tpu.memory_space<hbm>>
    %dma_start3A_63 = tpu.memref_slice %arg2[%add3A_61] : memref<320000xi32, #tpu.memory_space<hbm>> -> memref<80xi32, #tpu.memory_space<hbm>>
    tpu.enqueue_dma source(%dma_start3A_63 : memref<80xi32, #tpu.memory_space<hbm>>) target(%arg16 : memref<80xi32, #tpu.memory_space<vmem>>) target_semaphore(%arg25 : memref<!tpu.dma_semaphore, #tpu.memory_space<semaphore_mem>>)
    %add3A_64 = arith.constant 640 : i32
    %add3A_65 = arith.addi %mul3A_2, %add3A_64 : i32
    %dma_start3A_66 = tpu.memref_slice %arg2[%add3A_65] : memref<320000xi32, #tpu.memory_space<hbm>> -> memref<80xi32, #tpu.memory_space<hbm>>
    %dma_start3A_67 = tpu.memref_slice %arg2[%add3A_65] : memref<320000xi32, #tpu.memory_space<hbm>> -> memref<80xi32, #tpu.memory_space<hbm>>
    tpu.enqueue_dma source(%dma_start3A_67 : memref<80xi32, #tpu.memory_space<hbm>>) target(%arg17 : memref<80xi32, #tpu.memory_space<vmem>>) target_semaphore(%arg25 : memref<!tpu.dma_semaphore, #tpu.memory_space<semaphore_mem>>)
    %add3A_68 = arith.constant 720 : i32
    %add3A_69 = arith.addi %mul3A_2, %add3A_68 : i32
    %dma_start3A_70 = tpu.memref_slice %arg2[%add3A_69] : memref<320000xi32, #tpu.memory_space<hbm>> -> memref<80xi32, #tpu.memory_space<hbm>>
    %dma_start3A_71 = tpu.memref_slice %arg2[%add3A_69] : memref<320000xi32, #tpu.memory_space<hbm>> -> memref<80xi32, #tpu.memory_space<hbm>>
    tpu.enqueue_dma source(%dma_start3A_71 : memref<80xi32, #tpu.memory_space<hbm>>) target(%arg18 : memref<80xi32, #tpu.memory_space<vmem>>) target_semaphore(%arg25 : memref<!tpu.dma_semaphore, #tpu.memory_space<semaphore_mem>>)
    %add3A_72 = arith.constant 800 : i32
    %add3A_73 = arith.addi %mul3A_2, %add3A_72 : i32
    %dma_start3A_74 = tpu.memref_slice %arg2[%add3A_73] : memref<320000xi32, #tpu.memory_space<hbm>> -> memref<80xi32, #tpu.memory_space<hbm>>
    %dma_start3A_75 = tpu.memref_slice %arg2[%add3A_73] : memref<320000xi32, #tpu.memory_space<hbm>> -> memref<80xi32, #tpu.memory_space<hbm>>
    tpu.enqueue_dma source(%dma_start3A_75 : memref<80xi32, #tpu.memory_space<hbm>>) target(%arg19 : memref<80xi32, #tpu.memory_space<vmem>>) target_semaphore(%arg25 : memref<!tpu.dma_semaphore, #tpu.memory_space<semaphore_mem>>)
    %add3A_76 = arith.constant 880 : i32
    %add3A_77 = arith.addi %mul3A_2, %add3A_76 : i32
    %dma_start3A_78 = tpu.memref_slice %arg2[%add3A_77] : memref<320000xi32, #tpu.memory_space<hbm>> -> memref<80xi32, #tpu.memory_space<hbm>>
    %dma_start3A_79 = tpu.memref_slice %arg2[%add3A_77] : memref<320000xi32, #tpu.memory_space<hbm>> -> memref<80xi32, #tpu.memory_space<hbm>>
    tpu.enqueue_dma source(%dma_start3A_79 : memref<80xi32, #tpu.memory_space<hbm>>) target(%arg20 : memref<80xi32, #tpu.memory_space<vmem>>) target_semaphore(%arg25 : memref<!tpu.dma_semaphore, #tpu.memory_space<semaphore_mem>>)
    %add3A_80 = arith.constant 960 : i32
    %add3A_81 = arith.addi %mul3A_2, %add3A_80 : i32
    %dma_start3A_82 = tpu.memref_slice %arg2[%add3A_81] : memref<320000xi32, #tpu.memory_space<hbm>> -> memref<80xi32, #tpu.memory_space<hbm>>
    %dma_start3A_83 = tpu.memref_slice %arg2[%add3A_81] : memref<320000xi32, #tpu.memory_space<hbm>> -> memref<80xi32, #tpu.memory_space<hbm>>
    tpu.enqueue_dma source(%dma_start3A_83 : memref<80xi32, #tpu.memory_space<hbm>>) target(%arg21 : memref<80xi32, #tpu.memory_space<vmem>>) target_semaphore(%arg25 : memref<!tpu.dma_semaphore, #tpu.memory_space<semaphore_mem>>)
    %add3A_84 = arith.constant 1040 : i32
    %add3A_85 = arith.addi %mul3A_2, %add3A_84 : i32
    %dma_start3A_86 = tpu.memref_slice %arg2[%add3A_85] : memref<320000xi32, #tpu.memory_space<hbm>> -> memref<80xi32, #tpu.memory_space<hbm>>
    %dma_start3A_87 = tpu.memref_slice %arg2[%add3A_85] : memref<320000xi32, #tpu.memory_space<hbm>> -> memref<80xi32, #tpu.memory_space<hbm>>
    tpu.enqueue_dma source(%dma_start3A_87 : memref<80xi32, #tpu.memory_space<hbm>>) target(%arg22 : memref<80xi32, #tpu.memory_space<vmem>>) target_semaphore(%arg25 : memref<!tpu.dma_semaphore, #tpu.memory_space<semaphore_mem>>)
    %add3A_88 = arith.constant 1120 : i32
    %add3A_89 = arith.addi %mul3A_2, %add3A_88 : i32
    %dma_start3A_90 = tpu.memref_slice %arg2[%add3A_89] : memref<320000xi32, #tpu.memory_space<hbm>> -> memref<80xi32, #tpu.memory_space<hbm>>
    %dma_start3A_91 = tpu.memref_slice %arg2[%add3A_89] : memref<320000xi32, #tpu.memory_space<hbm>> -> memref<80xi32, #tpu.memory_space<hbm>>
    tpu.enqueue_dma source(%dma_start3A_91 : memref<80xi32, #tpu.memory_space<hbm>>) target(%arg23 : memref<80xi32, #tpu.memory_space<vmem>>) target_semaphore(%arg25 : memref<!tpu.dma_semaphore, #tpu.memory_space<semaphore_mem>>)
    %add3A_92 = arith.constant 1200 : i32
    %add3A_93 = arith.addi %mul3A_2, %add3A_92 : i32
    %dma_start3A_94 = tpu.memref_slice %arg2[%add3A_93] : memref<320000xi32, #tpu.memory_space<hbm>> -> memref<80xi32, #tpu.memory_space<hbm>>
    %dma_start3A_95 = tpu.memref_slice %arg2[%add3A_93] : memref<320000xi32, #tpu.memory_space<hbm>> -> memref<80xi32, #tpu.memory_space<hbm>>
    tpu.enqueue_dma source(%dma_start3A_95 : memref<80xi32, #tpu.memory_space<hbm>>) target(%arg24 : memref<80xi32, #tpu.memory_space<vmem>>) target_semaphore(%arg25 : memref<!tpu.dma_semaphore, #tpu.memory_space<semaphore_mem>>)
    %dma_wait3A = tpu.memref_slice %arg2[%add3A_34] : memref<320000xi32, #tpu.memory_space<hbm>> -> memref<80xi32, #tpu.memory_space<hbm>>
    %dma_wait3A_96 = tpu.memref_slice %arg2[%add3A_34] : memref<320000xi32, #tpu.memory_space<hbm>> -> memref<80xi32, #tpu.memory_space<hbm>>
    tpu.wait_dma2 semaphore(%arg25 : memref<!tpu.dma_semaphore, #tpu.memory_space<semaphore_mem>>) src(%dma_wait3A_96 : memref<80xi32, #tpu.memory_space<hbm>>) dst(%arg9 : memref<80xi32, #tpu.memory_space<vmem>>)
    %dma_wait3A_97 = tpu.memref_slice %arg2[%add3A_37] : memref<320000xi32, #tpu.memory_space<hbm>> -> memref<80xi32, #tpu.memory_space<hbm>>
    %dma_wait3A_98 = tpu.memref_slice %arg2[%add3A_37] : memref<320000xi32, #tpu.memory_space<hbm>> -> memref<80xi32, #tpu.memory_space<hbm>>
    tpu.wait_dma2 semaphore(%arg25 : memref<!tpu.dma_semaphore, #tpu.memory_space<semaphore_mem>>) src(%dma_wait3A_98 : memref<80xi32, #tpu.memory_space<hbm>>) dst(%arg10 : memref<80xi32, #tpu.memory_space<vmem>>)
    %dma_wait3A_99 = tpu.memref_slice %arg2[%add3A_41] : memref<320000xi32, #tpu.memory_space<hbm>> -> memref<80xi32, #tpu.memory_space<hbm>>
    %dma_wait3A_100 = tpu.memref_slice %arg2[%add3A_41] : memref<320000xi32, #tpu.memory_space<hbm>> -> memref<80xi32, #tpu.memory_space<hbm>>
    tpu.wait_dma2 semaphore(%arg25 : memref<!tpu.dma_semaphore, #tpu.memory_space<semaphore_mem>>) src(%dma_wait3A_100 : memref<80xi32, #tpu.memory_space<hbm>>) dst(%arg11 : memref<80xi32, #tpu.memory_space<vmem>>)
    %dma_wait3A_101 = tpu.memref_slice %arg2[%add3A_45] : memref<320000xi32, #tpu.memory_space<hbm>> -> memref<80xi32, #tpu.memory_space<hbm>>
    %dma_wait3A_102 = tpu.memref_slice %arg2[%add3A_45] : memref<320000xi32, #tpu.memory_space<hbm>> -> memref<80xi32, #tpu.memory_space<hbm>>
    tpu.wait_dma2 semaphore(%arg25 : memref<!tpu.dma_semaphore, #tpu.memory_space<semaphore_mem>>) src(%dma_wait3A_102 : memref<80xi32, #tpu.memory_space<hbm>>) dst(%arg12 : memref<80xi32, #tpu.memory_space<vmem>>)
    %dma_wait3A_103 = tpu.memref_slice %arg2[%add3A_49] : memref<320000xi32, #tpu.memory_space<hbm>> -> memref<80xi32, #tpu.memory_space<hbm>>
    %dma_wait3A_104 = tpu.memref_slice %arg2[%add3A_49] : memref<320000xi32, #tpu.memory_space<hbm>> -> memref<80xi32, #tpu.memory_space<hbm>>
    tpu.wait_dma2 semaphore(%arg25 : memref<!tpu.dma_semaphore, #tpu.memory_space<semaphore_mem>>) src(%dma_wait3A_104 : memref<80xi32, #tpu.memory_space<hbm>>) dst(%arg13 : memref<80xi32, #tpu.memory_space<vmem>>)
    %dma_wait3A_105 = tpu.memref_slice %arg2[%add3A_53] : memref<320000xi32, #tpu.memory_space<hbm>> -> memref<80xi32, #tpu.memory_space<hbm>>
    %dma_wait3A_106 = tpu.memref_slice %arg2[%add3A_53] : memref<320000xi32, #tpu.memory_space<hbm>> -> memref<80xi32, #tpu.memory_space<hbm>>
    tpu.wait_dma2 semaphore(%arg25 : memref<!tpu.dma_semaphore, #tpu.memory_space<semaphore_mem>>) src(%dma_wait3A_106 : memref<80xi32, #tpu.memory_space<hbm>>) dst(%arg14 : memref<80xi32, #tpu.memory_space<vmem>>)
    %dma_wait3A_107 = tpu.memref_slice %arg2[%add3A_57] : memref<320000xi32, #tpu.memory_space<hbm>> -> memref<80xi32, #tpu.memory_space<hbm>>
    %dma_wait3A_108 = tpu.memref_slice %arg2[%add3A_57] : memref<320000xi32, #tpu.memory_space<hbm>> -> memref<80xi32, #tpu.memory_space<hbm>>
    tpu.wait_dma2 semaphore(%arg25 : memref<!tpu.dma_semaphore, #tpu.memory_space<semaphore_mem>>) src(%dma_wait3A_108 : memref<80xi32, #tpu.memory_space<hbm>>) dst(%arg15 : memref<80xi32, #tpu.memory_space<vmem>>)
    %dma_wait3A_109 = tpu.memref_slice %arg2[%add3A_61] : memref<320000xi32, #tpu.memory_space<hbm>> -> memref<80xi32, #tpu.memory_space<hbm>>
    %dma_wait3A_110 = tpu.memref_slice %arg2[%add3A_61] : memref<320000xi32, #tpu.memory_space<hbm>> -> memref<80xi32, #tpu.memory_space<hbm>>
    tpu.wait_dma2 semaphore(%arg25 : memref<!tpu.dma_semaphore, #tpu.memory_space<semaphore_mem>>) src(%dma_wait3A_110 : memref<80xi32, #tpu.memory_space<hbm>>) dst(%arg16 : memref<80xi32, #tpu.memory_space<vmem>>)
    %dma_wait3A_111 = tpu.memref_slice %arg2[%add3A_65] : memref<320000xi32, #tpu.memory_space<hbm>> -> memref<80xi32, #tpu.memory_space<hbm>>
    %dma_wait3A_112 = tpu.memref_slice %arg2[%add3A_65] : memref<320000xi32, #tpu.memory_space<hbm>> -> memref<80xi32, #tpu.memory_space<hbm>>
    tpu.wait_dma2 semaphore(%arg25 : memref<!tpu.dma_semaphore, #tpu.memory_space<semaphore_mem>>) src(%dma_wait3A_112 : memref<80xi32, #tpu.memory_space<hbm>>) dst(%arg17 : memref<80xi32, #tpu.memory_space<vmem>>)
    %dma_wait3A_113 = tpu.memref_slice %arg2[%add3A_69] : memref<320000xi32, #tpu.memory_space<hbm>> -> memref<80xi32, #tpu.memory_space<hbm>>
    %dma_wait3A_114 = tpu.memref_slice %arg2[%add3A_69] : memref<320000xi32, #tpu.memory_space<hbm>> -> memref<80xi32, #tpu.memory_space<hbm>>
    tpu.wait_dma2 semaphore(%arg25 : memref<!tpu.dma_semaphore, #tpu.memory_space<semaphore_mem>>) src(%dma_wait3A_114 : memref<80xi32, #tpu.memory_space<hbm>>) dst(%arg18 : memref<80xi32, #tpu.memory_space<vmem>>)
    %dma_wait3A_115 = tpu.memref_slice %arg2[%add3A_73] : memref<320000xi32, #tpu.memory_space<hbm>> -> memref<80xi32, #tpu.memory_space<hbm>>
    %dma_wait3A_116 = tpu.memref_slice %arg2[%add3A_73] : memref<320000xi32, #tpu.memory_space<hbm>> -> memref<80xi32, #tpu.memory_space<hbm>>
    tpu.wait_dma2 semaphore(%arg25 : memref<!tpu.dma_semaphore, #tpu.memory_space<semaphore_mem>>) src(%dma_wait3A_116 : memref<80xi32, #tpu.memory_space<hbm>>) dst(%arg19 : memref<80xi32, #tpu.memory_space<vmem>>)
    %dma_wait3A_117 = tpu.memref_slice %arg2[%add3A_77] : memref<320000xi32, #tpu.memory_space<hbm>> -> memref<80xi32, #tpu.memory_space<hbm>>
    %dma_wait3A_118 = tpu.memref_slice %arg2[%add3A_77] : memref<320000xi32, #tpu.memory_space<hbm>> -> memref<80xi32, #tpu.memory_space<hbm>>
    tpu.wait_dma2 semaphore(%arg25 : memref<!tpu.dma_semaphore, #tpu.memory_space<semaphore_mem>>) src(%dma_wait3A_118 : memref<80xi32, #tpu.memory_space<hbm>>) dst(%arg20 : memref<80xi32, #tpu.memory_space<vmem>>)
    %dma_wait3A_119 = tpu.memref_slice %arg2[%add3A_81] : memref<320000xi32, #tpu.memory_space<hbm>> -> memref<80xi32, #tpu.memory_space<hbm>>
    %dma_wait3A_120 = tpu.memref_slice %arg2[%add3A_81] : memref<320000xi32, #tpu.memory_space<hbm>> -> memref<80xi32, #tpu.memory_space<hbm>>
    tpu.wait_dma2 semaphore(%arg25 : memref<!tpu.dma_semaphore, #tpu.memory_space<semaphore_mem>>) src(%dma_wait3A_120 : memref<80xi32, #tpu.memory_space<hbm>>) dst(%arg21 : memref<80xi32, #tpu.memory_space<vmem>>)
    %dma_wait3A_121 = tpu.memref_slice %arg2[%add3A_85] : memref<320000xi32, #tpu.memory_space<hbm>> -> memref<80xi32, #tpu.memory_space<hbm>>
    %dma_wait3A_122 = tpu.memref_slice %arg2[%add3A_85] : memref<320000xi32, #tpu.memory_space<hbm>> -> memref<80xi32, #tpu.memory_space<hbm>>
    tpu.wait_dma2 semaphore(%arg25 : memref<!tpu.dma_semaphore, #tpu.memory_space<semaphore_mem>>) src(%dma_wait3A_122 : memref<80xi32, #tpu.memory_space<hbm>>) dst(%arg22 : memref<80xi32, #tpu.memory_space<vmem>>)
    %dma_wait3A_123 = tpu.memref_slice %arg2[%add3A_89] : memref<320000xi32, #tpu.memory_space<hbm>> -> memref<80xi32, #tpu.memory_space<hbm>>
    %dma_wait3A_124 = tpu.memref_slice %arg2[%add3A_89] : memref<320000xi32, #tpu.memory_space<hbm>> -> memref<80xi32, #tpu.memory_space<hbm>>
    tpu.wait_dma2 semaphore(%arg25 : memref<!tpu.dma_semaphore, #tpu.memory_space<semaphore_mem>>) src(%dma_wait3A_124 : memref<80xi32, #tpu.memory_space<hbm>>) dst(%arg23 : memref<80xi32, #tpu.memory_space<vmem>>)
    %dma_wait3A_125 = tpu.memref_slice %arg2[%add3A_93] : memref<320000xi32, #tpu.memory_space<hbm>> -> memref<80xi32, #tpu.memory_space<hbm>>
    %dma_wait3A_126 = tpu.memref_slice %arg2[%add3A_93] : memref<320000xi32, #tpu.memory_space<hbm>> -> memref<80xi32, #tpu.memory_space<hbm>>
    tpu.wait_dma2 semaphore(%arg25 : memref<!tpu.dma_semaphore, #tpu.memory_space<semaphore_mem>>) src(%dma_wait3A_126 : memref<80xi32, #tpu.memory_space<hbm>>) dst(%arg24 : memref<80xi32, #tpu.memory_space<vmem>>)
    %dma_start3A_127 = arith.constant 0 : i32
    %dma_start3A_128 = tpu.memref_slice %arg6[%dma_start3A_127] : memref<10240xf32, #tpu.memory_space<vmem_shared>> -> memref<10240xf32, #tpu.memory_space<vmem_shared>>
    tpu.enqueue_indirect_dma source(%arg7 : memref<80xf32, #tpu.memory_space<vmem>>) target(%dma_start3A_128 : memref<10240xf32, #tpu.memory_space<vmem_shared>>) offsets(%arg9 : memref<80xi32, #tpu.memory_space<vmem>>) semaphore(%arg26 : memref<!tpu.dma_semaphore, #tpu.memory_space<semaphore_mem>>) {add = true}
    %dma_start3A_129 = arith.constant 0 : i32
    %dma_start3A_130 = tpu.memref_slice %arg6[%dma_start3A_129] : memref<10240xf32, #tpu.memory_space<vmem_shared>> -> memref<10240xf32, #tpu.memory_space<vmem_shared>>
    tpu.enqueue_indirect_dma source(%arg7 : memref<80xf32, #tpu.memory_space<vmem>>) target(%dma_start3A_130 : memref<10240xf32, #tpu.memory_space<vmem_shared>>) offsets(%arg10 : memref<80xi32, #tpu.memory_space<vmem>>) semaphore(%arg26 : memref<!tpu.dma_semaphore, #tpu.memory_space<semaphore_mem>>) {add = true}
    %dma_start3A_131 = arith.constant 0 : i32
    %dma_start3A_132 = tpu.memref_slice %arg6[%dma_start3A_131] : memref<10240xf32, #tpu.memory_space<vmem_shared>> -> memref<10240xf32, #tpu.memory_space<vmem_shared>>
    tpu.enqueue_indirect_dma source(%arg7 : memref<80xf32, #tpu.memory_space<vmem>>) target(%dma_start3A_132 : memref<10240xf32, #tpu.memory_space<vmem_shared>>) offsets(%arg11 : memref<80xi32, #tpu.memory_space<vmem>>) semaphore(%arg26 : memref<!tpu.dma_semaphore, #tpu.memory_space<semaphore_mem>>) {add = true}
    %dma_start3A_133 = arith.constant 0 : i32
    %dma_start3A_134 = tpu.memref_slice %arg6[%dma_start3A_133] : memref<10240xf32, #tpu.memory_space<vmem_shared>> -> memref<10240xf32, #tpu.memory_space<vmem_shared>>
    tpu.enqueue_indirect_dma source(%arg7 : memref<80xf32, #tpu.memory_space<vmem>>) target(%dma_start3A_134 : memref<10240xf32, #tpu.memory_space<vmem_shared>>) offsets(%arg12 : memref<80xi32, #tpu.memory_space<vmem>>) semaphore(%arg26 : memref<!tpu.dma_semaphore, #tpu.memory_space<semaphore_mem>>) {add = true}
    %dma_start3A_135 = arith.constant 0 : i32
    %dma_start3A_136 = tpu.memref_slice %arg6[%dma_start3A_135] : memref<10240xf32, #tpu.memory_space<vmem_shared>> -> memref<10240xf32, #tpu.memory_space<vmem_shared>>
    tpu.enqueue_indirect_dma source(%arg7 : memref<80xf32, #tpu.memory_space<vmem>>) target(%dma_start3A_136 : memref<10240xf32, #tpu.memory_space<vmem_shared>>) offsets(%arg13 : memref<80xi32, #tpu.memory_space<vmem>>) semaphore(%arg26 : memref<!tpu.dma_semaphore, #tpu.memory_space<semaphore_mem>>) {add = true}
    %dma_start3A_137 = arith.constant 0 : i32
    %dma_start3A_138 = tpu.memref_slice %arg6[%dma_start3A_137] : memref<10240xf32, #tpu.memory_space<vmem_shared>> -> memref<10240xf32, #tpu.memory_space<vmem_shared>>
    tpu.enqueue_indirect_dma source(%arg7 : memref<80xf32, #tpu.memory_space<vmem>>) target(%dma_start3A_138 : memref<10240xf32, #tpu.memory_space<vmem_shared>>) offsets(%arg14 : memref<80xi32, #tpu.memory_space<vmem>>) semaphore(%arg26 : memref<!tpu.dma_semaphore, #tpu.memory_space<semaphore_mem>>) {add = true}
    %dma_start3A_139 = arith.constant 0 : i32
    %dma_start3A_140 = tpu.memref_slice %arg6[%dma_start3A_139] : memref<10240xf32, #tpu.memory_space<vmem_shared>> -> memref<10240xf32, #tpu.memory_space<vmem_shared>>
    tpu.enqueue_indirect_dma source(%arg7 : memref<80xf32, #tpu.memory_space<vmem>>) target(%dma_start3A_140 : memref<10240xf32, #tpu.memory_space<vmem_shared>>) offsets(%arg15 : memref<80xi32, #tpu.memory_space<vmem>>) semaphore(%arg26 : memref<!tpu.dma_semaphore, #tpu.memory_space<semaphore_mem>>) {add = true}
    %dma_start3A_141 = arith.constant 0 : i32
    %dma_start3A_142 = tpu.memref_slice %arg6[%dma_start3A_141] : memref<10240xf32, #tpu.memory_space<vmem_shared>> -> memref<10240xf32, #tpu.memory_space<vmem_shared>>
    tpu.enqueue_indirect_dma source(%arg7 : memref<80xf32, #tpu.memory_space<vmem>>) target(%dma_start3A_142 : memref<10240xf32, #tpu.memory_space<vmem_shared>>) offsets(%arg16 : memref<80xi32, #tpu.memory_space<vmem>>) semaphore(%arg26 : memref<!tpu.dma_semaphore, #tpu.memory_space<semaphore_mem>>) {add = true}
    %dma_start3A_143 = arith.constant 0 : i32
    %dma_start3A_144 = tpu.memref_slice %arg6[%dma_start3A_143] : memref<10240xf32, #tpu.memory_space<vmem_shared>> -> memref<10240xf32, #tpu.memory_space<vmem_shared>>
    tpu.enqueue_indirect_dma source(%arg7 : memref<80xf32, #tpu.memory_space<vmem>>) target(%dma_start3A_144 : memref<10240xf32, #tpu.memory_space<vmem_shared>>) offsets(%arg17 : memref<80xi32, #tpu.memory_space<vmem>>) semaphore(%arg26 : memref<!tpu.dma_semaphore, #tpu.memory_space<semaphore_mem>>) {add = true}
    %dma_start3A_145 = arith.constant 0 : i32
    %dma_start3A_146 = tpu.memref_slice %arg6[%dma_start3A_145] : memref<10240xf32, #tpu.memory_space<vmem_shared>> -> memref<10240xf32, #tpu.memory_space<vmem_shared>>
    tpu.enqueue_indirect_dma source(%arg7 : memref<80xf32, #tpu.memory_space<vmem>>) target(%dma_start3A_146 : memref<10240xf32, #tpu.memory_space<vmem_shared>>) offsets(%arg18 : memref<80xi32, #tpu.memory_space<vmem>>) semaphore(%arg26 : memref<!tpu.dma_semaphore, #tpu.memory_space<semaphore_mem>>) {add = true}
    %dma_start3A_147 = arith.constant 0 : i32
    %dma_start3A_148 = tpu.memref_slice %arg6[%dma_start3A_147] : memref<10240xf32, #tpu.memory_space<vmem_shared>> -> memref<10240xf32, #tpu.memory_space<vmem_shared>>
    tpu.enqueue_indirect_dma source(%arg7 : memref<80xf32, #tpu.memory_space<vmem>>) target(%dma_start3A_148 : memref<10240xf32, #tpu.memory_space<vmem_shared>>) offsets(%arg19 : memref<80xi32, #tpu.memory_space<vmem>>) semaphore(%arg26 : memref<!tpu.dma_semaphore, #tpu.memory_space<semaphore_mem>>) {add = true}
    %dma_start3A_149 = arith.constant 0 : i32
    %dma_start3A_150 = tpu.memref_slice %arg6[%dma_start3A_149] : memref<10240xf32, #tpu.memory_space<vmem_shared>> -> memref<10240xf32, #tpu.memory_space<vmem_shared>>
    tpu.enqueue_indirect_dma source(%arg7 : memref<80xf32, #tpu.memory_space<vmem>>) target(%dma_start3A_150 : memref<10240xf32, #tpu.memory_space<vmem_shared>>) offsets(%arg20 : memref<80xi32, #tpu.memory_space<vmem>>) semaphore(%arg26 : memref<!tpu.dma_semaphore, #tpu.memory_space<semaphore_mem>>) {add = true}
    %dma_start3A_151 = arith.constant 0 : i32
    %dma_start3A_152 = tpu.memref_slice %arg6[%dma_start3A_151] : memref<10240xf32, #tpu.memory_space<vmem_shared>> -> memref<10240xf32, #tpu.memory_space<vmem_shared>>
    tpu.enqueue_indirect_dma source(%arg7 : memref<80xf32, #tpu.memory_space<vmem>>) target(%dma_start3A_152 : memref<10240xf32, #tpu.memory_space<vmem_shared>>) offsets(%arg21 : memref<80xi32, #tpu.memory_space<vmem>>) semaphore(%arg26 : memref<!tpu.dma_semaphore, #tpu.memory_space<semaphore_mem>>) {add = true}
    %dma_start3A_153 = arith.constant 0 : i32
    %dma_start3A_154 = tpu.memref_slice %arg6[%dma_start3A_153] : memref<10240xf32, #tpu.memory_space<vmem_shared>> -> memref<10240xf32, #tpu.memory_space<vmem_shared>>
    tpu.enqueue_indirect_dma source(%arg7 : memref<80xf32, #tpu.memory_space<vmem>>) target(%dma_start3A_154 : memref<10240xf32, #tpu.memory_space<vmem_shared>>) offsets(%arg22 : memref<80xi32, #tpu.memory_space<vmem>>) semaphore(%arg26 : memref<!tpu.dma_semaphore, #tpu.memory_space<semaphore_mem>>) {add = true}
    %dma_start3A_155 = arith.constant 0 : i32
    %dma_start3A_156 = tpu.memref_slice %arg6[%dma_start3A_155] : memref<10240xf32, #tpu.memory_space<vmem_shared>> -> memref<10240xf32, #tpu.memory_space<vmem_shared>>
    tpu.enqueue_indirect_dma source(%arg7 : memref<80xf32, #tpu.memory_space<vmem>>) target(%dma_start3A_156 : memref<10240xf32, #tpu.memory_space<vmem_shared>>) offsets(%arg23 : memref<80xi32, #tpu.memory_space<vmem>>) semaphore(%arg26 : memref<!tpu.dma_semaphore, #tpu.memory_space<semaphore_mem>>) {add = true}
    %dma_start3A_157 = arith.constant 0 : i32
    %dma_start3A_158 = tpu.memref_slice %arg6[%dma_start3A_157] : memref<10240xf32, #tpu.memory_space<vmem_shared>> -> memref<10240xf32, #tpu.memory_space<vmem_shared>>
    tpu.enqueue_indirect_dma source(%arg7 : memref<80xf32, #tpu.memory_space<vmem>>) target(%dma_start3A_158 : memref<10240xf32, #tpu.memory_space<vmem_shared>>) offsets(%arg24 : memref<80xi32, #tpu.memory_space<vmem>>) semaphore(%arg26 : memref<!tpu.dma_semaphore, #tpu.memory_space<semaphore_mem>>) {add = true}
    %dma_wait3A_159 = arith.constant 0 : i32
    %dma_wait3A_160 = tpu.memref_slice %arg6[%dma_wait3A_159] : memref<10240xf32, #tpu.memory_space<vmem_shared>> -> memref<10240xf32, #tpu.memory_space<vmem_shared>>
    tpu.wait_indirect_dma semaphore(%arg26 : memref<!tpu.dma_semaphore, #tpu.memory_space<semaphore_mem>>) src(%arg7 : memref<80xf32, #tpu.memory_space<vmem>>) dst(%dma_wait3A_160 : memref<10240xf32, #tpu.memory_space<vmem_shared>>)
    %dma_wait3A_161 = arith.constant 0 : i32
    %dma_wait3A_162 = tpu.memref_slice %arg6[%dma_wait3A_161] : memref<10240xf32, #tpu.memory_space<vmem_shared>> -> memref<10240xf32, #tpu.memory_space<vmem_shared>>
    tpu.wait_indirect_dma semaphore(%arg26 : memref<!tpu.dma_semaphore, #tpu.memory_space<semaphore_mem>>) src(%arg7 : memref<80xf32, #tpu.memory_space<vmem>>) dst(%dma_wait3A_162 : memref<10240xf32, #tpu.memory_space<vmem_shared>>)
    %dma_wait3A_163 = arith.constant 0 : i32
    %dma_wait3A_164 = tpu.memref_slice %arg6[%dma_wait3A_163] : memref<10240xf32, #tpu.memory_space<vmem_shared>> -> memref<10240xf32, #tpu.memory_space<vmem_shared>>
    tpu.wait_indirect_dma semaphore(%arg26 : memref<!tpu.dma_semaphore, #tpu.memory_space<semaphore_mem>>) src(%arg7 : memref<80xf32, #tpu.memory_space<vmem>>) dst(%dma_wait3A_164 : memref<10240xf32, #tpu.memory_space<vmem_shared>>)
    %dma_wait3A_165 = arith.constant 0 : i32
    %dma_wait3A_166 = tpu.memref_slice %arg6[%dma_wait3A_165] : memref<10240xf32, #tpu.memory_space<vmem_shared>> -> memref<10240xf32, #tpu.memory_space<vmem_shared>>
    tpu.wait_indirect_dma semaphore(%arg26 : memref<!tpu.dma_semaphore, #tpu.memory_space<semaphore_mem>>) src(%arg7 : memref<80xf32, #tpu.memory_space<vmem>>) dst(%dma_wait3A_166 : memref<10240xf32, #tpu.memory_space<vmem_shared>>)
    %dma_wait3A_167 = arith.constant 0 : i32
    %dma_wait3A_168 = tpu.memref_slice %arg6[%dma_wait3A_167] : memref<10240xf32, #tpu.memory_space<vmem_shared>> -> memref<10240xf32, #tpu.memory_space<vmem_shared>>
    tpu.wait_indirect_dma semaphore(%arg26 : memref<!tpu.dma_semaphore, #tpu.memory_space<semaphore_mem>>) src(%arg7 : memref<80xf32, #tpu.memory_space<vmem>>) dst(%dma_wait3A_168 : memref<10240xf32, #tpu.memory_space<vmem_shared>>)
    %dma_wait3A_169 = arith.constant 0 : i32
    %dma_wait3A_170 = tpu.memref_slice %arg6[%dma_wait3A_169] : memref<10240xf32, #tpu.memory_space<vmem_shared>> -> memref<10240xf32, #tpu.memory_space<vmem_shared>>
    tpu.wait_indirect_dma semaphore(%arg26 : memref<!tpu.dma_semaphore, #tpu.memory_space<semaphore_mem>>) src(%arg7 : memref<80xf32, #tpu.memory_space<vmem>>) dst(%dma_wait3A_170 : memref<10240xf32, #tpu.memory_space<vmem_shared>>)
    %dma_wait3A_171 = arith.constant 0 : i32
    %dma_wait3A_172 = tpu.memref_slice %arg6[%dma_wait3A_171] : memref<10240xf32, #tpu.memory_space<vmem_shared>> -> memref<10240xf32, #tpu.memory_space<vmem_shared>>
    tpu.wait_indirect_dma semaphore(%arg26 : memref<!tpu.dma_semaphore, #tpu.memory_space<semaphore_mem>>) src(%arg7 : memref<80xf32, #tpu.memory_space<vmem>>) dst(%dma_wait3A_172 : memref<10240xf32, #tpu.memory_space<vmem_shared>>)
    %dma_wait3A_173 = arith.constant 0 : i32
    %dma_wait3A_174 = tpu.memref_slice %arg6[%dma_wait3A_173] : memref<10240xf32, #tpu.memory_space<vmem_shared>> -> memref<10240xf32, #tpu.memory_space<vmem_shared>>
    tpu.wait_indirect_dma semaphore(%arg26 : memref<!tpu.dma_semaphore, #tpu.memory_space<semaphore_mem>>) src(%arg7 : memref<80xf32, #tpu.memory_space<vmem>>) dst(%dma_wait3A_174 : memref<10240xf32, #tpu.memory_space<vmem_shared>>)
    %dma_wait3A_175 = arith.constant 0 : i32
    %dma_wait3A_176 = tpu.memref_slice %arg6[%dma_wait3A_175] : memref<10240xf32, #tpu.memory_space<vmem_shared>> -> memref<10240xf32, #tpu.memory_space<vmem_shared>>
    tpu.wait_indirect_dma semaphore(%arg26 : memref<!tpu.dma_semaphore, #tpu.memory_space<semaphore_mem>>) src(%arg7 : memref<80xf32, #tpu.memory_space<vmem>>) dst(%dma_wait3A_176 : memref<10240xf32, #tpu.memory_space<vmem_shared>>)
    %dma_wait3A_177 = arith.constant 0 : i32
    %dma_wait3A_178 = tpu.memref_slice %arg6[%dma_wait3A_177] : memref<10240xf32, #tpu.memory_space<vmem_shared>> -> memref<10240xf32, #tpu.memory_space<vmem_shared>>
    tpu.wait_indirect_dma semaphore(%arg26 : memref<!tpu.dma_semaphore, #tpu.memory_space<semaphore_mem>>) src(%arg7 : memref<80xf32, #tpu.memory_space<vmem>>) dst(%dma_wait3A_178 : memref<10240xf32, #tpu.memory_space<vmem_shared>>)
    %dma_wait3A_179 = arith.constant 0 : i32
    %dma_wait3A_180 = tpu.memref_slice %arg6[%dma_wait3A_179] : memref<10240xf32, #tpu.memory_space<vmem_shared>> -> memref<10240xf32, #tpu.memory_space<vmem_shared>>
    tpu.wait_indirect_dma semaphore(%arg26 : memref<!tpu.dma_semaphore, #tpu.memory_space<semaphore_mem>>) src(%arg7 : memref<80xf32, #tpu.memory_space<vmem>>) dst(%dma_wait3A_180 : memref<10240xf32, #tpu.memory_space<vmem_shared>>)
    %dma_wait3A_181 = arith.constant 0 : i32
    %dma_wait3A_182 = tpu.memref_slice %arg6[%dma_wait3A_181] : memref<10240xf32, #tpu.memory_space<vmem_shared>> -> memref<10240xf32, #tpu.memory_space<vmem_shared>>
    tpu.wait_indirect_dma semaphore(%arg26 : memref<!tpu.dma_semaphore, #tpu.memory_space<semaphore_mem>>) src(%arg7 : memref<80xf32, #tpu.memory_space<vmem>>) dst(%dma_wait3A_182 : memref<10240xf32, #tpu.memory_space<vmem_shared>>)
    %dma_wait3A_183 = arith.constant 0 : i32
    %dma_wait3A_184 = tpu.memref_slice %arg6[%dma_wait3A_183] : memref<10240xf32, #tpu.memory_space<vmem_shared>> -> memref<10240xf32, #tpu.memory_space<vmem_shared>>
    tpu.wait_indirect_dma semaphore(%arg26 : memref<!tpu.dma_semaphore, #tpu.memory_space<semaphore_mem>>) src(%arg7 : memref<80xf32, #tpu.memory_space<vmem>>) dst(%dma_wait3A_184 : memref<10240xf32, #tpu.memory_space<vmem_shared>>)
    %dma_wait3A_185 = arith.constant 0 : i32
    %dma_wait3A_186 = tpu.memref_slice %arg6[%dma_wait3A_185] : memref<10240xf32, #tpu.memory_space<vmem_shared>> -> memref<10240xf32, #tpu.memory_space<vmem_shared>>
    tpu.wait_indirect_dma semaphore(%arg26 : memref<!tpu.dma_semaphore, #tpu.memory_space<semaphore_mem>>) src(%arg7 : memref<80xf32, #tpu.memory_space<vmem>>) dst(%dma_wait3A_186 : memref<10240xf32, #tpu.memory_space<vmem_shared>>)
    %dma_wait3A_187 = arith.constant 0 : i32
    %dma_wait3A_188 = tpu.memref_slice %arg6[%dma_wait3A_187] : memref<10240xf32, #tpu.memory_space<vmem_shared>> -> memref<10240xf32, #tpu.memory_space<vmem_shared>>
    tpu.wait_indirect_dma semaphore(%arg26 : memref<!tpu.dma_semaphore, #tpu.memory_space<semaphore_mem>>) src(%arg7 : memref<80xf32, #tpu.memory_space<vmem>>) dst(%dma_wait3A_188 : memref<10240xf32, #tpu.memory_space<vmem_shared>>)
    %dma_wait3A_189 = arith.constant 0 : i32
    %dma_wait3A_190 = tpu.memref_slice %arg6[%dma_wait3A_189] : memref<10240xf32, #tpu.memory_space<vmem_shared>> -> memref<10240xf32, #tpu.memory_space<vmem_shared>>
    tpu.wait_indirect_dma semaphore(%arg26 : memref<!tpu.dma_semaphore, #tpu.memory_space<semaphore_mem>>) src(%arg7 : memref<80xf32, #tpu.memory_space<vmem>>) dst(%dma_wait3A_190 : memref<10240xf32, #tpu.memory_space<vmem_shared>>)
    %add3A_191 = arith.constant 1280 : i32
    %add3A_192 = arith.addi %mul3A_2, %add3A_191 : i32
    %dma_start3A_193 = tpu.memref_slice %arg2[%add3A_192] : memref<320000xi32, #tpu.memory_space<hbm>> -> memref<80xi32, #tpu.memory_space<hbm>>
    %dma_start3A_194 = tpu.memref_slice %arg2[%add3A_192] : memref<320000xi32, #tpu.memory_space<hbm>> -> memref<80xi32, #tpu.memory_space<hbm>>
    tpu.enqueue_dma source(%dma_start3A_194 : memref<80xi32, #tpu.memory_space<hbm>>) target(%arg9 : memref<80xi32, #tpu.memory_space<vmem>>) target_semaphore(%arg25 : memref<!tpu.dma_semaphore, #tpu.memory_space<semaphore_mem>>)
    %add3A_195 = arith.constant 1360 : i32
    %add3A_196 = arith.addi %mul3A_2, %add3A_195 : i32
    %dma_start3A_197 = tpu.memref_slice %arg2[%add3A_196] : memref<320000xi32, #tpu.memory_space<hbm>> -> memref<80xi32, #tpu.memory_space<hbm>>
    %dma_start3A_198 = tpu.memref_slice %arg2[%add3A_196] : memref<320000xi32, #tpu.memory_space<hbm>> -> memref<80xi32, #tpu.memory_space<hbm>>
    tpu.enqueue_dma source(%dma_start3A_198 : memref<80xi32, #tpu.memory_space<hbm>>) target(%arg10 : memref<80xi32, #tpu.memory_space<vmem>>) target_semaphore(%arg25 : memref<!tpu.dma_semaphore, #tpu.memory_space<semaphore_mem>>)
    %add3A_199 = arith.constant 1440 : i32
    %add3A_200 = arith.addi %mul3A_2, %add3A_199 : i32
    %dma_start3A_201 = tpu.memref_slice %arg2[%add3A_200] : memref<320000xi32, #tpu.memory_space<hbm>> -> memref<80xi32, #tpu.memory_space<hbm>>
    %dma_start3A_202 = tpu.memref_slice %arg2[%add3A_200] : memref<320000xi32, #tpu.memory_space<hbm>> -> memref<80xi32, #tpu.memory_space<hbm>>
    tpu.enqueue_dma source(%dma_start3A_202 : memref<80xi32, #tpu.memory_space<hbm>>) target(%arg11 : memref<80xi32, #tpu.memory_space<vmem>>) target_semaphore(%arg25 : memref<!tpu.dma_semaphore, #tpu.memory_space<semaphore_mem>>)
    %add3A_203 = arith.constant 1520 : i32
    %add3A_204 = arith.addi %mul3A_2, %add3A_203 : i32
    %dma_start3A_205 = tpu.memref_slice %arg2[%add3A_204] : memref<320000xi32, #tpu.memory_space<hbm>> -> memref<80xi32, #tpu.memory_space<hbm>>
    %dma_start3A_206 = tpu.memref_slice %arg2[%add3A_204] : memref<320000xi32, #tpu.memory_space<hbm>> -> memref<80xi32, #tpu.memory_space<hbm>>
    tpu.enqueue_dma source(%dma_start3A_206 : memref<80xi32, #tpu.memory_space<hbm>>) target(%arg12 : memref<80xi32, #tpu.memory_space<vmem>>) target_semaphore(%arg25 : memref<!tpu.dma_semaphore, #tpu.memory_space<semaphore_mem>>)
    %add3A_207 = arith.constant 1600 : i32
    %add3A_208 = arith.addi %mul3A_2, %add3A_207 : i32
    %dma_start3A_209 = tpu.memref_slice %arg2[%add3A_208] : memref<320000xi32, #tpu.memory_space<hbm>> -> memref<80xi32, #tpu.memory_space<hbm>>
    %dma_start3A_210 = tpu.memref_slice %arg2[%add3A_208] : memref<320000xi32, #tpu.memory_space<hbm>> -> memref<80xi32, #tpu.memory_space<hbm>>
    tpu.enqueue_dma source(%dma_start3A_210 : memref<80xi32, #tpu.memory_space<hbm>>) target(%arg13 : memref<80xi32, #tpu.memory_space<vmem>>) target_semaphore(%arg25 : memref<!tpu.dma_semaphore, #tpu.memory_space<semaphore_mem>>)
    %add3A_211 = arith.constant 1680 : i32
    %add3A_212 = arith.addi %mul3A_2, %add3A_211 : i32
    %dma_start3A_213 = tpu.memref_slice %arg2[%add3A_212] : memref<320000xi32, #tpu.memory_space<hbm>> -> memref<80xi32, #tpu.memory_space<hbm>>
    %dma_start3A_214 = tpu.memref_slice %arg2[%add3A_212] : memref<320000xi32, #tpu.memory_space<hbm>> -> memref<80xi32, #tpu.memory_space<hbm>>
    tpu.enqueue_dma source(%dma_start3A_214 : memref<80xi32, #tpu.memory_space<hbm>>) target(%arg14 : memref<80xi32, #tpu.memory_space<vmem>>) target_semaphore(%arg25 : memref<!tpu.dma_semaphore, #tpu.memory_space<semaphore_mem>>)
    %add3A_215 = arith.constant 1760 : i32
    %add3A_216 = arith.addi %mul3A_2, %add3A_215 : i32
    %dma_start3A_217 = tpu.memref_slice %arg2[%add3A_216] : memref<320000xi32, #tpu.memory_space<hbm>> -> memref<80xi32, #tpu.memory_space<hbm>>
    %dma_start3A_218 = tpu.memref_slice %arg2[%add3A_216] : memref<320000xi32, #tpu.memory_space<hbm>> -> memref<80xi32, #tpu.memory_space<hbm>>
    tpu.enqueue_dma source(%dma_start3A_218 : memref<80xi32, #tpu.memory_space<hbm>>) target(%arg15 : memref<80xi32, #tpu.memory_space<vmem>>) target_semaphore(%arg25 : memref<!tpu.dma_semaphore, #tpu.memory_space<semaphore_mem>>)
    %add3A_219 = arith.constant 1840 : i32
    %add3A_220 = arith.addi %mul3A_2, %add3A_219 : i32
    %dma_start3A_221 = tpu.memref_slice %arg2[%add3A_220] : memref<320000xi32, #tpu.memory_space<hbm>> -> memref<80xi32, #tpu.memory_space<hbm>>
    %dma_start3A_222 = tpu.memref_slice %arg2[%add3A_220] : memref<320000xi32, #tpu.memory_space<hbm>> -> memref<80xi32, #tpu.memory_space<hbm>>
    tpu.enqueue_dma source(%dma_start3A_222 : memref<80xi32, #tpu.memory_space<hbm>>) target(%arg16 : memref<80xi32, #tpu.memory_space<vmem>>) target_semaphore(%arg25 : memref<!tpu.dma_semaphore, #tpu.memory_space<semaphore_mem>>)
    %add3A_223 = arith.constant 1920 : i32
    %add3A_224 = arith.addi %mul3A_2, %add3A_223 : i32
    %dma_start3A_225 = tpu.memref_slice %arg2[%add3A_224] : memref<320000xi32, #tpu.memory_space<hbm>> -> memref<80xi32, #tpu.memory_space<hbm>>
    %dma_start3A_226 = tpu.memref_slice %arg2[%add3A_224] : memref<320000xi32, #tpu.memory_space<hbm>> -> memref<80xi32, #tpu.memory_space<hbm>>
    tpu.enqueue_dma source(%dma_start3A_226 : memref<80xi32, #tpu.memory_space<hbm>>) target(%arg17 : memref<80xi32, #tpu.memory_space<vmem>>) target_semaphore(%arg25 : memref<!tpu.dma_semaphore, #tpu.memory_space<semaphore_mem>>)
    %add3A_227 = arith.constant 2000 : i32
    %add3A_228 = arith.addi %mul3A_2, %add3A_227 : i32
    %dma_start3A_229 = tpu.memref_slice %arg2[%add3A_228] : memref<320000xi32, #tpu.memory_space<hbm>> -> memref<80xi32, #tpu.memory_space<hbm>>
    %dma_start3A_230 = tpu.memref_slice %arg2[%add3A_228] : memref<320000xi32, #tpu.memory_space<hbm>> -> memref<80xi32, #tpu.memory_space<hbm>>
    tpu.enqueue_dma source(%dma_start3A_230 : memref<80xi32, #tpu.memory_space<hbm>>) target(%arg18 : memref<80xi32, #tpu.memory_space<vmem>>) target_semaphore(%arg25 : memref<!tpu.dma_semaphore, #tpu.memory_space<semaphore_mem>>)
    %add3A_231 = arith.constant 2080 : i32
    %add3A_232 = arith.addi %mul3A_2, %add3A_231 : i32
    %dma_start3A_233 = tpu.memref_slice %arg2[%add3A_232] : memref<320000xi32, #tpu.memory_space<hbm>> -> memref<80xi32, #tpu.memory_space<hbm>>
    %dma_start3A_234 = tpu.memref_slice %arg2[%add3A_232] : memref<320000xi32, #tpu.memory_space<hbm>> -> memref<80xi32, #tpu.memory_space<hbm>>
    tpu.enqueue_dma source(%dma_start3A_234 : memref<80xi32, #tpu.memory_space<hbm>>) target(%arg19 : memref<80xi32, #tpu.memory_space<vmem>>) target_semaphore(%arg25 : memref<!tpu.dma_semaphore, #tpu.memory_space<semaphore_mem>>)
    %add3A_235 = arith.constant 2160 : i32
    %add3A_236 = arith.addi %mul3A_2, %add3A_235 : i32
    %dma_start3A_237 = tpu.memref_slice %arg2[%add3A_236] : memref<320000xi32, #tpu.memory_space<hbm>> -> memref<80xi32, #tpu.memory_space<hbm>>
    %dma_start3A_238 = tpu.memref_slice %arg2[%add3A_236] : memref<320000xi32, #tpu.memory_space<hbm>> -> memref<80xi32, #tpu.memory_space<hbm>>
    tpu.enqueue_dma source(%dma_start3A_238 : memref<80xi32, #tpu.memory_space<hbm>>) target(%arg20 : memref<80xi32, #tpu.memory_space<vmem>>) target_semaphore(%arg25 : memref<!tpu.dma_semaphore, #tpu.memory_space<semaphore_mem>>)
    %add3A_239 = arith.constant 2240 : i32
    %add3A_240 = arith.addi %mul3A_2, %add3A_239 : i32
    %dma_start3A_241 = tpu.memref_slice %arg2[%add3A_240] : memref<320000xi32, #tpu.memory_space<hbm>> -> memref<80xi32, #tpu.memory_space<hbm>>
    %dma_start3A_242 = tpu.memref_slice %arg2[%add3A_240] : memref<320000xi32, #tpu.memory_space<hbm>> -> memref<80xi32, #tpu.memory_space<hbm>>
    tpu.enqueue_dma source(%dma_start3A_242 : memref<80xi32, #tpu.memory_space<hbm>>) target(%arg21 : memref<80xi32, #tpu.memory_space<vmem>>) target_semaphore(%arg25 : memref<!tpu.dma_semaphore, #tpu.memory_space<semaphore_mem>>)
    %add3A_243 = arith.constant 2320 : i32
    %add3A_244 = arith.addi %mul3A_2, %add3A_243 : i32
    %dma_start3A_245 = tpu.memref_slice %arg2[%add3A_244] : memref<320000xi32, #tpu.memory_space<hbm>> -> memref<80xi32, #tpu.memory_space<hbm>>
    %dma_start3A_246 = tpu.memref_slice %arg2[%add3A_244] : memref<320000xi32, #tpu.memory_space<hbm>> -> memref<80xi32, #tpu.memory_space<hbm>>
    tpu.enqueue_dma source(%dma_start3A_246 : memref<80xi32, #tpu.memory_space<hbm>>) target(%arg22 : memref<80xi32, #tpu.memory_space<vmem>>) target_semaphore(%arg25 : memref<!tpu.dma_semaphore, #tpu.memory_space<semaphore_mem>>)
    %add3A_247 = arith.constant 2400 : i32
    %add3A_248 = arith.addi %mul3A_2, %add3A_247 : i32
    %dma_start3A_249 = tpu.memref_slice %arg2[%add3A_248] : memref<320000xi32, #tpu.memory_space<hbm>> -> memref<80xi32, #tpu.memory_space<hbm>>
    %dma_start3A_250 = tpu.memref_slice %arg2[%add3A_248] : memref<320000xi32, #tpu.memory_space<hbm>> -> memref<80xi32, #tpu.memory_space<hbm>>
    tpu.enqueue_dma source(%dma_start3A_250 : memref<80xi32, #tpu.memory_space<hbm>>) target(%arg23 : memref<80xi32, #tpu.memory_space<vmem>>) target_semaphore(%arg25 : memref<!tpu.dma_semaphore, #tpu.memory_space<semaphore_mem>>)
    %add3A_251 = arith.constant 2480 : i32
    %add3A_252 = arith.addi %mul3A_2, %add3A_251 : i32
    %dma_start3A_253 = tpu.memref_slice %arg2[%add3A_252] : memref<320000xi32, #tpu.memory_space<hbm>> -> memref<80xi32, #tpu.memory_space<hbm>>
    %dma_start3A_254 = tpu.memref_slice %arg2[%add3A_252] : memref<320000xi32, #tpu.memory_space<hbm>> -> memref<80xi32, #tpu.memory_space<hbm>>
    tpu.enqueue_dma source(%dma_start3A_254 : memref<80xi32, #tpu.memory_space<hbm>>) target(%arg24 : memref<80xi32, #tpu.memory_space<vmem>>) target_semaphore(%arg25 : memref<!tpu.dma_semaphore, #tpu.memory_space<semaphore_mem>>)
    %dma_wait3A_255 = tpu.memref_slice %arg2[%add3A_192] : memref<320000xi32, #tpu.memory_space<hbm>> -> memref<80xi32, #tpu.memory_space<hbm>>
    %dma_wait3A_256 = tpu.memref_slice %arg2[%add3A_192] : memref<320000xi32, #tpu.memory_space<hbm>> -> memref<80xi32, #tpu.memory_space<hbm>>
    tpu.wait_dma2 semaphore(%arg25 : memref<!tpu.dma_semaphore, #tpu.memory_space<semaphore_mem>>) src(%dma_wait3A_256 : memref<80xi32, #tpu.memory_space<hbm>>) dst(%arg9 : memref<80xi32, #tpu.memory_space<vmem>>)
    %dma_wait3A_257 = tpu.memref_slice %arg2[%add3A_196] : memref<320000xi32, #tpu.memory_space<hbm>> -> memref<80xi32, #tpu.memory_space<hbm>>
    %dma_wait3A_258 = tpu.memref_slice %arg2[%add3A_196] : memref<320000xi32, #tpu.memory_space<hbm>> -> memref<80xi32, #tpu.memory_space<hbm>>
    tpu.wait_dma2 semaphore(%arg25 : memref<!tpu.dma_semaphore, #tpu.memory_space<semaphore_mem>>) src(%dma_wait3A_258 : memref<80xi32, #tpu.memory_space<hbm>>) dst(%arg10 : memref<80xi32, #tpu.memory_space<vmem>>)
    %dma_wait3A_259 = tpu.memref_slice %arg2[%add3A_200] : memref<320000xi32, #tpu.memory_space<hbm>> -> memref<80xi32, #tpu.memory_space<hbm>>
    %dma_wait3A_260 = tpu.memref_slice %arg2[%add3A_200] : memref<320000xi32, #tpu.memory_space<hbm>> -> memref<80xi32, #tpu.memory_space<hbm>>
    tpu.wait_dma2 semaphore(%arg25 : memref<!tpu.dma_semaphore, #tpu.memory_space<semaphore_mem>>) src(%dma_wait3A_260 : memref<80xi32, #tpu.memory_space<hbm>>) dst(%arg11 : memref<80xi32, #tpu.memory_space<vmem>>)
    %dma_wait3A_261 = tpu.memref_slice %arg2[%add3A_204] : memref<320000xi32, #tpu.memory_space<hbm>> -> memref<80xi32, #tpu.memory_space<hbm>>
    %dma_wait3A_262 = tpu.memref_slice %arg2[%add3A_204] : memref<320000xi32, #tpu.memory_space<hbm>> -> memref<80xi32, #tpu.memory_space<hbm>>
    tpu.wait_dma2 semaphore(%arg25 : memref<!tpu.dma_semaphore, #tpu.memory_space<semaphore_mem>>) src(%dma_wait3A_262 : memref<80xi32, #tpu.memory_space<hbm>>) dst(%arg12 : memref<80xi32, #tpu.memory_space<vmem>>)
    %dma_wait3A_263 = tpu.memref_slice %arg2[%add3A_208] : memref<320000xi32, #tpu.memory_space<hbm>> -> memref<80xi32, #tpu.memory_space<hbm>>
    %dma_wait3A_264 = tpu.memref_slice %arg2[%add3A_208] : memref<320000xi32, #tpu.memory_space<hbm>> -> memref<80xi32, #tpu.memory_space<hbm>>
    tpu.wait_dma2 semaphore(%arg25 : memref<!tpu.dma_semaphore, #tpu.memory_space<semaphore_mem>>) src(%dma_wait3A_264 : memref<80xi32, #tpu.memory_space<hbm>>) dst(%arg13 : memref<80xi32, #tpu.memory_space<vmem>>)
    %dma_wait3A_265 = tpu.memref_slice %arg2[%add3A_212] : memref<320000xi32, #tpu.memory_space<hbm>> -> memref<80xi32, #tpu.memory_space<hbm>>
    %dma_wait3A_266 = tpu.memref_slice %arg2[%add3A_212] : memref<320000xi32, #tpu.memory_space<hbm>> -> memref<80xi32, #tpu.memory_space<hbm>>
    tpu.wait_dma2 semaphore(%arg25 : memref<!tpu.dma_semaphore, #tpu.memory_space<semaphore_mem>>) src(%dma_wait3A_266 : memref<80xi32, #tpu.memory_space<hbm>>) dst(%arg14 : memref<80xi32, #tpu.memory_space<vmem>>)
    %dma_wait3A_267 = tpu.memref_slice %arg2[%add3A_216] : memref<320000xi32, #tpu.memory_space<hbm>> -> memref<80xi32, #tpu.memory_space<hbm>>
    %dma_wait3A_268 = tpu.memref_slice %arg2[%add3A_216] : memref<320000xi32, #tpu.memory_space<hbm>> -> memref<80xi32, #tpu.memory_space<hbm>>
    tpu.wait_dma2 semaphore(%arg25 : memref<!tpu.dma_semaphore, #tpu.memory_space<semaphore_mem>>) src(%dma_wait3A_268 : memref<80xi32, #tpu.memory_space<hbm>>) dst(%arg15 : memref<80xi32, #tpu.memory_space<vmem>>)
    %dma_wait3A_269 = tpu.memref_slice %arg2[%add3A_220] : memref<320000xi32, #tpu.memory_space<hbm>> -> memref<80xi32, #tpu.memory_space<hbm>>
    %dma_wait3A_270 = tpu.memref_slice %arg2[%add3A_220] : memref<320000xi32, #tpu.memory_space<hbm>> -> memref<80xi32, #tpu.memory_space<hbm>>
    tpu.wait_dma2 semaphore(%arg25 : memref<!tpu.dma_semaphore, #tpu.memory_space<semaphore_mem>>) src(%dma_wait3A_270 : memref<80xi32, #tpu.memory_space<hbm>>) dst(%arg16 : memref<80xi32, #tpu.memory_space<vmem>>)
    %dma_wait3A_271 = tpu.memref_slice %arg2[%add3A_224] : memref<320000xi32, #tpu.memory_space<hbm>> -> memref<80xi32, #tpu.memory_space<hbm>>
    %dma_wait3A_272 = tpu.memref_slice %arg2[%add3A_224] : memref<320000xi32, #tpu.memory_space<hbm>> -> memref<80xi32, #tpu.memory_space<hbm>>
    tpu.wait_dma2 semaphore(%arg25 : memref<!tpu.dma_semaphore, #tpu.memory_space<semaphore_mem>>) src(%dma_wait3A_272 : memref<80xi32, #tpu.memory_space<hbm>>) dst(%arg17 : memref<80xi32, #tpu.memory_space<vmem>>)
    %dma_wait3A_273 = tpu.memref_slice %arg2[%add3A_228] : memref<320000xi32, #tpu.memory_space<hbm>> -> memref<80xi32, #tpu.memory_space<hbm>>
    %dma_wait3A_274 = tpu.memref_slice %arg2[%add3A_228] : memref<320000xi32, #tpu.memory_space<hbm>> -> memref<80xi32, #tpu.memory_space<hbm>>
    tpu.wait_dma2 semaphore(%arg25 : memref<!tpu.dma_semaphore, #tpu.memory_space<semaphore_mem>>) src(%dma_wait3A_274 : memref<80xi32, #tpu.memory_space<hbm>>) dst(%arg18 : memref<80xi32, #tpu.memory_space<vmem>>)
    %dma_wait3A_275 = tpu.memref_slice %arg2[%add3A_232] : memref<320000xi32, #tpu.memory_space<hbm>> -> memref<80xi32, #tpu.memory_space<hbm>>
    %dma_wait3A_276 = tpu.memref_slice %arg2[%add3A_232] : memref<320000xi32, #tpu.memory_space<hbm>> -> memref<80xi32, #tpu.memory_space<hbm>>
    tpu.wait_dma2 semaphore(%arg25 : memref<!tpu.dma_semaphore, #tpu.memory_space<semaphore_mem>>) src(%dma_wait3A_276 : memref<80xi32, #tpu.memory_space<hbm>>) dst(%arg19 : memref<80xi32, #tpu.memory_space<vmem>>)
    %dma_wait3A_277 = tpu.memref_slice %arg2[%add3A_236] : memref<320000xi32, #tpu.memory_space<hbm>> -> memref<80xi32, #tpu.memory_space<hbm>>
    %dma_wait3A_278 = tpu.memref_slice %arg2[%add3A_236] : memref<320000xi32, #tpu.memory_space<hbm>> -> memref<80xi32, #tpu.memory_space<hbm>>
    tpu.wait_dma2 semaphore(%arg25 : memref<!tpu.dma_semaphore, #tpu.memory_space<semaphore_mem>>) src(%dma_wait3A_278 : memref<80xi32, #tpu.memory_space<hbm>>) dst(%arg20 : memref<80xi32, #tpu.memory_space<vmem>>)
    %dma_wait3A_279 = tpu.memref_slice %arg2[%add3A_240] : memref<320000xi32, #tpu.memory_space<hbm>> -> memref<80xi32, #tpu.memory_space<hbm>>
    %dma_wait3A_280 = tpu.memref_slice %arg2[%add3A_240] : memref<320000xi32, #tpu.memory_space<hbm>> -> memref<80xi32, #tpu.memory_space<hbm>>
    tpu.wait_dma2 semaphore(%arg25 : memref<!tpu.dma_semaphore, #tpu.memory_space<semaphore_mem>>) src(%dma_wait3A_280 : memref<80xi32, #tpu.memory_space<hbm>>) dst(%arg21 : memref<80xi32, #tpu.memory_space<vmem>>)
    %dma_wait3A_281 = tpu.memref_slice %arg2[%add3A_244] : memref<320000xi32, #tpu.memory_space<hbm>> -> memref<80xi32, #tpu.memory_space<hbm>>
    %dma_wait3A_282 = tpu.memref_slice %arg2[%add3A_244] : memref<320000xi32, #tpu.memory_space<hbm>> -> memref<80xi32, #tpu.memory_space<hbm>>
    tpu.wait_dma2 semaphore(%arg25 : memref<!tpu.dma_semaphore, #tpu.memory_space<semaphore_mem>>) src(%dma_wait3A_282 : memref<80xi32, #tpu.memory_space<hbm>>) dst(%arg22 : memref<80xi32, #tpu.memory_space<vmem>>)
    %dma_wait3A_283 = tpu.memref_slice %arg2[%add3A_248] : memref<320000xi32, #tpu.memory_space<hbm>> -> memref<80xi32, #tpu.memory_space<hbm>>
    %dma_wait3A_284 = tpu.memref_slice %arg2[%add3A_248] : memref<320000xi32, #tpu.memory_space<hbm>> -> memref<80xi32, #tpu.memory_space<hbm>>
    tpu.wait_dma2 semaphore(%arg25 : memref<!tpu.dma_semaphore, #tpu.memory_space<semaphore_mem>>) src(%dma_wait3A_284 : memref<80xi32, #tpu.memory_space<hbm>>) dst(%arg23 : memref<80xi32, #tpu.memory_space<vmem>>)
    %dma_wait3A_285 = tpu.memref_slice %arg2[%add3A_252] : memref<320000xi32, #tpu.memory_space<hbm>> -> memref<80xi32, #tpu.memory_space<hbm>>
    %dma_wait3A_286 = tpu.memref_slice %arg2[%add3A_252] : memref<320000xi32, #tpu.memory_space<hbm>> -> memref<80xi32, #tpu.memory_space<hbm>>
    tpu.wait_dma2 semaphore(%arg25 : memref<!tpu.dma_semaphore, #tpu.memory_space<semaphore_mem>>) src(%dma_wait3A_286 : memref<80xi32, #tpu.memory_space<hbm>>) dst(%arg24 : memref<80xi32, #tpu.memory_space<vmem>>)
    %dma_start3A_287 = arith.constant 0 : i32
    %dma_start3A_288 = tpu.memref_slice %arg6[%dma_start3A_287] : memref<10240xf32, #tpu.memory_space<vmem_shared>> -> memref<10240xf32, #tpu.memory_space<vmem_shared>>
    tpu.enqueue_indirect_dma source(%arg7 : memref<80xf32, #tpu.memory_space<vmem>>) target(%dma_start3A_288 : memref<10240xf32, #tpu.memory_space<vmem_shared>>) offsets(%arg9 : memref<80xi32, #tpu.memory_space<vmem>>) semaphore(%arg26 : memref<!tpu.dma_semaphore, #tpu.memory_space<semaphore_mem>>) {add = true}
    %dma_start3A_289 = arith.constant 0 : i32
    %dma_start3A_290 = tpu.memref_slice %arg6[%dma_start3A_289] : memref<10240xf32, #tpu.memory_space<vmem_shared>> -> memref<10240xf32, #tpu.memory_space<vmem_shared>>
    tpu.enqueue_indirect_dma source(%arg7 : memref<80xf32, #tpu.memory_space<vmem>>) target(%dma_start3A_290 : memref<10240xf32, #tpu.memory_space<vmem_shared>>) offsets(%arg10 : memref<80xi32, #tpu.memory_space<vmem>>) semaphore(%arg26 : memref<!tpu.dma_semaphore, #tpu.memory_space<semaphore_mem>>) {add = true}
    %dma_start3A_291 = arith.constant 0 : i32
    %dma_start3A_292 = tpu.memref_slice %arg6[%dma_start3A_291] : memref<10240xf32, #tpu.memory_space<vmem_shared>> -> memref<10240xf32, #tpu.memory_space<vmem_shared>>
    tpu.enqueue_indirect_dma source(%arg7 : memref<80xf32, #tpu.memory_space<vmem>>) target(%dma_start3A_292 : memref<10240xf32, #tpu.memory_space<vmem_shared>>) offsets(%arg11 : memref<80xi32, #tpu.memory_space<vmem>>) semaphore(%arg26 : memref<!tpu.dma_semaphore, #tpu.memory_space<semaphore_mem>>) {add = true}
    %dma_start3A_293 = arith.constant 0 : i32
    %dma_start3A_294 = tpu.memref_slice %arg6[%dma_start3A_293] : memref<10240xf32, #tpu.memory_space<vmem_shared>> -> memref<10240xf32, #tpu.memory_space<vmem_shared>>
    tpu.enqueue_indirect_dma source(%arg7 : memref<80xf32, #tpu.memory_space<vmem>>) target(%dma_start3A_294 : memref<10240xf32, #tpu.memory_space<vmem_shared>>) offsets(%arg12 : memref<80xi32, #tpu.memory_space<vmem>>) semaphore(%arg26 : memref<!tpu.dma_semaphore, #tpu.memory_space<semaphore_mem>>) {add = true}
    %dma_start3A_295 = arith.constant 0 : i32
    %dma_start3A_296 = tpu.memref_slice %arg6[%dma_start3A_295] : memref<10240xf32, #tpu.memory_space<vmem_shared>> -> memref<10240xf32, #tpu.memory_space<vmem_shared>>
    tpu.enqueue_indirect_dma source(%arg7 : memref<80xf32, #tpu.memory_space<vmem>>) target(%dma_start3A_296 : memref<10240xf32, #tpu.memory_space<vmem_shared>>) offsets(%arg13 : memref<80xi32, #tpu.memory_space<vmem>>) semaphore(%arg26 : memref<!tpu.dma_semaphore, #tpu.memory_space<semaphore_mem>>) {add = true}
    %dma_start3A_297 = arith.constant 0 : i32
    %dma_start3A_298 = tpu.memref_slice %arg6[%dma_start3A_297] : memref<10240xf32, #tpu.memory_space<vmem_shared>> -> memref<10240xf32, #tpu.memory_space<vmem_shared>>
    tpu.enqueue_indirect_dma source(%arg7 : memref<80xf32, #tpu.memory_space<vmem>>) target(%dma_start3A_298 : memref<10240xf32, #tpu.memory_space<vmem_shared>>) offsets(%arg14 : memref<80xi32, #tpu.memory_space<vmem>>) semaphore(%arg26 : memref<!tpu.dma_semaphore, #tpu.memory_space<semaphore_mem>>) {add = true}
    %dma_start3A_299 = arith.constant 0 : i32
    %dma_start3A_300 = tpu.memref_slice %arg6[%dma_start3A_299] : memref<10240xf32, #tpu.memory_space<vmem_shared>> -> memref<10240xf32, #tpu.memory_space<vmem_shared>>
    tpu.enqueue_indirect_dma source(%arg7 : memref<80xf32, #tpu.memory_space<vmem>>) target(%dma_start3A_300 : memref<10240xf32, #tpu.memory_space<vmem_shared>>) offsets(%arg15 : memref<80xi32, #tpu.memory_space<vmem>>) semaphore(%arg26 : memref<!tpu.dma_semaphore, #tpu.memory_space<semaphore_mem>>) {add = true}
    %dma_start3A_301 = arith.constant 0 : i32
    %dma_start3A_302 = tpu.memref_slice %arg6[%dma_start3A_301] : memref<10240xf32, #tpu.memory_space<vmem_shared>> -> memref<10240xf32, #tpu.memory_space<vmem_shared>>
    tpu.enqueue_indirect_dma source(%arg7 : memref<80xf32, #tpu.memory_space<vmem>>) target(%dma_start3A_302 : memref<10240xf32, #tpu.memory_space<vmem_shared>>) offsets(%arg16 : memref<80xi32, #tpu.memory_space<vmem>>) semaphore(%arg26 : memref<!tpu.dma_semaphore, #tpu.memory_space<semaphore_mem>>) {add = true}
    %dma_start3A_303 = arith.constant 0 : i32
    %dma_start3A_304 = tpu.memref_slice %arg6[%dma_start3A_303] : memref<10240xf32, #tpu.memory_space<vmem_shared>> -> memref<10240xf32, #tpu.memory_space<vmem_shared>>
    tpu.enqueue_indirect_dma source(%arg7 : memref<80xf32, #tpu.memory_space<vmem>>) target(%dma_start3A_304 : memref<10240xf32, #tpu.memory_space<vmem_shared>>) offsets(%arg17 : memref<80xi32, #tpu.memory_space<vmem>>) semaphore(%arg26 : memref<!tpu.dma_semaphore, #tpu.memory_space<semaphore_mem>>) {add = true}
    %dma_start3A_305 = arith.constant 0 : i32
    %dma_start3A_306 = tpu.memref_slice %arg6[%dma_start3A_305] : memref<10240xf32, #tpu.memory_space<vmem_shared>> -> memref<10240xf32, #tpu.memory_space<vmem_shared>>
    tpu.enqueue_indirect_dma source(%arg7 : memref<80xf32, #tpu.memory_space<vmem>>) target(%dma_start3A_306 : memref<10240xf32, #tpu.memory_space<vmem_shared>>) offsets(%arg18 : memref<80xi32, #tpu.memory_space<vmem>>) semaphore(%arg26 : memref<!tpu.dma_semaphore, #tpu.memory_space<semaphore_mem>>) {add = true}
    %dma_start3A_307 = arith.constant 0 : i32
    %dma_start3A_308 = tpu.memref_slice %arg6[%dma_start3A_307] : memref<10240xf32, #tpu.memory_space<vmem_shared>> -> memref<10240xf32, #tpu.memory_space<vmem_shared>>
    tpu.enqueue_indirect_dma source(%arg7 : memref<80xf32, #tpu.memory_space<vmem>>) target(%dma_start3A_308 : memref<10240xf32, #tpu.memory_space<vmem_shared>>) offsets(%arg19 : memref<80xi32, #tpu.memory_space<vmem>>) semaphore(%arg26 : memref<!tpu.dma_semaphore, #tpu.memory_space<semaphore_mem>>) {add = true}
    %dma_start3A_309 = arith.constant 0 : i32
    %dma_start3A_310 = tpu.memref_slice %arg6[%dma_start3A_309] : memref<10240xf32, #tpu.memory_space<vmem_shared>> -> memref<10240xf32, #tpu.memory_space<vmem_shared>>
    tpu.enqueue_indirect_dma source(%arg7 : memref<80xf32, #tpu.memory_space<vmem>>) target(%dma_start3A_310 : memref<10240xf32, #tpu.memory_space<vmem_shared>>) offsets(%arg20 : memref<80xi32, #tpu.memory_space<vmem>>) semaphore(%arg26 : memref<!tpu.dma_semaphore, #tpu.memory_space<semaphore_mem>>) {add = true}
    %dma_start3A_311 = arith.constant 0 : i32
    %dma_start3A_312 = tpu.memref_slice %arg6[%dma_start3A_311] : memref<10240xf32, #tpu.memory_space<vmem_shared>> -> memref<10240xf32, #tpu.memory_space<vmem_shared>>
    tpu.enqueue_indirect_dma source(%arg7 : memref<80xf32, #tpu.memory_space<vmem>>) target(%dma_start3A_312 : memref<10240xf32, #tpu.memory_space<vmem_shared>>) offsets(%arg21 : memref<80xi32, #tpu.memory_space<vmem>>) semaphore(%arg26 : memref<!tpu.dma_semaphore, #tpu.memory_space<semaphore_mem>>) {add = true}
    %dma_start3A_313 = arith.constant 0 : i32
    %dma_start3A_314 = tpu.memref_slice %arg6[%dma_start3A_313] : memref<10240xf32, #tpu.memory_space<vmem_shared>> -> memref<10240xf32, #tpu.memory_space<vmem_shared>>
    tpu.enqueue_indirect_dma source(%arg7 : memref<80xf32, #tpu.memory_space<vmem>>) target(%dma_start3A_314 : memref<10240xf32, #tpu.memory_space<vmem_shared>>) offsets(%arg22 : memref<80xi32, #tpu.memory_space<vmem>>) semaphore(%arg26 : memref<!tpu.dma_semaphore, #tpu.memory_space<semaphore_mem>>) {add = true}
    %dma_start3A_315 = arith.constant 0 : i32
    %dma_start3A_316 = tpu.memref_slice %arg6[%dma_start3A_315] : memref<10240xf32, #tpu.memory_space<vmem_shared>> -> memref<10240xf32, #tpu.memory_space<vmem_shared>>
    tpu.enqueue_indirect_dma source(%arg7 : memref<80xf32, #tpu.memory_space<vmem>>) target(%dma_start3A_316 : memref<10240xf32, #tpu.memory_space<vmem_shared>>) offsets(%arg23 : memref<80xi32, #tpu.memory_space<vmem>>) semaphore(%arg26 : memref<!tpu.dma_semaphore, #tpu.memory_space<semaphore_mem>>) {add = true}
    %dma_start3A_317 = arith.constant 0 : i32
    %dma_start3A_318 = tpu.memref_slice %arg6[%dma_start3A_317] : memref<10240xf32, #tpu.memory_space<vmem_shared>> -> memref<10240xf32, #tpu.memory_space<vmem_shared>>
    tpu.enqueue_indirect_dma source(%arg7 : memref<80xf32, #tpu.memory_space<vmem>>) target(%dma_start3A_318 : memref<10240xf32, #tpu.memory_space<vmem_shared>>) offsets(%arg24 : memref<80xi32, #tpu.memory_space<vmem>>) semaphore(%arg26 : memref<!tpu.dma_semaphore, #tpu.memory_space<semaphore_mem>>) {add = true}
    %dma_wait3A_319 = arith.constant 0 : i32
    %dma_wait3A_320 = tpu.memref_slice %arg6[%dma_wait3A_319] : memref<10240xf32, #tpu.memory_space<vmem_shared>> -> memref<10240xf32, #tpu.memory_space<vmem_shared>>
    tpu.wait_indirect_dma semaphore(%arg26 : memref<!tpu.dma_semaphore, #tpu.memory_space<semaphore_mem>>) src(%arg7 : memref<80xf32, #tpu.memory_space<vmem>>) dst(%dma_wait3A_320 : memref<10240xf32, #tpu.memory_space<vmem_shared>>)
    %dma_wait3A_321 = arith.constant 0 : i32
    %dma_wait3A_322 = tpu.memref_slice %arg6[%dma_wait3A_321] : memref<10240xf32, #tpu.memory_space<vmem_shared>> -> memref<10240xf32, #tpu.memory_space<vmem_shared>>
    tpu.wait_indirect_dma semaphore(%arg26 : memref<!tpu.dma_semaphore, #tpu.memory_space<semaphore_mem>>) src(%arg7 : memref<80xf32, #tpu.memory_space<vmem>>) dst(%dma_wait3A_322 : memref<10240xf32, #tpu.memory_space<vmem_shared>>)
    %dma_wait3A_323 = arith.constant 0 : i32
    %dma_wait3A_324 = tpu.memref_slice %arg6[%dma_wait3A_323] : memref<10240xf32, #tpu.memory_space<vmem_shared>> -> memref<10240xf32, #tpu.memory_space<vmem_shared>>
    tpu.wait_indirect_dma semaphore(%arg26 : memref<!tpu.dma_semaphore, #tpu.memory_space<semaphore_mem>>) src(%arg7 : memref<80xf32, #tpu.memory_space<vmem>>) dst(%dma_wait3A_324 : memref<10240xf32, #tpu.memory_space<vmem_shared>>)
    %dma_wait3A_325 = arith.constant 0 : i32
    %dma_wait3A_326 = tpu.memref_slice %arg6[%dma_wait3A_325] : memref<10240xf32, #tpu.memory_space<vmem_shared>> -> memref<10240xf32, #tpu.memory_space<vmem_shared>>
    tpu.wait_indirect_dma semaphore(%arg26 : memref<!tpu.dma_semaphore, #tpu.memory_space<semaphore_mem>>) src(%arg7 : memref<80xf32, #tpu.memory_space<vmem>>) dst(%dma_wait3A_326 : memref<10240xf32, #tpu.memory_space<vmem_shared>>)
    %dma_wait3A_327 = arith.constant 0 : i32
    %dma_wait3A_328 = tpu.memref_slice %arg6[%dma_wait3A_327] : memref<10240xf32, #tpu.memory_space<vmem_shared>> -> memref<10240xf32, #tpu.memory_space<vmem_shared>>
    tpu.wait_indirect_dma semaphore(%arg26 : memref<!tpu.dma_semaphore, #tpu.memory_space<semaphore_mem>>) src(%arg7 : memref<80xf32, #tpu.memory_space<vmem>>) dst(%dma_wait3A_328 : memref<10240xf32, #tpu.memory_space<vmem_shared>>)
    %dma_wait3A_329 = arith.constant 0 : i32
    %dma_wait3A_330 = tpu.memref_slice %arg6[%dma_wait3A_329] : memref<10240xf32, #tpu.memory_space<vmem_shared>> -> memref<10240xf32, #tpu.memory_space<vmem_shared>>
    tpu.wait_indirect_dma semaphore(%arg26 : memref<!tpu.dma_semaphore, #tpu.memory_space<semaphore_mem>>) src(%arg7 : memref<80xf32, #tpu.memory_space<vmem>>) dst(%dma_wait3A_330 : memref<10240xf32, #tpu.memory_space<vmem_shared>>)
    %dma_wait3A_331 = arith.constant 0 : i32
    %dma_wait3A_332 = tpu.memref_slice %arg6[%dma_wait3A_331] : memref<10240xf32, #tpu.memory_space<vmem_shared>> -> memref<10240xf32, #tpu.memory_space<vmem_shared>>
    tpu.wait_indirect_dma semaphore(%arg26 : memref<!tpu.dma_semaphore, #tpu.memory_space<semaphore_mem>>) src(%arg7 : memref<80xf32, #tpu.memory_space<vmem>>) dst(%dma_wait3A_332 : memref<10240xf32, #tpu.memory_space<vmem_shared>>)
    %dma_wait3A_333 = arith.constant 0 : i32
    %dma_wait3A_334 = tpu.memref_slice %arg6[%dma_wait3A_333] : memref<10240xf32, #tpu.memory_space<vmem_shared>> -> memref<10240xf32, #tpu.memory_space<vmem_shared>>
    tpu.wait_indirect_dma semaphore(%arg26 : memref<!tpu.dma_semaphore, #tpu.memory_space<semaphore_mem>>) src(%arg7 : memref<80xf32, #tpu.memory_space<vmem>>) dst(%dma_wait3A_334 : memref<10240xf32, #tpu.memory_space<vmem_shared>>)
    %dma_wait3A_335 = arith.constant 0 : i32
    %dma_wait3A_336 = tpu.memref_slice %arg6[%dma_wait3A_335] : memref<10240xf32, #tpu.memory_space<vmem_shared>> -> memref<10240xf32, #tpu.memory_space<vmem_shared>>
    tpu.wait_indirect_dma semaphore(%arg26 : memref<!tpu.dma_semaphore, #tpu.memory_space<semaphore_mem>>) src(%arg7 : memref<80xf32, #tpu.memory_space<vmem>>) dst(%dma_wait3A_336 : memref<10240xf32, #tpu.memory_space<vmem_shared>>)
    %dma_wait3A_337 = arith.constant 0 : i32
    %dma_wait3A_338 = tpu.memref_slice %arg6[%dma_wait3A_337] : memref<10240xf32, #tpu.memory_space<vmem_shared>> -> memref<10240xf32, #tpu.memory_space<vmem_shared>>
    tpu.wait_indirect_dma semaphore(%arg26 : memref<!tpu.dma_semaphore, #tpu.memory_space<semaphore_mem>>) src(%arg7 : memref<80xf32, #tpu.memory_space<vmem>>) dst(%dma_wait3A_338 : memref<10240xf32, #tpu.memory_space<vmem_shared>>)
    %dma_wait3A_339 = arith.constant 0 : i32
    %dma_wait3A_340 = tpu.memref_slice %arg6[%dma_wait3A_339] : memref<10240xf32, #tpu.memory_space<vmem_shared>> -> memref<10240xf32, #tpu.memory_space<vmem_shared>>
    tpu.wait_indirect_dma semaphore(%arg26 : memref<!tpu.dma_semaphore, #tpu.memory_space<semaphore_mem>>) src(%arg7 : memref<80xf32, #tpu.memory_space<vmem>>) dst(%dma_wait3A_340 : memref<10240xf32, #tpu.memory_space<vmem_shared>>)
    %dma_wait3A_341 = arith.constant 0 : i32
    %dma_wait3A_342 = tpu.memref_slice %arg6[%dma_wait3A_341] : memref<10240xf32, #tpu.memory_space<vmem_shared>> -> memref<10240xf32, #tpu.memory_space<vmem_shared>>
    tpu.wait_indirect_dma semaphore(%arg26 : memref<!tpu.dma_semaphore, #tpu.memory_space<semaphore_mem>>) src(%arg7 : memref<80xf32, #tpu.memory_space<vmem>>) dst(%dma_wait3A_342 : memref<10240xf32, #tpu.memory_space<vmem_shared>>)
    %dma_wait3A_343 = arith.constant 0 : i32
    %dma_wait3A_344 = tpu.memref_slice %arg6[%dma_wait3A_343] : memref<10240xf32, #tpu.memory_space<vmem_shared>> -> memref<10240xf32, #tpu.memory_space<vmem_shared>>
    tpu.wait_indirect_dma semaphore(%arg26 : memref<!tpu.dma_semaphore, #tpu.memory_space<semaphore_mem>>) src(%arg7 : memref<80xf32, #tpu.memory_space<vmem>>) dst(%dma_wait3A_344 : memref<10240xf32, #tpu.memory_space<vmem_shared>>)
    %dma_wait3A_345 = arith.constant 0 : i32
    %dma_wait3A_346 = tpu.memref_slice %arg6[%dma_wait3A_345] : memref<10240xf32, #tpu.memory_space<vmem_shared>> -> memref<10240xf32, #tpu.memory_space<vmem_shared>>
    tpu.wait_indirect_dma semaphore(%arg26 : memref<!tpu.dma_semaphore, #tpu.memory_space<semaphore_mem>>) src(%arg7 : memref<80xf32, #tpu.memory_space<vmem>>) dst(%dma_wait3A_346 : memref<10240xf32, #tpu.memory_space<vmem_shared>>)
    %dma_wait3A_347 = arith.constant 0 : i32
    %dma_wait3A_348 = tpu.memref_slice %arg6[%dma_wait3A_347] : memref<10240xf32, #tpu.memory_space<vmem_shared>> -> memref<10240xf32, #tpu.memory_space<vmem_shared>>
    tpu.wait_indirect_dma semaphore(%arg26 : memref<!tpu.dma_semaphore, #tpu.memory_space<semaphore_mem>>) src(%arg7 : memref<80xf32, #tpu.memory_space<vmem>>) dst(%dma_wait3A_348 : memref<10240xf32, #tpu.memory_space<vmem_shared>>)
    %dma_wait3A_349 = arith.constant 0 : i32
    %dma_wait3A_350 = tpu.memref_slice %arg6[%dma_wait3A_349] : memref<10240xf32, #tpu.memory_space<vmem_shared>> -> memref<10240xf32, #tpu.memory_space<vmem_shared>>
    tpu.wait_indirect_dma semaphore(%arg26 : memref<!tpu.dma_semaphore, #tpu.memory_space<semaphore_mem>>) src(%arg7 : memref<80xf32, #tpu.memory_space<vmem>>) dst(%dma_wait3A_350 : memref<10240xf32, #tpu.memory_space<vmem_shared>>)
    %add3A_351 = arith.constant 2560 : i32
    %add3A_352 = arith.addi %mul3A_2, %add3A_351 : i32
    %dma_start3A_353 = tpu.memref_slice %arg2[%add3A_352] : memref<320000xi32, #tpu.memory_space<hbm>> -> memref<80xi32, #tpu.memory_space<hbm>>
    %dma_start3A_354 = tpu.memref_slice %arg2[%add3A_352] : memref<320000xi32, #tpu.memory_space<hbm>> -> memref<80xi32, #tpu.memory_space<hbm>>
    tpu.enqueue_dma source(%dma_start3A_354 : memref<80xi32, #tpu.memory_space<hbm>>) target(%arg9 : memref<80xi32, #tpu.memory_space<vmem>>) target_semaphore(%arg25 : memref<!tpu.dma_semaphore, #tpu.memory_space<semaphore_mem>>)
    %add3A_355 = arith.constant 2640 : i32
    %add3A_356 = arith.addi %mul3A_2, %add3A_355 : i32
    %dma_start3A_357 = tpu.memref_slice %arg2[%add3A_356] : memref<320000xi32, #tpu.memory_space<hbm>> -> memref<80xi32, #tpu.memory_space<hbm>>
    %dma_start3A_358 = tpu.memref_slice %arg2[%add3A_356] : memref<320000xi32, #tpu.memory_space<hbm>> -> memref<80xi32, #tpu.memory_space<hbm>>
    tpu.enqueue_dma source(%dma_start3A_358 : memref<80xi32, #tpu.memory_space<hbm>>) target(%arg10 : memref<80xi32, #tpu.memory_space<vmem>>) target_semaphore(%arg25 : memref<!tpu.dma_semaphore, #tpu.memory_space<semaphore_mem>>)
    %add3A_359 = arith.constant 2720 : i32
    %add3A_360 = arith.addi %mul3A_2, %add3A_359 : i32
    %dma_start3A_361 = tpu.memref_slice %arg2[%add3A_360] : memref<320000xi32, #tpu.memory_space<hbm>> -> memref<80xi32, #tpu.memory_space<hbm>>
    %dma_start3A_362 = tpu.memref_slice %arg2[%add3A_360] : memref<320000xi32, #tpu.memory_space<hbm>> -> memref<80xi32, #tpu.memory_space<hbm>>
    tpu.enqueue_dma source(%dma_start3A_362 : memref<80xi32, #tpu.memory_space<hbm>>) target(%arg11 : memref<80xi32, #tpu.memory_space<vmem>>) target_semaphore(%arg25 : memref<!tpu.dma_semaphore, #tpu.memory_space<semaphore_mem>>)
    %add3A_363 = arith.constant 2800 : i32
    %add3A_364 = arith.addi %mul3A_2, %add3A_363 : i32
    %dma_start3A_365 = tpu.memref_slice %arg2[%add3A_364] : memref<320000xi32, #tpu.memory_space<hbm>> -> memref<80xi32, #tpu.memory_space<hbm>>
    %dma_start3A_366 = tpu.memref_slice %arg2[%add3A_364] : memref<320000xi32, #tpu.memory_space<hbm>> -> memref<80xi32, #tpu.memory_space<hbm>>
    tpu.enqueue_dma source(%dma_start3A_366 : memref<80xi32, #tpu.memory_space<hbm>>) target(%arg12 : memref<80xi32, #tpu.memory_space<vmem>>) target_semaphore(%arg25 : memref<!tpu.dma_semaphore, #tpu.memory_space<semaphore_mem>>)
    %add3A_367 = arith.constant 2880 : i32
    %add3A_368 = arith.addi %mul3A_2, %add3A_367 : i32
    %dma_start3A_369 = tpu.memref_slice %arg2[%add3A_368] : memref<320000xi32, #tpu.memory_space<hbm>> -> memref<80xi32, #tpu.memory_space<hbm>>
    %dma_start3A_370 = tpu.memref_slice %arg2[%add3A_368] : memref<320000xi32, #tpu.memory_space<hbm>> -> memref<80xi32, #tpu.memory_space<hbm>>
    tpu.enqueue_dma source(%dma_start3A_370 : memref<80xi32, #tpu.memory_space<hbm>>) target(%arg13 : memref<80xi32, #tpu.memory_space<vmem>>) target_semaphore(%arg25 : memref<!tpu.dma_semaphore, #tpu.memory_space<semaphore_mem>>)
    %add3A_371 = arith.constant 2960 : i32
    %add3A_372 = arith.addi %mul3A_2, %add3A_371 : i32
    %dma_start3A_373 = tpu.memref_slice %arg2[%add3A_372] : memref<320000xi32, #tpu.memory_space<hbm>> -> memref<80xi32, #tpu.memory_space<hbm>>
    %dma_start3A_374 = tpu.memref_slice %arg2[%add3A_372] : memref<320000xi32, #tpu.memory_space<hbm>> -> memref<80xi32, #tpu.memory_space<hbm>>
    tpu.enqueue_dma source(%dma_start3A_374 : memref<80xi32, #tpu.memory_space<hbm>>) target(%arg14 : memref<80xi32, #tpu.memory_space<vmem>>) target_semaphore(%arg25 : memref<!tpu.dma_semaphore, #tpu.memory_space<semaphore_mem>>)
    %add3A_375 = arith.constant 3040 : i32
    %add3A_376 = arith.addi %mul3A_2, %add3A_375 : i32
    %dma_start3A_377 = tpu.memref_slice %arg2[%add3A_376] : memref<320000xi32, #tpu.memory_space<hbm>> -> memref<80xi32, #tpu.memory_space<hbm>>
    %dma_start3A_378 = tpu.memref_slice %arg2[%add3A_376] : memref<320000xi32, #tpu.memory_space<hbm>> -> memref<80xi32, #tpu.memory_space<hbm>>
    tpu.enqueue_dma source(%dma_start3A_378 : memref<80xi32, #tpu.memory_space<hbm>>) target(%arg15 : memref<80xi32, #tpu.memory_space<vmem>>) target_semaphore(%arg25 : memref<!tpu.dma_semaphore, #tpu.memory_space<semaphore_mem>>)
    %add3A_379 = arith.constant 3120 : i32
    %add3A_380 = arith.addi %mul3A_2, %add3A_379 : i32
    %dma_start3A_381 = tpu.memref_slice %arg2[%add3A_380] : memref<320000xi32, #tpu.memory_space<hbm>> -> memref<80xi32, #tpu.memory_space<hbm>>
    %dma_start3A_382 = tpu.memref_slice %arg2[%add3A_380] : memref<320000xi32, #tpu.memory_space<hbm>> -> memref<80xi32, #tpu.memory_space<hbm>>
    tpu.enqueue_dma source(%dma_start3A_382 : memref<80xi32, #tpu.memory_space<hbm>>) target(%arg16 : memref<80xi32, #tpu.memory_space<vmem>>) target_semaphore(%arg25 : memref<!tpu.dma_semaphore, #tpu.memory_space<semaphore_mem>>)
    %add3A_383 = arith.constant 3200 : i32
    %add3A_384 = arith.addi %mul3A_2, %add3A_383 : i32
    %dma_start3A_385 = tpu.memref_slice %arg2[%add3A_384] : memref<320000xi32, #tpu.memory_space<hbm>> -> memref<80xi32, #tpu.memory_space<hbm>>
    %dma_start3A_386 = tpu.memref_slice %arg2[%add3A_384] : memref<320000xi32, #tpu.memory_space<hbm>> -> memref<80xi32, #tpu.memory_space<hbm>>
    tpu.enqueue_dma source(%dma_start3A_386 : memref<80xi32, #tpu.memory_space<hbm>>) target(%arg17 : memref<80xi32, #tpu.memory_space<vmem>>) target_semaphore(%arg25 : memref<!tpu.dma_semaphore, #tpu.memory_space<semaphore_mem>>)
    %add3A_387 = arith.constant 3280 : i32
    %add3A_388 = arith.addi %mul3A_2, %add3A_387 : i32
    %dma_start3A_389 = tpu.memref_slice %arg2[%add3A_388] : memref<320000xi32, #tpu.memory_space<hbm>> -> memref<80xi32, #tpu.memory_space<hbm>>
    %dma_start3A_390 = tpu.memref_slice %arg2[%add3A_388] : memref<320000xi32, #tpu.memory_space<hbm>> -> memref<80xi32, #tpu.memory_space<hbm>>
    tpu.enqueue_dma source(%dma_start3A_390 : memref<80xi32, #tpu.memory_space<hbm>>) target(%arg18 : memref<80xi32, #tpu.memory_space<vmem>>) target_semaphore(%arg25 : memref<!tpu.dma_semaphore, #tpu.memory_space<semaphore_mem>>)
    %add3A_391 = arith.constant 3360 : i32
    %add3A_392 = arith.addi %mul3A_2, %add3A_391 : i32
    %dma_start3A_393 = tpu.memref_slice %arg2[%add3A_392] : memref<320000xi32, #tpu.memory_space<hbm>> -> memref<80xi32, #tpu.memory_space<hbm>>
    %dma_start3A_394 = tpu.memref_slice %arg2[%add3A_392] : memref<320000xi32, #tpu.memory_space<hbm>> -> memref<80xi32, #tpu.memory_space<hbm>>
    tpu.enqueue_dma source(%dma_start3A_394 : memref<80xi32, #tpu.memory_space<hbm>>) target(%arg19 : memref<80xi32, #tpu.memory_space<vmem>>) target_semaphore(%arg25 : memref<!tpu.dma_semaphore, #tpu.memory_space<semaphore_mem>>)
    %add3A_395 = arith.constant 3440 : i32
    %add3A_396 = arith.addi %mul3A_2, %add3A_395 : i32
    %dma_start3A_397 = tpu.memref_slice %arg2[%add3A_396] : memref<320000xi32, #tpu.memory_space<hbm>> -> memref<80xi32, #tpu.memory_space<hbm>>
    %dma_start3A_398 = tpu.memref_slice %arg2[%add3A_396] : memref<320000xi32, #tpu.memory_space<hbm>> -> memref<80xi32, #tpu.memory_space<hbm>>
    tpu.enqueue_dma source(%dma_start3A_398 : memref<80xi32, #tpu.memory_space<hbm>>) target(%arg20 : memref<80xi32, #tpu.memory_space<vmem>>) target_semaphore(%arg25 : memref<!tpu.dma_semaphore, #tpu.memory_space<semaphore_mem>>)
    %add3A_399 = arith.constant 3520 : i32
    %add3A_400 = arith.addi %mul3A_2, %add3A_399 : i32
    %dma_start3A_401 = tpu.memref_slice %arg2[%add3A_400] : memref<320000xi32, #tpu.memory_space<hbm>> -> memref<80xi32, #tpu.memory_space<hbm>>
    %dma_start3A_402 = tpu.memref_slice %arg2[%add3A_400] : memref<320000xi32, #tpu.memory_space<hbm>> -> memref<80xi32, #tpu.memory_space<hbm>>
    tpu.enqueue_dma source(%dma_start3A_402 : memref<80xi32, #tpu.memory_space<hbm>>) target(%arg21 : memref<80xi32, #tpu.memory_space<vmem>>) target_semaphore(%arg25 : memref<!tpu.dma_semaphore, #tpu.memory_space<semaphore_mem>>)
    %add3A_403 = arith.constant 3600 : i32
    %add3A_404 = arith.addi %mul3A_2, %add3A_403 : i32
    %dma_start3A_405 = tpu.memref_slice %arg2[%add3A_404] : memref<320000xi32, #tpu.memory_space<hbm>> -> memref<80xi32, #tpu.memory_space<hbm>>
    %dma_start3A_406 = tpu.memref_slice %arg2[%add3A_404] : memref<320000xi32, #tpu.memory_space<hbm>> -> memref<80xi32, #tpu.memory_space<hbm>>
    tpu.enqueue_dma source(%dma_start3A_406 : memref<80xi32, #tpu.memory_space<hbm>>) target(%arg22 : memref<80xi32, #tpu.memory_space<vmem>>) target_semaphore(%arg25 : memref<!tpu.dma_semaphore, #tpu.memory_space<semaphore_mem>>)
    %add3A_407 = arith.constant 3680 : i32
    %add3A_408 = arith.addi %mul3A_2, %add3A_407 : i32
    %dma_start3A_409 = tpu.memref_slice %arg2[%add3A_408] : memref<320000xi32, #tpu.memory_space<hbm>> -> memref<80xi32, #tpu.memory_space<hbm>>
    %dma_start3A_410 = tpu.memref_slice %arg2[%add3A_408] : memref<320000xi32, #tpu.memory_space<hbm>> -> memref<80xi32, #tpu.memory_space<hbm>>
    tpu.enqueue_dma source(%dma_start3A_410 : memref<80xi32, #tpu.memory_space<hbm>>) target(%arg23 : memref<80xi32, #tpu.memory_space<vmem>>) target_semaphore(%arg25 : memref<!tpu.dma_semaphore, #tpu.memory_space<semaphore_mem>>)
    %add3A_411 = arith.constant 3760 : i32
    %add3A_412 = arith.addi %mul3A_2, %add3A_411 : i32
    %dma_start3A_413 = tpu.memref_slice %arg2[%add3A_412] : memref<320000xi32, #tpu.memory_space<hbm>> -> memref<80xi32, #tpu.memory_space<hbm>>
    %dma_start3A_414 = tpu.memref_slice %arg2[%add3A_412] : memref<320000xi32, #tpu.memory_space<hbm>> -> memref<80xi32, #tpu.memory_space<hbm>>
    tpu.enqueue_dma source(%dma_start3A_414 : memref<80xi32, #tpu.memory_space<hbm>>) target(%arg24 : memref<80xi32, #tpu.memory_space<vmem>>) target_semaphore(%arg25 : memref<!tpu.dma_semaphore, #tpu.memory_space<semaphore_mem>>)
    %dma_wait3A_415 = tpu.memref_slice %arg2[%add3A_352] : memref<320000xi32, #tpu.memory_space<hbm>> -> memref<80xi32, #tpu.memory_space<hbm>>
    %dma_wait3A_416 = tpu.memref_slice %arg2[%add3A_352] : memref<320000xi32, #tpu.memory_space<hbm>> -> memref<80xi32, #tpu.memory_space<hbm>>
    tpu.wait_dma2 semaphore(%arg25 : memref<!tpu.dma_semaphore, #tpu.memory_space<semaphore_mem>>) src(%dma_wait3A_416 : memref<80xi32, #tpu.memory_space<hbm>>) dst(%arg9 : memref<80xi32, #tpu.memory_space<vmem>>)
    %dma_wait3A_417 = tpu.memref_slice %arg2[%add3A_356] : memref<320000xi32, #tpu.memory_space<hbm>> -> memref<80xi32, #tpu.memory_space<hbm>>
    %dma_wait3A_418 = tpu.memref_slice %arg2[%add3A_356] : memref<320000xi32, #tpu.memory_space<hbm>> -> memref<80xi32, #tpu.memory_space<hbm>>
    tpu.wait_dma2 semaphore(%arg25 : memref<!tpu.dma_semaphore, #tpu.memory_space<semaphore_mem>>) src(%dma_wait3A_418 : memref<80xi32, #tpu.memory_space<hbm>>) dst(%arg10 : memref<80xi32, #tpu.memory_space<vmem>>)
    %dma_wait3A_419 = tpu.memref_slice %arg2[%add3A_360] : memref<320000xi32, #tpu.memory_space<hbm>> -> memref<80xi32, #tpu.memory_space<hbm>>
    %dma_wait3A_420 = tpu.memref_slice %arg2[%add3A_360] : memref<320000xi32, #tpu.memory_space<hbm>> -> memref<80xi32, #tpu.memory_space<hbm>>
    tpu.wait_dma2 semaphore(%arg25 : memref<!tpu.dma_semaphore, #tpu.memory_space<semaphore_mem>>) src(%dma_wait3A_420 : memref<80xi32, #tpu.memory_space<hbm>>) dst(%arg11 : memref<80xi32, #tpu.memory_space<vmem>>)
    %dma_wait3A_421 = tpu.memref_slice %arg2[%add3A_364] : memref<320000xi32, #tpu.memory_space<hbm>> -> memref<80xi32, #tpu.memory_space<hbm>>
    %dma_wait3A_422 = tpu.memref_slice %arg2[%add3A_364] : memref<320000xi32, #tpu.memory_space<hbm>> -> memref<80xi32, #tpu.memory_space<hbm>>
    tpu.wait_dma2 semaphore(%arg25 : memref<!tpu.dma_semaphore, #tpu.memory_space<semaphore_mem>>) src(%dma_wait3A_422 : memref<80xi32, #tpu.memory_space<hbm>>) dst(%arg12 : memref<80xi32, #tpu.memory_space<vmem>>)
    %dma_wait3A_423 = tpu.memref_slice %arg2[%add3A_368] : memref<320000xi32, #tpu.memory_space<hbm>> -> memref<80xi32, #tpu.memory_space<hbm>>
    %dma_wait3A_424 = tpu.memref_slice %arg2[%add3A_368] : memref<320000xi32, #tpu.memory_space<hbm>> -> memref<80xi32, #tpu.memory_space<hbm>>
    tpu.wait_dma2 semaphore(%arg25 : memref<!tpu.dma_semaphore, #tpu.memory_space<semaphore_mem>>) src(%dma_wait3A_424 : memref<80xi32, #tpu.memory_space<hbm>>) dst(%arg13 : memref<80xi32, #tpu.memory_space<vmem>>)
    %dma_wait3A_425 = tpu.memref_slice %arg2[%add3A_372] : memref<320000xi32, #tpu.memory_space<hbm>> -> memref<80xi32, #tpu.memory_space<hbm>>
    %dma_wait3A_426 = tpu.memref_slice %arg2[%add3A_372] : memref<320000xi32, #tpu.memory_space<hbm>> -> memref<80xi32, #tpu.memory_space<hbm>>
    tpu.wait_dma2 semaphore(%arg25 : memref<!tpu.dma_semaphore, #tpu.memory_space<semaphore_mem>>) src(%dma_wait3A_426 : memref<80xi32, #tpu.memory_space<hbm>>) dst(%arg14 : memref<80xi32, #tpu.memory_space<vmem>>)
    %dma_wait3A_427 = tpu.memref_slice %arg2[%add3A_376] : memref<320000xi32, #tpu.memory_space<hbm>> -> memref<80xi32, #tpu.memory_space<hbm>>
    %dma_wait3A_428 = tpu.memref_slice %arg2[%add3A_376] : memref<320000xi32, #tpu.memory_space<hbm>> -> memref<80xi32, #tpu.memory_space<hbm>>
    tpu.wait_dma2 semaphore(%arg25 : memref<!tpu.dma_semaphore, #tpu.memory_space<semaphore_mem>>) src(%dma_wait3A_428 : memref<80xi32, #tpu.memory_space<hbm>>) dst(%arg15 : memref<80xi32, #tpu.memory_space<vmem>>)
    %dma_wait3A_429 = tpu.memref_slice %arg2[%add3A_380] : memref<320000xi32, #tpu.memory_space<hbm>> -> memref<80xi32, #tpu.memory_space<hbm>>
    %dma_wait3A_430 = tpu.memref_slice %arg2[%add3A_380] : memref<320000xi32, #tpu.memory_space<hbm>> -> memref<80xi32, #tpu.memory_space<hbm>>
    tpu.wait_dma2 semaphore(%arg25 : memref<!tpu.dma_semaphore, #tpu.memory_space<semaphore_mem>>) src(%dma_wait3A_430 : memref<80xi32, #tpu.memory_space<hbm>>) dst(%arg16 : memref<80xi32, #tpu.memory_space<vmem>>)
    %dma_wait3A_431 = tpu.memref_slice %arg2[%add3A_384] : memref<320000xi32, #tpu.memory_space<hbm>> -> memref<80xi32, #tpu.memory_space<hbm>>
    %dma_wait3A_432 = tpu.memref_slice %arg2[%add3A_384] : memref<320000xi32, #tpu.memory_space<hbm>> -> memref<80xi32, #tpu.memory_space<hbm>>
    tpu.wait_dma2 semaphore(%arg25 : memref<!tpu.dma_semaphore, #tpu.memory_space<semaphore_mem>>) src(%dma_wait3A_432 : memref<80xi32, #tpu.memory_space<hbm>>) dst(%arg17 : memref<80xi32, #tpu.memory_space<vmem>>)
    %dma_wait3A_433 = tpu.memref_slice %arg2[%add3A_388] : memref<320000xi32, #tpu.memory_space<hbm>> -> memref<80xi32, #tpu.memory_space<hbm>>
    %dma_wait3A_434 = tpu.memref_slice %arg2[%add3A_388] : memref<320000xi32, #tpu.memory_space<hbm>> -> memref<80xi32, #tpu.memory_space<hbm>>
    tpu.wait_dma2 semaphore(%arg25 : memref<!tpu.dma_semaphore, #tpu.memory_space<semaphore_mem>>) src(%dma_wait3A_434 : memref<80xi32, #tpu.memory_space<hbm>>) dst(%arg18 : memref<80xi32, #tpu.memory_space<vmem>>)
    %dma_wait3A_435 = tpu.memref_slice %arg2[%add3A_392] : memref<320000xi32, #tpu.memory_space<hbm>> -> memref<80xi32, #tpu.memory_space<hbm>>
    %dma_wait3A_436 = tpu.memref_slice %arg2[%add3A_392] : memref<320000xi32, #tpu.memory_space<hbm>> -> memref<80xi32, #tpu.memory_space<hbm>>
    tpu.wait_dma2 semaphore(%arg25 : memref<!tpu.dma_semaphore, #tpu.memory_space<semaphore_mem>>) src(%dma_wait3A_436 : memref<80xi32, #tpu.memory_space<hbm>>) dst(%arg19 : memref<80xi32, #tpu.memory_space<vmem>>)
    %dma_wait3A_437 = tpu.memref_slice %arg2[%add3A_396] : memref<320000xi32, #tpu.memory_space<hbm>> -> memref<80xi32, #tpu.memory_space<hbm>>
    %dma_wait3A_438 = tpu.memref_slice %arg2[%add3A_396] : memref<320000xi32, #tpu.memory_space<hbm>> -> memref<80xi32, #tpu.memory_space<hbm>>
    tpu.wait_dma2 semaphore(%arg25 : memref<!tpu.dma_semaphore, #tpu.memory_space<semaphore_mem>>) src(%dma_wait3A_438 : memref<80xi32, #tpu.memory_space<hbm>>) dst(%arg20 : memref<80xi32, #tpu.memory_space<vmem>>)
    %dma_wait3A_439 = tpu.memref_slice %arg2[%add3A_400] : memref<320000xi32, #tpu.memory_space<hbm>> -> memref<80xi32, #tpu.memory_space<hbm>>
    %dma_wait3A_440 = tpu.memref_slice %arg2[%add3A_400] : memref<320000xi32, #tpu.memory_space<hbm>> -> memref<80xi32, #tpu.memory_space<hbm>>
    tpu.wait_dma2 semaphore(%arg25 : memref<!tpu.dma_semaphore, #tpu.memory_space<semaphore_mem>>) src(%dma_wait3A_440 : memref<80xi32, #tpu.memory_space<hbm>>) dst(%arg21 : memref<80xi32, #tpu.memory_space<vmem>>)
    %dma_wait3A_441 = tpu.memref_slice %arg2[%add3A_404] : memref<320000xi32, #tpu.memory_space<hbm>> -> memref<80xi32, #tpu.memory_space<hbm>>
    %dma_wait3A_442 = tpu.memref_slice %arg2[%add3A_404] : memref<320000xi32, #tpu.memory_space<hbm>> -> memref<80xi32, #tpu.memory_space<hbm>>
    tpu.wait_dma2 semaphore(%arg25 : memref<!tpu.dma_semaphore, #tpu.memory_space<semaphore_mem>>) src(%dma_wait3A_442 : memref<80xi32, #tpu.memory_space<hbm>>) dst(%arg22 : memref<80xi32, #tpu.memory_space<vmem>>)
    %dma_wait3A_443 = tpu.memref_slice %arg2[%add3A_408] : memref<320000xi32, #tpu.memory_space<hbm>> -> memref<80xi32, #tpu.memory_space<hbm>>
    %dma_wait3A_444 = tpu.memref_slice %arg2[%add3A_408] : memref<320000xi32, #tpu.memory_space<hbm>> -> memref<80xi32, #tpu.memory_space<hbm>>
    tpu.wait_dma2 semaphore(%arg25 : memref<!tpu.dma_semaphore, #tpu.memory_space<semaphore_mem>>) src(%dma_wait3A_444 : memref<80xi32, #tpu.memory_space<hbm>>) dst(%arg23 : memref<80xi32, #tpu.memory_space<vmem>>)
    %dma_wait3A_445 = tpu.memref_slice %arg2[%add3A_412] : memref<320000xi32, #tpu.memory_space<hbm>> -> memref<80xi32, #tpu.memory_space<hbm>>
    %dma_wait3A_446 = tpu.memref_slice %arg2[%add3A_412] : memref<320000xi32, #tpu.memory_space<hbm>> -> memref<80xi32, #tpu.memory_space<hbm>>
    tpu.wait_dma2 semaphore(%arg25 : memref<!tpu.dma_semaphore, #tpu.memory_space<semaphore_mem>>) src(%dma_wait3A_446 : memref<80xi32, #tpu.memory_space<hbm>>) dst(%arg24 : memref<80xi32, #tpu.memory_space<vmem>>)
    %dma_start3A_447 = arith.constant 0 : i32
    %dma_start3A_448 = tpu.memref_slice %arg6[%dma_start3A_447] : memref<10240xf32, #tpu.memory_space<vmem_shared>> -> memref<10240xf32, #tpu.memory_space<vmem_shared>>
    tpu.enqueue_indirect_dma source(%arg7 : memref<80xf32, #tpu.memory_space<vmem>>) target(%dma_start3A_448 : memref<10240xf32, #tpu.memory_space<vmem_shared>>) offsets(%arg9 : memref<80xi32, #tpu.memory_space<vmem>>) semaphore(%arg26 : memref<!tpu.dma_semaphore, #tpu.memory_space<semaphore_mem>>) {add = true}
    %dma_start3A_449 = arith.constant 0 : i32
    %dma_start3A_450 = tpu.memref_slice %arg6[%dma_start3A_449] : memref<10240xf32, #tpu.memory_space<vmem_shared>> -> memref<10240xf32, #tpu.memory_space<vmem_shared>>
    tpu.enqueue_indirect_dma source(%arg7 : memref<80xf32, #tpu.memory_space<vmem>>) target(%dma_start3A_450 : memref<10240xf32, #tpu.memory_space<vmem_shared>>) offsets(%arg10 : memref<80xi32, #tpu.memory_space<vmem>>) semaphore(%arg26 : memref<!tpu.dma_semaphore, #tpu.memory_space<semaphore_mem>>) {add = true}
    %dma_start3A_451 = arith.constant 0 : i32
    %dma_start3A_452 = tpu.memref_slice %arg6[%dma_start3A_451] : memref<10240xf32, #tpu.memory_space<vmem_shared>> -> memref<10240xf32, #tpu.memory_space<vmem_shared>>
    tpu.enqueue_indirect_dma source(%arg7 : memref<80xf32, #tpu.memory_space<vmem>>) target(%dma_start3A_452 : memref<10240xf32, #tpu.memory_space<vmem_shared>>) offsets(%arg11 : memref<80xi32, #tpu.memory_space<vmem>>) semaphore(%arg26 : memref<!tpu.dma_semaphore, #tpu.memory_space<semaphore_mem>>) {add = true}
    %dma_start3A_453 = arith.constant 0 : i32
    %dma_start3A_454 = tpu.memref_slice %arg6[%dma_start3A_453] : memref<10240xf32, #tpu.memory_space<vmem_shared>> -> memref<10240xf32, #tpu.memory_space<vmem_shared>>
    tpu.enqueue_indirect_dma source(%arg7 : memref<80xf32, #tpu.memory_space<vmem>>) target(%dma_start3A_454 : memref<10240xf32, #tpu.memory_space<vmem_shared>>) offsets(%arg12 : memref<80xi32, #tpu.memory_space<vmem>>) semaphore(%arg26 : memref<!tpu.dma_semaphore, #tpu.memory_space<semaphore_mem>>) {add = true}
    %dma_start3A_455 = arith.constant 0 : i32
    %dma_start3A_456 = tpu.memref_slice %arg6[%dma_start3A_455] : memref<10240xf32, #tpu.memory_space<vmem_shared>> -> memref<10240xf32, #tpu.memory_space<vmem_shared>>
    tpu.enqueue_indirect_dma source(%arg7 : memref<80xf32, #tpu.memory_space<vmem>>) target(%dma_start3A_456 : memref<10240xf32, #tpu.memory_space<vmem_shared>>) offsets(%arg13 : memref<80xi32, #tpu.memory_space<vmem>>) semaphore(%arg26 : memref<!tpu.dma_semaphore, #tpu.memory_space<semaphore_mem>>) {add = true}
    %dma_start3A_457 = arith.constant 0 : i32
    %dma_start3A_458 = tpu.memref_slice %arg6[%dma_start3A_457] : memref<10240xf32, #tpu.memory_space<vmem_shared>> -> memref<10240xf32, #tpu.memory_space<vmem_shared>>
    tpu.enqueue_indirect_dma source(%arg7 : memref<80xf32, #tpu.memory_space<vmem>>) target(%dma_start3A_458 : memref<10240xf32, #tpu.memory_space<vmem_shared>>) offsets(%arg14 : memref<80xi32, #tpu.memory_space<vmem>>) semaphore(%arg26 : memref<!tpu.dma_semaphore, #tpu.memory_space<semaphore_mem>>) {add = true}
    %dma_start3A_459 = arith.constant 0 : i32
    %dma_start3A_460 = tpu.memref_slice %arg6[%dma_start3A_459] : memref<10240xf32, #tpu.memory_space<vmem_shared>> -> memref<10240xf32, #tpu.memory_space<vmem_shared>>
    tpu.enqueue_indirect_dma source(%arg7 : memref<80xf32, #tpu.memory_space<vmem>>) target(%dma_start3A_460 : memref<10240xf32, #tpu.memory_space<vmem_shared>>) offsets(%arg15 : memref<80xi32, #tpu.memory_space<vmem>>) semaphore(%arg26 : memref<!tpu.dma_semaphore, #tpu.memory_space<semaphore_mem>>) {add = true}
    %dma_start3A_461 = arith.constant 0 : i32
    %dma_start3A_462 = tpu.memref_slice %arg6[%dma_start3A_461] : memref<10240xf32, #tpu.memory_space<vmem_shared>> -> memref<10240xf32, #tpu.memory_space<vmem_shared>>
    tpu.enqueue_indirect_dma source(%arg7 : memref<80xf32, #tpu.memory_space<vmem>>) target(%dma_start3A_462 : memref<10240xf32, #tpu.memory_space<vmem_shared>>) offsets(%arg16 : memref<80xi32, #tpu.memory_space<vmem>>) semaphore(%arg26 : memref<!tpu.dma_semaphore, #tpu.memory_space<semaphore_mem>>) {add = true}
    %dma_start3A_463 = arith.constant 0 : i32
    %dma_start3A_464 = tpu.memref_slice %arg6[%dma_start3A_463] : memref<10240xf32, #tpu.memory_space<vmem_shared>> -> memref<10240xf32, #tpu.memory_space<vmem_shared>>
    tpu.enqueue_indirect_dma source(%arg7 : memref<80xf32, #tpu.memory_space<vmem>>) target(%dma_start3A_464 : memref<10240xf32, #tpu.memory_space<vmem_shared>>) offsets(%arg17 : memref<80xi32, #tpu.memory_space<vmem>>) semaphore(%arg26 : memref<!tpu.dma_semaphore, #tpu.memory_space<semaphore_mem>>) {add = true}
    %dma_start3A_465 = arith.constant 0 : i32
    %dma_start3A_466 = tpu.memref_slice %arg6[%dma_start3A_465] : memref<10240xf32, #tpu.memory_space<vmem_shared>> -> memref<10240xf32, #tpu.memory_space<vmem_shared>>
    tpu.enqueue_indirect_dma source(%arg7 : memref<80xf32, #tpu.memory_space<vmem>>) target(%dma_start3A_466 : memref<10240xf32, #tpu.memory_space<vmem_shared>>) offsets(%arg18 : memref<80xi32, #tpu.memory_space<vmem>>) semaphore(%arg26 : memref<!tpu.dma_semaphore, #tpu.memory_space<semaphore_mem>>) {add = true}
    %dma_start3A_467 = arith.constant 0 : i32
    %dma_start3A_468 = tpu.memref_slice %arg6[%dma_start3A_467] : memref<10240xf32, #tpu.memory_space<vmem_shared>> -> memref<10240xf32, #tpu.memory_space<vmem_shared>>
    tpu.enqueue_indirect_dma source(%arg7 : memref<80xf32, #tpu.memory_space<vmem>>) target(%dma_start3A_468 : memref<10240xf32, #tpu.memory_space<vmem_shared>>) offsets(%arg19 : memref<80xi32, #tpu.memory_space<vmem>>) semaphore(%arg26 : memref<!tpu.dma_semaphore, #tpu.memory_space<semaphore_mem>>) {add = true}
    %dma_start3A_469 = arith.constant 0 : i32
    %dma_start3A_470 = tpu.memref_slice %arg6[%dma_start3A_469] : memref<10240xf32, #tpu.memory_space<vmem_shared>> -> memref<10240xf32, #tpu.memory_space<vmem_shared>>
    tpu.enqueue_indirect_dma source(%arg7 : memref<80xf32, #tpu.memory_space<vmem>>) target(%dma_start3A_470 : memref<10240xf32, #tpu.memory_space<vmem_shared>>) offsets(%arg20 : memref<80xi32, #tpu.memory_space<vmem>>) semaphore(%arg26 : memref<!tpu.dma_semaphore, #tpu.memory_space<semaphore_mem>>) {add = true}
    %dma_start3A_471 = arith.constant 0 : i32
    %dma_start3A_472 = tpu.memref_slice %arg6[%dma_start3A_471] : memref<10240xf32, #tpu.memory_space<vmem_shared>> -> memref<10240xf32, #tpu.memory_space<vmem_shared>>
    tpu.enqueue_indirect_dma source(%arg7 : memref<80xf32, #tpu.memory_space<vmem>>) target(%dma_start3A_472 : memref<10240xf32, #tpu.memory_space<vmem_shared>>) offsets(%arg21 : memref<80xi32, #tpu.memory_space<vmem>>) semaphore(%arg26 : memref<!tpu.dma_semaphore, #tpu.memory_space<semaphore_mem>>) {add = true}
    %dma_start3A_473 = arith.constant 0 : i32
    %dma_start3A_474 = tpu.memref_slice %arg6[%dma_start3A_473] : memref<10240xf32, #tpu.memory_space<vmem_shared>> -> memref<10240xf32, #tpu.memory_space<vmem_shared>>
    tpu.enqueue_indirect_dma source(%arg7 : memref<80xf32, #tpu.memory_space<vmem>>) target(%dma_start3A_474 : memref<10240xf32, #tpu.memory_space<vmem_shared>>) offsets(%arg22 : memref<80xi32, #tpu.memory_space<vmem>>) semaphore(%arg26 : memref<!tpu.dma_semaphore, #tpu.memory_space<semaphore_mem>>) {add = true}
    %dma_start3A_475 = arith.constant 0 : i32
    %dma_start3A_476 = tpu.memref_slice %arg6[%dma_start3A_475] : memref<10240xf32, #tpu.memory_space<vmem_shared>> -> memref<10240xf32, #tpu.memory_space<vmem_shared>>
    tpu.enqueue_indirect_dma source(%arg7 : memref<80xf32, #tpu.memory_space<vmem>>) target(%dma_start3A_476 : memref<10240xf32, #tpu.memory_space<vmem_shared>>) offsets(%arg23 : memref<80xi32, #tpu.memory_space<vmem>>) semaphore(%arg26 : memref<!tpu.dma_semaphore, #tpu.memory_space<semaphore_mem>>) {add = true}
    %dma_start3A_477 = arith.constant 0 : i32
    %dma_start3A_478 = tpu.memref_slice %arg6[%dma_start3A_477] : memref<10240xf32, #tpu.memory_space<vmem_shared>> -> memref<10240xf32, #tpu.memory_space<vmem_shared>>
    tpu.enqueue_indirect_dma source(%arg7 : memref<80xf32, #tpu.memory_space<vmem>>) target(%dma_start3A_478 : memref<10240xf32, #tpu.memory_space<vmem_shared>>) offsets(%arg24 : memref<80xi32, #tpu.memory_space<vmem>>) semaphore(%arg26 : memref<!tpu.dma_semaphore, #tpu.memory_space<semaphore_mem>>) {add = true}
    %dma_wait3A_479 = arith.constant 0 : i32
    %dma_wait3A_480 = tpu.memref_slice %arg6[%dma_wait3A_479] : memref<10240xf32, #tpu.memory_space<vmem_shared>> -> memref<10240xf32, #tpu.memory_space<vmem_shared>>
    tpu.wait_indirect_dma semaphore(%arg26 : memref<!tpu.dma_semaphore, #tpu.memory_space<semaphore_mem>>) src(%arg7 : memref<80xf32, #tpu.memory_space<vmem>>) dst(%dma_wait3A_480 : memref<10240xf32, #tpu.memory_space<vmem_shared>>)
    %dma_wait3A_481 = arith.constant 0 : i32
    %dma_wait3A_482 = tpu.memref_slice %arg6[%dma_wait3A_481] : memref<10240xf32, #tpu.memory_space<vmem_shared>> -> memref<10240xf32, #tpu.memory_space<vmem_shared>>
    tpu.wait_indirect_dma semaphore(%arg26 : memref<!tpu.dma_semaphore, #tpu.memory_space<semaphore_mem>>) src(%arg7 : memref<80xf32, #tpu.memory_space<vmem>>) dst(%dma_wait3A_482 : memref<10240xf32, #tpu.memory_space<vmem_shared>>)
    %dma_wait3A_483 = arith.constant 0 : i32
    %dma_wait3A_484 = tpu.memref_slice %arg6[%dma_wait3A_483] : memref<10240xf32, #tpu.memory_space<vmem_shared>> -> memref<10240xf32, #tpu.memory_space<vmem_shared>>
    tpu.wait_indirect_dma semaphore(%arg26 : memref<!tpu.dma_semaphore, #tpu.memory_space<semaphore_mem>>) src(%arg7 : memref<80xf32, #tpu.memory_space<vmem>>) dst(%dma_wait3A_484 : memref<10240xf32, #tpu.memory_space<vmem_shared>>)
    %dma_wait3A_485 = arith.constant 0 : i32
    %dma_wait3A_486 = tpu.memref_slice %arg6[%dma_wait3A_485] : memref<10240xf32, #tpu.memory_space<vmem_shared>> -> memref<10240xf32, #tpu.memory_space<vmem_shared>>
    tpu.wait_indirect_dma semaphore(%arg26 : memref<!tpu.dma_semaphore, #tpu.memory_space<semaphore_mem>>) src(%arg7 : memref<80xf32, #tpu.memory_space<vmem>>) dst(%dma_wait3A_486 : memref<10240xf32, #tpu.memory_space<vmem_shared>>)
    %dma_wait3A_487 = arith.constant 0 : i32
    %dma_wait3A_488 = tpu.memref_slice %arg6[%dma_wait3A_487] : memref<10240xf32, #tpu.memory_space<vmem_shared>> -> memref<10240xf32, #tpu.memory_space<vmem_shared>>
    tpu.wait_indirect_dma semaphore(%arg26 : memref<!tpu.dma_semaphore, #tpu.memory_space<semaphore_mem>>) src(%arg7 : memref<80xf32, #tpu.memory_space<vmem>>) dst(%dma_wait3A_488 : memref<10240xf32, #tpu.memory_space<vmem_shared>>)
    %dma_wait3A_489 = arith.constant 0 : i32
    %dma_wait3A_490 = tpu.memref_slice %arg6[%dma_wait3A_489] : memref<10240xf32, #tpu.memory_space<vmem_shared>> -> memref<10240xf32, #tpu.memory_space<vmem_shared>>
    tpu.wait_indirect_dma semaphore(%arg26 : memref<!tpu.dma_semaphore, #tpu.memory_space<semaphore_mem>>) src(%arg7 : memref<80xf32, #tpu.memory_space<vmem>>) dst(%dma_wait3A_490 : memref<10240xf32, #tpu.memory_space<vmem_shared>>)
    %dma_wait3A_491 = arith.constant 0 : i32
    %dma_wait3A_492 = tpu.memref_slice %arg6[%dma_wait3A_491] : memref<10240xf32, #tpu.memory_space<vmem_shared>> -> memref<10240xf32, #tpu.memory_space<vmem_shared>>
    tpu.wait_indirect_dma semaphore(%arg26 : memref<!tpu.dma_semaphore, #tpu.memory_space<semaphore_mem>>) src(%arg7 : memref<80xf32, #tpu.memory_space<vmem>>) dst(%dma_wait3A_492 : memref<10240xf32, #tpu.memory_space<vmem_shared>>)
    %dma_wait3A_493 = arith.constant 0 : i32
    %dma_wait3A_494 = tpu.memref_slice %arg6[%dma_wait3A_493] : memref<10240xf32, #tpu.memory_space<vmem_shared>> -> memref<10240xf32, #tpu.memory_space<vmem_shared>>
    tpu.wait_indirect_dma semaphore(%arg26 : memref<!tpu.dma_semaphore, #tpu.memory_space<semaphore_mem>>) src(%arg7 : memref<80xf32, #tpu.memory_space<vmem>>) dst(%dma_wait3A_494 : memref<10240xf32, #tpu.memory_space<vmem_shared>>)
    %dma_wait3A_495 = arith.constant 0 : i32
    %dma_wait3A_496 = tpu.memref_slice %arg6[%dma_wait3A_495] : memref<10240xf32, #tpu.memory_space<vmem_shared>> -> memref<10240xf32, #tpu.memory_space<vmem_shared>>
    tpu.wait_indirect_dma semaphore(%arg26 : memref<!tpu.dma_semaphore, #tpu.memory_space<semaphore_mem>>) src(%arg7 : memref<80xf32, #tpu.memory_space<vmem>>) dst(%dma_wait3A_496 : memref<10240xf32, #tpu.memory_space<vmem_shared>>)
    %dma_wait3A_497 = arith.constant 0 : i32
    %dma_wait3A_498 = tpu.memref_slice %arg6[%dma_wait3A_497] : memref<10240xf32, #tpu.memory_space<vmem_shared>> -> memref<10240xf32, #tpu.memory_space<vmem_shared>>
    tpu.wait_indirect_dma semaphore(%arg26 : memref<!tpu.dma_semaphore, #tpu.memory_space<semaphore_mem>>) src(%arg7 : memref<80xf32, #tpu.memory_space<vmem>>) dst(%dma_wait3A_498 : memref<10240xf32, #tpu.memory_space<vmem_shared>>)
    %dma_wait3A_499 = arith.constant 0 : i32
    %dma_wait3A_500 = tpu.memref_slice %arg6[%dma_wait3A_499] : memref<10240xf32, #tpu.memory_space<vmem_shared>> -> memref<10240xf32, #tpu.memory_space<vmem_shared>>
    tpu.wait_indirect_dma semaphore(%arg26 : memref<!tpu.dma_semaphore, #tpu.memory_space<semaphore_mem>>) src(%arg7 : memref<80xf32, #tpu.memory_space<vmem>>) dst(%dma_wait3A_500 : memref<10240xf32, #tpu.memory_space<vmem_shared>>)
    %dma_wait3A_501 = arith.constant 0 : i32
    %dma_wait3A_502 = tpu.memref_slice %arg6[%dma_wait3A_501] : memref<10240xf32, #tpu.memory_space<vmem_shared>> -> memref<10240xf32, #tpu.memory_space<vmem_shared>>
    tpu.wait_indirect_dma semaphore(%arg26 : memref<!tpu.dma_semaphore, #tpu.memory_space<semaphore_mem>>) src(%arg7 : memref<80xf32, #tpu.memory_space<vmem>>) dst(%dma_wait3A_502 : memref<10240xf32, #tpu.memory_space<vmem_shared>>)
    %dma_wait3A_503 = arith.constant 0 : i32
    %dma_wait3A_504 = tpu.memref_slice %arg6[%dma_wait3A_503] : memref<10240xf32, #tpu.memory_space<vmem_shared>> -> memref<10240xf32, #tpu.memory_space<vmem_shared>>
    tpu.wait_indirect_dma semaphore(%arg26 : memref<!tpu.dma_semaphore, #tpu.memory_space<semaphore_mem>>) src(%arg7 : memref<80xf32, #tpu.memory_space<vmem>>) dst(%dma_wait3A_504 : memref<10240xf32, #tpu.memory_space<vmem_shared>>)
    %dma_wait3A_505 = arith.constant 0 : i32
    %dma_wait3A_506 = tpu.memref_slice %arg6[%dma_wait3A_505] : memref<10240xf32, #tpu.memory_space<vmem_shared>> -> memref<10240xf32, #tpu.memory_space<vmem_shared>>
    tpu.wait_indirect_dma semaphore(%arg26 : memref<!tpu.dma_semaphore, #tpu.memory_space<semaphore_mem>>) src(%arg7 : memref<80xf32, #tpu.memory_space<vmem>>) dst(%dma_wait3A_506 : memref<10240xf32, #tpu.memory_space<vmem_shared>>)
    %dma_wait3A_507 = arith.constant 0 : i32
    %dma_wait3A_508 = tpu.memref_slice %arg6[%dma_wait3A_507] : memref<10240xf32, #tpu.memory_space<vmem_shared>> -> memref<10240xf32, #tpu.memory_space<vmem_shared>>
    tpu.wait_indirect_dma semaphore(%arg26 : memref<!tpu.dma_semaphore, #tpu.memory_space<semaphore_mem>>) src(%arg7 : memref<80xf32, #tpu.memory_space<vmem>>) dst(%dma_wait3A_508 : memref<10240xf32, #tpu.memory_space<vmem_shared>>)
    %dma_wait3A_509 = arith.constant 0 : i32
    %dma_wait3A_510 = tpu.memref_slice %arg6[%dma_wait3A_509] : memref<10240xf32, #tpu.memory_space<vmem_shared>> -> memref<10240xf32, #tpu.memory_space<vmem_shared>>
    tpu.wait_indirect_dma semaphore(%arg26 : memref<!tpu.dma_semaphore, #tpu.memory_space<semaphore_mem>>) src(%arg7 : memref<80xf32, #tpu.memory_space<vmem>>) dst(%dma_wait3A_510 : memref<10240xf32, #tpu.memory_space<vmem_shared>>)
    %add3A_511 = arith.constant 3840 : i32
    %add3A_512 = arith.addi %mul3A_2, %add3A_511 : i32
    %dma_start3A_513 = tpu.memref_slice %arg2[%add3A_512] : memref<320000xi32, #tpu.memory_space<hbm>> -> memref<80xi32, #tpu.memory_space<hbm>>
    %dma_start3A_514 = tpu.memref_slice %arg2[%add3A_512] : memref<320000xi32, #tpu.memory_space<hbm>> -> memref<80xi32, #tpu.memory_space<hbm>>
    tpu.enqueue_dma source(%dma_start3A_514 : memref<80xi32, #tpu.memory_space<hbm>>) target(%arg9 : memref<80xi32, #tpu.memory_space<vmem>>) target_semaphore(%arg25 : memref<!tpu.dma_semaphore, #tpu.memory_space<semaphore_mem>>)
    %add3A_515 = arith.constant 3920 : i32
    %add3A_516 = arith.addi %mul3A_2, %add3A_515 : i32
    %dma_start3A_517 = tpu.memref_slice %arg2[%add3A_516] : memref<320000xi32, #tpu.memory_space<hbm>> -> memref<80xi32, #tpu.memory_space<hbm>>
    %dma_start3A_518 = tpu.memref_slice %arg2[%add3A_516] : memref<320000xi32, #tpu.memory_space<hbm>> -> memref<80xi32, #tpu.memory_space<hbm>>
    tpu.enqueue_dma source(%dma_start3A_518 : memref<80xi32, #tpu.memory_space<hbm>>) target(%arg10 : memref<80xi32, #tpu.memory_space<vmem>>) target_semaphore(%arg25 : memref<!tpu.dma_semaphore, #tpu.memory_space<semaphore_mem>>)
    %add3A_519 = arith.constant 4000 : i32
    %add3A_520 = arith.addi %mul3A_2, %add3A_519 : i32
    %dma_start3A_521 = tpu.memref_slice %arg2[%add3A_520] : memref<320000xi32, #tpu.memory_space<hbm>> -> memref<80xi32, #tpu.memory_space<hbm>>
    %dma_start3A_522 = tpu.memref_slice %arg2[%add3A_520] : memref<320000xi32, #tpu.memory_space<hbm>> -> memref<80xi32, #tpu.memory_space<hbm>>
    tpu.enqueue_dma source(%dma_start3A_522 : memref<80xi32, #tpu.memory_space<hbm>>) target(%arg11 : memref<80xi32, #tpu.memory_space<vmem>>) target_semaphore(%arg25 : memref<!tpu.dma_semaphore, #tpu.memory_space<semaphore_mem>>)
    %add3A_523 = arith.constant 4080 : i32
    %add3A_524 = arith.addi %mul3A_2, %add3A_523 : i32
    %dma_start3A_525 = tpu.memref_slice %arg2[%add3A_524] : memref<320000xi32, #tpu.memory_space<hbm>> -> memref<80xi32, #tpu.memory_space<hbm>>
    %dma_start3A_526 = tpu.memref_slice %arg2[%add3A_524] : memref<320000xi32, #tpu.memory_space<hbm>> -> memref<80xi32, #tpu.memory_space<hbm>>
    tpu.enqueue_dma source(%dma_start3A_526 : memref<80xi32, #tpu.memory_space<hbm>>) target(%arg12 : memref<80xi32, #tpu.memory_space<vmem>>) target_semaphore(%arg25 : memref<!tpu.dma_semaphore, #tpu.memory_space<semaphore_mem>>)
    %add3A_527 = arith.constant 4160 : i32
    %add3A_528 = arith.addi %mul3A_2, %add3A_527 : i32
    %dma_start3A_529 = tpu.memref_slice %arg2[%add3A_528] : memref<320000xi32, #tpu.memory_space<hbm>> -> memref<80xi32, #tpu.memory_space<hbm>>
    %dma_start3A_530 = tpu.memref_slice %arg2[%add3A_528] : memref<320000xi32, #tpu.memory_space<hbm>> -> memref<80xi32, #tpu.memory_space<hbm>>
    tpu.enqueue_dma source(%dma_start3A_530 : memref<80xi32, #tpu.memory_space<hbm>>) target(%arg13 : memref<80xi32, #tpu.memory_space<vmem>>) target_semaphore(%arg25 : memref<!tpu.dma_semaphore, #tpu.memory_space<semaphore_mem>>)
    %add3A_531 = arith.constant 4240 : i32
    %add3A_532 = arith.addi %mul3A_2, %add3A_531 : i32
    %dma_start3A_533 = tpu.memref_slice %arg2[%add3A_532] : memref<320000xi32, #tpu.memory_space<hbm>> -> memref<80xi32, #tpu.memory_space<hbm>>
    %dma_start3A_534 = tpu.memref_slice %arg2[%add3A_532] : memref<320000xi32, #tpu.memory_space<hbm>> -> memref<80xi32, #tpu.memory_space<hbm>>
    tpu.enqueue_dma source(%dma_start3A_534 : memref<80xi32, #tpu.memory_space<hbm>>) target(%arg14 : memref<80xi32, #tpu.memory_space<vmem>>) target_semaphore(%arg25 : memref<!tpu.dma_semaphore, #tpu.memory_space<semaphore_mem>>)
    %add3A_535 = arith.constant 4320 : i32
    %add3A_536 = arith.addi %mul3A_2, %add3A_535 : i32
    %dma_start3A_537 = tpu.memref_slice %arg2[%add3A_536] : memref<320000xi32, #tpu.memory_space<hbm>> -> memref<80xi32, #tpu.memory_space<hbm>>
    %dma_start3A_538 = tpu.memref_slice %arg2[%add3A_536] : memref<320000xi32, #tpu.memory_space<hbm>> -> memref<80xi32, #tpu.memory_space<hbm>>
    tpu.enqueue_dma source(%dma_start3A_538 : memref<80xi32, #tpu.memory_space<hbm>>) target(%arg15 : memref<80xi32, #tpu.memory_space<vmem>>) target_semaphore(%arg25 : memref<!tpu.dma_semaphore, #tpu.memory_space<semaphore_mem>>)
    %add3A_539 = arith.constant 4400 : i32
    %add3A_540 = arith.addi %mul3A_2, %add3A_539 : i32
    %dma_start3A_541 = tpu.memref_slice %arg2[%add3A_540] : memref<320000xi32, #tpu.memory_space<hbm>> -> memref<80xi32, #tpu.memory_space<hbm>>
    %dma_start3A_542 = tpu.memref_slice %arg2[%add3A_540] : memref<320000xi32, #tpu.memory_space<hbm>> -> memref<80xi32, #tpu.memory_space<hbm>>
    tpu.enqueue_dma source(%dma_start3A_542 : memref<80xi32, #tpu.memory_space<hbm>>) target(%arg16 : memref<80xi32, #tpu.memory_space<vmem>>) target_semaphore(%arg25 : memref<!tpu.dma_semaphore, #tpu.memory_space<semaphore_mem>>)
    %add3A_543 = arith.constant 4480 : i32
    %add3A_544 = arith.addi %mul3A_2, %add3A_543 : i32
    %dma_start3A_545 = tpu.memref_slice %arg2[%add3A_544] : memref<320000xi32, #tpu.memory_space<hbm>> -> memref<80xi32, #tpu.memory_space<hbm>>
    %dma_start3A_546 = tpu.memref_slice %arg2[%add3A_544] : memref<320000xi32, #tpu.memory_space<hbm>> -> memref<80xi32, #tpu.memory_space<hbm>>
    tpu.enqueue_dma source(%dma_start3A_546 : memref<80xi32, #tpu.memory_space<hbm>>) target(%arg17 : memref<80xi32, #tpu.memory_space<vmem>>) target_semaphore(%arg25 : memref<!tpu.dma_semaphore, #tpu.memory_space<semaphore_mem>>)
    %add3A_547 = arith.constant 4560 : i32
    %add3A_548 = arith.addi %mul3A_2, %add3A_547 : i32
    %dma_start3A_549 = tpu.memref_slice %arg2[%add3A_548] : memref<320000xi32, #tpu.memory_space<hbm>> -> memref<80xi32, #tpu.memory_space<hbm>>
    %dma_start3A_550 = tpu.memref_slice %arg2[%add3A_548] : memref<320000xi32, #tpu.memory_space<hbm>> -> memref<80xi32, #tpu.memory_space<hbm>>
    tpu.enqueue_dma source(%dma_start3A_550 : memref<80xi32, #tpu.memory_space<hbm>>) target(%arg18 : memref<80xi32, #tpu.memory_space<vmem>>) target_semaphore(%arg25 : memref<!tpu.dma_semaphore, #tpu.memory_space<semaphore_mem>>)
    %add3A_551 = arith.constant 4640 : i32
    %add3A_552 = arith.addi %mul3A_2, %add3A_551 : i32
    %dma_start3A_553 = tpu.memref_slice %arg2[%add3A_552] : memref<320000xi32, #tpu.memory_space<hbm>> -> memref<80xi32, #tpu.memory_space<hbm>>
    %dma_start3A_554 = tpu.memref_slice %arg2[%add3A_552] : memref<320000xi32, #tpu.memory_space<hbm>> -> memref<80xi32, #tpu.memory_space<hbm>>
    tpu.enqueue_dma source(%dma_start3A_554 : memref<80xi32, #tpu.memory_space<hbm>>) target(%arg19 : memref<80xi32, #tpu.memory_space<vmem>>) target_semaphore(%arg25 : memref<!tpu.dma_semaphore, #tpu.memory_space<semaphore_mem>>)
    %add3A_555 = arith.constant 4720 : i32
    %add3A_556 = arith.addi %mul3A_2, %add3A_555 : i32
    %dma_start3A_557 = tpu.memref_slice %arg2[%add3A_556] : memref<320000xi32, #tpu.memory_space<hbm>> -> memref<80xi32, #tpu.memory_space<hbm>>
    %dma_start3A_558 = tpu.memref_slice %arg2[%add3A_556] : memref<320000xi32, #tpu.memory_space<hbm>> -> memref<80xi32, #tpu.memory_space<hbm>>
    tpu.enqueue_dma source(%dma_start3A_558 : memref<80xi32, #tpu.memory_space<hbm>>) target(%arg20 : memref<80xi32, #tpu.memory_space<vmem>>) target_semaphore(%arg25 : memref<!tpu.dma_semaphore, #tpu.memory_space<semaphore_mem>>)
    %add3A_559 = arith.constant 4800 : i32
    %add3A_560 = arith.addi %mul3A_2, %add3A_559 : i32
    %dma_start3A_561 = tpu.memref_slice %arg2[%add3A_560] : memref<320000xi32, #tpu.memory_space<hbm>> -> memref<80xi32, #tpu.memory_space<hbm>>
    %dma_start3A_562 = tpu.memref_slice %arg2[%add3A_560] : memref<320000xi32, #tpu.memory_space<hbm>> -> memref<80xi32, #tpu.memory_space<hbm>>
    tpu.enqueue_dma source(%dma_start3A_562 : memref<80xi32, #tpu.memory_space<hbm>>) target(%arg21 : memref<80xi32, #tpu.memory_space<vmem>>) target_semaphore(%arg25 : memref<!tpu.dma_semaphore, #tpu.memory_space<semaphore_mem>>)
    %add3A_563 = arith.constant 4880 : i32
    %add3A_564 = arith.addi %mul3A_2, %add3A_563 : i32
    %dma_start3A_565 = tpu.memref_slice %arg2[%add3A_564] : memref<320000xi32, #tpu.memory_space<hbm>> -> memref<80xi32, #tpu.memory_space<hbm>>
    %dma_start3A_566 = tpu.memref_slice %arg2[%add3A_564] : memref<320000xi32, #tpu.memory_space<hbm>> -> memref<80xi32, #tpu.memory_space<hbm>>
    tpu.enqueue_dma source(%dma_start3A_566 : memref<80xi32, #tpu.memory_space<hbm>>) target(%arg22 : memref<80xi32, #tpu.memory_space<vmem>>) target_semaphore(%arg25 : memref<!tpu.dma_semaphore, #tpu.memory_space<semaphore_mem>>)
    %add3A_567 = arith.constant 4960 : i32
    %add3A_568 = arith.addi %mul3A_2, %add3A_567 : i32
    %dma_start3A_569 = tpu.memref_slice %arg2[%add3A_568] : memref<320000xi32, #tpu.memory_space<hbm>> -> memref<80xi32, #tpu.memory_space<hbm>>
    %dma_start3A_570 = tpu.memref_slice %arg2[%add3A_568] : memref<320000xi32, #tpu.memory_space<hbm>> -> memref<80xi32, #tpu.memory_space<hbm>>
    tpu.enqueue_dma source(%dma_start3A_570 : memref<80xi32, #tpu.memory_space<hbm>>) target(%arg23 : memref<80xi32, #tpu.memory_space<vmem>>) target_semaphore(%arg25 : memref<!tpu.dma_semaphore, #tpu.memory_space<semaphore_mem>>)
    %add3A_571 = arith.constant 5040 : i32
    %add3A_572 = arith.addi %mul3A_2, %add3A_571 : i32
    %dma_start3A_573 = tpu.memref_slice %arg2[%add3A_572] : memref<320000xi32, #tpu.memory_space<hbm>> -> memref<80xi32, #tpu.memory_space<hbm>>
    %dma_start3A_574 = tpu.memref_slice %arg2[%add3A_572] : memref<320000xi32, #tpu.memory_space<hbm>> -> memref<80xi32, #tpu.memory_space<hbm>>
    tpu.enqueue_dma source(%dma_start3A_574 : memref<80xi32, #tpu.memory_space<hbm>>) target(%arg24 : memref<80xi32, #tpu.memory_space<vmem>>) target_semaphore(%arg25 : memref<!tpu.dma_semaphore, #tpu.memory_space<semaphore_mem>>)
    %dma_wait3A_575 = tpu.memref_slice %arg2[%add3A_512] : memref<320000xi32, #tpu.memory_space<hbm>> -> memref<80xi32, #tpu.memory_space<hbm>>
    %dma_wait3A_576 = tpu.memref_slice %arg2[%add3A_512] : memref<320000xi32, #tpu.memory_space<hbm>> -> memref<80xi32, #tpu.memory_space<hbm>>
    tpu.wait_dma2 semaphore(%arg25 : memref<!tpu.dma_semaphore, #tpu.memory_space<semaphore_mem>>) src(%dma_wait3A_576 : memref<80xi32, #tpu.memory_space<hbm>>) dst(%arg9 : memref<80xi32, #tpu.memory_space<vmem>>)
    %dma_wait3A_577 = tpu.memref_slice %arg2[%add3A_516] : memref<320000xi32, #tpu.memory_space<hbm>> -> memref<80xi32, #tpu.memory_space<hbm>>
    %dma_wait3A_578 = tpu.memref_slice %arg2[%add3A_516] : memref<320000xi32, #tpu.memory_space<hbm>> -> memref<80xi32, #tpu.memory_space<hbm>>
    tpu.wait_dma2 semaphore(%arg25 : memref<!tpu.dma_semaphore, #tpu.memory_space<semaphore_mem>>) src(%dma_wait3A_578 : memref<80xi32, #tpu.memory_space<hbm>>) dst(%arg10 : memref<80xi32, #tpu.memory_space<vmem>>)
    %dma_wait3A_579 = tpu.memref_slice %arg2[%add3A_520] : memref<320000xi32, #tpu.memory_space<hbm>> -> memref<80xi32, #tpu.memory_space<hbm>>
    %dma_wait3A_580 = tpu.memref_slice %arg2[%add3A_520] : memref<320000xi32, #tpu.memory_space<hbm>> -> memref<80xi32, #tpu.memory_space<hbm>>
    tpu.wait_dma2 semaphore(%arg25 : memref<!tpu.dma_semaphore, #tpu.memory_space<semaphore_mem>>) src(%dma_wait3A_580 : memref<80xi32, #tpu.memory_space<hbm>>) dst(%arg11 : memref<80xi32, #tpu.memory_space<vmem>>)
    %dma_wait3A_581 = tpu.memref_slice %arg2[%add3A_524] : memref<320000xi32, #tpu.memory_space<hbm>> -> memref<80xi32, #tpu.memory_space<hbm>>
    %dma_wait3A_582 = tpu.memref_slice %arg2[%add3A_524] : memref<320000xi32, #tpu.memory_space<hbm>> -> memref<80xi32, #tpu.memory_space<hbm>>
    tpu.wait_dma2 semaphore(%arg25 : memref<!tpu.dma_semaphore, #tpu.memory_space<semaphore_mem>>) src(%dma_wait3A_582 : memref<80xi32, #tpu.memory_space<hbm>>) dst(%arg12 : memref<80xi32, #tpu.memory_space<vmem>>)
    %dma_wait3A_583 = tpu.memref_slice %arg2[%add3A_528] : memref<320000xi32, #tpu.memory_space<hbm>> -> memref<80xi32, #tpu.memory_space<hbm>>
    %dma_wait3A_584 = tpu.memref_slice %arg2[%add3A_528] : memref<320000xi32, #tpu.memory_space<hbm>> -> memref<80xi32, #tpu.memory_space<hbm>>
    tpu.wait_dma2 semaphore(%arg25 : memref<!tpu.dma_semaphore, #tpu.memory_space<semaphore_mem>>) src(%dma_wait3A_584 : memref<80xi32, #tpu.memory_space<hbm>>) dst(%arg13 : memref<80xi32, #tpu.memory_space<vmem>>)
    %dma_wait3A_585 = tpu.memref_slice %arg2[%add3A_532] : memref<320000xi32, #tpu.memory_space<hbm>> -> memref<80xi32, #tpu.memory_space<hbm>>
    %dma_wait3A_586 = tpu.memref_slice %arg2[%add3A_532] : memref<320000xi32, #tpu.memory_space<hbm>> -> memref<80xi32, #tpu.memory_space<hbm>>
    tpu.wait_dma2 semaphore(%arg25 : memref<!tpu.dma_semaphore, #tpu.memory_space<semaphore_mem>>) src(%dma_wait3A_586 : memref<80xi32, #tpu.memory_space<hbm>>) dst(%arg14 : memref<80xi32, #tpu.memory_space<vmem>>)
    %dma_wait3A_587 = tpu.memref_slice %arg2[%add3A_536] : memref<320000xi32, #tpu.memory_space<hbm>> -> memref<80xi32, #tpu.memory_space<hbm>>
    %dma_wait3A_588 = tpu.memref_slice %arg2[%add3A_536] : memref<320000xi32, #tpu.memory_space<hbm>> -> memref<80xi32, #tpu.memory_space<hbm>>
    tpu.wait_dma2 semaphore(%arg25 : memref<!tpu.dma_semaphore, #tpu.memory_space<semaphore_mem>>) src(%dma_wait3A_588 : memref<80xi32, #tpu.memory_space<hbm>>) dst(%arg15 : memref<80xi32, #tpu.memory_space<vmem>>)
    %dma_wait3A_589 = tpu.memref_slice %arg2[%add3A_540] : memref<320000xi32, #tpu.memory_space<hbm>> -> memref<80xi32, #tpu.memory_space<hbm>>
    %dma_wait3A_590 = tpu.memref_slice %arg2[%add3A_540] : memref<320000xi32, #tpu.memory_space<hbm>> -> memref<80xi32, #tpu.memory_space<hbm>>
    tpu.wait_dma2 semaphore(%arg25 : memref<!tpu.dma_semaphore, #tpu.memory_space<semaphore_mem>>) src(%dma_wait3A_590 : memref<80xi32, #tpu.memory_space<hbm>>) dst(%arg16 : memref<80xi32, #tpu.memory_space<vmem>>)
    %dma_wait3A_591 = tpu.memref_slice %arg2[%add3A_544] : memref<320000xi32, #tpu.memory_space<hbm>> -> memref<80xi32, #tpu.memory_space<hbm>>
    %dma_wait3A_592 = tpu.memref_slice %arg2[%add3A_544] : memref<320000xi32, #tpu.memory_space<hbm>> -> memref<80xi32, #tpu.memory_space<hbm>>
    tpu.wait_dma2 semaphore(%arg25 : memref<!tpu.dma_semaphore, #tpu.memory_space<semaphore_mem>>) src(%dma_wait3A_592 : memref<80xi32, #tpu.memory_space<hbm>>) dst(%arg17 : memref<80xi32, #tpu.memory_space<vmem>>)
    %dma_wait3A_593 = tpu.memref_slice %arg2[%add3A_548] : memref<320000xi32, #tpu.memory_space<hbm>> -> memref<80xi32, #tpu.memory_space<hbm>>
    %dma_wait3A_594 = tpu.memref_slice %arg2[%add3A_548] : memref<320000xi32, #tpu.memory_space<hbm>> -> memref<80xi32, #tpu.memory_space<hbm>>
    tpu.wait_dma2 semaphore(%arg25 : memref<!tpu.dma_semaphore, #tpu.memory_space<semaphore_mem>>) src(%dma_wait3A_594 : memref<80xi32, #tpu.memory_space<hbm>>) dst(%arg18 : memref<80xi32, #tpu.memory_space<vmem>>)
    %dma_wait3A_595 = tpu.memref_slice %arg2[%add3A_552] : memref<320000xi32, #tpu.memory_space<hbm>> -> memref<80xi32, #tpu.memory_space<hbm>>
    %dma_wait3A_596 = tpu.memref_slice %arg2[%add3A_552] : memref<320000xi32, #tpu.memory_space<hbm>> -> memref<80xi32, #tpu.memory_space<hbm>>
    tpu.wait_dma2 semaphore(%arg25 : memref<!tpu.dma_semaphore, #tpu.memory_space<semaphore_mem>>) src(%dma_wait3A_596 : memref<80xi32, #tpu.memory_space<hbm>>) dst(%arg19 : memref<80xi32, #tpu.memory_space<vmem>>)
    %dma_wait3A_597 = tpu.memref_slice %arg2[%add3A_556] : memref<320000xi32, #tpu.memory_space<hbm>> -> memref<80xi32, #tpu.memory_space<hbm>>
    %dma_wait3A_598 = tpu.memref_slice %arg2[%add3A_556] : memref<320000xi32, #tpu.memory_space<hbm>> -> memref<80xi32, #tpu.memory_space<hbm>>
    tpu.wait_dma2 semaphore(%arg25 : memref<!tpu.dma_semaphore, #tpu.memory_space<semaphore_mem>>) src(%dma_wait3A_598 : memref<80xi32, #tpu.memory_space<hbm>>) dst(%arg20 : memref<80xi32, #tpu.memory_space<vmem>>)
    %dma_wait3A_599 = tpu.memref_slice %arg2[%add3A_560] : memref<320000xi32, #tpu.memory_space<hbm>> -> memref<80xi32, #tpu.memory_space<hbm>>
    %dma_wait3A_600 = tpu.memref_slice %arg2[%add3A_560] : memref<320000xi32, #tpu.memory_space<hbm>> -> memref<80xi32, #tpu.memory_space<hbm>>
    tpu.wait_dma2 semaphore(%arg25 : memref<!tpu.dma_semaphore, #tpu.memory_space<semaphore_mem>>) src(%dma_wait3A_600 : memref<80xi32, #tpu.memory_space<hbm>>) dst(%arg21 : memref<80xi32, #tpu.memory_space<vmem>>)
    %dma_wait3A_601 = tpu.memref_slice %arg2[%add3A_564] : memref<320000xi32, #tpu.memory_space<hbm>> -> memref<80xi32, #tpu.memory_space<hbm>>
    %dma_wait3A_602 = tpu.memref_slice %arg2[%add3A_564] : memref<320000xi32, #tpu.memory_space<hbm>> -> memref<80xi32, #tpu.memory_space<hbm>>
    tpu.wait_dma2 semaphore(%arg25 : memref<!tpu.dma_semaphore, #tpu.memory_space<semaphore_mem>>) src(%dma_wait3A_602 : memref<80xi32, #tpu.memory_space<hbm>>) dst(%arg22 : memref<80xi32, #tpu.memory_space<vmem>>)
    %dma_wait3A_603 = tpu.memref_slice %arg2[%add3A_568] : memref<320000xi32, #tpu.memory_space<hbm>> -> memref<80xi32, #tpu.memory_space<hbm>>
    %dma_wait3A_604 = tpu.memref_slice %arg2[%add3A_568] : memref<320000xi32, #tpu.memory_space<hbm>> -> memref<80xi32, #tpu.memory_space<hbm>>
    tpu.wait_dma2 semaphore(%arg25 : memref<!tpu.dma_semaphore, #tpu.memory_space<semaphore_mem>>) src(%dma_wait3A_604 : memref<80xi32, #tpu.memory_space<hbm>>) dst(%arg23 : memref<80xi32, #tpu.memory_space<vmem>>)
    %dma_wait3A_605 = tpu.memref_slice %arg2[%add3A_572] : memref<320000xi32, #tpu.memory_space<hbm>> -> memref<80xi32, #tpu.memory_space<hbm>>
    %dma_wait3A_606 = tpu.memref_slice %arg2[%add3A_572] : memref<320000xi32, #tpu.memory_space<hbm>> -> memref<80xi32, #tpu.memory_space<hbm>>
    tpu.wait_dma2 semaphore(%arg25 : memref<!tpu.dma_semaphore, #tpu.memory_space<semaphore_mem>>) src(%dma_wait3A_606 : memref<80xi32, #tpu.memory_space<hbm>>) dst(%arg24 : memref<80xi32, #tpu.memory_space<vmem>>)
    %dma_start3A_607 = arith.constant 0 : i32
    %dma_start3A_608 = tpu.memref_slice %arg6[%dma_start3A_607] : memref<10240xf32, #tpu.memory_space<vmem_shared>> -> memref<10240xf32, #tpu.memory_space<vmem_shared>>
    tpu.enqueue_indirect_dma source(%arg7 : memref<80xf32, #tpu.memory_space<vmem>>) target(%dma_start3A_608 : memref<10240xf32, #tpu.memory_space<vmem_shared>>) offsets(%arg9 : memref<80xi32, #tpu.memory_space<vmem>>) semaphore(%arg26 : memref<!tpu.dma_semaphore, #tpu.memory_space<semaphore_mem>>) {add = true}
    %dma_start3A_609 = arith.constant 0 : i32
    %dma_start3A_610 = tpu.memref_slice %arg6[%dma_start3A_609] : memref<10240xf32, #tpu.memory_space<vmem_shared>> -> memref<10240xf32, #tpu.memory_space<vmem_shared>>
    tpu.enqueue_indirect_dma source(%arg7 : memref<80xf32, #tpu.memory_space<vmem>>) target(%dma_start3A_610 : memref<10240xf32, #tpu.memory_space<vmem_shared>>) offsets(%arg10 : memref<80xi32, #tpu.memory_space<vmem>>) semaphore(%arg26 : memref<!tpu.dma_semaphore, #tpu.memory_space<semaphore_mem>>) {add = true}
    %dma_start3A_611 = arith.constant 0 : i32
    %dma_start3A_612 = tpu.memref_slice %arg6[%dma_start3A_611] : memref<10240xf32, #tpu.memory_space<vmem_shared>> -> memref<10240xf32, #tpu.memory_space<vmem_shared>>
    tpu.enqueue_indirect_dma source(%arg7 : memref<80xf32, #tpu.memory_space<vmem>>) target(%dma_start3A_612 : memref<10240xf32, #tpu.memory_space<vmem_shared>>) offsets(%arg11 : memref<80xi32, #tpu.memory_space<vmem>>) semaphore(%arg26 : memref<!tpu.dma_semaphore, #tpu.memory_space<semaphore_mem>>) {add = true}
    %dma_start3A_613 = arith.constant 0 : i32
    %dma_start3A_614 = tpu.memref_slice %arg6[%dma_start3A_613] : memref<10240xf32, #tpu.memory_space<vmem_shared>> -> memref<10240xf32, #tpu.memory_space<vmem_shared>>
    tpu.enqueue_indirect_dma source(%arg7 : memref<80xf32, #tpu.memory_space<vmem>>) target(%dma_start3A_614 : memref<10240xf32, #tpu.memory_space<vmem_shared>>) offsets(%arg12 : memref<80xi32, #tpu.memory_space<vmem>>) semaphore(%arg26 : memref<!tpu.dma_semaphore, #tpu.memory_space<semaphore_mem>>) {add = true}
    %dma_start3A_615 = arith.constant 0 : i32
    %dma_start3A_616 = tpu.memref_slice %arg6[%dma_start3A_615] : memref<10240xf32, #tpu.memory_space<vmem_shared>> -> memref<10240xf32, #tpu.memory_space<vmem_shared>>
    tpu.enqueue_indirect_dma source(%arg7 : memref<80xf32, #tpu.memory_space<vmem>>) target(%dma_start3A_616 : memref<10240xf32, #tpu.memory_space<vmem_shared>>) offsets(%arg13 : memref<80xi32, #tpu.memory_space<vmem>>) semaphore(%arg26 : memref<!tpu.dma_semaphore, #tpu.memory_space<semaphore_mem>>) {add = true}
    %dma_start3A_617 = arith.constant 0 : i32
    %dma_start3A_618 = tpu.memref_slice %arg6[%dma_start3A_617] : memref<10240xf32, #tpu.memory_space<vmem_shared>> -> memref<10240xf32, #tpu.memory_space<vmem_shared>>
    tpu.enqueue_indirect_dma source(%arg7 : memref<80xf32, #tpu.memory_space<vmem>>) target(%dma_start3A_618 : memref<10240xf32, #tpu.memory_space<vmem_shared>>) offsets(%arg14 : memref<80xi32, #tpu.memory_space<vmem>>) semaphore(%arg26 : memref<!tpu.dma_semaphore, #tpu.memory_space<semaphore_mem>>) {add = true}
    %dma_start3A_619 = arith.constant 0 : i32
    %dma_start3A_620 = tpu.memref_slice %arg6[%dma_start3A_619] : memref<10240xf32, #tpu.memory_space<vmem_shared>> -> memref<10240xf32, #tpu.memory_space<vmem_shared>>
    tpu.enqueue_indirect_dma source(%arg7 : memref<80xf32, #tpu.memory_space<vmem>>) target(%dma_start3A_620 : memref<10240xf32, #tpu.memory_space<vmem_shared>>) offsets(%arg15 : memref<80xi32, #tpu.memory_space<vmem>>) semaphore(%arg26 : memref<!tpu.dma_semaphore, #tpu.memory_space<semaphore_mem>>) {add = true}
    %dma_start3A_621 = arith.constant 0 : i32
    %dma_start3A_622 = tpu.memref_slice %arg6[%dma_start3A_621] : memref<10240xf32, #tpu.memory_space<vmem_shared>> -> memref<10240xf32, #tpu.memory_space<vmem_shared>>
    tpu.enqueue_indirect_dma source(%arg7 : memref<80xf32, #tpu.memory_space<vmem>>) target(%dma_start3A_622 : memref<10240xf32, #tpu.memory_space<vmem_shared>>) offsets(%arg16 : memref<80xi32, #tpu.memory_space<vmem>>) semaphore(%arg26 : memref<!tpu.dma_semaphore, #tpu.memory_space<semaphore_mem>>) {add = true}
    %dma_start3A_623 = arith.constant 0 : i32
    %dma_start3A_624 = tpu.memref_slice %arg6[%dma_start3A_623] : memref<10240xf32, #tpu.memory_space<vmem_shared>> -> memref<10240xf32, #tpu.memory_space<vmem_shared>>
    tpu.enqueue_indirect_dma source(%arg7 : memref<80xf32, #tpu.memory_space<vmem>>) target(%dma_start3A_624 : memref<10240xf32, #tpu.memory_space<vmem_shared>>) offsets(%arg17 : memref<80xi32, #tpu.memory_space<vmem>>) semaphore(%arg26 : memref<!tpu.dma_semaphore, #tpu.memory_space<semaphore_mem>>) {add = true}
    %dma_start3A_625 = arith.constant 0 : i32
    %dma_start3A_626 = tpu.memref_slice %arg6[%dma_start3A_625] : memref<10240xf32, #tpu.memory_space<vmem_shared>> -> memref<10240xf32, #tpu.memory_space<vmem_shared>>
    tpu.enqueue_indirect_dma source(%arg7 : memref<80xf32, #tpu.memory_space<vmem>>) target(%dma_start3A_626 : memref<10240xf32, #tpu.memory_space<vmem_shared>>) offsets(%arg18 : memref<80xi32, #tpu.memory_space<vmem>>) semaphore(%arg26 : memref<!tpu.dma_semaphore, #tpu.memory_space<semaphore_mem>>) {add = true}
    %dma_start3A_627 = arith.constant 0 : i32
    %dma_start3A_628 = tpu.memref_slice %arg6[%dma_start3A_627] : memref<10240xf32, #tpu.memory_space<vmem_shared>> -> memref<10240xf32, #tpu.memory_space<vmem_shared>>
    tpu.enqueue_indirect_dma source(%arg7 : memref<80xf32, #tpu.memory_space<vmem>>) target(%dma_start3A_628 : memref<10240xf32, #tpu.memory_space<vmem_shared>>) offsets(%arg19 : memref<80xi32, #tpu.memory_space<vmem>>) semaphore(%arg26 : memref<!tpu.dma_semaphore, #tpu.memory_space<semaphore_mem>>) {add = true}
    %dma_start3A_629 = arith.constant 0 : i32
    %dma_start3A_630 = tpu.memref_slice %arg6[%dma_start3A_629] : memref<10240xf32, #tpu.memory_space<vmem_shared>> -> memref<10240xf32, #tpu.memory_space<vmem_shared>>
    tpu.enqueue_indirect_dma source(%arg7 : memref<80xf32, #tpu.memory_space<vmem>>) target(%dma_start3A_630 : memref<10240xf32, #tpu.memory_space<vmem_shared>>) offsets(%arg20 : memref<80xi32, #tpu.memory_space<vmem>>) semaphore(%arg26 : memref<!tpu.dma_semaphore, #tpu.memory_space<semaphore_mem>>) {add = true}
    %dma_start3A_631 = arith.constant 0 : i32
    %dma_start3A_632 = tpu.memref_slice %arg6[%dma_start3A_631] : memref<10240xf32, #tpu.memory_space<vmem_shared>> -> memref<10240xf32, #tpu.memory_space<vmem_shared>>
    tpu.enqueue_indirect_dma source(%arg7 : memref<80xf32, #tpu.memory_space<vmem>>) target(%dma_start3A_632 : memref<10240xf32, #tpu.memory_space<vmem_shared>>) offsets(%arg21 : memref<80xi32, #tpu.memory_space<vmem>>) semaphore(%arg26 : memref<!tpu.dma_semaphore, #tpu.memory_space<semaphore_mem>>) {add = true}
    %dma_start3A_633 = arith.constant 0 : i32
    %dma_start3A_634 = tpu.memref_slice %arg6[%dma_start3A_633] : memref<10240xf32, #tpu.memory_space<vmem_shared>> -> memref<10240xf32, #tpu.memory_space<vmem_shared>>
    tpu.enqueue_indirect_dma source(%arg7 : memref<80xf32, #tpu.memory_space<vmem>>) target(%dma_start3A_634 : memref<10240xf32, #tpu.memory_space<vmem_shared>>) offsets(%arg22 : memref<80xi32, #tpu.memory_space<vmem>>) semaphore(%arg26 : memref<!tpu.dma_semaphore, #tpu.memory_space<semaphore_mem>>) {add = true}
    %dma_start3A_635 = arith.constant 0 : i32
    %dma_start3A_636 = tpu.memref_slice %arg6[%dma_start3A_635] : memref<10240xf32, #tpu.memory_space<vmem_shared>> -> memref<10240xf32, #tpu.memory_space<vmem_shared>>
    tpu.enqueue_indirect_dma source(%arg7 : memref<80xf32, #tpu.memory_space<vmem>>) target(%dma_start3A_636 : memref<10240xf32, #tpu.memory_space<vmem_shared>>) offsets(%arg23 : memref<80xi32, #tpu.memory_space<vmem>>) semaphore(%arg26 : memref<!tpu.dma_semaphore, #tpu.memory_space<semaphore_mem>>) {add = true}
    %dma_start3A_637 = arith.constant 0 : i32
    %dma_start3A_638 = tpu.memref_slice %arg6[%dma_start3A_637] : memref<10240xf32, #tpu.memory_space<vmem_shared>> -> memref<10240xf32, #tpu.memory_space<vmem_shared>>
    tpu.enqueue_indirect_dma source(%arg7 : memref<80xf32, #tpu.memory_space<vmem>>) target(%dma_start3A_638 : memref<10240xf32, #tpu.memory_space<vmem_shared>>) offsets(%arg24 : memref<80xi32, #tpu.memory_space<vmem>>) semaphore(%arg26 : memref<!tpu.dma_semaphore, #tpu.memory_space<semaphore_mem>>) {add = true}
    %dma_wait3A_639 = arith.constant 0 : i32
    %dma_wait3A_640 = tpu.memref_slice %arg6[%dma_wait3A_639] : memref<10240xf32, #tpu.memory_space<vmem_shared>> -> memref<10240xf32, #tpu.memory_space<vmem_shared>>
    tpu.wait_indirect_dma semaphore(%arg26 : memref<!tpu.dma_semaphore, #tpu.memory_space<semaphore_mem>>) src(%arg7 : memref<80xf32, #tpu.memory_space<vmem>>) dst(%dma_wait3A_640 : memref<10240xf32, #tpu.memory_space<vmem_shared>>)
    %dma_wait3A_641 = arith.constant 0 : i32
    %dma_wait3A_642 = tpu.memref_slice %arg6[%dma_wait3A_641] : memref<10240xf32, #tpu.memory_space<vmem_shared>> -> memref<10240xf32, #tpu.memory_space<vmem_shared>>
    tpu.wait_indirect_dma semaphore(%arg26 : memref<!tpu.dma_semaphore, #tpu.memory_space<semaphore_mem>>) src(%arg7 : memref<80xf32, #tpu.memory_space<vmem>>) dst(%dma_wait3A_642 : memref<10240xf32, #tpu.memory_space<vmem_shared>>)
    %dma_wait3A_643 = arith.constant 0 : i32
    %dma_wait3A_644 = tpu.memref_slice %arg6[%dma_wait3A_643] : memref<10240xf32, #tpu.memory_space<vmem_shared>> -> memref<10240xf32, #tpu.memory_space<vmem_shared>>
    tpu.wait_indirect_dma semaphore(%arg26 : memref<!tpu.dma_semaphore, #tpu.memory_space<semaphore_mem>>) src(%arg7 : memref<80xf32, #tpu.memory_space<vmem>>) dst(%dma_wait3A_644 : memref<10240xf32, #tpu.memory_space<vmem_shared>>)
    %dma_wait3A_645 = arith.constant 0 : i32
    %dma_wait3A_646 = tpu.memref_slice %arg6[%dma_wait3A_645] : memref<10240xf32, #tpu.memory_space<vmem_shared>> -> memref<10240xf32, #tpu.memory_space<vmem_shared>>
    tpu.wait_indirect_dma semaphore(%arg26 : memref<!tpu.dma_semaphore, #tpu.memory_space<semaphore_mem>>) src(%arg7 : memref<80xf32, #tpu.memory_space<vmem>>) dst(%dma_wait3A_646 : memref<10240xf32, #tpu.memory_space<vmem_shared>>)
    %dma_wait3A_647 = arith.constant 0 : i32
    %dma_wait3A_648 = tpu.memref_slice %arg6[%dma_wait3A_647] : memref<10240xf32, #tpu.memory_space<vmem_shared>> -> memref<10240xf32, #tpu.memory_space<vmem_shared>>
    tpu.wait_indirect_dma semaphore(%arg26 : memref<!tpu.dma_semaphore, #tpu.memory_space<semaphore_mem>>) src(%arg7 : memref<80xf32, #tpu.memory_space<vmem>>) dst(%dma_wait3A_648 : memref<10240xf32, #tpu.memory_space<vmem_shared>>)
    %dma_wait3A_649 = arith.constant 0 : i32
    %dma_wait3A_650 = tpu.memref_slice %arg6[%dma_wait3A_649] : memref<10240xf32, #tpu.memory_space<vmem_shared>> -> memref<10240xf32, #tpu.memory_space<vmem_shared>>
    tpu.wait_indirect_dma semaphore(%arg26 : memref<!tpu.dma_semaphore, #tpu.memory_space<semaphore_mem>>) src(%arg7 : memref<80xf32, #tpu.memory_space<vmem>>) dst(%dma_wait3A_650 : memref<10240xf32, #tpu.memory_space<vmem_shared>>)
    %dma_wait3A_651 = arith.constant 0 : i32
    %dma_wait3A_652 = tpu.memref_slice %arg6[%dma_wait3A_651] : memref<10240xf32, #tpu.memory_space<vmem_shared>> -> memref<10240xf32, #tpu.memory_space<vmem_shared>>
    tpu.wait_indirect_dma semaphore(%arg26 : memref<!tpu.dma_semaphore, #tpu.memory_space<semaphore_mem>>) src(%arg7 : memref<80xf32, #tpu.memory_space<vmem>>) dst(%dma_wait3A_652 : memref<10240xf32, #tpu.memory_space<vmem_shared>>)
    %dma_wait3A_653 = arith.constant 0 : i32
    %dma_wait3A_654 = tpu.memref_slice %arg6[%dma_wait3A_653] : memref<10240xf32, #tpu.memory_space<vmem_shared>> -> memref<10240xf32, #tpu.memory_space<vmem_shared>>
    tpu.wait_indirect_dma semaphore(%arg26 : memref<!tpu.dma_semaphore, #tpu.memory_space<semaphore_mem>>) src(%arg7 : memref<80xf32, #tpu.memory_space<vmem>>) dst(%dma_wait3A_654 : memref<10240xf32, #tpu.memory_space<vmem_shared>>)
    %dma_wait3A_655 = arith.constant 0 : i32
    %dma_wait3A_656 = tpu.memref_slice %arg6[%dma_wait3A_655] : memref<10240xf32, #tpu.memory_space<vmem_shared>> -> memref<10240xf32, #tpu.memory_space<vmem_shared>>
    tpu.wait_indirect_dma semaphore(%arg26 : memref<!tpu.dma_semaphore, #tpu.memory_space<semaphore_mem>>) src(%arg7 : memref<80xf32, #tpu.memory_space<vmem>>) dst(%dma_wait3A_656 : memref<10240xf32, #tpu.memory_space<vmem_shared>>)
    %dma_wait3A_657 = arith.constant 0 : i32
    %dma_wait3A_658 = tpu.memref_slice %arg6[%dma_wait3A_657] : memref<10240xf32, #tpu.memory_space<vmem_shared>> -> memref<10240xf32, #tpu.memory_space<vmem_shared>>
    tpu.wait_indirect_dma semaphore(%arg26 : memref<!tpu.dma_semaphore, #tpu.memory_space<semaphore_mem>>) src(%arg7 : memref<80xf32, #tpu.memory_space<vmem>>) dst(%dma_wait3A_658 : memref<10240xf32, #tpu.memory_space<vmem_shared>>)
    %dma_wait3A_659 = arith.constant 0 : i32
    %dma_wait3A_660 = tpu.memref_slice %arg6[%dma_wait3A_659] : memref<10240xf32, #tpu.memory_space<vmem_shared>> -> memref<10240xf32, #tpu.memory_space<vmem_shared>>
    tpu.wait_indirect_dma semaphore(%arg26 : memref<!tpu.dma_semaphore, #tpu.memory_space<semaphore_mem>>) src(%arg7 : memref<80xf32, #tpu.memory_space<vmem>>) dst(%dma_wait3A_660 : memref<10240xf32, #tpu.memory_space<vmem_shared>>)
    %dma_wait3A_661 = arith.constant 0 : i32
    %dma_wait3A_662 = tpu.memref_slice %arg6[%dma_wait3A_661] : memref<10240xf32, #tpu.memory_space<vmem_shared>> -> memref<10240xf32, #tpu.memory_space<vmem_shared>>
    tpu.wait_indirect_dma semaphore(%arg26 : memref<!tpu.dma_semaphore, #tpu.memory_space<semaphore_mem>>) src(%arg7 : memref<80xf32, #tpu.memory_space<vmem>>) dst(%dma_wait3A_662 : memref<10240xf32, #tpu.memory_space<vmem_shared>>)
    %dma_wait3A_663 = arith.constant 0 : i32
    %dma_wait3A_664 = tpu.memref_slice %arg6[%dma_wait3A_663] : memref<10240xf32, #tpu.memory_space<vmem_shared>> -> memref<10240xf32, #tpu.memory_space<vmem_shared>>
    tpu.wait_indirect_dma semaphore(%arg26 : memref<!tpu.dma_semaphore, #tpu.memory_space<semaphore_mem>>) src(%arg7 : memref<80xf32, #tpu.memory_space<vmem>>) dst(%dma_wait3A_664 : memref<10240xf32, #tpu.memory_space<vmem_shared>>)
    %dma_wait3A_665 = arith.constant 0 : i32
    %dma_wait3A_666 = tpu.memref_slice %arg6[%dma_wait3A_665] : memref<10240xf32, #tpu.memory_space<vmem_shared>> -> memref<10240xf32, #tpu.memory_space<vmem_shared>>
    tpu.wait_indirect_dma semaphore(%arg26 : memref<!tpu.dma_semaphore, #tpu.memory_space<semaphore_mem>>) src(%arg7 : memref<80xf32, #tpu.memory_space<vmem>>) dst(%dma_wait3A_666 : memref<10240xf32, #tpu.memory_space<vmem_shared>>)
    %dma_wait3A_667 = arith.constant 0 : i32
    %dma_wait3A_668 = tpu.memref_slice %arg6[%dma_wait3A_667] : memref<10240xf32, #tpu.memory_space<vmem_shared>> -> memref<10240xf32, #tpu.memory_space<vmem_shared>>
    tpu.wait_indirect_dma semaphore(%arg26 : memref<!tpu.dma_semaphore, #tpu.memory_space<semaphore_mem>>) src(%arg7 : memref<80xf32, #tpu.memory_space<vmem>>) dst(%dma_wait3A_668 : memref<10240xf32, #tpu.memory_space<vmem_shared>>)
    %dma_wait3A_669 = arith.constant 0 : i32
    %dma_wait3A_670 = tpu.memref_slice %arg6[%dma_wait3A_669] : memref<10240xf32, #tpu.memory_space<vmem_shared>> -> memref<10240xf32, #tpu.memory_space<vmem_shared>>
    tpu.wait_indirect_dma semaphore(%arg26 : memref<!tpu.dma_semaphore, #tpu.memory_space<semaphore_mem>>) src(%arg7 : memref<80xf32, #tpu.memory_space<vmem>>) dst(%dma_wait3A_670 : memref<10240xf32, #tpu.memory_space<vmem_shared>>)
    %add3A_671 = arith.constant 5120 : i32
    %add3A_672 = arith.addi %mul3A_2, %add3A_671 : i32
    %dma_start3A_673 = tpu.memref_slice %arg2[%add3A_672] : memref<320000xi32, #tpu.memory_space<hbm>> -> memref<80xi32, #tpu.memory_space<hbm>>
    %dma_start3A_674 = tpu.memref_slice %arg2[%add3A_672] : memref<320000xi32, #tpu.memory_space<hbm>> -> memref<80xi32, #tpu.memory_space<hbm>>
    tpu.enqueue_dma source(%dma_start3A_674 : memref<80xi32, #tpu.memory_space<hbm>>) target(%arg9 : memref<80xi32, #tpu.memory_space<vmem>>) target_semaphore(%arg25 : memref<!tpu.dma_semaphore, #tpu.memory_space<semaphore_mem>>)
    %add3A_675 = arith.constant 5200 : i32
    %add3A_676 = arith.addi %mul3A_2, %add3A_675 : i32
    %dma_start3A_677 = tpu.memref_slice %arg2[%add3A_676] : memref<320000xi32, #tpu.memory_space<hbm>> -> memref<80xi32, #tpu.memory_space<hbm>>
    %dma_start3A_678 = tpu.memref_slice %arg2[%add3A_676] : memref<320000xi32, #tpu.memory_space<hbm>> -> memref<80xi32, #tpu.memory_space<hbm>>
    tpu.enqueue_dma source(%dma_start3A_678 : memref<80xi32, #tpu.memory_space<hbm>>) target(%arg10 : memref<80xi32, #tpu.memory_space<vmem>>) target_semaphore(%arg25 : memref<!tpu.dma_semaphore, #tpu.memory_space<semaphore_mem>>)
    %add3A_679 = arith.constant 5280 : i32
    %add3A_680 = arith.addi %mul3A_2, %add3A_679 : i32
    %dma_start3A_681 = tpu.memref_slice %arg2[%add3A_680] : memref<320000xi32, #tpu.memory_space<hbm>> -> memref<80xi32, #tpu.memory_space<hbm>>
    %dma_start3A_682 = tpu.memref_slice %arg2[%add3A_680] : memref<320000xi32, #tpu.memory_space<hbm>> -> memref<80xi32, #tpu.memory_space<hbm>>
    tpu.enqueue_dma source(%dma_start3A_682 : memref<80xi32, #tpu.memory_space<hbm>>) target(%arg11 : memref<80xi32, #tpu.memory_space<vmem>>) target_semaphore(%arg25 : memref<!tpu.dma_semaphore, #tpu.memory_space<semaphore_mem>>)
    %add3A_683 = arith.constant 5360 : i32
    %add3A_684 = arith.addi %mul3A_2, %add3A_683 : i32
    %dma_start3A_685 = tpu.memref_slice %arg2[%add3A_684] : memref<320000xi32, #tpu.memory_space<hbm>> -> memref<80xi32, #tpu.memory_space<hbm>>
    %dma_start3A_686 = tpu.memref_slice %arg2[%add3A_684] : memref<320000xi32, #tpu.memory_space<hbm>> -> memref<80xi32, #tpu.memory_space<hbm>>
    tpu.enqueue_dma source(%dma_start3A_686 : memref<80xi32, #tpu.memory_space<hbm>>) target(%arg12 : memref<80xi32, #tpu.memory_space<vmem>>) target_semaphore(%arg25 : memref<!tpu.dma_semaphore, #tpu.memory_space<semaphore_mem>>)
    %add3A_687 = arith.constant 5440 : i32
    %add3A_688 = arith.addi %mul3A_2, %add3A_687 : i32
    %dma_start3A_689 = tpu.memref_slice %arg2[%add3A_688] : memref<320000xi32, #tpu.memory_space<hbm>> -> memref<80xi32, #tpu.memory_space<hbm>>
    %dma_start3A_690 = tpu.memref_slice %arg2[%add3A_688] : memref<320000xi32, #tpu.memory_space<hbm>> -> memref<80xi32, #tpu.memory_space<hbm>>
    tpu.enqueue_dma source(%dma_start3A_690 : memref<80xi32, #tpu.memory_space<hbm>>) target(%arg13 : memref<80xi32, #tpu.memory_space<vmem>>) target_semaphore(%arg25 : memref<!tpu.dma_semaphore, #tpu.memory_space<semaphore_mem>>)
    %add3A_691 = arith.constant 5520 : i32
    %add3A_692 = arith.addi %mul3A_2, %add3A_691 : i32
    %dma_start3A_693 = tpu.memref_slice %arg2[%add3A_692] : memref<320000xi32, #tpu.memory_space<hbm>> -> memref<80xi32, #tpu.memory_space<hbm>>
    %dma_start3A_694 = tpu.memref_slice %arg2[%add3A_692] : memref<320000xi32, #tpu.memory_space<hbm>> -> memref<80xi32, #tpu.memory_space<hbm>>
    tpu.enqueue_dma source(%dma_start3A_694 : memref<80xi32, #tpu.memory_space<hbm>>) target(%arg14 : memref<80xi32, #tpu.memory_space<vmem>>) target_semaphore(%arg25 : memref<!tpu.dma_semaphore, #tpu.memory_space<semaphore_mem>>)
    %add3A_695 = arith.constant 5600 : i32
    %add3A_696 = arith.addi %mul3A_2, %add3A_695 : i32
    %dma_start3A_697 = tpu.memref_slice %arg2[%add3A_696] : memref<320000xi32, #tpu.memory_space<hbm>> -> memref<80xi32, #tpu.memory_space<hbm>>
    %dma_start3A_698 = tpu.memref_slice %arg2[%add3A_696] : memref<320000xi32, #tpu.memory_space<hbm>> -> memref<80xi32, #tpu.memory_space<hbm>>
    tpu.enqueue_dma source(%dma_start3A_698 : memref<80xi32, #tpu.memory_space<hbm>>) target(%arg15 : memref<80xi32, #tpu.memory_space<vmem>>) target_semaphore(%arg25 : memref<!tpu.dma_semaphore, #tpu.memory_space<semaphore_mem>>)
    %add3A_699 = arith.constant 5680 : i32
    %add3A_700 = arith.addi %mul3A_2, %add3A_699 : i32
    %dma_start3A_701 = tpu.memref_slice %arg2[%add3A_700] : memref<320000xi32, #tpu.memory_space<hbm>> -> memref<80xi32, #tpu.memory_space<hbm>>
    %dma_start3A_702 = tpu.memref_slice %arg2[%add3A_700] : memref<320000xi32, #tpu.memory_space<hbm>> -> memref<80xi32, #tpu.memory_space<hbm>>
    tpu.enqueue_dma source(%dma_start3A_702 : memref<80xi32, #tpu.memory_space<hbm>>) target(%arg16 : memref<80xi32, #tpu.memory_space<vmem>>) target_semaphore(%arg25 : memref<!tpu.dma_semaphore, #tpu.memory_space<semaphore_mem>>)
    %add3A_703 = arith.constant 5760 : i32
    %add3A_704 = arith.addi %mul3A_2, %add3A_703 : i32
    %dma_start3A_705 = tpu.memref_slice %arg2[%add3A_704] : memref<320000xi32, #tpu.memory_space<hbm>> -> memref<80xi32, #tpu.memory_space<hbm>>
    %dma_start3A_706 = tpu.memref_slice %arg2[%add3A_704] : memref<320000xi32, #tpu.memory_space<hbm>> -> memref<80xi32, #tpu.memory_space<hbm>>
    tpu.enqueue_dma source(%dma_start3A_706 : memref<80xi32, #tpu.memory_space<hbm>>) target(%arg17 : memref<80xi32, #tpu.memory_space<vmem>>) target_semaphore(%arg25 : memref<!tpu.dma_semaphore, #tpu.memory_space<semaphore_mem>>)
    %add3A_707 = arith.constant 5840 : i32
    %add3A_708 = arith.addi %mul3A_2, %add3A_707 : i32
    %dma_start3A_709 = tpu.memref_slice %arg2[%add3A_708] : memref<320000xi32, #tpu.memory_space<hbm>> -> memref<80xi32, #tpu.memory_space<hbm>>
    %dma_start3A_710 = tpu.memref_slice %arg2[%add3A_708] : memref<320000xi32, #tpu.memory_space<hbm>> -> memref<80xi32, #tpu.memory_space<hbm>>
    tpu.enqueue_dma source(%dma_start3A_710 : memref<80xi32, #tpu.memory_space<hbm>>) target(%arg18 : memref<80xi32, #tpu.memory_space<vmem>>) target_semaphore(%arg25 : memref<!tpu.dma_semaphore, #tpu.memory_space<semaphore_mem>>)
    %add3A_711 = arith.constant 5920 : i32
    %add3A_712 = arith.addi %mul3A_2, %add3A_711 : i32
    %dma_start3A_713 = tpu.memref_slice %arg2[%add3A_712] : memref<320000xi32, #tpu.memory_space<hbm>> -> memref<80xi32, #tpu.memory_space<hbm>>
    %dma_start3A_714 = tpu.memref_slice %arg2[%add3A_712] : memref<320000xi32, #tpu.memory_space<hbm>> -> memref<80xi32, #tpu.memory_space<hbm>>
    tpu.enqueue_dma source(%dma_start3A_714 : memref<80xi32, #tpu.memory_space<hbm>>) target(%arg19 : memref<80xi32, #tpu.memory_space<vmem>>) target_semaphore(%arg25 : memref<!tpu.dma_semaphore, #tpu.memory_space<semaphore_mem>>)
    %add3A_715 = arith.constant 6000 : i32
    %add3A_716 = arith.addi %mul3A_2, %add3A_715 : i32
    %dma_start3A_717 = tpu.memref_slice %arg2[%add3A_716] : memref<320000xi32, #tpu.memory_space<hbm>> -> memref<80xi32, #tpu.memory_space<hbm>>
    %dma_start3A_718 = tpu.memref_slice %arg2[%add3A_716] : memref<320000xi32, #tpu.memory_space<hbm>> -> memref<80xi32, #tpu.memory_space<hbm>>
    tpu.enqueue_dma source(%dma_start3A_718 : memref<80xi32, #tpu.memory_space<hbm>>) target(%arg20 : memref<80xi32, #tpu.memory_space<vmem>>) target_semaphore(%arg25 : memref<!tpu.dma_semaphore, #tpu.memory_space<semaphore_mem>>)
    %add3A_719 = arith.constant 6080 : i32
    %add3A_720 = arith.addi %mul3A_2, %add3A_719 : i32
    %dma_start3A_721 = tpu.memref_slice %arg2[%add3A_720] : memref<320000xi32, #tpu.memory_space<hbm>> -> memref<80xi32, #tpu.memory_space<hbm>>
    %dma_start3A_722 = tpu.memref_slice %arg2[%add3A_720] : memref<320000xi32, #tpu.memory_space<hbm>> -> memref<80xi32, #tpu.memory_space<hbm>>
    tpu.enqueue_dma source(%dma_start3A_722 : memref<80xi32, #tpu.memory_space<hbm>>) target(%arg21 : memref<80xi32, #tpu.memory_space<vmem>>) target_semaphore(%arg25 : memref<!tpu.dma_semaphore, #tpu.memory_space<semaphore_mem>>)
    %add3A_723 = arith.constant 6160 : i32
    %add3A_724 = arith.addi %mul3A_2, %add3A_723 : i32
    %dma_start3A_725 = tpu.memref_slice %arg2[%add3A_724] : memref<320000xi32, #tpu.memory_space<hbm>> -> memref<80xi32, #tpu.memory_space<hbm>>
    %dma_start3A_726 = tpu.memref_slice %arg2[%add3A_724] : memref<320000xi32, #tpu.memory_space<hbm>> -> memref<80xi32, #tpu.memory_space<hbm>>
    tpu.enqueue_dma source(%dma_start3A_726 : memref<80xi32, #tpu.memory_space<hbm>>) target(%arg22 : memref<80xi32, #tpu.memory_space<vmem>>) target_semaphore(%arg25 : memref<!tpu.dma_semaphore, #tpu.memory_space<semaphore_mem>>)
    %add3A_727 = arith.constant 6240 : i32
    %add3A_728 = arith.addi %mul3A_2, %add3A_727 : i32
    %dma_start3A_729 = tpu.memref_slice %arg2[%add3A_728] : memref<320000xi32, #tpu.memory_space<hbm>> -> memref<80xi32, #tpu.memory_space<hbm>>
    %dma_start3A_730 = tpu.memref_slice %arg2[%add3A_728] : memref<320000xi32, #tpu.memory_space<hbm>> -> memref<80xi32, #tpu.memory_space<hbm>>
    tpu.enqueue_dma source(%dma_start3A_730 : memref<80xi32, #tpu.memory_space<hbm>>) target(%arg23 : memref<80xi32, #tpu.memory_space<vmem>>) target_semaphore(%arg25 : memref<!tpu.dma_semaphore, #tpu.memory_space<semaphore_mem>>)
    %add3A_731 = arith.constant 6320 : i32
    %add3A_732 = arith.addi %mul3A_2, %add3A_731 : i32
    %dma_start3A_733 = tpu.memref_slice %arg2[%add3A_732] : memref<320000xi32, #tpu.memory_space<hbm>> -> memref<80xi32, #tpu.memory_space<hbm>>
    %dma_start3A_734 = tpu.memref_slice %arg2[%add3A_732] : memref<320000xi32, #tpu.memory_space<hbm>> -> memref<80xi32, #tpu.memory_space<hbm>>
    tpu.enqueue_dma source(%dma_start3A_734 : memref<80xi32, #tpu.memory_space<hbm>>) target(%arg24 : memref<80xi32, #tpu.memory_space<vmem>>) target_semaphore(%arg25 : memref<!tpu.dma_semaphore, #tpu.memory_space<semaphore_mem>>)
    %dma_wait3A_735 = tpu.memref_slice %arg2[%add3A_672] : memref<320000xi32, #tpu.memory_space<hbm>> -> memref<80xi32, #tpu.memory_space<hbm>>
    %dma_wait3A_736 = tpu.memref_slice %arg2[%add3A_672] : memref<320000xi32, #tpu.memory_space<hbm>> -> memref<80xi32, #tpu.memory_space<hbm>>
    tpu.wait_dma2 semaphore(%arg25 : memref<!tpu.dma_semaphore, #tpu.memory_space<semaphore_mem>>) src(%dma_wait3A_736 : memref<80xi32, #tpu.memory_space<hbm>>) dst(%arg9 : memref<80xi32, #tpu.memory_space<vmem>>)
    %dma_wait3A_737 = tpu.memref_slice %arg2[%add3A_676] : memref<320000xi32, #tpu.memory_space<hbm>> -> memref<80xi32, #tpu.memory_space<hbm>>
    %dma_wait3A_738 = tpu.memref_slice %arg2[%add3A_676] : memref<320000xi32, #tpu.memory_space<hbm>> -> memref<80xi32, #tpu.memory_space<hbm>>
    tpu.wait_dma2 semaphore(%arg25 : memref<!tpu.dma_semaphore, #tpu.memory_space<semaphore_mem>>) src(%dma_wait3A_738 : memref<80xi32, #tpu.memory_space<hbm>>) dst(%arg10 : memref<80xi32, #tpu.memory_space<vmem>>)
    %dma_wait3A_739 = tpu.memref_slice %arg2[%add3A_680] : memref<320000xi32, #tpu.memory_space<hbm>> -> memref<80xi32, #tpu.memory_space<hbm>>
    %dma_wait3A_740 = tpu.memref_slice %arg2[%add3A_680] : memref<320000xi32, #tpu.memory_space<hbm>> -> memref<80xi32, #tpu.memory_space<hbm>>
    tpu.wait_dma2 semaphore(%arg25 : memref<!tpu.dma_semaphore, #tpu.memory_space<semaphore_mem>>) src(%dma_wait3A_740 : memref<80xi32, #tpu.memory_space<hbm>>) dst(%arg11 : memref<80xi32, #tpu.memory_space<vmem>>)
    %dma_wait3A_741 = tpu.memref_slice %arg2[%add3A_684] : memref<320000xi32, #tpu.memory_space<hbm>> -> memref<80xi32, #tpu.memory_space<hbm>>
    %dma_wait3A_742 = tpu.memref_slice %arg2[%add3A_684] : memref<320000xi32, #tpu.memory_space<hbm>> -> memref<80xi32, #tpu.memory_space<hbm>>
    tpu.wait_dma2 semaphore(%arg25 : memref<!tpu.dma_semaphore, #tpu.memory_space<semaphore_mem>>) src(%dma_wait3A_742 : memref<80xi32, #tpu.memory_space<hbm>>) dst(%arg12 : memref<80xi32, #tpu.memory_space<vmem>>)
    %dma_wait3A_743 = tpu.memref_slice %arg2[%add3A_688] : memref<320000xi32, #tpu.memory_space<hbm>> -> memref<80xi32, #tpu.memory_space<hbm>>
    %dma_wait3A_744 = tpu.memref_slice %arg2[%add3A_688] : memref<320000xi32, #tpu.memory_space<hbm>> -> memref<80xi32, #tpu.memory_space<hbm>>
    tpu.wait_dma2 semaphore(%arg25 : memref<!tpu.dma_semaphore, #tpu.memory_space<semaphore_mem>>) src(%dma_wait3A_744 : memref<80xi32, #tpu.memory_space<hbm>>) dst(%arg13 : memref<80xi32, #tpu.memory_space<vmem>>)
    %dma_wait3A_745 = tpu.memref_slice %arg2[%add3A_692] : memref<320000xi32, #tpu.memory_space<hbm>> -> memref<80xi32, #tpu.memory_space<hbm>>
    %dma_wait3A_746 = tpu.memref_slice %arg2[%add3A_692] : memref<320000xi32, #tpu.memory_space<hbm>> -> memref<80xi32, #tpu.memory_space<hbm>>
    tpu.wait_dma2 semaphore(%arg25 : memref<!tpu.dma_semaphore, #tpu.memory_space<semaphore_mem>>) src(%dma_wait3A_746 : memref<80xi32, #tpu.memory_space<hbm>>) dst(%arg14 : memref<80xi32, #tpu.memory_space<vmem>>)
    %dma_wait3A_747 = tpu.memref_slice %arg2[%add3A_696] : memref<320000xi32, #tpu.memory_space<hbm>> -> memref<80xi32, #tpu.memory_space<hbm>>
    %dma_wait3A_748 = tpu.memref_slice %arg2[%add3A_696] : memref<320000xi32, #tpu.memory_space<hbm>> -> memref<80xi32, #tpu.memory_space<hbm>>
    tpu.wait_dma2 semaphore(%arg25 : memref<!tpu.dma_semaphore, #tpu.memory_space<semaphore_mem>>) src(%dma_wait3A_748 : memref<80xi32, #tpu.memory_space<hbm>>) dst(%arg15 : memref<80xi32, #tpu.memory_space<vmem>>)
    %dma_wait3A_749 = tpu.memref_slice %arg2[%add3A_700] : memref<320000xi32, #tpu.memory_space<hbm>> -> memref<80xi32, #tpu.memory_space<hbm>>
    %dma_wait3A_750 = tpu.memref_slice %arg2[%add3A_700] : memref<320000xi32, #tpu.memory_space<hbm>> -> memref<80xi32, #tpu.memory_space<hbm>>
    tpu.wait_dma2 semaphore(%arg25 : memref<!tpu.dma_semaphore, #tpu.memory_space<semaphore_mem>>) src(%dma_wait3A_750 : memref<80xi32, #tpu.memory_space<hbm>>) dst(%arg16 : memref<80xi32, #tpu.memory_space<vmem>>)
    %dma_wait3A_751 = tpu.memref_slice %arg2[%add3A_704] : memref<320000xi32, #tpu.memory_space<hbm>> -> memref<80xi32, #tpu.memory_space<hbm>>
    %dma_wait3A_752 = tpu.memref_slice %arg2[%add3A_704] : memref<320000xi32, #tpu.memory_space<hbm>> -> memref<80xi32, #tpu.memory_space<hbm>>
    tpu.wait_dma2 semaphore(%arg25 : memref<!tpu.dma_semaphore, #tpu.memory_space<semaphore_mem>>) src(%dma_wait3A_752 : memref<80xi32, #tpu.memory_space<hbm>>) dst(%arg17 : memref<80xi32, #tpu.memory_space<vmem>>)
    %dma_wait3A_753 = tpu.memref_slice %arg2[%add3A_708] : memref<320000xi32, #tpu.memory_space<hbm>> -> memref<80xi32, #tpu.memory_space<hbm>>
    %dma_wait3A_754 = tpu.memref_slice %arg2[%add3A_708] : memref<320000xi32, #tpu.memory_space<hbm>> -> memref<80xi32, #tpu.memory_space<hbm>>
    tpu.wait_dma2 semaphore(%arg25 : memref<!tpu.dma_semaphore, #tpu.memory_space<semaphore_mem>>) src(%dma_wait3A_754 : memref<80xi32, #tpu.memory_space<hbm>>) dst(%arg18 : memref<80xi32, #tpu.memory_space<vmem>>)
    %dma_wait3A_755 = tpu.memref_slice %arg2[%add3A_712] : memref<320000xi32, #tpu.memory_space<hbm>> -> memref<80xi32, #tpu.memory_space<hbm>>
    %dma_wait3A_756 = tpu.memref_slice %arg2[%add3A_712] : memref<320000xi32, #tpu.memory_space<hbm>> -> memref<80xi32, #tpu.memory_space<hbm>>
    tpu.wait_dma2 semaphore(%arg25 : memref<!tpu.dma_semaphore, #tpu.memory_space<semaphore_mem>>) src(%dma_wait3A_756 : memref<80xi32, #tpu.memory_space<hbm>>) dst(%arg19 : memref<80xi32, #tpu.memory_space<vmem>>)
    %dma_wait3A_757 = tpu.memref_slice %arg2[%add3A_716] : memref<320000xi32, #tpu.memory_space<hbm>> -> memref<80xi32, #tpu.memory_space<hbm>>
    %dma_wait3A_758 = tpu.memref_slice %arg2[%add3A_716] : memref<320000xi32, #tpu.memory_space<hbm>> -> memref<80xi32, #tpu.memory_space<hbm>>
    tpu.wait_dma2 semaphore(%arg25 : memref<!tpu.dma_semaphore, #tpu.memory_space<semaphore_mem>>) src(%dma_wait3A_758 : memref<80xi32, #tpu.memory_space<hbm>>) dst(%arg20 : memref<80xi32, #tpu.memory_space<vmem>>)
    %dma_wait3A_759 = tpu.memref_slice %arg2[%add3A_720] : memref<320000xi32, #tpu.memory_space<hbm>> -> memref<80xi32, #tpu.memory_space<hbm>>
    %dma_wait3A_760 = tpu.memref_slice %arg2[%add3A_720] : memref<320000xi32, #tpu.memory_space<hbm>> -> memref<80xi32, #tpu.memory_space<hbm>>
    tpu.wait_dma2 semaphore(%arg25 : memref<!tpu.dma_semaphore, #tpu.memory_space<semaphore_mem>>) src(%dma_wait3A_760 : memref<80xi32, #tpu.memory_space<hbm>>) dst(%arg21 : memref<80xi32, #tpu.memory_space<vmem>>)
    %dma_wait3A_761 = tpu.memref_slice %arg2[%add3A_724] : memref<320000xi32, #tpu.memory_space<hbm>> -> memref<80xi32, #tpu.memory_space<hbm>>
    %dma_wait3A_762 = tpu.memref_slice %arg2[%add3A_724] : memref<320000xi32, #tpu.memory_space<hbm>> -> memref<80xi32, #tpu.memory_space<hbm>>
    tpu.wait_dma2 semaphore(%arg25 : memref<!tpu.dma_semaphore, #tpu.memory_space<semaphore_mem>>) src(%dma_wait3A_762 : memref<80xi32, #tpu.memory_space<hbm>>) dst(%arg22 : memref<80xi32, #tpu.memory_space<vmem>>)
    %dma_wait3A_763 = tpu.memref_slice %arg2[%add3A_728] : memref<320000xi32, #tpu.memory_space<hbm>> -> memref<80xi32, #tpu.memory_space<hbm>>
    %dma_wait3A_764 = tpu.memref_slice %arg2[%add3A_728] : memref<320000xi32, #tpu.memory_space<hbm>> -> memref<80xi32, #tpu.memory_space<hbm>>
    tpu.wait_dma2 semaphore(%arg25 : memref<!tpu.dma_semaphore, #tpu.memory_space<semaphore_mem>>) src(%dma_wait3A_764 : memref<80xi32, #tpu.memory_space<hbm>>) dst(%arg23 : memref<80xi32, #tpu.memory_space<vmem>>)
    %dma_wait3A_765 = tpu.memref_slice %arg2[%add3A_732] : memref<320000xi32, #tpu.memory_space<hbm>> -> memref<80xi32, #tpu.memory_space<hbm>>
    %dma_wait3A_766 = tpu.memref_slice %arg2[%add3A_732] : memref<320000xi32, #tpu.memory_space<hbm>> -> memref<80xi32, #tpu.memory_space<hbm>>
    tpu.wait_dma2 semaphore(%arg25 : memref<!tpu.dma_semaphore, #tpu.memory_space<semaphore_mem>>) src(%dma_wait3A_766 : memref<80xi32, #tpu.memory_space<hbm>>) dst(%arg24 : memref<80xi32, #tpu.memory_space<vmem>>)
    %dma_start3A_767 = arith.constant 0 : i32
    %dma_start3A_768 = tpu.memref_slice %arg6[%dma_start3A_767] : memref<10240xf32, #tpu.memory_space<vmem_shared>> -> memref<10240xf32, #tpu.memory_space<vmem_shared>>
    tpu.enqueue_indirect_dma source(%arg7 : memref<80xf32, #tpu.memory_space<vmem>>) target(%dma_start3A_768 : memref<10240xf32, #tpu.memory_space<vmem_shared>>) offsets(%arg9 : memref<80xi32, #tpu.memory_space<vmem>>) semaphore(%arg26 : memref<!tpu.dma_semaphore, #tpu.memory_space<semaphore_mem>>) {add = true}
    %dma_start3A_769 = arith.constant 0 : i32
    %dma_start3A_770 = tpu.memref_slice %arg6[%dma_start3A_769] : memref<10240xf32, #tpu.memory_space<vmem_shared>> -> memref<10240xf32, #tpu.memory_space<vmem_shared>>
    tpu.enqueue_indirect_dma source(%arg7 : memref<80xf32, #tpu.memory_space<vmem>>) target(%dma_start3A_770 : memref<10240xf32, #tpu.memory_space<vmem_shared>>) offsets(%arg10 : memref<80xi32, #tpu.memory_space<vmem>>) semaphore(%arg26 : memref<!tpu.dma_semaphore, #tpu.memory_space<semaphore_mem>>) {add = true}
    %dma_start3A_771 = arith.constant 0 : i32
    %dma_start3A_772 = tpu.memref_slice %arg6[%dma_start3A_771] : memref<10240xf32, #tpu.memory_space<vmem_shared>> -> memref<10240xf32, #tpu.memory_space<vmem_shared>>
    tpu.enqueue_indirect_dma source(%arg7 : memref<80xf32, #tpu.memory_space<vmem>>) target(%dma_start3A_772 : memref<10240xf32, #tpu.memory_space<vmem_shared>>) offsets(%arg11 : memref<80xi32, #tpu.memory_space<vmem>>) semaphore(%arg26 : memref<!tpu.dma_semaphore, #tpu.memory_space<semaphore_mem>>) {add = true}
    %dma_start3A_773 = arith.constant 0 : i32
    %dma_start3A_774 = tpu.memref_slice %arg6[%dma_start3A_773] : memref<10240xf32, #tpu.memory_space<vmem_shared>> -> memref<10240xf32, #tpu.memory_space<vmem_shared>>
    tpu.enqueue_indirect_dma source(%arg7 : memref<80xf32, #tpu.memory_space<vmem>>) target(%dma_start3A_774 : memref<10240xf32, #tpu.memory_space<vmem_shared>>) offsets(%arg12 : memref<80xi32, #tpu.memory_space<vmem>>) semaphore(%arg26 : memref<!tpu.dma_semaphore, #tpu.memory_space<semaphore_mem>>) {add = true}
    %dma_start3A_775 = arith.constant 0 : i32
    %dma_start3A_776 = tpu.memref_slice %arg6[%dma_start3A_775] : memref<10240xf32, #tpu.memory_space<vmem_shared>> -> memref<10240xf32, #tpu.memory_space<vmem_shared>>
    tpu.enqueue_indirect_dma source(%arg7 : memref<80xf32, #tpu.memory_space<vmem>>) target(%dma_start3A_776 : memref<10240xf32, #tpu.memory_space<vmem_shared>>) offsets(%arg13 : memref<80xi32, #tpu.memory_space<vmem>>) semaphore(%arg26 : memref<!tpu.dma_semaphore, #tpu.memory_space<semaphore_mem>>) {add = true}
    %dma_start3A_777 = arith.constant 0 : i32
    %dma_start3A_778 = tpu.memref_slice %arg6[%dma_start3A_777] : memref<10240xf32, #tpu.memory_space<vmem_shared>> -> memref<10240xf32, #tpu.memory_space<vmem_shared>>
    tpu.enqueue_indirect_dma source(%arg7 : memref<80xf32, #tpu.memory_space<vmem>>) target(%dma_start3A_778 : memref<10240xf32, #tpu.memory_space<vmem_shared>>) offsets(%arg14 : memref<80xi32, #tpu.memory_space<vmem>>) semaphore(%arg26 : memref<!tpu.dma_semaphore, #tpu.memory_space<semaphore_mem>>) {add = true}
    %dma_start3A_779 = arith.constant 0 : i32
    %dma_start3A_780 = tpu.memref_slice %arg6[%dma_start3A_779] : memref<10240xf32, #tpu.memory_space<vmem_shared>> -> memref<10240xf32, #tpu.memory_space<vmem_shared>>
    tpu.enqueue_indirect_dma source(%arg7 : memref<80xf32, #tpu.memory_space<vmem>>) target(%dma_start3A_780 : memref<10240xf32, #tpu.memory_space<vmem_shared>>) offsets(%arg15 : memref<80xi32, #tpu.memory_space<vmem>>) semaphore(%arg26 : memref<!tpu.dma_semaphore, #tpu.memory_space<semaphore_mem>>) {add = true}
    %dma_start3A_781 = arith.constant 0 : i32
    %dma_start3A_782 = tpu.memref_slice %arg6[%dma_start3A_781] : memref<10240xf32, #tpu.memory_space<vmem_shared>> -> memref<10240xf32, #tpu.memory_space<vmem_shared>>
    tpu.enqueue_indirect_dma source(%arg7 : memref<80xf32, #tpu.memory_space<vmem>>) target(%dma_start3A_782 : memref<10240xf32, #tpu.memory_space<vmem_shared>>) offsets(%arg16 : memref<80xi32, #tpu.memory_space<vmem>>) semaphore(%arg26 : memref<!tpu.dma_semaphore, #tpu.memory_space<semaphore_mem>>) {add = true}
    %dma_start3A_783 = arith.constant 0 : i32
    %dma_start3A_784 = tpu.memref_slice %arg6[%dma_start3A_783] : memref<10240xf32, #tpu.memory_space<vmem_shared>> -> memref<10240xf32, #tpu.memory_space<vmem_shared>>
    tpu.enqueue_indirect_dma source(%arg7 : memref<80xf32, #tpu.memory_space<vmem>>) target(%dma_start3A_784 : memref<10240xf32, #tpu.memory_space<vmem_shared>>) offsets(%arg17 : memref<80xi32, #tpu.memory_space<vmem>>) semaphore(%arg26 : memref<!tpu.dma_semaphore, #tpu.memory_space<semaphore_mem>>) {add = true}
    %dma_start3A_785 = arith.constant 0 : i32
    %dma_start3A_786 = tpu.memref_slice %arg6[%dma_start3A_785] : memref<10240xf32, #tpu.memory_space<vmem_shared>> -> memref<10240xf32, #tpu.memory_space<vmem_shared>>
    tpu.enqueue_indirect_dma source(%arg7 : memref<80xf32, #tpu.memory_space<vmem>>) target(%dma_start3A_786 : memref<10240xf32, #tpu.memory_space<vmem_shared>>) offsets(%arg18 : memref<80xi32, #tpu.memory_space<vmem>>) semaphore(%arg26 : memref<!tpu.dma_semaphore, #tpu.memory_space<semaphore_mem>>) {add = true}
    %dma_start3A_787 = arith.constant 0 : i32
    %dma_start3A_788 = tpu.memref_slice %arg6[%dma_start3A_787] : memref<10240xf32, #tpu.memory_space<vmem_shared>> -> memref<10240xf32, #tpu.memory_space<vmem_shared>>
    tpu.enqueue_indirect_dma source(%arg7 : memref<80xf32, #tpu.memory_space<vmem>>) target(%dma_start3A_788 : memref<10240xf32, #tpu.memory_space<vmem_shared>>) offsets(%arg19 : memref<80xi32, #tpu.memory_space<vmem>>) semaphore(%arg26 : memref<!tpu.dma_semaphore, #tpu.memory_space<semaphore_mem>>) {add = true}
    %dma_start3A_789 = arith.constant 0 : i32
    %dma_start3A_790 = tpu.memref_slice %arg6[%dma_start3A_789] : memref<10240xf32, #tpu.memory_space<vmem_shared>> -> memref<10240xf32, #tpu.memory_space<vmem_shared>>
    tpu.enqueue_indirect_dma source(%arg7 : memref<80xf32, #tpu.memory_space<vmem>>) target(%dma_start3A_790 : memref<10240xf32, #tpu.memory_space<vmem_shared>>) offsets(%arg20 : memref<80xi32, #tpu.memory_space<vmem>>) semaphore(%arg26 : memref<!tpu.dma_semaphore, #tpu.memory_space<semaphore_mem>>) {add = true}
    %dma_start3A_791 = arith.constant 0 : i32
    %dma_start3A_792 = tpu.memref_slice %arg6[%dma_start3A_791] : memref<10240xf32, #tpu.memory_space<vmem_shared>> -> memref<10240xf32, #tpu.memory_space<vmem_shared>>
    tpu.enqueue_indirect_dma source(%arg7 : memref<80xf32, #tpu.memory_space<vmem>>) target(%dma_start3A_792 : memref<10240xf32, #tpu.memory_space<vmem_shared>>) offsets(%arg21 : memref<80xi32, #tpu.memory_space<vmem>>) semaphore(%arg26 : memref<!tpu.dma_semaphore, #tpu.memory_space<semaphore_mem>>) {add = true}
    %dma_start3A_793 = arith.constant 0 : i32
    %dma_start3A_794 = tpu.memref_slice %arg6[%dma_start3A_793] : memref<10240xf32, #tpu.memory_space<vmem_shared>> -> memref<10240xf32, #tpu.memory_space<vmem_shared>>
    tpu.enqueue_indirect_dma source(%arg7 : memref<80xf32, #tpu.memory_space<vmem>>) target(%dma_start3A_794 : memref<10240xf32, #tpu.memory_space<vmem_shared>>) offsets(%arg22 : memref<80xi32, #tpu.memory_space<vmem>>) semaphore(%arg26 : memref<!tpu.dma_semaphore, #tpu.memory_space<semaphore_mem>>) {add = true}
    %dma_start3A_795 = arith.constant 0 : i32
    %dma_start3A_796 = tpu.memref_slice %arg6[%dma_start3A_795] : memref<10240xf32, #tpu.memory_space<vmem_shared>> -> memref<10240xf32, #tpu.memory_space<vmem_shared>>
    tpu.enqueue_indirect_dma source(%arg7 : memref<80xf32, #tpu.memory_space<vmem>>) target(%dma_start3A_796 : memref<10240xf32, #tpu.memory_space<vmem_shared>>) offsets(%arg23 : memref<80xi32, #tpu.memory_space<vmem>>) semaphore(%arg26 : memref<!tpu.dma_semaphore, #tpu.memory_space<semaphore_mem>>) {add = true}
    %dma_start3A_797 = arith.constant 0 : i32
    %dma_start3A_798 = tpu.memref_slice %arg6[%dma_start3A_797] : memref<10240xf32, #tpu.memory_space<vmem_shared>> -> memref<10240xf32, #tpu.memory_space<vmem_shared>>
    tpu.enqueue_indirect_dma source(%arg7 : memref<80xf32, #tpu.memory_space<vmem>>) target(%dma_start3A_798 : memref<10240xf32, #tpu.memory_space<vmem_shared>>) offsets(%arg24 : memref<80xi32, #tpu.memory_space<vmem>>) semaphore(%arg26 : memref<!tpu.dma_semaphore, #tpu.memory_space<semaphore_mem>>) {add = true}
    %dma_wait3A_799 = arith.constant 0 : i32
    %dma_wait3A_800 = tpu.memref_slice %arg6[%dma_wait3A_799] : memref<10240xf32, #tpu.memory_space<vmem_shared>> -> memref<10240xf32, #tpu.memory_space<vmem_shared>>
    tpu.wait_indirect_dma semaphore(%arg26 : memref<!tpu.dma_semaphore, #tpu.memory_space<semaphore_mem>>) src(%arg7 : memref<80xf32, #tpu.memory_space<vmem>>) dst(%dma_wait3A_800 : memref<10240xf32, #tpu.memory_space<vmem_shared>>)
    %dma_wait3A_801 = arith.constant 0 : i32
    %dma_wait3A_802 = tpu.memref_slice %arg6[%dma_wait3A_801] : memref<10240xf32, #tpu.memory_space<vmem_shared>> -> memref<10240xf32, #tpu.memory_space<vmem_shared>>
    tpu.wait_indirect_dma semaphore(%arg26 : memref<!tpu.dma_semaphore, #tpu.memory_space<semaphore_mem>>) src(%arg7 : memref<80xf32, #tpu.memory_space<vmem>>) dst(%dma_wait3A_802 : memref<10240xf32, #tpu.memory_space<vmem_shared>>)
    %dma_wait3A_803 = arith.constant 0 : i32
    %dma_wait3A_804 = tpu.memref_slice %arg6[%dma_wait3A_803] : memref<10240xf32, #tpu.memory_space<vmem_shared>> -> memref<10240xf32, #tpu.memory_space<vmem_shared>>
    tpu.wait_indirect_dma semaphore(%arg26 : memref<!tpu.dma_semaphore, #tpu.memory_space<semaphore_mem>>) src(%arg7 : memref<80xf32, #tpu.memory_space<vmem>>) dst(%dma_wait3A_804 : memref<10240xf32, #tpu.memory_space<vmem_shared>>)
    %dma_wait3A_805 = arith.constant 0 : i32
    %dma_wait3A_806 = tpu.memref_slice %arg6[%dma_wait3A_805] : memref<10240xf32, #tpu.memory_space<vmem_shared>> -> memref<10240xf32, #tpu.memory_space<vmem_shared>>
    tpu.wait_indirect_dma semaphore(%arg26 : memref<!tpu.dma_semaphore, #tpu.memory_space<semaphore_mem>>) src(%arg7 : memref<80xf32, #tpu.memory_space<vmem>>) dst(%dma_wait3A_806 : memref<10240xf32, #tpu.memory_space<vmem_shared>>)
    %dma_wait3A_807 = arith.constant 0 : i32
    %dma_wait3A_808 = tpu.memref_slice %arg6[%dma_wait3A_807] : memref<10240xf32, #tpu.memory_space<vmem_shared>> -> memref<10240xf32, #tpu.memory_space<vmem_shared>>
    tpu.wait_indirect_dma semaphore(%arg26 : memref<!tpu.dma_semaphore, #tpu.memory_space<semaphore_mem>>) src(%arg7 : memref<80xf32, #tpu.memory_space<vmem>>) dst(%dma_wait3A_808 : memref<10240xf32, #tpu.memory_space<vmem_shared>>)
    %dma_wait3A_809 = arith.constant 0 : i32
    %dma_wait3A_810 = tpu.memref_slice %arg6[%dma_wait3A_809] : memref<10240xf32, #tpu.memory_space<vmem_shared>> -> memref<10240xf32, #tpu.memory_space<vmem_shared>>
    tpu.wait_indirect_dma semaphore(%arg26 : memref<!tpu.dma_semaphore, #tpu.memory_space<semaphore_mem>>) src(%arg7 : memref<80xf32, #tpu.memory_space<vmem>>) dst(%dma_wait3A_810 : memref<10240xf32, #tpu.memory_space<vmem_shared>>)
    %dma_wait3A_811 = arith.constant 0 : i32
    %dma_wait3A_812 = tpu.memref_slice %arg6[%dma_wait3A_811] : memref<10240xf32, #tpu.memory_space<vmem_shared>> -> memref<10240xf32, #tpu.memory_space<vmem_shared>>
    tpu.wait_indirect_dma semaphore(%arg26 : memref<!tpu.dma_semaphore, #tpu.memory_space<semaphore_mem>>) src(%arg7 : memref<80xf32, #tpu.memory_space<vmem>>) dst(%dma_wait3A_812 : memref<10240xf32, #tpu.memory_space<vmem_shared>>)
    %dma_wait3A_813 = arith.constant 0 : i32
    %dma_wait3A_814 = tpu.memref_slice %arg6[%dma_wait3A_813] : memref<10240xf32, #tpu.memory_space<vmem_shared>> -> memref<10240xf32, #tpu.memory_space<vmem_shared>>
    tpu.wait_indirect_dma semaphore(%arg26 : memref<!tpu.dma_semaphore, #tpu.memory_space<semaphore_mem>>) src(%arg7 : memref<80xf32, #tpu.memory_space<vmem>>) dst(%dma_wait3A_814 : memref<10240xf32, #tpu.memory_space<vmem_shared>>)
    %dma_wait3A_815 = arith.constant 0 : i32
    %dma_wait3A_816 = tpu.memref_slice %arg6[%dma_wait3A_815] : memref<10240xf32, #tpu.memory_space<vmem_shared>> -> memref<10240xf32, #tpu.memory_space<vmem_shared>>
    tpu.wait_indirect_dma semaphore(%arg26 : memref<!tpu.dma_semaphore, #tpu.memory_space<semaphore_mem>>) src(%arg7 : memref<80xf32, #tpu.memory_space<vmem>>) dst(%dma_wait3A_816 : memref<10240xf32, #tpu.memory_space<vmem_shared>>)
    %dma_wait3A_817 = arith.constant 0 : i32
    %dma_wait3A_818 = tpu.memref_slice %arg6[%dma_wait3A_817] : memref<10240xf32, #tpu.memory_space<vmem_shared>> -> memref<10240xf32, #tpu.memory_space<vmem_shared>>
    tpu.wait_indirect_dma semaphore(%arg26 : memref<!tpu.dma_semaphore, #tpu.memory_space<semaphore_mem>>) src(%arg7 : memref<80xf32, #tpu.memory_space<vmem>>) dst(%dma_wait3A_818 : memref<10240xf32, #tpu.memory_space<vmem_shared>>)
    %dma_wait3A_819 = arith.constant 0 : i32
    %dma_wait3A_820 = tpu.memref_slice %arg6[%dma_wait3A_819] : memref<10240xf32, #tpu.memory_space<vmem_shared>> -> memref<10240xf32, #tpu.memory_space<vmem_shared>>
    tpu.wait_indirect_dma semaphore(%arg26 : memref<!tpu.dma_semaphore, #tpu.memory_space<semaphore_mem>>) src(%arg7 : memref<80xf32, #tpu.memory_space<vmem>>) dst(%dma_wait3A_820 : memref<10240xf32, #tpu.memory_space<vmem_shared>>)
    %dma_wait3A_821 = arith.constant 0 : i32
    %dma_wait3A_822 = tpu.memref_slice %arg6[%dma_wait3A_821] : memref<10240xf32, #tpu.memory_space<vmem_shared>> -> memref<10240xf32, #tpu.memory_space<vmem_shared>>
    tpu.wait_indirect_dma semaphore(%arg26 : memref<!tpu.dma_semaphore, #tpu.memory_space<semaphore_mem>>) src(%arg7 : memref<80xf32, #tpu.memory_space<vmem>>) dst(%dma_wait3A_822 : memref<10240xf32, #tpu.memory_space<vmem_shared>>)
    %dma_wait3A_823 = arith.constant 0 : i32
    %dma_wait3A_824 = tpu.memref_slice %arg6[%dma_wait3A_823] : memref<10240xf32, #tpu.memory_space<vmem_shared>> -> memref<10240xf32, #tpu.memory_space<vmem_shared>>
    tpu.wait_indirect_dma semaphore(%arg26 : memref<!tpu.dma_semaphore, #tpu.memory_space<semaphore_mem>>) src(%arg7 : memref<80xf32, #tpu.memory_space<vmem>>) dst(%dma_wait3A_824 : memref<10240xf32, #tpu.memory_space<vmem_shared>>)
    %dma_wait3A_825 = arith.constant 0 : i32
    %dma_wait3A_826 = tpu.memref_slice %arg6[%dma_wait3A_825] : memref<10240xf32, #tpu.memory_space<vmem_shared>> -> memref<10240xf32, #tpu.memory_space<vmem_shared>>
    tpu.wait_indirect_dma semaphore(%arg26 : memref<!tpu.dma_semaphore, #tpu.memory_space<semaphore_mem>>) src(%arg7 : memref<80xf32, #tpu.memory_space<vmem>>) dst(%dma_wait3A_826 : memref<10240xf32, #tpu.memory_space<vmem_shared>>)
    %dma_wait3A_827 = arith.constant 0 : i32
    %dma_wait3A_828 = tpu.memref_slice %arg6[%dma_wait3A_827] : memref<10240xf32, #tpu.memory_space<vmem_shared>> -> memref<10240xf32, #tpu.memory_space<vmem_shared>>
    tpu.wait_indirect_dma semaphore(%arg26 : memref<!tpu.dma_semaphore, #tpu.memory_space<semaphore_mem>>) src(%arg7 : memref<80xf32, #tpu.memory_space<vmem>>) dst(%dma_wait3A_828 : memref<10240xf32, #tpu.memory_space<vmem_shared>>)
    %dma_wait3A_829 = arith.constant 0 : i32
    %dma_wait3A_830 = tpu.memref_slice %arg6[%dma_wait3A_829] : memref<10240xf32, #tpu.memory_space<vmem_shared>> -> memref<10240xf32, #tpu.memory_space<vmem_shared>>
    tpu.wait_indirect_dma semaphore(%arg26 : memref<!tpu.dma_semaphore, #tpu.memory_space<semaphore_mem>>) src(%arg7 : memref<80xf32, #tpu.memory_space<vmem>>) dst(%dma_wait3A_830 : memref<10240xf32, #tpu.memory_space<vmem_shared>>)
    %add3A_831 = arith.constant 6400 : i32
    %add3A_832 = arith.addi %mul3A_2, %add3A_831 : i32
    %dma_start3A_833 = tpu.memref_slice %arg2[%add3A_832] : memref<320000xi32, #tpu.memory_space<hbm>> -> memref<80xi32, #tpu.memory_space<hbm>>
    %dma_start3A_834 = tpu.memref_slice %arg2[%add3A_832] : memref<320000xi32, #tpu.memory_space<hbm>> -> memref<80xi32, #tpu.memory_space<hbm>>
    tpu.enqueue_dma source(%dma_start3A_834 : memref<80xi32, #tpu.memory_space<hbm>>) target(%arg9 : memref<80xi32, #tpu.memory_space<vmem>>) target_semaphore(%arg25 : memref<!tpu.dma_semaphore, #tpu.memory_space<semaphore_mem>>)
    %add3A_835 = arith.constant 6480 : i32
    %add3A_836 = arith.addi %mul3A_2, %add3A_835 : i32
    %dma_start3A_837 = tpu.memref_slice %arg2[%add3A_836] : memref<320000xi32, #tpu.memory_space<hbm>> -> memref<80xi32, #tpu.memory_space<hbm>>
    %dma_start3A_838 = tpu.memref_slice %arg2[%add3A_836] : memref<320000xi32, #tpu.memory_space<hbm>> -> memref<80xi32, #tpu.memory_space<hbm>>
    tpu.enqueue_dma source(%dma_start3A_838 : memref<80xi32, #tpu.memory_space<hbm>>) target(%arg10 : memref<80xi32, #tpu.memory_space<vmem>>) target_semaphore(%arg25 : memref<!tpu.dma_semaphore, #tpu.memory_space<semaphore_mem>>)
    %add3A_839 = arith.constant 6560 : i32
    %add3A_840 = arith.addi %mul3A_2, %add3A_839 : i32
    %dma_start3A_841 = tpu.memref_slice %arg2[%add3A_840] : memref<320000xi32, #tpu.memory_space<hbm>> -> memref<80xi32, #tpu.memory_space<hbm>>
    %dma_start3A_842 = tpu.memref_slice %arg2[%add3A_840] : memref<320000xi32, #tpu.memory_space<hbm>> -> memref<80xi32, #tpu.memory_space<hbm>>
    tpu.enqueue_dma source(%dma_start3A_842 : memref<80xi32, #tpu.memory_space<hbm>>) target(%arg11 : memref<80xi32, #tpu.memory_space<vmem>>) target_semaphore(%arg25 : memref<!tpu.dma_semaphore, #tpu.memory_space<semaphore_mem>>)
    %add3A_843 = arith.constant 6640 : i32
    %add3A_844 = arith.addi %mul3A_2, %add3A_843 : i32
    %dma_start3A_845 = tpu.memref_slice %arg2[%add3A_844] : memref<320000xi32, #tpu.memory_space<hbm>> -> memref<80xi32, #tpu.memory_space<hbm>>
    %dma_start3A_846 = tpu.memref_slice %arg2[%add3A_844] : memref<320000xi32, #tpu.memory_space<hbm>> -> memref<80xi32, #tpu.memory_space<hbm>>
    tpu.enqueue_dma source(%dma_start3A_846 : memref<80xi32, #tpu.memory_space<hbm>>) target(%arg12 : memref<80xi32, #tpu.memory_space<vmem>>) target_semaphore(%arg25 : memref<!tpu.dma_semaphore, #tpu.memory_space<semaphore_mem>>)
    %add3A_847 = arith.constant 6720 : i32
    %add3A_848 = arith.addi %mul3A_2, %add3A_847 : i32
    %dma_start3A_849 = tpu.memref_slice %arg2[%add3A_848] : memref<320000xi32, #tpu.memory_space<hbm>> -> memref<80xi32, #tpu.memory_space<hbm>>
    %dma_start3A_850 = tpu.memref_slice %arg2[%add3A_848] : memref<320000xi32, #tpu.memory_space<hbm>> -> memref<80xi32, #tpu.memory_space<hbm>>
    tpu.enqueue_dma source(%dma_start3A_850 : memref<80xi32, #tpu.memory_space<hbm>>) target(%arg13 : memref<80xi32, #tpu.memory_space<vmem>>) target_semaphore(%arg25 : memref<!tpu.dma_semaphore, #tpu.memory_space<semaphore_mem>>)
    %add3A_851 = arith.constant 6800 : i32
    %add3A_852 = arith.addi %mul3A_2, %add3A_851 : i32
    %dma_start3A_853 = tpu.memref_slice %arg2[%add3A_852] : memref<320000xi32, #tpu.memory_space<hbm>> -> memref<80xi32, #tpu.memory_space<hbm>>
    %dma_start3A_854 = tpu.memref_slice %arg2[%add3A_852] : memref<320000xi32, #tpu.memory_space<hbm>> -> memref<80xi32, #tpu.memory_space<hbm>>
    tpu.enqueue_dma source(%dma_start3A_854 : memref<80xi32, #tpu.memory_space<hbm>>) target(%arg14 : memref<80xi32, #tpu.memory_space<vmem>>) target_semaphore(%arg25 : memref<!tpu.dma_semaphore, #tpu.memory_space<semaphore_mem>>)
    %add3A_855 = arith.constant 6880 : i32
    %add3A_856 = arith.addi %mul3A_2, %add3A_855 : i32
    %dma_start3A_857 = tpu.memref_slice %arg2[%add3A_856] : memref<320000xi32, #tpu.memory_space<hbm>> -> memref<80xi32, #tpu.memory_space<hbm>>
    %dma_start3A_858 = tpu.memref_slice %arg2[%add3A_856] : memref<320000xi32, #tpu.memory_space<hbm>> -> memref<80xi32, #tpu.memory_space<hbm>>
    tpu.enqueue_dma source(%dma_start3A_858 : memref<80xi32, #tpu.memory_space<hbm>>) target(%arg15 : memref<80xi32, #tpu.memory_space<vmem>>) target_semaphore(%arg25 : memref<!tpu.dma_semaphore, #tpu.memory_space<semaphore_mem>>)
    %add3A_859 = arith.constant 6960 : i32
    %add3A_860 = arith.addi %mul3A_2, %add3A_859 : i32
    %dma_start3A_861 = tpu.memref_slice %arg2[%add3A_860] : memref<320000xi32, #tpu.memory_space<hbm>> -> memref<80xi32, #tpu.memory_space<hbm>>
    %dma_start3A_862 = tpu.memref_slice %arg2[%add3A_860] : memref<320000xi32, #tpu.memory_space<hbm>> -> memref<80xi32, #tpu.memory_space<hbm>>
    tpu.enqueue_dma source(%dma_start3A_862 : memref<80xi32, #tpu.memory_space<hbm>>) target(%arg16 : memref<80xi32, #tpu.memory_space<vmem>>) target_semaphore(%arg25 : memref<!tpu.dma_semaphore, #tpu.memory_space<semaphore_mem>>)
    %add3A_863 = arith.constant 7040 : i32
    %add3A_864 = arith.addi %mul3A_2, %add3A_863 : i32
    %dma_start3A_865 = tpu.memref_slice %arg2[%add3A_864] : memref<320000xi32, #tpu.memory_space<hbm>> -> memref<80xi32, #tpu.memory_space<hbm>>
    %dma_start3A_866 = tpu.memref_slice %arg2[%add3A_864] : memref<320000xi32, #tpu.memory_space<hbm>> -> memref<80xi32, #tpu.memory_space<hbm>>
    tpu.enqueue_dma source(%dma_start3A_866 : memref<80xi32, #tpu.memory_space<hbm>>) target(%arg17 : memref<80xi32, #tpu.memory_space<vmem>>) target_semaphore(%arg25 : memref<!tpu.dma_semaphore, #tpu.memory_space<semaphore_mem>>)
    %add3A_867 = arith.constant 7120 : i32
    %add3A_868 = arith.addi %mul3A_2, %add3A_867 : i32
    %dma_start3A_869 = tpu.memref_slice %arg2[%add3A_868] : memref<320000xi32, #tpu.memory_space<hbm>> -> memref<80xi32, #tpu.memory_space<hbm>>
    %dma_start3A_870 = tpu.memref_slice %arg2[%add3A_868] : memref<320000xi32, #tpu.memory_space<hbm>> -> memref<80xi32, #tpu.memory_space<hbm>>
    tpu.enqueue_dma source(%dma_start3A_870 : memref<80xi32, #tpu.memory_space<hbm>>) target(%arg18 : memref<80xi32, #tpu.memory_space<vmem>>) target_semaphore(%arg25 : memref<!tpu.dma_semaphore, #tpu.memory_space<semaphore_mem>>)
    %add3A_871 = arith.constant 7200 : i32
    %add3A_872 = arith.addi %mul3A_2, %add3A_871 : i32
    %dma_start3A_873 = tpu.memref_slice %arg2[%add3A_872] : memref<320000xi32, #tpu.memory_space<hbm>> -> memref<80xi32, #tpu.memory_space<hbm>>
    %dma_start3A_874 = tpu.memref_slice %arg2[%add3A_872] : memref<320000xi32, #tpu.memory_space<hbm>> -> memref<80xi32, #tpu.memory_space<hbm>>
    tpu.enqueue_dma source(%dma_start3A_874 : memref<80xi32, #tpu.memory_space<hbm>>) target(%arg19 : memref<80xi32, #tpu.memory_space<vmem>>) target_semaphore(%arg25 : memref<!tpu.dma_semaphore, #tpu.memory_space<semaphore_mem>>)
    %add3A_875 = arith.constant 7280 : i32
    %add3A_876 = arith.addi %mul3A_2, %add3A_875 : i32
    %dma_start3A_877 = tpu.memref_slice %arg2[%add3A_876] : memref<320000xi32, #tpu.memory_space<hbm>> -> memref<80xi32, #tpu.memory_space<hbm>>
    %dma_start3A_878 = tpu.memref_slice %arg2[%add3A_876] : memref<320000xi32, #tpu.memory_space<hbm>> -> memref<80xi32, #tpu.memory_space<hbm>>
    tpu.enqueue_dma source(%dma_start3A_878 : memref<80xi32, #tpu.memory_space<hbm>>) target(%arg20 : memref<80xi32, #tpu.memory_space<vmem>>) target_semaphore(%arg25 : memref<!tpu.dma_semaphore, #tpu.memory_space<semaphore_mem>>)
    %add3A_879 = arith.constant 7360 : i32
    %add3A_880 = arith.addi %mul3A_2, %add3A_879 : i32
    %dma_start3A_881 = tpu.memref_slice %arg2[%add3A_880] : memref<320000xi32, #tpu.memory_space<hbm>> -> memref<80xi32, #tpu.memory_space<hbm>>
    %dma_start3A_882 = tpu.memref_slice %arg2[%add3A_880] : memref<320000xi32, #tpu.memory_space<hbm>> -> memref<80xi32, #tpu.memory_space<hbm>>
    tpu.enqueue_dma source(%dma_start3A_882 : memref<80xi32, #tpu.memory_space<hbm>>) target(%arg21 : memref<80xi32, #tpu.memory_space<vmem>>) target_semaphore(%arg25 : memref<!tpu.dma_semaphore, #tpu.memory_space<semaphore_mem>>)
    %add3A_883 = arith.constant 7440 : i32
    %add3A_884 = arith.addi %mul3A_2, %add3A_883 : i32
    %dma_start3A_885 = tpu.memref_slice %arg2[%add3A_884] : memref<320000xi32, #tpu.memory_space<hbm>> -> memref<80xi32, #tpu.memory_space<hbm>>
    %dma_start3A_886 = tpu.memref_slice %arg2[%add3A_884] : memref<320000xi32, #tpu.memory_space<hbm>> -> memref<80xi32, #tpu.memory_space<hbm>>
    tpu.enqueue_dma source(%dma_start3A_886 : memref<80xi32, #tpu.memory_space<hbm>>) target(%arg22 : memref<80xi32, #tpu.memory_space<vmem>>) target_semaphore(%arg25 : memref<!tpu.dma_semaphore, #tpu.memory_space<semaphore_mem>>)
    %add3A_887 = arith.constant 7520 : i32
    %add3A_888 = arith.addi %mul3A_2, %add3A_887 : i32
    %dma_start3A_889 = tpu.memref_slice %arg2[%add3A_888] : memref<320000xi32, #tpu.memory_space<hbm>> -> memref<80xi32, #tpu.memory_space<hbm>>
    %dma_start3A_890 = tpu.memref_slice %arg2[%add3A_888] : memref<320000xi32, #tpu.memory_space<hbm>> -> memref<80xi32, #tpu.memory_space<hbm>>
    tpu.enqueue_dma source(%dma_start3A_890 : memref<80xi32, #tpu.memory_space<hbm>>) target(%arg23 : memref<80xi32, #tpu.memory_space<vmem>>) target_semaphore(%arg25 : memref<!tpu.dma_semaphore, #tpu.memory_space<semaphore_mem>>)
    %add3A_891 = arith.constant 7600 : i32
    %add3A_892 = arith.addi %mul3A_2, %add3A_891 : i32
    %dma_start3A_893 = tpu.memref_slice %arg2[%add3A_892] : memref<320000xi32, #tpu.memory_space<hbm>> -> memref<80xi32, #tpu.memory_space<hbm>>
    %dma_start3A_894 = tpu.memref_slice %arg2[%add3A_892] : memref<320000xi32, #tpu.memory_space<hbm>> -> memref<80xi32, #tpu.memory_space<hbm>>
    tpu.enqueue_dma source(%dma_start3A_894 : memref<80xi32, #tpu.memory_space<hbm>>) target(%arg24 : memref<80xi32, #tpu.memory_space<vmem>>) target_semaphore(%arg25 : memref<!tpu.dma_semaphore, #tpu.memory_space<semaphore_mem>>)
    %dma_wait3A_895 = tpu.memref_slice %arg2[%add3A_832] : memref<320000xi32, #tpu.memory_space<hbm>> -> memref<80xi32, #tpu.memory_space<hbm>>
    %dma_wait3A_896 = tpu.memref_slice %arg2[%add3A_832] : memref<320000xi32, #tpu.memory_space<hbm>> -> memref<80xi32, #tpu.memory_space<hbm>>
    tpu.wait_dma2 semaphore(%arg25 : memref<!tpu.dma_semaphore, #tpu.memory_space<semaphore_mem>>) src(%dma_wait3A_896 : memref<80xi32, #tpu.memory_space<hbm>>) dst(%arg9 : memref<80xi32, #tpu.memory_space<vmem>>)
    %dma_wait3A_897 = tpu.memref_slice %arg2[%add3A_836] : memref<320000xi32, #tpu.memory_space<hbm>> -> memref<80xi32, #tpu.memory_space<hbm>>
    %dma_wait3A_898 = tpu.memref_slice %arg2[%add3A_836] : memref<320000xi32, #tpu.memory_space<hbm>> -> memref<80xi32, #tpu.memory_space<hbm>>
    tpu.wait_dma2 semaphore(%arg25 : memref<!tpu.dma_semaphore, #tpu.memory_space<semaphore_mem>>) src(%dma_wait3A_898 : memref<80xi32, #tpu.memory_space<hbm>>) dst(%arg10 : memref<80xi32, #tpu.memory_space<vmem>>)
    %dma_wait3A_899 = tpu.memref_slice %arg2[%add3A_840] : memref<320000xi32, #tpu.memory_space<hbm>> -> memref<80xi32, #tpu.memory_space<hbm>>
    %dma_wait3A_900 = tpu.memref_slice %arg2[%add3A_840] : memref<320000xi32, #tpu.memory_space<hbm>> -> memref<80xi32, #tpu.memory_space<hbm>>
    tpu.wait_dma2 semaphore(%arg25 : memref<!tpu.dma_semaphore, #tpu.memory_space<semaphore_mem>>) src(%dma_wait3A_900 : memref<80xi32, #tpu.memory_space<hbm>>) dst(%arg11 : memref<80xi32, #tpu.memory_space<vmem>>)
    %dma_wait3A_901 = tpu.memref_slice %arg2[%add3A_844] : memref<320000xi32, #tpu.memory_space<hbm>> -> memref<80xi32, #tpu.memory_space<hbm>>
    %dma_wait3A_902 = tpu.memref_slice %arg2[%add3A_844] : memref<320000xi32, #tpu.memory_space<hbm>> -> memref<80xi32, #tpu.memory_space<hbm>>
    tpu.wait_dma2 semaphore(%arg25 : memref<!tpu.dma_semaphore, #tpu.memory_space<semaphore_mem>>) src(%dma_wait3A_902 : memref<80xi32, #tpu.memory_space<hbm>>) dst(%arg12 : memref<80xi32, #tpu.memory_space<vmem>>)
    %dma_wait3A_903 = tpu.memref_slice %arg2[%add3A_848] : memref<320000xi32, #tpu.memory_space<hbm>> -> memref<80xi32, #tpu.memory_space<hbm>>
    %dma_wait3A_904 = tpu.memref_slice %arg2[%add3A_848] : memref<320000xi32, #tpu.memory_space<hbm>> -> memref<80xi32, #tpu.memory_space<hbm>>
    tpu.wait_dma2 semaphore(%arg25 : memref<!tpu.dma_semaphore, #tpu.memory_space<semaphore_mem>>) src(%dma_wait3A_904 : memref<80xi32, #tpu.memory_space<hbm>>) dst(%arg13 : memref<80xi32, #tpu.memory_space<vmem>>)
    %dma_wait3A_905 = tpu.memref_slice %arg2[%add3A_852] : memref<320000xi32, #tpu.memory_space<hbm>> -> memref<80xi32, #tpu.memory_space<hbm>>
    %dma_wait3A_906 = tpu.memref_slice %arg2[%add3A_852] : memref<320000xi32, #tpu.memory_space<hbm>> -> memref<80xi32, #tpu.memory_space<hbm>>
    tpu.wait_dma2 semaphore(%arg25 : memref<!tpu.dma_semaphore, #tpu.memory_space<semaphore_mem>>) src(%dma_wait3A_906 : memref<80xi32, #tpu.memory_space<hbm>>) dst(%arg14 : memref<80xi32, #tpu.memory_space<vmem>>)
    %dma_wait3A_907 = tpu.memref_slice %arg2[%add3A_856] : memref<320000xi32, #tpu.memory_space<hbm>> -> memref<80xi32, #tpu.memory_space<hbm>>
    %dma_wait3A_908 = tpu.memref_slice %arg2[%add3A_856] : memref<320000xi32, #tpu.memory_space<hbm>> -> memref<80xi32, #tpu.memory_space<hbm>>
    tpu.wait_dma2 semaphore(%arg25 : memref<!tpu.dma_semaphore, #tpu.memory_space<semaphore_mem>>) src(%dma_wait3A_908 : memref<80xi32, #tpu.memory_space<hbm>>) dst(%arg15 : memref<80xi32, #tpu.memory_space<vmem>>)
    %dma_wait3A_909 = tpu.memref_slice %arg2[%add3A_860] : memref<320000xi32, #tpu.memory_space<hbm>> -> memref<80xi32, #tpu.memory_space<hbm>>
    %dma_wait3A_910 = tpu.memref_slice %arg2[%add3A_860] : memref<320000xi32, #tpu.memory_space<hbm>> -> memref<80xi32, #tpu.memory_space<hbm>>
    tpu.wait_dma2 semaphore(%arg25 : memref<!tpu.dma_semaphore, #tpu.memory_space<semaphore_mem>>) src(%dma_wait3A_910 : memref<80xi32, #tpu.memory_space<hbm>>) dst(%arg16 : memref<80xi32, #tpu.memory_space<vmem>>)
    %dma_wait3A_911 = tpu.memref_slice %arg2[%add3A_864] : memref<320000xi32, #tpu.memory_space<hbm>> -> memref<80xi32, #tpu.memory_space<hbm>>
    %dma_wait3A_912 = tpu.memref_slice %arg2[%add3A_864] : memref<320000xi32, #tpu.memory_space<hbm>> -> memref<80xi32, #tpu.memory_space<hbm>>
    tpu.wait_dma2 semaphore(%arg25 : memref<!tpu.dma_semaphore, #tpu.memory_space<semaphore_mem>>) src(%dma_wait3A_912 : memref<80xi32, #tpu.memory_space<hbm>>) dst(%arg17 : memref<80xi32, #tpu.memory_space<vmem>>)
    %dma_wait3A_913 = tpu.memref_slice %arg2[%add3A_868] : memref<320000xi32, #tpu.memory_space<hbm>> -> memref<80xi32, #tpu.memory_space<hbm>>
    %dma_wait3A_914 = tpu.memref_slice %arg2[%add3A_868] : memref<320000xi32, #tpu.memory_space<hbm>> -> memref<80xi32, #tpu.memory_space<hbm>>
    tpu.wait_dma2 semaphore(%arg25 : memref<!tpu.dma_semaphore, #tpu.memory_space<semaphore_mem>>) src(%dma_wait3A_914 : memref<80xi32, #tpu.memory_space<hbm>>) dst(%arg18 : memref<80xi32, #tpu.memory_space<vmem>>)
    %dma_wait3A_915 = tpu.memref_slice %arg2[%add3A_872] : memref<320000xi32, #tpu.memory_space<hbm>> -> memref<80xi32, #tpu.memory_space<hbm>>
    %dma_wait3A_916 = tpu.memref_slice %arg2[%add3A_872] : memref<320000xi32, #tpu.memory_space<hbm>> -> memref<80xi32, #tpu.memory_space<hbm>>
    tpu.wait_dma2 semaphore(%arg25 : memref<!tpu.dma_semaphore, #tpu.memory_space<semaphore_mem>>) src(%dma_wait3A_916 : memref<80xi32, #tpu.memory_space<hbm>>) dst(%arg19 : memref<80xi32, #tpu.memory_space<vmem>>)
    %dma_wait3A_917 = tpu.memref_slice %arg2[%add3A_876] : memref<320000xi32, #tpu.memory_space<hbm>> -> memref<80xi32, #tpu.memory_space<hbm>>
    %dma_wait3A_918 = tpu.memref_slice %arg2[%add3A_876] : memref<320000xi32, #tpu.memory_space<hbm>> -> memref<80xi32, #tpu.memory_space<hbm>>
    tpu.wait_dma2 semaphore(%arg25 : memref<!tpu.dma_semaphore, #tpu.memory_space<semaphore_mem>>) src(%dma_wait3A_918 : memref<80xi32, #tpu.memory_space<hbm>>) dst(%arg20 : memref<80xi32, #tpu.memory_space<vmem>>)
    %dma_wait3A_919 = tpu.memref_slice %arg2[%add3A_880] : memref<320000xi32, #tpu.memory_space<hbm>> -> memref<80xi32, #tpu.memory_space<hbm>>
    %dma_wait3A_920 = tpu.memref_slice %arg2[%add3A_880] : memref<320000xi32, #tpu.memory_space<hbm>> -> memref<80xi32, #tpu.memory_space<hbm>>
    tpu.wait_dma2 semaphore(%arg25 : memref<!tpu.dma_semaphore, #tpu.memory_space<semaphore_mem>>) src(%dma_wait3A_920 : memref<80xi32, #tpu.memory_space<hbm>>) dst(%arg21 : memref<80xi32, #tpu.memory_space<vmem>>)
    %dma_wait3A_921 = tpu.memref_slice %arg2[%add3A_884] : memref<320000xi32, #tpu.memory_space<hbm>> -> memref<80xi32, #tpu.memory_space<hbm>>
    %dma_wait3A_922 = tpu.memref_slice %arg2[%add3A_884] : memref<320000xi32, #tpu.memory_space<hbm>> -> memref<80xi32, #tpu.memory_space<hbm>>
    tpu.wait_dma2 semaphore(%arg25 : memref<!tpu.dma_semaphore, #tpu.memory_space<semaphore_mem>>) src(%dma_wait3A_922 : memref<80xi32, #tpu.memory_space<hbm>>) dst(%arg22 : memref<80xi32, #tpu.memory_space<vmem>>)
    %dma_wait3A_923 = tpu.memref_slice %arg2[%add3A_888] : memref<320000xi32, #tpu.memory_space<hbm>> -> memref<80xi32, #tpu.memory_space<hbm>>
    %dma_wait3A_924 = tpu.memref_slice %arg2[%add3A_888] : memref<320000xi32, #tpu.memory_space<hbm>> -> memref<80xi32, #tpu.memory_space<hbm>>
    tpu.wait_dma2 semaphore(%arg25 : memref<!tpu.dma_semaphore, #tpu.memory_space<semaphore_mem>>) src(%dma_wait3A_924 : memref<80xi32, #tpu.memory_space<hbm>>) dst(%arg23 : memref<80xi32, #tpu.memory_space<vmem>>)
    %dma_wait3A_925 = tpu.memref_slice %arg2[%add3A_892] : memref<320000xi32, #tpu.memory_space<hbm>> -> memref<80xi32, #tpu.memory_space<hbm>>
    %dma_wait3A_926 = tpu.memref_slice %arg2[%add3A_892] : memref<320000xi32, #tpu.memory_space<hbm>> -> memref<80xi32, #tpu.memory_space<hbm>>
    tpu.wait_dma2 semaphore(%arg25 : memref<!tpu.dma_semaphore, #tpu.memory_space<semaphore_mem>>) src(%dma_wait3A_926 : memref<80xi32, #tpu.memory_space<hbm>>) dst(%arg24 : memref<80xi32, #tpu.memory_space<vmem>>)
    %dma_start3A_927 = arith.constant 0 : i32
    %dma_start3A_928 = tpu.memref_slice %arg6[%dma_start3A_927] : memref<10240xf32, #tpu.memory_space<vmem_shared>> -> memref<10240xf32, #tpu.memory_space<vmem_shared>>
    tpu.enqueue_indirect_dma source(%arg7 : memref<80xf32, #tpu.memory_space<vmem>>) target(%dma_start3A_928 : memref<10240xf32, #tpu.memory_space<vmem_shared>>) offsets(%arg9 : memref<80xi32, #tpu.memory_space<vmem>>) semaphore(%arg26 : memref<!tpu.dma_semaphore, #tpu.memory_space<semaphore_mem>>) {add = true}
    %dma_start3A_929 = arith.constant 0 : i32
    %dma_start3A_930 = tpu.memref_slice %arg6[%dma_start3A_929] : memref<10240xf32, #tpu.memory_space<vmem_shared>> -> memref<10240xf32, #tpu.memory_space<vmem_shared>>
    tpu.enqueue_indirect_dma source(%arg7 : memref<80xf32, #tpu.memory_space<vmem>>) target(%dma_start3A_930 : memref<10240xf32, #tpu.memory_space<vmem_shared>>) offsets(%arg10 : memref<80xi32, #tpu.memory_space<vmem>>) semaphore(%arg26 : memref<!tpu.dma_semaphore, #tpu.memory_space<semaphore_mem>>) {add = true}
    %dma_start3A_931 = arith.constant 0 : i32
    %dma_start3A_932 = tpu.memref_slice %arg6[%dma_start3A_931] : memref<10240xf32, #tpu.memory_space<vmem_shared>> -> memref<10240xf32, #tpu.memory_space<vmem_shared>>
    tpu.enqueue_indirect_dma source(%arg7 : memref<80xf32, #tpu.memory_space<vmem>>) target(%dma_start3A_932 : memref<10240xf32, #tpu.memory_space<vmem_shared>>) offsets(%arg11 : memref<80xi32, #tpu.memory_space<vmem>>) semaphore(%arg26 : memref<!tpu.dma_semaphore, #tpu.memory_space<semaphore_mem>>) {add = true}
    %dma_start3A_933 = arith.constant 0 : i32
    %dma_start3A_934 = tpu.memref_slice %arg6[%dma_start3A_933] : memref<10240xf32, #tpu.memory_space<vmem_shared>> -> memref<10240xf32, #tpu.memory_space<vmem_shared>>
    tpu.enqueue_indirect_dma source(%arg7 : memref<80xf32, #tpu.memory_space<vmem>>) target(%dma_start3A_934 : memref<10240xf32, #tpu.memory_space<vmem_shared>>) offsets(%arg12 : memref<80xi32, #tpu.memory_space<vmem>>) semaphore(%arg26 : memref<!tpu.dma_semaphore, #tpu.memory_space<semaphore_mem>>) {add = true}
    %dma_start3A_935 = arith.constant 0 : i32
    %dma_start3A_936 = tpu.memref_slice %arg6[%dma_start3A_935] : memref<10240xf32, #tpu.memory_space<vmem_shared>> -> memref<10240xf32, #tpu.memory_space<vmem_shared>>
    tpu.enqueue_indirect_dma source(%arg7 : memref<80xf32, #tpu.memory_space<vmem>>) target(%dma_start3A_936 : memref<10240xf32, #tpu.memory_space<vmem_shared>>) offsets(%arg13 : memref<80xi32, #tpu.memory_space<vmem>>) semaphore(%arg26 : memref<!tpu.dma_semaphore, #tpu.memory_space<semaphore_mem>>) {add = true}
    %dma_start3A_937 = arith.constant 0 : i32
    %dma_start3A_938 = tpu.memref_slice %arg6[%dma_start3A_937] : memref<10240xf32, #tpu.memory_space<vmem_shared>> -> memref<10240xf32, #tpu.memory_space<vmem_shared>>
    tpu.enqueue_indirect_dma source(%arg7 : memref<80xf32, #tpu.memory_space<vmem>>) target(%dma_start3A_938 : memref<10240xf32, #tpu.memory_space<vmem_shared>>) offsets(%arg14 : memref<80xi32, #tpu.memory_space<vmem>>) semaphore(%arg26 : memref<!tpu.dma_semaphore, #tpu.memory_space<semaphore_mem>>) {add = true}
    %dma_start3A_939 = arith.constant 0 : i32
    %dma_start3A_940 = tpu.memref_slice %arg6[%dma_start3A_939] : memref<10240xf32, #tpu.memory_space<vmem_shared>> -> memref<10240xf32, #tpu.memory_space<vmem_shared>>
    tpu.enqueue_indirect_dma source(%arg7 : memref<80xf32, #tpu.memory_space<vmem>>) target(%dma_start3A_940 : memref<10240xf32, #tpu.memory_space<vmem_shared>>) offsets(%arg15 : memref<80xi32, #tpu.memory_space<vmem>>) semaphore(%arg26 : memref<!tpu.dma_semaphore, #tpu.memory_space<semaphore_mem>>) {add = true}
    %dma_start3A_941 = arith.constant 0 : i32
    %dma_start3A_942 = tpu.memref_slice %arg6[%dma_start3A_941] : memref<10240xf32, #tpu.memory_space<vmem_shared>> -> memref<10240xf32, #tpu.memory_space<vmem_shared>>
    tpu.enqueue_indirect_dma source(%arg7 : memref<80xf32, #tpu.memory_space<vmem>>) target(%dma_start3A_942 : memref<10240xf32, #tpu.memory_space<vmem_shared>>) offsets(%arg16 : memref<80xi32, #tpu.memory_space<vmem>>) semaphore(%arg26 : memref<!tpu.dma_semaphore, #tpu.memory_space<semaphore_mem>>) {add = true}
    %dma_start3A_943 = arith.constant 0 : i32
    %dma_start3A_944 = tpu.memref_slice %arg6[%dma_start3A_943] : memref<10240xf32, #tpu.memory_space<vmem_shared>> -> memref<10240xf32, #tpu.memory_space<vmem_shared>>
    tpu.enqueue_indirect_dma source(%arg7 : memref<80xf32, #tpu.memory_space<vmem>>) target(%dma_start3A_944 : memref<10240xf32, #tpu.memory_space<vmem_shared>>) offsets(%arg17 : memref<80xi32, #tpu.memory_space<vmem>>) semaphore(%arg26 : memref<!tpu.dma_semaphore, #tpu.memory_space<semaphore_mem>>) {add = true}
    %dma_start3A_945 = arith.constant 0 : i32
    %dma_start3A_946 = tpu.memref_slice %arg6[%dma_start3A_945] : memref<10240xf32, #tpu.memory_space<vmem_shared>> -> memref<10240xf32, #tpu.memory_space<vmem_shared>>
    tpu.enqueue_indirect_dma source(%arg7 : memref<80xf32, #tpu.memory_space<vmem>>) target(%dma_start3A_946 : memref<10240xf32, #tpu.memory_space<vmem_shared>>) offsets(%arg18 : memref<80xi32, #tpu.memory_space<vmem>>) semaphore(%arg26 : memref<!tpu.dma_semaphore, #tpu.memory_space<semaphore_mem>>) {add = true}
    %dma_start3A_947 = arith.constant 0 : i32
    %dma_start3A_948 = tpu.memref_slice %arg6[%dma_start3A_947] : memref<10240xf32, #tpu.memory_space<vmem_shared>> -> memref<10240xf32, #tpu.memory_space<vmem_shared>>
    tpu.enqueue_indirect_dma source(%arg7 : memref<80xf32, #tpu.memory_space<vmem>>) target(%dma_start3A_948 : memref<10240xf32, #tpu.memory_space<vmem_shared>>) offsets(%arg19 : memref<80xi32, #tpu.memory_space<vmem>>) semaphore(%arg26 : memref<!tpu.dma_semaphore, #tpu.memory_space<semaphore_mem>>) {add = true}
    %dma_start3A_949 = arith.constant 0 : i32
    %dma_start3A_950 = tpu.memref_slice %arg6[%dma_start3A_949] : memref<10240xf32, #tpu.memory_space<vmem_shared>> -> memref<10240xf32, #tpu.memory_space<vmem_shared>>
    tpu.enqueue_indirect_dma source(%arg7 : memref<80xf32, #tpu.memory_space<vmem>>) target(%dma_start3A_950 : memref<10240xf32, #tpu.memory_space<vmem_shared>>) offsets(%arg20 : memref<80xi32, #tpu.memory_space<vmem>>) semaphore(%arg26 : memref<!tpu.dma_semaphore, #tpu.memory_space<semaphore_mem>>) {add = true}
    %dma_start3A_951 = arith.constant 0 : i32
    %dma_start3A_952 = tpu.memref_slice %arg6[%dma_start3A_951] : memref<10240xf32, #tpu.memory_space<vmem_shared>> -> memref<10240xf32, #tpu.memory_space<vmem_shared>>
    tpu.enqueue_indirect_dma source(%arg7 : memref<80xf32, #tpu.memory_space<vmem>>) target(%dma_start3A_952 : memref<10240xf32, #tpu.memory_space<vmem_shared>>) offsets(%arg21 : memref<80xi32, #tpu.memory_space<vmem>>) semaphore(%arg26 : memref<!tpu.dma_semaphore, #tpu.memory_space<semaphore_mem>>) {add = true}
    %dma_start3A_953 = arith.constant 0 : i32
    %dma_start3A_954 = tpu.memref_slice %arg6[%dma_start3A_953] : memref<10240xf32, #tpu.memory_space<vmem_shared>> -> memref<10240xf32, #tpu.memory_space<vmem_shared>>
    tpu.enqueue_indirect_dma source(%arg7 : memref<80xf32, #tpu.memory_space<vmem>>) target(%dma_start3A_954 : memref<10240xf32, #tpu.memory_space<vmem_shared>>) offsets(%arg22 : memref<80xi32, #tpu.memory_space<vmem>>) semaphore(%arg26 : memref<!tpu.dma_semaphore, #tpu.memory_space<semaphore_mem>>) {add = true}
    %dma_start3A_955 = arith.constant 0 : i32
    %dma_start3A_956 = tpu.memref_slice %arg6[%dma_start3A_955] : memref<10240xf32, #tpu.memory_space<vmem_shared>> -> memref<10240xf32, #tpu.memory_space<vmem_shared>>
    tpu.enqueue_indirect_dma source(%arg7 : memref<80xf32, #tpu.memory_space<vmem>>) target(%dma_start3A_956 : memref<10240xf32, #tpu.memory_space<vmem_shared>>) offsets(%arg23 : memref<80xi32, #tpu.memory_space<vmem>>) semaphore(%arg26 : memref<!tpu.dma_semaphore, #tpu.memory_space<semaphore_mem>>) {add = true}
    %dma_start3A_957 = arith.constant 0 : i32
    %dma_start3A_958 = tpu.memref_slice %arg6[%dma_start3A_957] : memref<10240xf32, #tpu.memory_space<vmem_shared>> -> memref<10240xf32, #tpu.memory_space<vmem_shared>>
    tpu.enqueue_indirect_dma source(%arg7 : memref<80xf32, #tpu.memory_space<vmem>>) target(%dma_start3A_958 : memref<10240xf32, #tpu.memory_space<vmem_shared>>) offsets(%arg24 : memref<80xi32, #tpu.memory_space<vmem>>) semaphore(%arg26 : memref<!tpu.dma_semaphore, #tpu.memory_space<semaphore_mem>>) {add = true}
    %dma_wait3A_959 = arith.constant 0 : i32
    %dma_wait3A_960 = tpu.memref_slice %arg6[%dma_wait3A_959] : memref<10240xf32, #tpu.memory_space<vmem_shared>> -> memref<10240xf32, #tpu.memory_space<vmem_shared>>
    tpu.wait_indirect_dma semaphore(%arg26 : memref<!tpu.dma_semaphore, #tpu.memory_space<semaphore_mem>>) src(%arg7 : memref<80xf32, #tpu.memory_space<vmem>>) dst(%dma_wait3A_960 : memref<10240xf32, #tpu.memory_space<vmem_shared>>)
    %dma_wait3A_961 = arith.constant 0 : i32
    %dma_wait3A_962 = tpu.memref_slice %arg6[%dma_wait3A_961] : memref<10240xf32, #tpu.memory_space<vmem_shared>> -> memref<10240xf32, #tpu.memory_space<vmem_shared>>
    tpu.wait_indirect_dma semaphore(%arg26 : memref<!tpu.dma_semaphore, #tpu.memory_space<semaphore_mem>>) src(%arg7 : memref<80xf32, #tpu.memory_space<vmem>>) dst(%dma_wait3A_962 : memref<10240xf32, #tpu.memory_space<vmem_shared>>)
    %dma_wait3A_963 = arith.constant 0 : i32
    %dma_wait3A_964 = tpu.memref_slice %arg6[%dma_wait3A_963] : memref<10240xf32, #tpu.memory_space<vmem_shared>> -> memref<10240xf32, #tpu.memory_space<vmem_shared>>
    tpu.wait_indirect_dma semaphore(%arg26 : memref<!tpu.dma_semaphore, #tpu.memory_space<semaphore_mem>>) src(%arg7 : memref<80xf32, #tpu.memory_space<vmem>>) dst(%dma_wait3A_964 : memref<10240xf32, #tpu.memory_space<vmem_shared>>)
    %dma_wait3A_965 = arith.constant 0 : i32
    %dma_wait3A_966 = tpu.memref_slice %arg6[%dma_wait3A_965] : memref<10240xf32, #tpu.memory_space<vmem_shared>> -> memref<10240xf32, #tpu.memory_space<vmem_shared>>
    tpu.wait_indirect_dma semaphore(%arg26 : memref<!tpu.dma_semaphore, #tpu.memory_space<semaphore_mem>>) src(%arg7 : memref<80xf32, #tpu.memory_space<vmem>>) dst(%dma_wait3A_966 : memref<10240xf32, #tpu.memory_space<vmem_shared>>)
    %dma_wait3A_967 = arith.constant 0 : i32
    %dma_wait3A_968 = tpu.memref_slice %arg6[%dma_wait3A_967] : memref<10240xf32, #tpu.memory_space<vmem_shared>> -> memref<10240xf32, #tpu.memory_space<vmem_shared>>
    tpu.wait_indirect_dma semaphore(%arg26 : memref<!tpu.dma_semaphore, #tpu.memory_space<semaphore_mem>>) src(%arg7 : memref<80xf32, #tpu.memory_space<vmem>>) dst(%dma_wait3A_968 : memref<10240xf32, #tpu.memory_space<vmem_shared>>)
    %dma_wait3A_969 = arith.constant 0 : i32
    %dma_wait3A_970 = tpu.memref_slice %arg6[%dma_wait3A_969] : memref<10240xf32, #tpu.memory_space<vmem_shared>> -> memref<10240xf32, #tpu.memory_space<vmem_shared>>
    tpu.wait_indirect_dma semaphore(%arg26 : memref<!tpu.dma_semaphore, #tpu.memory_space<semaphore_mem>>) src(%arg7 : memref<80xf32, #tpu.memory_space<vmem>>) dst(%dma_wait3A_970 : memref<10240xf32, #tpu.memory_space<vmem_shared>>)
    %dma_wait3A_971 = arith.constant 0 : i32
    %dma_wait3A_972 = tpu.memref_slice %arg6[%dma_wait3A_971] : memref<10240xf32, #tpu.memory_space<vmem_shared>> -> memref<10240xf32, #tpu.memory_space<vmem_shared>>
    tpu.wait_indirect_dma semaphore(%arg26 : memref<!tpu.dma_semaphore, #tpu.memory_space<semaphore_mem>>) src(%arg7 : memref<80xf32, #tpu.memory_space<vmem>>) dst(%dma_wait3A_972 : memref<10240xf32, #tpu.memory_space<vmem_shared>>)
    %dma_wait3A_973 = arith.constant 0 : i32
    %dma_wait3A_974 = tpu.memref_slice %arg6[%dma_wait3A_973] : memref<10240xf32, #tpu.memory_space<vmem_shared>> -> memref<10240xf32, #tpu.memory_space<vmem_shared>>
    tpu.wait_indirect_dma semaphore(%arg26 : memref<!tpu.dma_semaphore, #tpu.memory_space<semaphore_mem>>) src(%arg7 : memref<80xf32, #tpu.memory_space<vmem>>) dst(%dma_wait3A_974 : memref<10240xf32, #tpu.memory_space<vmem_shared>>)
    %dma_wait3A_975 = arith.constant 0 : i32
    %dma_wait3A_976 = tpu.memref_slice %arg6[%dma_wait3A_975] : memref<10240xf32, #tpu.memory_space<vmem_shared>> -> memref<10240xf32, #tpu.memory_space<vmem_shared>>
    tpu.wait_indirect_dma semaphore(%arg26 : memref<!tpu.dma_semaphore, #tpu.memory_space<semaphore_mem>>) src(%arg7 : memref<80xf32, #tpu.memory_space<vmem>>) dst(%dma_wait3A_976 : memref<10240xf32, #tpu.memory_space<vmem_shared>>)
    %dma_wait3A_977 = arith.constant 0 : i32
    %dma_wait3A_978 = tpu.memref_slice %arg6[%dma_wait3A_977] : memref<10240xf32, #tpu.memory_space<vmem_shared>> -> memref<10240xf32, #tpu.memory_space<vmem_shared>>
    tpu.wait_indirect_dma semaphore(%arg26 : memref<!tpu.dma_semaphore, #tpu.memory_space<semaphore_mem>>) src(%arg7 : memref<80xf32, #tpu.memory_space<vmem>>) dst(%dma_wait3A_978 : memref<10240xf32, #tpu.memory_space<vmem_shared>>)
    %dma_wait3A_979 = arith.constant 0 : i32
    %dma_wait3A_980 = tpu.memref_slice %arg6[%dma_wait3A_979] : memref<10240xf32, #tpu.memory_space<vmem_shared>> -> memref<10240xf32, #tpu.memory_space<vmem_shared>>
    tpu.wait_indirect_dma semaphore(%arg26 : memref<!tpu.dma_semaphore, #tpu.memory_space<semaphore_mem>>) src(%arg7 : memref<80xf32, #tpu.memory_space<vmem>>) dst(%dma_wait3A_980 : memref<10240xf32, #tpu.memory_space<vmem_shared>>)
    %dma_wait3A_981 = arith.constant 0 : i32
    %dma_wait3A_982 = tpu.memref_slice %arg6[%dma_wait3A_981] : memref<10240xf32, #tpu.memory_space<vmem_shared>> -> memref<10240xf32, #tpu.memory_space<vmem_shared>>
    tpu.wait_indirect_dma semaphore(%arg26 : memref<!tpu.dma_semaphore, #tpu.memory_space<semaphore_mem>>) src(%arg7 : memref<80xf32, #tpu.memory_space<vmem>>) dst(%dma_wait3A_982 : memref<10240xf32, #tpu.memory_space<vmem_shared>>)
    %dma_wait3A_983 = arith.constant 0 : i32
    %dma_wait3A_984 = tpu.memref_slice %arg6[%dma_wait3A_983] : memref<10240xf32, #tpu.memory_space<vmem_shared>> -> memref<10240xf32, #tpu.memory_space<vmem_shared>>
    tpu.wait_indirect_dma semaphore(%arg26 : memref<!tpu.dma_semaphore, #tpu.memory_space<semaphore_mem>>) src(%arg7 : memref<80xf32, #tpu.memory_space<vmem>>) dst(%dma_wait3A_984 : memref<10240xf32, #tpu.memory_space<vmem_shared>>)
    %dma_wait3A_985 = arith.constant 0 : i32
    %dma_wait3A_986 = tpu.memref_slice %arg6[%dma_wait3A_985] : memref<10240xf32, #tpu.memory_space<vmem_shared>> -> memref<10240xf32, #tpu.memory_space<vmem_shared>>
    tpu.wait_indirect_dma semaphore(%arg26 : memref<!tpu.dma_semaphore, #tpu.memory_space<semaphore_mem>>) src(%arg7 : memref<80xf32, #tpu.memory_space<vmem>>) dst(%dma_wait3A_986 : memref<10240xf32, #tpu.memory_space<vmem_shared>>)
    %dma_wait3A_987 = arith.constant 0 : i32
    %dma_wait3A_988 = tpu.memref_slice %arg6[%dma_wait3A_987] : memref<10240xf32, #tpu.memory_space<vmem_shared>> -> memref<10240xf32, #tpu.memory_space<vmem_shared>>
    tpu.wait_indirect_dma semaphore(%arg26 : memref<!tpu.dma_semaphore, #tpu.memory_space<semaphore_mem>>) src(%arg7 : memref<80xf32, #tpu.memory_space<vmem>>) dst(%dma_wait3A_988 : memref<10240xf32, #tpu.memory_space<vmem_shared>>)
    %dma_wait3A_989 = arith.constant 0 : i32
    %dma_wait3A_990 = tpu.memref_slice %arg6[%dma_wait3A_989] : memref<10240xf32, #tpu.memory_space<vmem_shared>> -> memref<10240xf32, #tpu.memory_space<vmem_shared>>
    tpu.wait_indirect_dma semaphore(%arg26 : memref<!tpu.dma_semaphore, #tpu.memory_space<semaphore_mem>>) src(%arg7 : memref<80xf32, #tpu.memory_space<vmem>>) dst(%dma_wait3A_990 : memref<10240xf32, #tpu.memory_space<vmem_shared>>)
    %add3A_991 = arith.constant 7680 : i32
    %add3A_992 = arith.addi %mul3A_2, %add3A_991 : i32
    %dma_start3A_993 = tpu.memref_slice %arg2[%add3A_992] : memref<320000xi32, #tpu.memory_space<hbm>> -> memref<80xi32, #tpu.memory_space<hbm>>
    %dma_start3A_994 = tpu.memref_slice %arg2[%add3A_992] : memref<320000xi32, #tpu.memory_space<hbm>> -> memref<80xi32, #tpu.memory_space<hbm>>
    tpu.enqueue_dma source(%dma_start3A_994 : memref<80xi32, #tpu.memory_space<hbm>>) target(%arg9 : memref<80xi32, #tpu.memory_space<vmem>>) target_semaphore(%arg25 : memref<!tpu.dma_semaphore, #tpu.memory_space<semaphore_mem>>)
    %add3A_995 = arith.constant 7760 : i32
    %add3A_996 = arith.addi %mul3A_2, %add3A_995 : i32
    %dma_start3A_997 = tpu.memref_slice %arg2[%add3A_996] : memref<320000xi32, #tpu.memory_space<hbm>> -> memref<80xi32, #tpu.memory_space<hbm>>
    %dma_start3A_998 = tpu.memref_slice %arg2[%add3A_996] : memref<320000xi32, #tpu.memory_space<hbm>> -> memref<80xi32, #tpu.memory_space<hbm>>
    tpu.enqueue_dma source(%dma_start3A_998 : memref<80xi32, #tpu.memory_space<hbm>>) target(%arg10 : memref<80xi32, #tpu.memory_space<vmem>>) target_semaphore(%arg25 : memref<!tpu.dma_semaphore, #tpu.memory_space<semaphore_mem>>)
    %add3A_999 = arith.constant 7840 : i32
    %add3A_1000 = arith.addi %mul3A_2, %add3A_999 : i32
    %dma_start3A_1001 = tpu.memref_slice %arg2[%add3A_1000] : memref<320000xi32, #tpu.memory_space<hbm>> -> memref<80xi32, #tpu.memory_space<hbm>>
    %dma_start3A_1002 = tpu.memref_slice %arg2[%add3A_1000] : memref<320000xi32, #tpu.memory_space<hbm>> -> memref<80xi32, #tpu.memory_space<hbm>>
    tpu.enqueue_dma source(%dma_start3A_1002 : memref<80xi32, #tpu.memory_space<hbm>>) target(%arg11 : memref<80xi32, #tpu.memory_space<vmem>>) target_semaphore(%arg25 : memref<!tpu.dma_semaphore, #tpu.memory_space<semaphore_mem>>)
    %add3A_1003 = arith.constant 7920 : i32
    %add3A_1004 = arith.addi %mul3A_2, %add3A_1003 : i32
    %dma_start3A_1005 = tpu.memref_slice %arg2[%add3A_1004] : memref<320000xi32, #tpu.memory_space<hbm>> -> memref<80xi32, #tpu.memory_space<hbm>>
    %dma_start3A_1006 = tpu.memref_slice %arg2[%add3A_1004] : memref<320000xi32, #tpu.memory_space<hbm>> -> memref<80xi32, #tpu.memory_space<hbm>>
    tpu.enqueue_dma source(%dma_start3A_1006 : memref<80xi32, #tpu.memory_space<hbm>>) target(%arg12 : memref<80xi32, #tpu.memory_space<vmem>>) target_semaphore(%arg25 : memref<!tpu.dma_semaphore, #tpu.memory_space<semaphore_mem>>)
    %add3A_1007 = arith.constant 8000 : i32
    %add3A_1008 = arith.addi %mul3A_2, %add3A_1007 : i32
    %dma_start3A_1009 = tpu.memref_slice %arg2[%add3A_1008] : memref<320000xi32, #tpu.memory_space<hbm>> -> memref<80xi32, #tpu.memory_space<hbm>>
    %dma_start3A_1010 = tpu.memref_slice %arg2[%add3A_1008] : memref<320000xi32, #tpu.memory_space<hbm>> -> memref<80xi32, #tpu.memory_space<hbm>>
    tpu.enqueue_dma source(%dma_start3A_1010 : memref<80xi32, #tpu.memory_space<hbm>>) target(%arg13 : memref<80xi32, #tpu.memory_space<vmem>>) target_semaphore(%arg25 : memref<!tpu.dma_semaphore, #tpu.memory_space<semaphore_mem>>)
    %add3A_1011 = arith.constant 8080 : i32
    %add3A_1012 = arith.addi %mul3A_2, %add3A_1011 : i32
    %dma_start3A_1013 = tpu.memref_slice %arg2[%add3A_1012] : memref<320000xi32, #tpu.memory_space<hbm>> -> memref<80xi32, #tpu.memory_space<hbm>>
    %dma_start3A_1014 = tpu.memref_slice %arg2[%add3A_1012] : memref<320000xi32, #tpu.memory_space<hbm>> -> memref<80xi32, #tpu.memory_space<hbm>>
    tpu.enqueue_dma source(%dma_start3A_1014 : memref<80xi32, #tpu.memory_space<hbm>>) target(%arg14 : memref<80xi32, #tpu.memory_space<vmem>>) target_semaphore(%arg25 : memref<!tpu.dma_semaphore, #tpu.memory_space<semaphore_mem>>)
    %add3A_1015 = arith.constant 8160 : i32
    %add3A_1016 = arith.addi %mul3A_2, %add3A_1015 : i32
    %dma_start3A_1017 = tpu.memref_slice %arg2[%add3A_1016] : memref<320000xi32, #tpu.memory_space<hbm>> -> memref<80xi32, #tpu.memory_space<hbm>>
    %dma_start3A_1018 = tpu.memref_slice %arg2[%add3A_1016] : memref<320000xi32, #tpu.memory_space<hbm>> -> memref<80xi32, #tpu.memory_space<hbm>>
    tpu.enqueue_dma source(%dma_start3A_1018 : memref<80xi32, #tpu.memory_space<hbm>>) target(%arg15 : memref<80xi32, #tpu.memory_space<vmem>>) target_semaphore(%arg25 : memref<!tpu.dma_semaphore, #tpu.memory_space<semaphore_mem>>)
    %add3A_1019 = arith.constant 8240 : i32
    %add3A_1020 = arith.addi %mul3A_2, %add3A_1019 : i32
    %dma_start3A_1021 = tpu.memref_slice %arg2[%add3A_1020] : memref<320000xi32, #tpu.memory_space<hbm>> -> memref<80xi32, #tpu.memory_space<hbm>>
    %dma_start3A_1022 = tpu.memref_slice %arg2[%add3A_1020] : memref<320000xi32, #tpu.memory_space<hbm>> -> memref<80xi32, #tpu.memory_space<hbm>>
    tpu.enqueue_dma source(%dma_start3A_1022 : memref<80xi32, #tpu.memory_space<hbm>>) target(%arg16 : memref<80xi32, #tpu.memory_space<vmem>>) target_semaphore(%arg25 : memref<!tpu.dma_semaphore, #tpu.memory_space<semaphore_mem>>)
    %add3A_1023 = arith.constant 8320 : i32
    %add3A_1024 = arith.addi %mul3A_2, %add3A_1023 : i32
    %dma_start3A_1025 = tpu.memref_slice %arg2[%add3A_1024] : memref<320000xi32, #tpu.memory_space<hbm>> -> memref<80xi32, #tpu.memory_space<hbm>>
    %dma_start3A_1026 = tpu.memref_slice %arg2[%add3A_1024] : memref<320000xi32, #tpu.memory_space<hbm>> -> memref<80xi32, #tpu.memory_space<hbm>>
    tpu.enqueue_dma source(%dma_start3A_1026 : memref<80xi32, #tpu.memory_space<hbm>>) target(%arg17 : memref<80xi32, #tpu.memory_space<vmem>>) target_semaphore(%arg25 : memref<!tpu.dma_semaphore, #tpu.memory_space<semaphore_mem>>)
    %add3A_1027 = arith.constant 8400 : i32
    %add3A_1028 = arith.addi %mul3A_2, %add3A_1027 : i32
    %dma_start3A_1029 = tpu.memref_slice %arg2[%add3A_1028] : memref<320000xi32, #tpu.memory_space<hbm>> -> memref<80xi32, #tpu.memory_space<hbm>>
    %dma_start3A_1030 = tpu.memref_slice %arg2[%add3A_1028] : memref<320000xi32, #tpu.memory_space<hbm>> -> memref<80xi32, #tpu.memory_space<hbm>>
    tpu.enqueue_dma source(%dma_start3A_1030 : memref<80xi32, #tpu.memory_space<hbm>>) target(%arg18 : memref<80xi32, #tpu.memory_space<vmem>>) target_semaphore(%arg25 : memref<!tpu.dma_semaphore, #tpu.memory_space<semaphore_mem>>)
    %add3A_1031 = arith.constant 8480 : i32
    %add3A_1032 = arith.addi %mul3A_2, %add3A_1031 : i32
    %dma_start3A_1033 = tpu.memref_slice %arg2[%add3A_1032] : memref<320000xi32, #tpu.memory_space<hbm>> -> memref<80xi32, #tpu.memory_space<hbm>>
    %dma_start3A_1034 = tpu.memref_slice %arg2[%add3A_1032] : memref<320000xi32, #tpu.memory_space<hbm>> -> memref<80xi32, #tpu.memory_space<hbm>>
    tpu.enqueue_dma source(%dma_start3A_1034 : memref<80xi32, #tpu.memory_space<hbm>>) target(%arg19 : memref<80xi32, #tpu.memory_space<vmem>>) target_semaphore(%arg25 : memref<!tpu.dma_semaphore, #tpu.memory_space<semaphore_mem>>)
    %add3A_1035 = arith.constant 8560 : i32
    %add3A_1036 = arith.addi %mul3A_2, %add3A_1035 : i32
    %dma_start3A_1037 = tpu.memref_slice %arg2[%add3A_1036] : memref<320000xi32, #tpu.memory_space<hbm>> -> memref<80xi32, #tpu.memory_space<hbm>>
    %dma_start3A_1038 = tpu.memref_slice %arg2[%add3A_1036] : memref<320000xi32, #tpu.memory_space<hbm>> -> memref<80xi32, #tpu.memory_space<hbm>>
    tpu.enqueue_dma source(%dma_start3A_1038 : memref<80xi32, #tpu.memory_space<hbm>>) target(%arg20 : memref<80xi32, #tpu.memory_space<vmem>>) target_semaphore(%arg25 : memref<!tpu.dma_semaphore, #tpu.memory_space<semaphore_mem>>)
    %add3A_1039 = arith.constant 8640 : i32
    %add3A_1040 = arith.addi %mul3A_2, %add3A_1039 : i32
    %dma_start3A_1041 = tpu.memref_slice %arg2[%add3A_1040] : memref<320000xi32, #tpu.memory_space<hbm>> -> memref<80xi32, #tpu.memory_space<hbm>>
    %dma_start3A_1042 = tpu.memref_slice %arg2[%add3A_1040] : memref<320000xi32, #tpu.memory_space<hbm>> -> memref<80xi32, #tpu.memory_space<hbm>>
    tpu.enqueue_dma source(%dma_start3A_1042 : memref<80xi32, #tpu.memory_space<hbm>>) target(%arg21 : memref<80xi32, #tpu.memory_space<vmem>>) target_semaphore(%arg25 : memref<!tpu.dma_semaphore, #tpu.memory_space<semaphore_mem>>)
    %add3A_1043 = arith.constant 8720 : i32
    %add3A_1044 = arith.addi %mul3A_2, %add3A_1043 : i32
    %dma_start3A_1045 = tpu.memref_slice %arg2[%add3A_1044] : memref<320000xi32, #tpu.memory_space<hbm>> -> memref<80xi32, #tpu.memory_space<hbm>>
    %dma_start3A_1046 = tpu.memref_slice %arg2[%add3A_1044] : memref<320000xi32, #tpu.memory_space<hbm>> -> memref<80xi32, #tpu.memory_space<hbm>>
    tpu.enqueue_dma source(%dma_start3A_1046 : memref<80xi32, #tpu.memory_space<hbm>>) target(%arg22 : memref<80xi32, #tpu.memory_space<vmem>>) target_semaphore(%arg25 : memref<!tpu.dma_semaphore, #tpu.memory_space<semaphore_mem>>)
    %add3A_1047 = arith.constant 8800 : i32
    %add3A_1048 = arith.addi %mul3A_2, %add3A_1047 : i32
    %dma_start3A_1049 = tpu.memref_slice %arg2[%add3A_1048] : memref<320000xi32, #tpu.memory_space<hbm>> -> memref<80xi32, #tpu.memory_space<hbm>>
    %dma_start3A_1050 = tpu.memref_slice %arg2[%add3A_1048] : memref<320000xi32, #tpu.memory_space<hbm>> -> memref<80xi32, #tpu.memory_space<hbm>>
    tpu.enqueue_dma source(%dma_start3A_1050 : memref<80xi32, #tpu.memory_space<hbm>>) target(%arg23 : memref<80xi32, #tpu.memory_space<vmem>>) target_semaphore(%arg25 : memref<!tpu.dma_semaphore, #tpu.memory_space<semaphore_mem>>)
    %add3A_1051 = arith.constant 8880 : i32
    %add3A_1052 = arith.addi %mul3A_2, %add3A_1051 : i32
    %dma_start3A_1053 = tpu.memref_slice %arg2[%add3A_1052] : memref<320000xi32, #tpu.memory_space<hbm>> -> memref<80xi32, #tpu.memory_space<hbm>>
    %dma_start3A_1054 = tpu.memref_slice %arg2[%add3A_1052] : memref<320000xi32, #tpu.memory_space<hbm>> -> memref<80xi32, #tpu.memory_space<hbm>>
    tpu.enqueue_dma source(%dma_start3A_1054 : memref<80xi32, #tpu.memory_space<hbm>>) target(%arg24 : memref<80xi32, #tpu.memory_space<vmem>>) target_semaphore(%arg25 : memref<!tpu.dma_semaphore, #tpu.memory_space<semaphore_mem>>)
    %dma_wait3A_1055 = tpu.memref_slice %arg2[%add3A_992] : memref<320000xi32, #tpu.memory_space<hbm>> -> memref<80xi32, #tpu.memory_space<hbm>>
    %dma_wait3A_1056 = tpu.memref_slice %arg2[%add3A_992] : memref<320000xi32, #tpu.memory_space<hbm>> -> memref<80xi32, #tpu.memory_space<hbm>>
    tpu.wait_dma2 semaphore(%arg25 : memref<!tpu.dma_semaphore, #tpu.memory_space<semaphore_mem>>) src(%dma_wait3A_1056 : memref<80xi32, #tpu.memory_space<hbm>>) dst(%arg9 : memref<80xi32, #tpu.memory_space<vmem>>)
    %dma_wait3A_1057 = tpu.memref_slice %arg2[%add3A_996] : memref<320000xi32, #tpu.memory_space<hbm>> -> memref<80xi32, #tpu.memory_space<hbm>>
    %dma_wait3A_1058 = tpu.memref_slice %arg2[%add3A_996] : memref<320000xi32, #tpu.memory_space<hbm>> -> memref<80xi32, #tpu.memory_space<hbm>>
    tpu.wait_dma2 semaphore(%arg25 : memref<!tpu.dma_semaphore, #tpu.memory_space<semaphore_mem>>) src(%dma_wait3A_1058 : memref<80xi32, #tpu.memory_space<hbm>>) dst(%arg10 : memref<80xi32, #tpu.memory_space<vmem>>)
    %dma_wait3A_1059 = tpu.memref_slice %arg2[%add3A_1000] : memref<320000xi32, #tpu.memory_space<hbm>> -> memref<80xi32, #tpu.memory_space<hbm>>
    %dma_wait3A_1060 = tpu.memref_slice %arg2[%add3A_1000] : memref<320000xi32, #tpu.memory_space<hbm>> -> memref<80xi32, #tpu.memory_space<hbm>>
    tpu.wait_dma2 semaphore(%arg25 : memref<!tpu.dma_semaphore, #tpu.memory_space<semaphore_mem>>) src(%dma_wait3A_1060 : memref<80xi32, #tpu.memory_space<hbm>>) dst(%arg11 : memref<80xi32, #tpu.memory_space<vmem>>)
    %dma_wait3A_1061 = tpu.memref_slice %arg2[%add3A_1004] : memref<320000xi32, #tpu.memory_space<hbm>> -> memref<80xi32, #tpu.memory_space<hbm>>
    %dma_wait3A_1062 = tpu.memref_slice %arg2[%add3A_1004] : memref<320000xi32, #tpu.memory_space<hbm>> -> memref<80xi32, #tpu.memory_space<hbm>>
    tpu.wait_dma2 semaphore(%arg25 : memref<!tpu.dma_semaphore, #tpu.memory_space<semaphore_mem>>) src(%dma_wait3A_1062 : memref<80xi32, #tpu.memory_space<hbm>>) dst(%arg12 : memref<80xi32, #tpu.memory_space<vmem>>)
    %dma_wait3A_1063 = tpu.memref_slice %arg2[%add3A_1008] : memref<320000xi32, #tpu.memory_space<hbm>> -> memref<80xi32, #tpu.memory_space<hbm>>
    %dma_wait3A_1064 = tpu.memref_slice %arg2[%add3A_1008] : memref<320000xi32, #tpu.memory_space<hbm>> -> memref<80xi32, #tpu.memory_space<hbm>>
    tpu.wait_dma2 semaphore(%arg25 : memref<!tpu.dma_semaphore, #tpu.memory_space<semaphore_mem>>) src(%dma_wait3A_1064 : memref<80xi32, #tpu.memory_space<hbm>>) dst(%arg13 : memref<80xi32, #tpu.memory_space<vmem>>)
    %dma_wait3A_1065 = tpu.memref_slice %arg2[%add3A_1012] : memref<320000xi32, #tpu.memory_space<hbm>> -> memref<80xi32, #tpu.memory_space<hbm>>
    %dma_wait3A_1066 = tpu.memref_slice %arg2[%add3A_1012] : memref<320000xi32, #tpu.memory_space<hbm>> -> memref<80xi32, #tpu.memory_space<hbm>>
    tpu.wait_dma2 semaphore(%arg25 : memref<!tpu.dma_semaphore, #tpu.memory_space<semaphore_mem>>) src(%dma_wait3A_1066 : memref<80xi32, #tpu.memory_space<hbm>>) dst(%arg14 : memref<80xi32, #tpu.memory_space<vmem>>)
    %dma_wait3A_1067 = tpu.memref_slice %arg2[%add3A_1016] : memref<320000xi32, #tpu.memory_space<hbm>> -> memref<80xi32, #tpu.memory_space<hbm>>
    %dma_wait3A_1068 = tpu.memref_slice %arg2[%add3A_1016] : memref<320000xi32, #tpu.memory_space<hbm>> -> memref<80xi32, #tpu.memory_space<hbm>>
    tpu.wait_dma2 semaphore(%arg25 : memref<!tpu.dma_semaphore, #tpu.memory_space<semaphore_mem>>) src(%dma_wait3A_1068 : memref<80xi32, #tpu.memory_space<hbm>>) dst(%arg15 : memref<80xi32, #tpu.memory_space<vmem>>)
    %dma_wait3A_1069 = tpu.memref_slice %arg2[%add3A_1020] : memref<320000xi32, #tpu.memory_space<hbm>> -> memref<80xi32, #tpu.memory_space<hbm>>
    %dma_wait3A_1070 = tpu.memref_slice %arg2[%add3A_1020] : memref<320000xi32, #tpu.memory_space<hbm>> -> memref<80xi32, #tpu.memory_space<hbm>>
    tpu.wait_dma2 semaphore(%arg25 : memref<!tpu.dma_semaphore, #tpu.memory_space<semaphore_mem>>) src(%dma_wait3A_1070 : memref<80xi32, #tpu.memory_space<hbm>>) dst(%arg16 : memref<80xi32, #tpu.memory_space<vmem>>)
    %dma_wait3A_1071 = tpu.memref_slice %arg2[%add3A_1024] : memref<320000xi32, #tpu.memory_space<hbm>> -> memref<80xi32, #tpu.memory_space<hbm>>
    %dma_wait3A_1072 = tpu.memref_slice %arg2[%add3A_1024] : memref<320000xi32, #tpu.memory_space<hbm>> -> memref<80xi32, #tpu.memory_space<hbm>>
    tpu.wait_dma2 semaphore(%arg25 : memref<!tpu.dma_semaphore, #tpu.memory_space<semaphore_mem>>) src(%dma_wait3A_1072 : memref<80xi32, #tpu.memory_space<hbm>>) dst(%arg17 : memref<80xi32, #tpu.memory_space<vmem>>)
    %dma_wait3A_1073 = tpu.memref_slice %arg2[%add3A_1028] : memref<320000xi32, #tpu.memory_space<hbm>> -> memref<80xi32, #tpu.memory_space<hbm>>
    %dma_wait3A_1074 = tpu.memref_slice %arg2[%add3A_1028] : memref<320000xi32, #tpu.memory_space<hbm>> -> memref<80xi32, #tpu.memory_space<hbm>>
    tpu.wait_dma2 semaphore(%arg25 : memref<!tpu.dma_semaphore, #tpu.memory_space<semaphore_mem>>) src(%dma_wait3A_1074 : memref<80xi32, #tpu.memory_space<hbm>>) dst(%arg18 : memref<80xi32, #tpu.memory_space<vmem>>)
    %dma_wait3A_1075 = tpu.memref_slice %arg2[%add3A_1032] : memref<320000xi32, #tpu.memory_space<hbm>> -> memref<80xi32, #tpu.memory_space<hbm>>
    %dma_wait3A_1076 = tpu.memref_slice %arg2[%add3A_1032] : memref<320000xi32, #tpu.memory_space<hbm>> -> memref<80xi32, #tpu.memory_space<hbm>>
    tpu.wait_dma2 semaphore(%arg25 : memref<!tpu.dma_semaphore, #tpu.memory_space<semaphore_mem>>) src(%dma_wait3A_1076 : memref<80xi32, #tpu.memory_space<hbm>>) dst(%arg19 : memref<80xi32, #tpu.memory_space<vmem>>)
    %dma_wait3A_1077 = tpu.memref_slice %arg2[%add3A_1036] : memref<320000xi32, #tpu.memory_space<hbm>> -> memref<80xi32, #tpu.memory_space<hbm>>
    %dma_wait3A_1078 = tpu.memref_slice %arg2[%add3A_1036] : memref<320000xi32, #tpu.memory_space<hbm>> -> memref<80xi32, #tpu.memory_space<hbm>>
    tpu.wait_dma2 semaphore(%arg25 : memref<!tpu.dma_semaphore, #tpu.memory_space<semaphore_mem>>) src(%dma_wait3A_1078 : memref<80xi32, #tpu.memory_space<hbm>>) dst(%arg20 : memref<80xi32, #tpu.memory_space<vmem>>)
    %dma_wait3A_1079 = tpu.memref_slice %arg2[%add3A_1040] : memref<320000xi32, #tpu.memory_space<hbm>> -> memref<80xi32, #tpu.memory_space<hbm>>
    %dma_wait3A_1080 = tpu.memref_slice %arg2[%add3A_1040] : memref<320000xi32, #tpu.memory_space<hbm>> -> memref<80xi32, #tpu.memory_space<hbm>>
    tpu.wait_dma2 semaphore(%arg25 : memref<!tpu.dma_semaphore, #tpu.memory_space<semaphore_mem>>) src(%dma_wait3A_1080 : memref<80xi32, #tpu.memory_space<hbm>>) dst(%arg21 : memref<80xi32, #tpu.memory_space<vmem>>)
    %dma_wait3A_1081 = tpu.memref_slice %arg2[%add3A_1044] : memref<320000xi32, #tpu.memory_space<hbm>> -> memref<80xi32, #tpu.memory_space<hbm>>
    %dma_wait3A_1082 = tpu.memref_slice %arg2[%add3A_1044] : memref<320000xi32, #tpu.memory_space<hbm>> -> memref<80xi32, #tpu.memory_space<hbm>>
    tpu.wait_dma2 semaphore(%arg25 : memref<!tpu.dma_semaphore, #tpu.memory_space<semaphore_mem>>) src(%dma_wait3A_1082 : memref<80xi32, #tpu.memory_space<hbm>>) dst(%arg22 : memref<80xi32, #tpu.memory_space<vmem>>)
    %dma_wait3A_1083 = tpu.memref_slice %arg2[%add3A_1048] : memref<320000xi32, #tpu.memory_space<hbm>> -> memref<80xi32, #tpu.memory_space<hbm>>
    %dma_wait3A_1084 = tpu.memref_slice %arg2[%add3A_1048] : memref<320000xi32, #tpu.memory_space<hbm>> -> memref<80xi32, #tpu.memory_space<hbm>>
    tpu.wait_dma2 semaphore(%arg25 : memref<!tpu.dma_semaphore, #tpu.memory_space<semaphore_mem>>) src(%dma_wait3A_1084 : memref<80xi32, #tpu.memory_space<hbm>>) dst(%arg23 : memref<80xi32, #tpu.memory_space<vmem>>)
    %dma_wait3A_1085 = tpu.memref_slice %arg2[%add3A_1052] : memref<320000xi32, #tpu.memory_space<hbm>> -> memref<80xi32, #tpu.memory_space<hbm>>
    %dma_wait3A_1086 = tpu.memref_slice %arg2[%add3A_1052] : memref<320000xi32, #tpu.memory_space<hbm>> -> memref<80xi32, #tpu.memory_space<hbm>>
    tpu.wait_dma2 semaphore(%arg25 : memref<!tpu.dma_semaphore, #tpu.memory_space<semaphore_mem>>) src(%dma_wait3A_1086 : memref<80xi32, #tpu.memory_space<hbm>>) dst(%arg24 : memref<80xi32, #tpu.memory_space<vmem>>)
    %dma_start3A_1087 = arith.constant 0 : i32
    %dma_start3A_1088 = tpu.memref_slice %arg6[%dma_start3A_1087] : memref<10240xf32, #tpu.memory_space<vmem_shared>> -> memref<10240xf32, #tpu.memory_space<vmem_shared>>
    tpu.enqueue_indirect_dma source(%arg7 : memref<80xf32, #tpu.memory_space<vmem>>) target(%dma_start3A_1088 : memref<10240xf32, #tpu.memory_space<vmem_shared>>) offsets(%arg9 : memref<80xi32, #tpu.memory_space<vmem>>) semaphore(%arg26 : memref<!tpu.dma_semaphore, #tpu.memory_space<semaphore_mem>>) {add = true}
    %dma_start3A_1089 = arith.constant 0 : i32
    %dma_start3A_1090 = tpu.memref_slice %arg6[%dma_start3A_1089] : memref<10240xf32, #tpu.memory_space<vmem_shared>> -> memref<10240xf32, #tpu.memory_space<vmem_shared>>
    tpu.enqueue_indirect_dma source(%arg7 : memref<80xf32, #tpu.memory_space<vmem>>) target(%dma_start3A_1090 : memref<10240xf32, #tpu.memory_space<vmem_shared>>) offsets(%arg10 : memref<80xi32, #tpu.memory_space<vmem>>) semaphore(%arg26 : memref<!tpu.dma_semaphore, #tpu.memory_space<semaphore_mem>>) {add = true}
    %dma_start3A_1091 = arith.constant 0 : i32
    %dma_start3A_1092 = tpu.memref_slice %arg6[%dma_start3A_1091] : memref<10240xf32, #tpu.memory_space<vmem_shared>> -> memref<10240xf32, #tpu.memory_space<vmem_shared>>
    tpu.enqueue_indirect_dma source(%arg7 : memref<80xf32, #tpu.memory_space<vmem>>) target(%dma_start3A_1092 : memref<10240xf32, #tpu.memory_space<vmem_shared>>) offsets(%arg11 : memref<80xi32, #tpu.memory_space<vmem>>) semaphore(%arg26 : memref<!tpu.dma_semaphore, #tpu.memory_space<semaphore_mem>>) {add = true}
    %dma_start3A_1093 = arith.constant 0 : i32
    %dma_start3A_1094 = tpu.memref_slice %arg6[%dma_start3A_1093] : memref<10240xf32, #tpu.memory_space<vmem_shared>> -> memref<10240xf32, #tpu.memory_space<vmem_shared>>
    tpu.enqueue_indirect_dma source(%arg7 : memref<80xf32, #tpu.memory_space<vmem>>) target(%dma_start3A_1094 : memref<10240xf32, #tpu.memory_space<vmem_shared>>) offsets(%arg12 : memref<80xi32, #tpu.memory_space<vmem>>) semaphore(%arg26 : memref<!tpu.dma_semaphore, #tpu.memory_space<semaphore_mem>>) {add = true}
    %dma_start3A_1095 = arith.constant 0 : i32
    %dma_start3A_1096 = tpu.memref_slice %arg6[%dma_start3A_1095] : memref<10240xf32, #tpu.memory_space<vmem_shared>> -> memref<10240xf32, #tpu.memory_space<vmem_shared>>
    tpu.enqueue_indirect_dma source(%arg7 : memref<80xf32, #tpu.memory_space<vmem>>) target(%dma_start3A_1096 : memref<10240xf32, #tpu.memory_space<vmem_shared>>) offsets(%arg13 : memref<80xi32, #tpu.memory_space<vmem>>) semaphore(%arg26 : memref<!tpu.dma_semaphore, #tpu.memory_space<semaphore_mem>>) {add = true}
    %dma_start3A_1097 = arith.constant 0 : i32
    %dma_start3A_1098 = tpu.memref_slice %arg6[%dma_start3A_1097] : memref<10240xf32, #tpu.memory_space<vmem_shared>> -> memref<10240xf32, #tpu.memory_space<vmem_shared>>
    tpu.enqueue_indirect_dma source(%arg7 : memref<80xf32, #tpu.memory_space<vmem>>) target(%dma_start3A_1098 : memref<10240xf32, #tpu.memory_space<vmem_shared>>) offsets(%arg14 : memref<80xi32, #tpu.memory_space<vmem>>) semaphore(%arg26 : memref<!tpu.dma_semaphore, #tpu.memory_space<semaphore_mem>>) {add = true}
    %dma_start3A_1099 = arith.constant 0 : i32
    %dma_start3A_1100 = tpu.memref_slice %arg6[%dma_start3A_1099] : memref<10240xf32, #tpu.memory_space<vmem_shared>> -> memref<10240xf32, #tpu.memory_space<vmem_shared>>
    tpu.enqueue_indirect_dma source(%arg7 : memref<80xf32, #tpu.memory_space<vmem>>) target(%dma_start3A_1100 : memref<10240xf32, #tpu.memory_space<vmem_shared>>) offsets(%arg15 : memref<80xi32, #tpu.memory_space<vmem>>) semaphore(%arg26 : memref<!tpu.dma_semaphore, #tpu.memory_space<semaphore_mem>>) {add = true}
    %dma_start3A_1101 = arith.constant 0 : i32
    %dma_start3A_1102 = tpu.memref_slice %arg6[%dma_start3A_1101] : memref<10240xf32, #tpu.memory_space<vmem_shared>> -> memref<10240xf32, #tpu.memory_space<vmem_shared>>
    tpu.enqueue_indirect_dma source(%arg7 : memref<80xf32, #tpu.memory_space<vmem>>) target(%dma_start3A_1102 : memref<10240xf32, #tpu.memory_space<vmem_shared>>) offsets(%arg16 : memref<80xi32, #tpu.memory_space<vmem>>) semaphore(%arg26 : memref<!tpu.dma_semaphore, #tpu.memory_space<semaphore_mem>>) {add = true}
    %dma_start3A_1103 = arith.constant 0 : i32
    %dma_start3A_1104 = tpu.memref_slice %arg6[%dma_start3A_1103] : memref<10240xf32, #tpu.memory_space<vmem_shared>> -> memref<10240xf32, #tpu.memory_space<vmem_shared>>
    tpu.enqueue_indirect_dma source(%arg7 : memref<80xf32, #tpu.memory_space<vmem>>) target(%dma_start3A_1104 : memref<10240xf32, #tpu.memory_space<vmem_shared>>) offsets(%arg17 : memref<80xi32, #tpu.memory_space<vmem>>) semaphore(%arg26 : memref<!tpu.dma_semaphore, #tpu.memory_space<semaphore_mem>>) {add = true}
    %dma_start3A_1105 = arith.constant 0 : i32
    %dma_start3A_1106 = tpu.memref_slice %arg6[%dma_start3A_1105] : memref<10240xf32, #tpu.memory_space<vmem_shared>> -> memref<10240xf32, #tpu.memory_space<vmem_shared>>
    tpu.enqueue_indirect_dma source(%arg7 : memref<80xf32, #tpu.memory_space<vmem>>) target(%dma_start3A_1106 : memref<10240xf32, #tpu.memory_space<vmem_shared>>) offsets(%arg18 : memref<80xi32, #tpu.memory_space<vmem>>) semaphore(%arg26 : memref<!tpu.dma_semaphore, #tpu.memory_space<semaphore_mem>>) {add = true}
    %dma_start3A_1107 = arith.constant 0 : i32
    %dma_start3A_1108 = tpu.memref_slice %arg6[%dma_start3A_1107] : memref<10240xf32, #tpu.memory_space<vmem_shared>> -> memref<10240xf32, #tpu.memory_space<vmem_shared>>
    tpu.enqueue_indirect_dma source(%arg7 : memref<80xf32, #tpu.memory_space<vmem>>) target(%dma_start3A_1108 : memref<10240xf32, #tpu.memory_space<vmem_shared>>) offsets(%arg19 : memref<80xi32, #tpu.memory_space<vmem>>) semaphore(%arg26 : memref<!tpu.dma_semaphore, #tpu.memory_space<semaphore_mem>>) {add = true}
    %dma_start3A_1109 = arith.constant 0 : i32
    %dma_start3A_1110 = tpu.memref_slice %arg6[%dma_start3A_1109] : memref<10240xf32, #tpu.memory_space<vmem_shared>> -> memref<10240xf32, #tpu.memory_space<vmem_shared>>
    tpu.enqueue_indirect_dma source(%arg7 : memref<80xf32, #tpu.memory_space<vmem>>) target(%dma_start3A_1110 : memref<10240xf32, #tpu.memory_space<vmem_shared>>) offsets(%arg20 : memref<80xi32, #tpu.memory_space<vmem>>) semaphore(%arg26 : memref<!tpu.dma_semaphore, #tpu.memory_space<semaphore_mem>>) {add = true}
    %dma_start3A_1111 = arith.constant 0 : i32
    %dma_start3A_1112 = tpu.memref_slice %arg6[%dma_start3A_1111] : memref<10240xf32, #tpu.memory_space<vmem_shared>> -> memref<10240xf32, #tpu.memory_space<vmem_shared>>
    tpu.enqueue_indirect_dma source(%arg7 : memref<80xf32, #tpu.memory_space<vmem>>) target(%dma_start3A_1112 : memref<10240xf32, #tpu.memory_space<vmem_shared>>) offsets(%arg21 : memref<80xi32, #tpu.memory_space<vmem>>) semaphore(%arg26 : memref<!tpu.dma_semaphore, #tpu.memory_space<semaphore_mem>>) {add = true}
    %dma_start3A_1113 = arith.constant 0 : i32
    %dma_start3A_1114 = tpu.memref_slice %arg6[%dma_start3A_1113] : memref<10240xf32, #tpu.memory_space<vmem_shared>> -> memref<10240xf32, #tpu.memory_space<vmem_shared>>
    tpu.enqueue_indirect_dma source(%arg7 : memref<80xf32, #tpu.memory_space<vmem>>) target(%dma_start3A_1114 : memref<10240xf32, #tpu.memory_space<vmem_shared>>) offsets(%arg22 : memref<80xi32, #tpu.memory_space<vmem>>) semaphore(%arg26 : memref<!tpu.dma_semaphore, #tpu.memory_space<semaphore_mem>>) {add = true}
    %dma_start3A_1115 = arith.constant 0 : i32
    %dma_start3A_1116 = tpu.memref_slice %arg6[%dma_start3A_1115] : memref<10240xf32, #tpu.memory_space<vmem_shared>> -> memref<10240xf32, #tpu.memory_space<vmem_shared>>
    tpu.enqueue_indirect_dma source(%arg7 : memref<80xf32, #tpu.memory_space<vmem>>) target(%dma_start3A_1116 : memref<10240xf32, #tpu.memory_space<vmem_shared>>) offsets(%arg23 : memref<80xi32, #tpu.memory_space<vmem>>) semaphore(%arg26 : memref<!tpu.dma_semaphore, #tpu.memory_space<semaphore_mem>>) {add = true}
    %dma_start3A_1117 = arith.constant 0 : i32
    %dma_start3A_1118 = tpu.memref_slice %arg6[%dma_start3A_1117] : memref<10240xf32, #tpu.memory_space<vmem_shared>> -> memref<10240xf32, #tpu.memory_space<vmem_shared>>
    tpu.enqueue_indirect_dma source(%arg7 : memref<80xf32, #tpu.memory_space<vmem>>) target(%dma_start3A_1118 : memref<10240xf32, #tpu.memory_space<vmem_shared>>) offsets(%arg24 : memref<80xi32, #tpu.memory_space<vmem>>) semaphore(%arg26 : memref<!tpu.dma_semaphore, #tpu.memory_space<semaphore_mem>>) {add = true}
    %dma_wait3A_1119 = arith.constant 0 : i32
    %dma_wait3A_1120 = tpu.memref_slice %arg6[%dma_wait3A_1119] : memref<10240xf32, #tpu.memory_space<vmem_shared>> -> memref<10240xf32, #tpu.memory_space<vmem_shared>>
    tpu.wait_indirect_dma semaphore(%arg26 : memref<!tpu.dma_semaphore, #tpu.memory_space<semaphore_mem>>) src(%arg7 : memref<80xf32, #tpu.memory_space<vmem>>) dst(%dma_wait3A_1120 : memref<10240xf32, #tpu.memory_space<vmem_shared>>)
    %dma_wait3A_1121 = arith.constant 0 : i32
    %dma_wait3A_1122 = tpu.memref_slice %arg6[%dma_wait3A_1121] : memref<10240xf32, #tpu.memory_space<vmem_shared>> -> memref<10240xf32, #tpu.memory_space<vmem_shared>>
    tpu.wait_indirect_dma semaphore(%arg26 : memref<!tpu.dma_semaphore, #tpu.memory_space<semaphore_mem>>) src(%arg7 : memref<80xf32, #tpu.memory_space<vmem>>) dst(%dma_wait3A_1122 : memref<10240xf32, #tpu.memory_space<vmem_shared>>)
    %dma_wait3A_1123 = arith.constant 0 : i32
    %dma_wait3A_1124 = tpu.memref_slice %arg6[%dma_wait3A_1123] : memref<10240xf32, #tpu.memory_space<vmem_shared>> -> memref<10240xf32, #tpu.memory_space<vmem_shared>>
    tpu.wait_indirect_dma semaphore(%arg26 : memref<!tpu.dma_semaphore, #tpu.memory_space<semaphore_mem>>) src(%arg7 : memref<80xf32, #tpu.memory_space<vmem>>) dst(%dma_wait3A_1124 : memref<10240xf32, #tpu.memory_space<vmem_shared>>)
    %dma_wait3A_1125 = arith.constant 0 : i32
    %dma_wait3A_1126 = tpu.memref_slice %arg6[%dma_wait3A_1125] : memref<10240xf32, #tpu.memory_space<vmem_shared>> -> memref<10240xf32, #tpu.memory_space<vmem_shared>>
    tpu.wait_indirect_dma semaphore(%arg26 : memref<!tpu.dma_semaphore, #tpu.memory_space<semaphore_mem>>) src(%arg7 : memref<80xf32, #tpu.memory_space<vmem>>) dst(%dma_wait3A_1126 : memref<10240xf32, #tpu.memory_space<vmem_shared>>)
    %dma_wait3A_1127 = arith.constant 0 : i32
    %dma_wait3A_1128 = tpu.memref_slice %arg6[%dma_wait3A_1127] : memref<10240xf32, #tpu.memory_space<vmem_shared>> -> memref<10240xf32, #tpu.memory_space<vmem_shared>>
    tpu.wait_indirect_dma semaphore(%arg26 : memref<!tpu.dma_semaphore, #tpu.memory_space<semaphore_mem>>) src(%arg7 : memref<80xf32, #tpu.memory_space<vmem>>) dst(%dma_wait3A_1128 : memref<10240xf32, #tpu.memory_space<vmem_shared>>)
    %dma_wait3A_1129 = arith.constant 0 : i32
    %dma_wait3A_1130 = tpu.memref_slice %arg6[%dma_wait3A_1129] : memref<10240xf32, #tpu.memory_space<vmem_shared>> -> memref<10240xf32, #tpu.memory_space<vmem_shared>>
    tpu.wait_indirect_dma semaphore(%arg26 : memref<!tpu.dma_semaphore, #tpu.memory_space<semaphore_mem>>) src(%arg7 : memref<80xf32, #tpu.memory_space<vmem>>) dst(%dma_wait3A_1130 : memref<10240xf32, #tpu.memory_space<vmem_shared>>)
    %dma_wait3A_1131 = arith.constant 0 : i32
    %dma_wait3A_1132 = tpu.memref_slice %arg6[%dma_wait3A_1131] : memref<10240xf32, #tpu.memory_space<vmem_shared>> -> memref<10240xf32, #tpu.memory_space<vmem_shared>>
    tpu.wait_indirect_dma semaphore(%arg26 : memref<!tpu.dma_semaphore, #tpu.memory_space<semaphore_mem>>) src(%arg7 : memref<80xf32, #tpu.memory_space<vmem>>) dst(%dma_wait3A_1132 : memref<10240xf32, #tpu.memory_space<vmem_shared>>)
    %dma_wait3A_1133 = arith.constant 0 : i32
    %dma_wait3A_1134 = tpu.memref_slice %arg6[%dma_wait3A_1133] : memref<10240xf32, #tpu.memory_space<vmem_shared>> -> memref<10240xf32, #tpu.memory_space<vmem_shared>>
    tpu.wait_indirect_dma semaphore(%arg26 : memref<!tpu.dma_semaphore, #tpu.memory_space<semaphore_mem>>) src(%arg7 : memref<80xf32, #tpu.memory_space<vmem>>) dst(%dma_wait3A_1134 : memref<10240xf32, #tpu.memory_space<vmem_shared>>)
    %dma_wait3A_1135 = arith.constant 0 : i32
    %dma_wait3A_1136 = tpu.memref_slice %arg6[%dma_wait3A_1135] : memref<10240xf32, #tpu.memory_space<vmem_shared>> -> memref<10240xf32, #tpu.memory_space<vmem_shared>>
    tpu.wait_indirect_dma semaphore(%arg26 : memref<!tpu.dma_semaphore, #tpu.memory_space<semaphore_mem>>) src(%arg7 : memref<80xf32, #tpu.memory_space<vmem>>) dst(%dma_wait3A_1136 : memref<10240xf32, #tpu.memory_space<vmem_shared>>)
    %dma_wait3A_1137 = arith.constant 0 : i32
    %dma_wait3A_1138 = tpu.memref_slice %arg6[%dma_wait3A_1137] : memref<10240xf32, #tpu.memory_space<vmem_shared>> -> memref<10240xf32, #tpu.memory_space<vmem_shared>>
    tpu.wait_indirect_dma semaphore(%arg26 : memref<!tpu.dma_semaphore, #tpu.memory_space<semaphore_mem>>) src(%arg7 : memref<80xf32, #tpu.memory_space<vmem>>) dst(%dma_wait3A_1138 : memref<10240xf32, #tpu.memory_space<vmem_shared>>)
    %dma_wait3A_1139 = arith.constant 0 : i32
    %dma_wait3A_1140 = tpu.memref_slice %arg6[%dma_wait3A_1139] : memref<10240xf32, #tpu.memory_space<vmem_shared>> -> memref<10240xf32, #tpu.memory_space<vmem_shared>>
    tpu.wait_indirect_dma semaphore(%arg26 : memref<!tpu.dma_semaphore, #tpu.memory_space<semaphore_mem>>) src(%arg7 : memref<80xf32, #tpu.memory_space<vmem>>) dst(%dma_wait3A_1140 : memref<10240xf32, #tpu.memory_space<vmem_shared>>)
    %dma_wait3A_1141 = arith.constant 0 : i32
    %dma_wait3A_1142 = tpu.memref_slice %arg6[%dma_wait3A_1141] : memref<10240xf32, #tpu.memory_space<vmem_shared>> -> memref<10240xf32, #tpu.memory_space<vmem_shared>>
    tpu.wait_indirect_dma semaphore(%arg26 : memref<!tpu.dma_semaphore, #tpu.memory_space<semaphore_mem>>) src(%arg7 : memref<80xf32, #tpu.memory_space<vmem>>) dst(%dma_wait3A_1142 : memref<10240xf32, #tpu.memory_space<vmem_shared>>)
    %dma_wait3A_1143 = arith.constant 0 : i32
    %dma_wait3A_1144 = tpu.memref_slice %arg6[%dma_wait3A_1143] : memref<10240xf32, #tpu.memory_space<vmem_shared>> -> memref<10240xf32, #tpu.memory_space<vmem_shared>>
    tpu.wait_indirect_dma semaphore(%arg26 : memref<!tpu.dma_semaphore, #tpu.memory_space<semaphore_mem>>) src(%arg7 : memref<80xf32, #tpu.memory_space<vmem>>) dst(%dma_wait3A_1144 : memref<10240xf32, #tpu.memory_space<vmem_shared>>)
    %dma_wait3A_1145 = arith.constant 0 : i32
    %dma_wait3A_1146 = tpu.memref_slice %arg6[%dma_wait3A_1145] : memref<10240xf32, #tpu.memory_space<vmem_shared>> -> memref<10240xf32, #tpu.memory_space<vmem_shared>>
    tpu.wait_indirect_dma semaphore(%arg26 : memref<!tpu.dma_semaphore, #tpu.memory_space<semaphore_mem>>) src(%arg7 : memref<80xf32, #tpu.memory_space<vmem>>) dst(%dma_wait3A_1146 : memref<10240xf32, #tpu.memory_space<vmem_shared>>)
    %dma_wait3A_1147 = arith.constant 0 : i32
    %dma_wait3A_1148 = tpu.memref_slice %arg6[%dma_wait3A_1147] : memref<10240xf32, #tpu.memory_space<vmem_shared>> -> memref<10240xf32, #tpu.memory_space<vmem_shared>>
    tpu.wait_indirect_dma semaphore(%arg26 : memref<!tpu.dma_semaphore, #tpu.memory_space<semaphore_mem>>) src(%arg7 : memref<80xf32, #tpu.memory_space<vmem>>) dst(%dma_wait3A_1148 : memref<10240xf32, #tpu.memory_space<vmem_shared>>)
    %dma_wait3A_1149 = arith.constant 0 : i32
    %dma_wait3A_1150 = tpu.memref_slice %arg6[%dma_wait3A_1149] : memref<10240xf32, #tpu.memory_space<vmem_shared>> -> memref<10240xf32, #tpu.memory_space<vmem_shared>>
    tpu.wait_indirect_dma semaphore(%arg26 : memref<!tpu.dma_semaphore, #tpu.memory_space<semaphore_mem>>) src(%arg7 : memref<80xf32, #tpu.memory_space<vmem>>) dst(%dma_wait3A_1150 : memref<10240xf32, #tpu.memory_space<vmem_shared>>)
    %add3A_1151 = arith.constant 8960 : i32
    %add3A_1152 = arith.addi %mul3A_2, %add3A_1151 : i32
    %dma_start3A_1153 = tpu.memref_slice %arg2[%add3A_1152] : memref<320000xi32, #tpu.memory_space<hbm>> -> memref<80xi32, #tpu.memory_space<hbm>>
    %dma_start3A_1154 = tpu.memref_slice %arg2[%add3A_1152] : memref<320000xi32, #tpu.memory_space<hbm>> -> memref<80xi32, #tpu.memory_space<hbm>>
    tpu.enqueue_dma source(%dma_start3A_1154 : memref<80xi32, #tpu.memory_space<hbm>>) target(%arg9 : memref<80xi32, #tpu.memory_space<vmem>>) target_semaphore(%arg25 : memref<!tpu.dma_semaphore, #tpu.memory_space<semaphore_mem>>)
    %add3A_1155 = arith.constant 9040 : i32
    %add3A_1156 = arith.addi %mul3A_2, %add3A_1155 : i32
    %dma_start3A_1157 = tpu.memref_slice %arg2[%add3A_1156] : memref<320000xi32, #tpu.memory_space<hbm>> -> memref<80xi32, #tpu.memory_space<hbm>>
    %dma_start3A_1158 = tpu.memref_slice %arg2[%add3A_1156] : memref<320000xi32, #tpu.memory_space<hbm>> -> memref<80xi32, #tpu.memory_space<hbm>>
    tpu.enqueue_dma source(%dma_start3A_1158 : memref<80xi32, #tpu.memory_space<hbm>>) target(%arg10 : memref<80xi32, #tpu.memory_space<vmem>>) target_semaphore(%arg25 : memref<!tpu.dma_semaphore, #tpu.memory_space<semaphore_mem>>)
    %add3A_1159 = arith.constant 9120 : i32
    %add3A_1160 = arith.addi %mul3A_2, %add3A_1159 : i32
    %dma_start3A_1161 = tpu.memref_slice %arg2[%add3A_1160] : memref<320000xi32, #tpu.memory_space<hbm>> -> memref<80xi32, #tpu.memory_space<hbm>>
    %dma_start3A_1162 = tpu.memref_slice %arg2[%add3A_1160] : memref<320000xi32, #tpu.memory_space<hbm>> -> memref<80xi32, #tpu.memory_space<hbm>>
    tpu.enqueue_dma source(%dma_start3A_1162 : memref<80xi32, #tpu.memory_space<hbm>>) target(%arg11 : memref<80xi32, #tpu.memory_space<vmem>>) target_semaphore(%arg25 : memref<!tpu.dma_semaphore, #tpu.memory_space<semaphore_mem>>)
    %add3A_1163 = arith.constant 9200 : i32
    %add3A_1164 = arith.addi %mul3A_2, %add3A_1163 : i32
    %dma_start3A_1165 = tpu.memref_slice %arg2[%add3A_1164] : memref<320000xi32, #tpu.memory_space<hbm>> -> memref<80xi32, #tpu.memory_space<hbm>>
    %dma_start3A_1166 = tpu.memref_slice %arg2[%add3A_1164] : memref<320000xi32, #tpu.memory_space<hbm>> -> memref<80xi32, #tpu.memory_space<hbm>>
    tpu.enqueue_dma source(%dma_start3A_1166 : memref<80xi32, #tpu.memory_space<hbm>>) target(%arg12 : memref<80xi32, #tpu.memory_space<vmem>>) target_semaphore(%arg25 : memref<!tpu.dma_semaphore, #tpu.memory_space<semaphore_mem>>)
    %add3A_1167 = arith.constant 9280 : i32
    %add3A_1168 = arith.addi %mul3A_2, %add3A_1167 : i32
    %dma_start3A_1169 = tpu.memref_slice %arg2[%add3A_1168] : memref<320000xi32, #tpu.memory_space<hbm>> -> memref<80xi32, #tpu.memory_space<hbm>>
    %dma_start3A_1170 = tpu.memref_slice %arg2[%add3A_1168] : memref<320000xi32, #tpu.memory_space<hbm>> -> memref<80xi32, #tpu.memory_space<hbm>>
    tpu.enqueue_dma source(%dma_start3A_1170 : memref<80xi32, #tpu.memory_space<hbm>>) target(%arg13 : memref<80xi32, #tpu.memory_space<vmem>>) target_semaphore(%arg25 : memref<!tpu.dma_semaphore, #tpu.memory_space<semaphore_mem>>)
    %add3A_1171 = arith.constant 9360 : i32
    %add3A_1172 = arith.addi %mul3A_2, %add3A_1171 : i32
    %dma_start3A_1173 = tpu.memref_slice %arg2[%add3A_1172] : memref<320000xi32, #tpu.memory_space<hbm>> -> memref<80xi32, #tpu.memory_space<hbm>>
    %dma_start3A_1174 = tpu.memref_slice %arg2[%add3A_1172] : memref<320000xi32, #tpu.memory_space<hbm>> -> memref<80xi32, #tpu.memory_space<hbm>>
    tpu.enqueue_dma source(%dma_start3A_1174 : memref<80xi32, #tpu.memory_space<hbm>>) target(%arg14 : memref<80xi32, #tpu.memory_space<vmem>>) target_semaphore(%arg25 : memref<!tpu.dma_semaphore, #tpu.memory_space<semaphore_mem>>)
    %add3A_1175 = arith.constant 9440 : i32
    %add3A_1176 = arith.addi %mul3A_2, %add3A_1175 : i32
    %dma_start3A_1177 = tpu.memref_slice %arg2[%add3A_1176] : memref<320000xi32, #tpu.memory_space<hbm>> -> memref<80xi32, #tpu.memory_space<hbm>>
    %dma_start3A_1178 = tpu.memref_slice %arg2[%add3A_1176] : memref<320000xi32, #tpu.memory_space<hbm>> -> memref<80xi32, #tpu.memory_space<hbm>>
    tpu.enqueue_dma source(%dma_start3A_1178 : memref<80xi32, #tpu.memory_space<hbm>>) target(%arg15 : memref<80xi32, #tpu.memory_space<vmem>>) target_semaphore(%arg25 : memref<!tpu.dma_semaphore, #tpu.memory_space<semaphore_mem>>)
    %add3A_1179 = arith.constant 9520 : i32
    %add3A_1180 = arith.addi %mul3A_2, %add3A_1179 : i32
    %dma_start3A_1181 = tpu.memref_slice %arg2[%add3A_1180] : memref<320000xi32, #tpu.memory_space<hbm>> -> memref<80xi32, #tpu.memory_space<hbm>>
    %dma_start3A_1182 = tpu.memref_slice %arg2[%add3A_1180] : memref<320000xi32, #tpu.memory_space<hbm>> -> memref<80xi32, #tpu.memory_space<hbm>>
    tpu.enqueue_dma source(%dma_start3A_1182 : memref<80xi32, #tpu.memory_space<hbm>>) target(%arg16 : memref<80xi32, #tpu.memory_space<vmem>>) target_semaphore(%arg25 : memref<!tpu.dma_semaphore, #tpu.memory_space<semaphore_mem>>)
    %add3A_1183 = arith.constant 9600 : i32
    %add3A_1184 = arith.addi %mul3A_2, %add3A_1183 : i32
    %dma_start3A_1185 = tpu.memref_slice %arg2[%add3A_1184] : memref<320000xi32, #tpu.memory_space<hbm>> -> memref<80xi32, #tpu.memory_space<hbm>>
    %dma_start3A_1186 = tpu.memref_slice %arg2[%add3A_1184] : memref<320000xi32, #tpu.memory_space<hbm>> -> memref<80xi32, #tpu.memory_space<hbm>>
    tpu.enqueue_dma source(%dma_start3A_1186 : memref<80xi32, #tpu.memory_space<hbm>>) target(%arg17 : memref<80xi32, #tpu.memory_space<vmem>>) target_semaphore(%arg25 : memref<!tpu.dma_semaphore, #tpu.memory_space<semaphore_mem>>)
    %add3A_1187 = arith.constant 9680 : i32
    %add3A_1188 = arith.addi %mul3A_2, %add3A_1187 : i32
    %dma_start3A_1189 = tpu.memref_slice %arg2[%add3A_1188] : memref<320000xi32, #tpu.memory_space<hbm>> -> memref<80xi32, #tpu.memory_space<hbm>>
    %dma_start3A_1190 = tpu.memref_slice %arg2[%add3A_1188] : memref<320000xi32, #tpu.memory_space<hbm>> -> memref<80xi32, #tpu.memory_space<hbm>>
    tpu.enqueue_dma source(%dma_start3A_1190 : memref<80xi32, #tpu.memory_space<hbm>>) target(%arg18 : memref<80xi32, #tpu.memory_space<vmem>>) target_semaphore(%arg25 : memref<!tpu.dma_semaphore, #tpu.memory_space<semaphore_mem>>)
    %add3A_1191 = arith.constant 9760 : i32
    %add3A_1192 = arith.addi %mul3A_2, %add3A_1191 : i32
    %dma_start3A_1193 = tpu.memref_slice %arg2[%add3A_1192] : memref<320000xi32, #tpu.memory_space<hbm>> -> memref<80xi32, #tpu.memory_space<hbm>>
    %dma_start3A_1194 = tpu.memref_slice %arg2[%add3A_1192] : memref<320000xi32, #tpu.memory_space<hbm>> -> memref<80xi32, #tpu.memory_space<hbm>>
    tpu.enqueue_dma source(%dma_start3A_1194 : memref<80xi32, #tpu.memory_space<hbm>>) target(%arg19 : memref<80xi32, #tpu.memory_space<vmem>>) target_semaphore(%arg25 : memref<!tpu.dma_semaphore, #tpu.memory_space<semaphore_mem>>)
    %add3A_1195 = arith.constant 9840 : i32
    %add3A_1196 = arith.addi %mul3A_2, %add3A_1195 : i32
    %dma_start3A_1197 = tpu.memref_slice %arg2[%add3A_1196] : memref<320000xi32, #tpu.memory_space<hbm>> -> memref<80xi32, #tpu.memory_space<hbm>>
    %dma_start3A_1198 = tpu.memref_slice %arg2[%add3A_1196] : memref<320000xi32, #tpu.memory_space<hbm>> -> memref<80xi32, #tpu.memory_space<hbm>>
    tpu.enqueue_dma source(%dma_start3A_1198 : memref<80xi32, #tpu.memory_space<hbm>>) target(%arg20 : memref<80xi32, #tpu.memory_space<vmem>>) target_semaphore(%arg25 : memref<!tpu.dma_semaphore, #tpu.memory_space<semaphore_mem>>)
    %add3A_1199 = arith.constant 9920 : i32
    %add3A_1200 = arith.addi %mul3A_2, %add3A_1199 : i32
    %dma_start3A_1201 = tpu.memref_slice %arg2[%add3A_1200] : memref<320000xi32, #tpu.memory_space<hbm>> -> memref<80xi32, #tpu.memory_space<hbm>>
    %dma_start3A_1202 = tpu.memref_slice %arg2[%add3A_1200] : memref<320000xi32, #tpu.memory_space<hbm>> -> memref<80xi32, #tpu.memory_space<hbm>>
    tpu.enqueue_dma source(%dma_start3A_1202 : memref<80xi32, #tpu.memory_space<hbm>>) target(%arg21 : memref<80xi32, #tpu.memory_space<vmem>>) target_semaphore(%arg25 : memref<!tpu.dma_semaphore, #tpu.memory_space<semaphore_mem>>)
    %dma_wait3A_1203 = tpu.memref_slice %arg2[%add3A_1152] : memref<320000xi32, #tpu.memory_space<hbm>> -> memref<80xi32, #tpu.memory_space<hbm>>
    %dma_wait3A_1204 = tpu.memref_slice %arg2[%add3A_1152] : memref<320000xi32, #tpu.memory_space<hbm>> -> memref<80xi32, #tpu.memory_space<hbm>>
    tpu.wait_dma2 semaphore(%arg25 : memref<!tpu.dma_semaphore, #tpu.memory_space<semaphore_mem>>) src(%dma_wait3A_1204 : memref<80xi32, #tpu.memory_space<hbm>>) dst(%arg9 : memref<80xi32, #tpu.memory_space<vmem>>)
    %dma_wait3A_1205 = tpu.memref_slice %arg2[%add3A_1156] : memref<320000xi32, #tpu.memory_space<hbm>> -> memref<80xi32, #tpu.memory_space<hbm>>
    %dma_wait3A_1206 = tpu.memref_slice %arg2[%add3A_1156] : memref<320000xi32, #tpu.memory_space<hbm>> -> memref<80xi32, #tpu.memory_space<hbm>>
    tpu.wait_dma2 semaphore(%arg25 : memref<!tpu.dma_semaphore, #tpu.memory_space<semaphore_mem>>) src(%dma_wait3A_1206 : memref<80xi32, #tpu.memory_space<hbm>>) dst(%arg10 : memref<80xi32, #tpu.memory_space<vmem>>)
    %dma_wait3A_1207 = tpu.memref_slice %arg2[%add3A_1160] : memref<320000xi32, #tpu.memory_space<hbm>> -> memref<80xi32, #tpu.memory_space<hbm>>
    %dma_wait3A_1208 = tpu.memref_slice %arg2[%add3A_1160] : memref<320000xi32, #tpu.memory_space<hbm>> -> memref<80xi32, #tpu.memory_space<hbm>>
    tpu.wait_dma2 semaphore(%arg25 : memref<!tpu.dma_semaphore, #tpu.memory_space<semaphore_mem>>) src(%dma_wait3A_1208 : memref<80xi32, #tpu.memory_space<hbm>>) dst(%arg11 : memref<80xi32, #tpu.memory_space<vmem>>)
    %dma_wait3A_1209 = tpu.memref_slice %arg2[%add3A_1164] : memref<320000xi32, #tpu.memory_space<hbm>> -> memref<80xi32, #tpu.memory_space<hbm>>
    %dma_wait3A_1210 = tpu.memref_slice %arg2[%add3A_1164] : memref<320000xi32, #tpu.memory_space<hbm>> -> memref<80xi32, #tpu.memory_space<hbm>>
    tpu.wait_dma2 semaphore(%arg25 : memref<!tpu.dma_semaphore, #tpu.memory_space<semaphore_mem>>) src(%dma_wait3A_1210 : memref<80xi32, #tpu.memory_space<hbm>>) dst(%arg12 : memref<80xi32, #tpu.memory_space<vmem>>)
    %dma_wait3A_1211 = tpu.memref_slice %arg2[%add3A_1168] : memref<320000xi32, #tpu.memory_space<hbm>> -> memref<80xi32, #tpu.memory_space<hbm>>
    %dma_wait3A_1212 = tpu.memref_slice %arg2[%add3A_1168] : memref<320000xi32, #tpu.memory_space<hbm>> -> memref<80xi32, #tpu.memory_space<hbm>>
    tpu.wait_dma2 semaphore(%arg25 : memref<!tpu.dma_semaphore, #tpu.memory_space<semaphore_mem>>) src(%dma_wait3A_1212 : memref<80xi32, #tpu.memory_space<hbm>>) dst(%arg13 : memref<80xi32, #tpu.memory_space<vmem>>)
    %dma_wait3A_1213 = tpu.memref_slice %arg2[%add3A_1172] : memref<320000xi32, #tpu.memory_space<hbm>> -> memref<80xi32, #tpu.memory_space<hbm>>
    %dma_wait3A_1214 = tpu.memref_slice %arg2[%add3A_1172] : memref<320000xi32, #tpu.memory_space<hbm>> -> memref<80xi32, #tpu.memory_space<hbm>>
    tpu.wait_dma2 semaphore(%arg25 : memref<!tpu.dma_semaphore, #tpu.memory_space<semaphore_mem>>) src(%dma_wait3A_1214 : memref<80xi32, #tpu.memory_space<hbm>>) dst(%arg14 : memref<80xi32, #tpu.memory_space<vmem>>)
    %dma_wait3A_1215 = tpu.memref_slice %arg2[%add3A_1176] : memref<320000xi32, #tpu.memory_space<hbm>> -> memref<80xi32, #tpu.memory_space<hbm>>
    %dma_wait3A_1216 = tpu.memref_slice %arg2[%add3A_1176] : memref<320000xi32, #tpu.memory_space<hbm>> -> memref<80xi32, #tpu.memory_space<hbm>>
    tpu.wait_dma2 semaphore(%arg25 : memref<!tpu.dma_semaphore, #tpu.memory_space<semaphore_mem>>) src(%dma_wait3A_1216 : memref<80xi32, #tpu.memory_space<hbm>>) dst(%arg15 : memref<80xi32, #tpu.memory_space<vmem>>)
    %dma_wait3A_1217 = tpu.memref_slice %arg2[%add3A_1180] : memref<320000xi32, #tpu.memory_space<hbm>> -> memref<80xi32, #tpu.memory_space<hbm>>
    %dma_wait3A_1218 = tpu.memref_slice %arg2[%add3A_1180] : memref<320000xi32, #tpu.memory_space<hbm>> -> memref<80xi32, #tpu.memory_space<hbm>>
    tpu.wait_dma2 semaphore(%arg25 : memref<!tpu.dma_semaphore, #tpu.memory_space<semaphore_mem>>) src(%dma_wait3A_1218 : memref<80xi32, #tpu.memory_space<hbm>>) dst(%arg16 : memref<80xi32, #tpu.memory_space<vmem>>)
    %dma_wait3A_1219 = tpu.memref_slice %arg2[%add3A_1184] : memref<320000xi32, #tpu.memory_space<hbm>> -> memref<80xi32, #tpu.memory_space<hbm>>
    %dma_wait3A_1220 = tpu.memref_slice %arg2[%add3A_1184] : memref<320000xi32, #tpu.memory_space<hbm>> -> memref<80xi32, #tpu.memory_space<hbm>>
    tpu.wait_dma2 semaphore(%arg25 : memref<!tpu.dma_semaphore, #tpu.memory_space<semaphore_mem>>) src(%dma_wait3A_1220 : memref<80xi32, #tpu.memory_space<hbm>>) dst(%arg17 : memref<80xi32, #tpu.memory_space<vmem>>)
    %dma_wait3A_1221 = tpu.memref_slice %arg2[%add3A_1188] : memref<320000xi32, #tpu.memory_space<hbm>> -> memref<80xi32, #tpu.memory_space<hbm>>
    %dma_wait3A_1222 = tpu.memref_slice %arg2[%add3A_1188] : memref<320000xi32, #tpu.memory_space<hbm>> -> memref<80xi32, #tpu.memory_space<hbm>>
    tpu.wait_dma2 semaphore(%arg25 : memref<!tpu.dma_semaphore, #tpu.memory_space<semaphore_mem>>) src(%dma_wait3A_1222 : memref<80xi32, #tpu.memory_space<hbm>>) dst(%arg18 : memref<80xi32, #tpu.memory_space<vmem>>)
    %dma_wait3A_1223 = tpu.memref_slice %arg2[%add3A_1192] : memref<320000xi32, #tpu.memory_space<hbm>> -> memref<80xi32, #tpu.memory_space<hbm>>
    %dma_wait3A_1224 = tpu.memref_slice %arg2[%add3A_1192] : memref<320000xi32, #tpu.memory_space<hbm>> -> memref<80xi32, #tpu.memory_space<hbm>>
    tpu.wait_dma2 semaphore(%arg25 : memref<!tpu.dma_semaphore, #tpu.memory_space<semaphore_mem>>) src(%dma_wait3A_1224 : memref<80xi32, #tpu.memory_space<hbm>>) dst(%arg19 : memref<80xi32, #tpu.memory_space<vmem>>)
    %dma_wait3A_1225 = tpu.memref_slice %arg2[%add3A_1196] : memref<320000xi32, #tpu.memory_space<hbm>> -> memref<80xi32, #tpu.memory_space<hbm>>
    %dma_wait3A_1226 = tpu.memref_slice %arg2[%add3A_1196] : memref<320000xi32, #tpu.memory_space<hbm>> -> memref<80xi32, #tpu.memory_space<hbm>>
    tpu.wait_dma2 semaphore(%arg25 : memref<!tpu.dma_semaphore, #tpu.memory_space<semaphore_mem>>) src(%dma_wait3A_1226 : memref<80xi32, #tpu.memory_space<hbm>>) dst(%arg20 : memref<80xi32, #tpu.memory_space<vmem>>)
    %dma_wait3A_1227 = tpu.memref_slice %arg2[%add3A_1200] : memref<320000xi32, #tpu.memory_space<hbm>> -> memref<80xi32, #tpu.memory_space<hbm>>
    %dma_wait3A_1228 = tpu.memref_slice %arg2[%add3A_1200] : memref<320000xi32, #tpu.memory_space<hbm>> -> memref<80xi32, #tpu.memory_space<hbm>>
    tpu.wait_dma2 semaphore(%arg25 : memref<!tpu.dma_semaphore, #tpu.memory_space<semaphore_mem>>) src(%dma_wait3A_1228 : memref<80xi32, #tpu.memory_space<hbm>>) dst(%arg21 : memref<80xi32, #tpu.memory_space<vmem>>)
    %dma_start3A_1229 = arith.constant 0 : i32
    %dma_start3A_1230 = tpu.memref_slice %arg6[%dma_start3A_1229] : memref<10240xf32, #tpu.memory_space<vmem_shared>> -> memref<10240xf32, #tpu.memory_space<vmem_shared>>
    tpu.enqueue_indirect_dma source(%arg7 : memref<80xf32, #tpu.memory_space<vmem>>) target(%dma_start3A_1230 : memref<10240xf32, #tpu.memory_space<vmem_shared>>) offsets(%arg9 : memref<80xi32, #tpu.memory_space<vmem>>) semaphore(%arg26 : memref<!tpu.dma_semaphore, #tpu.memory_space<semaphore_mem>>) {add = true}
    %dma_start3A_1231 = arith.constant 0 : i32
    %dma_start3A_1232 = tpu.memref_slice %arg6[%dma_start3A_1231] : memref<10240xf32, #tpu.memory_space<vmem_shared>> -> memref<10240xf32, #tpu.memory_space<vmem_shared>>
    tpu.enqueue_indirect_dma source(%arg7 : memref<80xf32, #tpu.memory_space<vmem>>) target(%dma_start3A_1232 : memref<10240xf32, #tpu.memory_space<vmem_shared>>) offsets(%arg10 : memref<80xi32, #tpu.memory_space<vmem>>) semaphore(%arg26 : memref<!tpu.dma_semaphore, #tpu.memory_space<semaphore_mem>>) {add = true}
    %dma_start3A_1233 = arith.constant 0 : i32
    %dma_start3A_1234 = tpu.memref_slice %arg6[%dma_start3A_1233] : memref<10240xf32, #tpu.memory_space<vmem_shared>> -> memref<10240xf32, #tpu.memory_space<vmem_shared>>
    tpu.enqueue_indirect_dma source(%arg7 : memref<80xf32, #tpu.memory_space<vmem>>) target(%dma_start3A_1234 : memref<10240xf32, #tpu.memory_space<vmem_shared>>) offsets(%arg11 : memref<80xi32, #tpu.memory_space<vmem>>) semaphore(%arg26 : memref<!tpu.dma_semaphore, #tpu.memory_space<semaphore_mem>>) {add = true}
    %dma_start3A_1235 = arith.constant 0 : i32
    %dma_start3A_1236 = tpu.memref_slice %arg6[%dma_start3A_1235] : memref<10240xf32, #tpu.memory_space<vmem_shared>> -> memref<10240xf32, #tpu.memory_space<vmem_shared>>
    tpu.enqueue_indirect_dma source(%arg7 : memref<80xf32, #tpu.memory_space<vmem>>) target(%dma_start3A_1236 : memref<10240xf32, #tpu.memory_space<vmem_shared>>) offsets(%arg12 : memref<80xi32, #tpu.memory_space<vmem>>) semaphore(%arg26 : memref<!tpu.dma_semaphore, #tpu.memory_space<semaphore_mem>>) {add = true}
    %dma_start3A_1237 = arith.constant 0 : i32
    %dma_start3A_1238 = tpu.memref_slice %arg6[%dma_start3A_1237] : memref<10240xf32, #tpu.memory_space<vmem_shared>> -> memref<10240xf32, #tpu.memory_space<vmem_shared>>
    tpu.enqueue_indirect_dma source(%arg7 : memref<80xf32, #tpu.memory_space<vmem>>) target(%dma_start3A_1238 : memref<10240xf32, #tpu.memory_space<vmem_shared>>) offsets(%arg13 : memref<80xi32, #tpu.memory_space<vmem>>) semaphore(%arg26 : memref<!tpu.dma_semaphore, #tpu.memory_space<semaphore_mem>>) {add = true}
    %dma_start3A_1239 = arith.constant 0 : i32
    %dma_start3A_1240 = tpu.memref_slice %arg6[%dma_start3A_1239] : memref<10240xf32, #tpu.memory_space<vmem_shared>> -> memref<10240xf32, #tpu.memory_space<vmem_shared>>
    tpu.enqueue_indirect_dma source(%arg7 : memref<80xf32, #tpu.memory_space<vmem>>) target(%dma_start3A_1240 : memref<10240xf32, #tpu.memory_space<vmem_shared>>) offsets(%arg14 : memref<80xi32, #tpu.memory_space<vmem>>) semaphore(%arg26 : memref<!tpu.dma_semaphore, #tpu.memory_space<semaphore_mem>>) {add = true}
    %dma_start3A_1241 = arith.constant 0 : i32
    %dma_start3A_1242 = tpu.memref_slice %arg6[%dma_start3A_1241] : memref<10240xf32, #tpu.memory_space<vmem_shared>> -> memref<10240xf32, #tpu.memory_space<vmem_shared>>
    tpu.enqueue_indirect_dma source(%arg7 : memref<80xf32, #tpu.memory_space<vmem>>) target(%dma_start3A_1242 : memref<10240xf32, #tpu.memory_space<vmem_shared>>) offsets(%arg15 : memref<80xi32, #tpu.memory_space<vmem>>) semaphore(%arg26 : memref<!tpu.dma_semaphore, #tpu.memory_space<semaphore_mem>>) {add = true}
    %dma_start3A_1243 = arith.constant 0 : i32
    %dma_start3A_1244 = tpu.memref_slice %arg6[%dma_start3A_1243] : memref<10240xf32, #tpu.memory_space<vmem_shared>> -> memref<10240xf32, #tpu.memory_space<vmem_shared>>
    tpu.enqueue_indirect_dma source(%arg7 : memref<80xf32, #tpu.memory_space<vmem>>) target(%dma_start3A_1244 : memref<10240xf32, #tpu.memory_space<vmem_shared>>) offsets(%arg16 : memref<80xi32, #tpu.memory_space<vmem>>) semaphore(%arg26 : memref<!tpu.dma_semaphore, #tpu.memory_space<semaphore_mem>>) {add = true}
    %dma_start3A_1245 = arith.constant 0 : i32
    %dma_start3A_1246 = tpu.memref_slice %arg6[%dma_start3A_1245] : memref<10240xf32, #tpu.memory_space<vmem_shared>> -> memref<10240xf32, #tpu.memory_space<vmem_shared>>
    tpu.enqueue_indirect_dma source(%arg7 : memref<80xf32, #tpu.memory_space<vmem>>) target(%dma_start3A_1246 : memref<10240xf32, #tpu.memory_space<vmem_shared>>) offsets(%arg17 : memref<80xi32, #tpu.memory_space<vmem>>) semaphore(%arg26 : memref<!tpu.dma_semaphore, #tpu.memory_space<semaphore_mem>>) {add = true}
    %dma_start3A_1247 = arith.constant 0 : i32
    %dma_start3A_1248 = tpu.memref_slice %arg6[%dma_start3A_1247] : memref<10240xf32, #tpu.memory_space<vmem_shared>> -> memref<10240xf32, #tpu.memory_space<vmem_shared>>
    tpu.enqueue_indirect_dma source(%arg7 : memref<80xf32, #tpu.memory_space<vmem>>) target(%dma_start3A_1248 : memref<10240xf32, #tpu.memory_space<vmem_shared>>) offsets(%arg18 : memref<80xi32, #tpu.memory_space<vmem>>) semaphore(%arg26 : memref<!tpu.dma_semaphore, #tpu.memory_space<semaphore_mem>>) {add = true}
    %dma_start3A_1249 = arith.constant 0 : i32
    %dma_start3A_1250 = tpu.memref_slice %arg6[%dma_start3A_1249] : memref<10240xf32, #tpu.memory_space<vmem_shared>> -> memref<10240xf32, #tpu.memory_space<vmem_shared>>
    tpu.enqueue_indirect_dma source(%arg7 : memref<80xf32, #tpu.memory_space<vmem>>) target(%dma_start3A_1250 : memref<10240xf32, #tpu.memory_space<vmem_shared>>) offsets(%arg19 : memref<80xi32, #tpu.memory_space<vmem>>) semaphore(%arg26 : memref<!tpu.dma_semaphore, #tpu.memory_space<semaphore_mem>>) {add = true}
    %dma_start3A_1251 = arith.constant 0 : i32
    %dma_start3A_1252 = tpu.memref_slice %arg6[%dma_start3A_1251] : memref<10240xf32, #tpu.memory_space<vmem_shared>> -> memref<10240xf32, #tpu.memory_space<vmem_shared>>
    tpu.enqueue_indirect_dma source(%arg7 : memref<80xf32, #tpu.memory_space<vmem>>) target(%dma_start3A_1252 : memref<10240xf32, #tpu.memory_space<vmem_shared>>) offsets(%arg20 : memref<80xi32, #tpu.memory_space<vmem>>) semaphore(%arg26 : memref<!tpu.dma_semaphore, #tpu.memory_space<semaphore_mem>>) {add = true}
    %dma_start3A_1253 = arith.constant 0 : i32
    %dma_start3A_1254 = tpu.memref_slice %arg6[%dma_start3A_1253] : memref<10240xf32, #tpu.memory_space<vmem_shared>> -> memref<10240xf32, #tpu.memory_space<vmem_shared>>
    tpu.enqueue_indirect_dma source(%arg7 : memref<80xf32, #tpu.memory_space<vmem>>) target(%dma_start3A_1254 : memref<10240xf32, #tpu.memory_space<vmem_shared>>) offsets(%arg21 : memref<80xi32, #tpu.memory_space<vmem>>) semaphore(%arg26 : memref<!tpu.dma_semaphore, #tpu.memory_space<semaphore_mem>>) {add = true}
    %dma_wait3A_1255 = arith.constant 0 : i32
    %dma_wait3A_1256 = tpu.memref_slice %arg6[%dma_wait3A_1255] : memref<10240xf32, #tpu.memory_space<vmem_shared>> -> memref<10240xf32, #tpu.memory_space<vmem_shared>>
    tpu.wait_indirect_dma semaphore(%arg26 : memref<!tpu.dma_semaphore, #tpu.memory_space<semaphore_mem>>) src(%arg7 : memref<80xf32, #tpu.memory_space<vmem>>) dst(%dma_wait3A_1256 : memref<10240xf32, #tpu.memory_space<vmem_shared>>)
    %dma_wait3A_1257 = arith.constant 0 : i32
    %dma_wait3A_1258 = tpu.memref_slice %arg6[%dma_wait3A_1257] : memref<10240xf32, #tpu.memory_space<vmem_shared>> -> memref<10240xf32, #tpu.memory_space<vmem_shared>>
    tpu.wait_indirect_dma semaphore(%arg26 : memref<!tpu.dma_semaphore, #tpu.memory_space<semaphore_mem>>) src(%arg7 : memref<80xf32, #tpu.memory_space<vmem>>) dst(%dma_wait3A_1258 : memref<10240xf32, #tpu.memory_space<vmem_shared>>)
    %dma_wait3A_1259 = arith.constant 0 : i32
    %dma_wait3A_1260 = tpu.memref_slice %arg6[%dma_wait3A_1259] : memref<10240xf32, #tpu.memory_space<vmem_shared>> -> memref<10240xf32, #tpu.memory_space<vmem_shared>>
    tpu.wait_indirect_dma semaphore(%arg26 : memref<!tpu.dma_semaphore, #tpu.memory_space<semaphore_mem>>) src(%arg7 : memref<80xf32, #tpu.memory_space<vmem>>) dst(%dma_wait3A_1260 : memref<10240xf32, #tpu.memory_space<vmem_shared>>)
    %dma_wait3A_1261 = arith.constant 0 : i32
    %dma_wait3A_1262 = tpu.memref_slice %arg6[%dma_wait3A_1261] : memref<10240xf32, #tpu.memory_space<vmem_shared>> -> memref<10240xf32, #tpu.memory_space<vmem_shared>>
    tpu.wait_indirect_dma semaphore(%arg26 : memref<!tpu.dma_semaphore, #tpu.memory_space<semaphore_mem>>) src(%arg7 : memref<80xf32, #tpu.memory_space<vmem>>) dst(%dma_wait3A_1262 : memref<10240xf32, #tpu.memory_space<vmem_shared>>)
    %dma_wait3A_1263 = arith.constant 0 : i32
    %dma_wait3A_1264 = tpu.memref_slice %arg6[%dma_wait3A_1263] : memref<10240xf32, #tpu.memory_space<vmem_shared>> -> memref<10240xf32, #tpu.memory_space<vmem_shared>>
    tpu.wait_indirect_dma semaphore(%arg26 : memref<!tpu.dma_semaphore, #tpu.memory_space<semaphore_mem>>) src(%arg7 : memref<80xf32, #tpu.memory_space<vmem>>) dst(%dma_wait3A_1264 : memref<10240xf32, #tpu.memory_space<vmem_shared>>)
    %dma_wait3A_1265 = arith.constant 0 : i32
    %dma_wait3A_1266 = tpu.memref_slice %arg6[%dma_wait3A_1265] : memref<10240xf32, #tpu.memory_space<vmem_shared>> -> memref<10240xf32, #tpu.memory_space<vmem_shared>>
    tpu.wait_indirect_dma semaphore(%arg26 : memref<!tpu.dma_semaphore, #tpu.memory_space<semaphore_mem>>) src(%arg7 : memref<80xf32, #tpu.memory_space<vmem>>) dst(%dma_wait3A_1266 : memref<10240xf32, #tpu.memory_space<vmem_shared>>)
    %dma_wait3A_1267 = arith.constant 0 : i32
    %dma_wait3A_1268 = tpu.memref_slice %arg6[%dma_wait3A_1267] : memref<10240xf32, #tpu.memory_space<vmem_shared>> -> memref<10240xf32, #tpu.memory_space<vmem_shared>>
    tpu.wait_indirect_dma semaphore(%arg26 : memref<!tpu.dma_semaphore, #tpu.memory_space<semaphore_mem>>) src(%arg7 : memref<80xf32, #tpu.memory_space<vmem>>) dst(%dma_wait3A_1268 : memref<10240xf32, #tpu.memory_space<vmem_shared>>)
    %dma_wait3A_1269 = arith.constant 0 : i32
    %dma_wait3A_1270 = tpu.memref_slice %arg6[%dma_wait3A_1269] : memref<10240xf32, #tpu.memory_space<vmem_shared>> -> memref<10240xf32, #tpu.memory_space<vmem_shared>>
    tpu.wait_indirect_dma semaphore(%arg26 : memref<!tpu.dma_semaphore, #tpu.memory_space<semaphore_mem>>) src(%arg7 : memref<80xf32, #tpu.memory_space<vmem>>) dst(%dma_wait3A_1270 : memref<10240xf32, #tpu.memory_space<vmem_shared>>)
    %dma_wait3A_1271 = arith.constant 0 : i32
    %dma_wait3A_1272 = tpu.memref_slice %arg6[%dma_wait3A_1271] : memref<10240xf32, #tpu.memory_space<vmem_shared>> -> memref<10240xf32, #tpu.memory_space<vmem_shared>>
    tpu.wait_indirect_dma semaphore(%arg26 : memref<!tpu.dma_semaphore, #tpu.memory_space<semaphore_mem>>) src(%arg7 : memref<80xf32, #tpu.memory_space<vmem>>) dst(%dma_wait3A_1272 : memref<10240xf32, #tpu.memory_space<vmem_shared>>)
    %dma_wait3A_1273 = arith.constant 0 : i32
    %dma_wait3A_1274 = tpu.memref_slice %arg6[%dma_wait3A_1273] : memref<10240xf32, #tpu.memory_space<vmem_shared>> -> memref<10240xf32, #tpu.memory_space<vmem_shared>>
    tpu.wait_indirect_dma semaphore(%arg26 : memref<!tpu.dma_semaphore, #tpu.memory_space<semaphore_mem>>) src(%arg7 : memref<80xf32, #tpu.memory_space<vmem>>) dst(%dma_wait3A_1274 : memref<10240xf32, #tpu.memory_space<vmem_shared>>)
    %dma_wait3A_1275 = arith.constant 0 : i32
    %dma_wait3A_1276 = tpu.memref_slice %arg6[%dma_wait3A_1275] : memref<10240xf32, #tpu.memory_space<vmem_shared>> -> memref<10240xf32, #tpu.memory_space<vmem_shared>>
    tpu.wait_indirect_dma semaphore(%arg26 : memref<!tpu.dma_semaphore, #tpu.memory_space<semaphore_mem>>) src(%arg7 : memref<80xf32, #tpu.memory_space<vmem>>) dst(%dma_wait3A_1276 : memref<10240xf32, #tpu.memory_space<vmem_shared>>)
    %dma_wait3A_1277 = arith.constant 0 : i32
    %dma_wait3A_1278 = tpu.memref_slice %arg6[%dma_wait3A_1277] : memref<10240xf32, #tpu.memory_space<vmem_shared>> -> memref<10240xf32, #tpu.memory_space<vmem_shared>>
    tpu.wait_indirect_dma semaphore(%arg26 : memref<!tpu.dma_semaphore, #tpu.memory_space<semaphore_mem>>) src(%arg7 : memref<80xf32, #tpu.memory_space<vmem>>) dst(%dma_wait3A_1278 : memref<10240xf32, #tpu.memory_space<vmem_shared>>)
    %dma_wait3A_1279 = arith.constant 0 : i32
    %dma_wait3A_1280 = tpu.memref_slice %arg6[%dma_wait3A_1279] : memref<10240xf32, #tpu.memory_space<vmem_shared>> -> memref<10240xf32, #tpu.memory_space<vmem_shared>>
    tpu.wait_indirect_dma semaphore(%arg26 : memref<!tpu.dma_semaphore, #tpu.memory_space<semaphore_mem>>) src(%arg7 : memref<80xf32, #tpu.memory_space<vmem>>) dst(%dma_wait3A_1280 : memref<10240xf32, #tpu.memory_space<vmem_shared>>)
    %barrier3A_1281 = arith.constant 0 : index
    tpu.barrier barrier_id(%barrier3A_1281)
    "tpu.region"() ({
      %run_scoped3A = tpu.sem_alloc : memref<!tpu.dma_semaphore, #tpu.memory_space<semaphore_mem>>
      %dma_start3A_1289 = tpu.memref_slice %arg6[%mul3A_32] : memref<10240xf32, #tpu.memory_space<vmem_shared>> -> memref<640xf32, #tpu.memory_space<vmem_shared>>
      %dma_start3A_1290 = tpu.memref_slice %arg6[%mul3A_32] : memref<10240xf32, #tpu.memory_space<vmem_shared>> -> memref<640xf32, #tpu.memory_space<vmem_shared>>
      tpu.enqueue_dma source(%dma_start3A_1290 : memref<640xf32, #tpu.memory_space<vmem_shared>>) target(%arg8 : memref<640xf32, #tpu.memory_space<vmem>>) target_semaphore(%run_scoped3A : memref<!tpu.dma_semaphore, #tpu.memory_space<semaphore_mem>>)
      %dma_wait3A_1291 = tpu.memref_slice %arg6[%mul3A_32] : memref<10240xf32, #tpu.memory_space<vmem_shared>> -> memref<640xf32, #tpu.memory_space<vmem_shared>>
      %dma_wait3A_1292 = tpu.memref_slice %arg6[%mul3A_32] : memref<10240xf32, #tpu.memory_space<vmem_shared>> -> memref<640xf32, #tpu.memory_space<vmem_shared>>
      tpu.wait_dma2 semaphore(%run_scoped3A : memref<!tpu.dma_semaphore, #tpu.memory_space<semaphore_mem>>) src(%dma_wait3A_1292 : memref<640xf32, #tpu.memory_space<vmem_shared>>) dst(%arg8 : memref<640xf32, #tpu.memory_space<vmem>>)
      tpu.yield
    }) : () -> ()
    %eq3A = arith.constant 0 : i32
    %eq3A_1282 = arith.cmpi eq, %arg0, %eq3A : i32
    %convert_element_type3A = arith.extui %eq3A_1282 : i1 to i32
    %cond3A = arith.constant 0 : i32
    %cond3A_1283 = arith.cmpi ne, %convert_element_type3A, %cond3A : i32
    scf.if %cond3A_1283 {
      "tpu.region"() ({
        %run_scoped3A = tpu.sem_alloc : memref<!tpu.dma_semaphore, #tpu.memory_space<semaphore_mem>>
        %dma_start3A_1289 = tpu.memref_slice %arg4[%mul3A_32] : memref<10240xf32, #tpu.memory_space<hbm>> -> memref<640xf32, #tpu.memory_space<hbm>>
        %dma_start3A_1290 = tpu.memref_slice %arg4[%mul3A_32] : memref<10240xf32, #tpu.memory_space<hbm>> -> memref<640xf32, #tpu.memory_space<hbm>>
        tpu.enqueue_dma source(%arg8 : memref<640xf32, #tpu.memory_space<vmem>>) target(%dma_start3A_1290 : memref<640xf32, #tpu.memory_space<hbm>>) target_semaphore(%run_scoped3A : memref<!tpu.dma_semaphore, #tpu.memory_space<semaphore_mem>>)
        %dma_wait3A_1291 = tpu.memref_slice %arg4[%mul3A_32] : memref<10240xf32, #tpu.memory_space<hbm>> -> memref<640xf32, #tpu.memory_space<hbm>>
        %dma_wait3A_1292 = tpu.memref_slice %arg4[%mul3A_32] : memref<10240xf32, #tpu.memory_space<hbm>> -> memref<640xf32, #tpu.memory_space<hbm>>
        tpu.wait_dma2 semaphore(%run_scoped3A : memref<!tpu.dma_semaphore, #tpu.memory_space<semaphore_mem>>) src(%arg8 : memref<640xf32, #tpu.memory_space<vmem>>) dst(%dma_wait3A_1292 : memref<640xf32, #tpu.memory_space<hbm>>)
        tpu.yield
      }) : () -> ()
    } else {
    }
    %eq3A_1284 = arith.constant 1 : i32
    %eq3A_1285 = arith.cmpi eq, %arg0, %eq3A_1284 : i32
    %convert_element_type3A_1286 = arith.extui %eq3A_1285 : i1 to i32
    %cond3A_1287 = arith.constant 0 : i32
    %cond3A_1288 = arith.cmpi ne, %convert_element_type3A_1286, %cond3A_1287 : i32
    scf.if %cond3A_1288 {
      "tpu.region"() ({
        %run_scoped3A = tpu.sem_alloc : memref<!tpu.dma_semaphore, #tpu.memory_space<semaphore_mem>>
        %dma_start3A_1289 = tpu.memref_slice %arg5[%mul3A_32] : memref<10240xf32, #tpu.memory_space<hbm>> -> memref<640xf32, #tpu.memory_space<hbm>>
        %dma_start3A_1290 = tpu.memref_slice %arg5[%mul3A_32] : memref<10240xf32, #tpu.memory_space<hbm>> -> memref<640xf32, #tpu.memory_space<hbm>>
        tpu.enqueue_dma source(%arg8 : memref<640xf32, #tpu.memory_space<vmem>>) target(%dma_start3A_1290 : memref<640xf32, #tpu.memory_space<hbm>>) target_semaphore(%run_scoped3A : memref<!tpu.dma_semaphore, #tpu.memory_space<semaphore_mem>>)
        %dma_wait3A_1291 = tpu.memref_slice %arg5[%mul3A_32] : memref<10240xf32, #tpu.memory_space<hbm>> -> memref<640xf32, #tpu.memory_space<hbm>>
        %dma_wait3A_1292 = tpu.memref_slice %arg5[%mul3A_32] : memref<10240xf32, #tpu.memory_space<hbm>> -> memref<640xf32, #tpu.memory_space<hbm>>
        tpu.wait_dma2 semaphore(%run_scoped3A : memref<!tpu.dma_semaphore, #tpu.memory_space<semaphore_mem>>) src(%arg8 : memref<640xf32, #tpu.memory_space<vmem>>) dst(%dma_wait3A_1292 : memref<640xf32, #tpu.memory_space<hbm>>)
        tpu.yield
      }) : () -> ()
    } else {
    }
    return
  }
}

module attributes {stable_mosaic.version = 14 : i64} {
  func.func @_scale_body(%arg0: i32, %arg1: memref<1000x128xf32, #tpu.memory_space<vmem>>, %arg2: memref<128x128xf32, #tpu.memory_space<vmem>>, %arg3: memref<1000x1xf32, #tpu.memory_space<vmem>>, %arg4: memref<1000x1xf32, #tpu.memory_space<vmem>>, %arg5: memref<1000x128xf32, #tpu.memory_space<vmem>>) attributes {dimension_semantics = [#tpu.dimension_semantics<arbitrary>], iteration_bounds = array<i64: 10>, scalar_prefetch = 0 : i64, scratch_operands = 0 : i64, tpu.core_type = #tpu.core_type<tc>, window_params = [{transform_indices = @transform_0, window_bounds = array<i64: 1000, 128>}, {pipeline_mode = #tpu.pipeline_mode<synchronous>, transform_indices = @transform_1, window_bounds = array<i64: 128, 128>}, {transform_indices = @transform_2, window_bounds = array<i64: 1000, 1>}, {transform_indices = @transform_3, window_bounds = array<i64: 1000, 1>}, {transform_indices = @transform_4, window_bounds = array<i64: 1000, 128>}]} {
    %get3A = arith.constant 0 : index
    %get3A_0 = arith.constant 0 : index
    %get3A_1 = vector.load %arg3[%get3A, %get3A_0] : memref<1000x1xf32, #tpu.memory_space<vmem>>, vector<1000x1xf32>
    %get3A_2 = arith.constant 0 : index
    %get3A_3 = arith.constant 0 : index
    %get3A_4 = vector.load %arg4[%get3A_2, %get3A_3] : memref<1000x1xf32, #tpu.memory_space<vmem>>, vector<1000x1xf32>
    %add3A = arith.addf %get3A_1, %get3A_4 : vector<1000x1xf32>
    %add3A_5 = arith.constant 1.000000e+00 : f32
    %add3A_6 = vector.broadcast %add3A_5 : f32 to vector<1000x1xf32>
    %add3A_7 = arith.addf %add3A, %add3A_6 : vector<1000x1xf32>
    %rsqrt3A = math.rsqrt %add3A_7 : vector<1000x1xf32>
    %get3A_8 = arith.constant 0 : index
    %get3A_9 = arith.constant 0 : index
    %get3A_10 = vector.load %arg1[%get3A_8, %get3A_9] : memref<1000x128xf32, #tpu.memory_space<vmem>>, vector<1000x128xf32>
    %get3A_11 = arith.constant 0 : index
    %get3A_12 = arith.constant 0 : index
    %get3A_13 = vector.load %arg2[%get3A_11, %get3A_12] : memref<128x128xf32, #tpu.memory_space<vmem>>, vector<128x128xf32>
    %dot_general3A = arith.constant dense<0.000000e+00> : vector<1000x128xf32>
    %dot_general3A_14 = tpu.matmul %get3A_10, %get3A_13, %dot_general3A {dimension_numbers = #tpu.dot_dimension_numbers<[1], [0], [0], [1], [0, 0, 1, 1], [], []>, transpose_lhs_hint = false} : vector<1000x128xf32>, vector<128x128xf32>, vector<1000x128xf32> -> vector<1000x128xf32>
    %mul3A = vector.broadcast %rsqrt3A : vector<1000x1xf32> to vector<1000x128xf32>
    %mul3A_15 = arith.mulf %dot_general3A_14, %mul3A : vector<1000x128xf32>
    %swap3A = arith.constant 0 : index
    %swap3A_16 = arith.constant 0 : index
    %swap3A_17 = vector.load %arg5[%swap3A, %swap3A_16] : memref<1000x128xf32, #tpu.memory_space<vmem>>, vector<1000x128xf32>
    tpu.vector_store %arg5[%swap3A, %swap3A_16], %mul3A_15 {strides = array<i32>} : memref<1000x128xf32, #tpu.memory_space<vmem>>, vector<1000x128xf32>,
    return
  }
  func.func @transform_0(%arg0: i32) -> (i32, i32) {
    %c0_i32 = arith.constant 0 : i32
    %c0_i32_0 = arith.constant 0 : i32
    return %arg0, %c0_i32 : i32, i32
  }
  func.func @transform_1(%arg0: i32) -> (i32, i32) {
    %c0_i32 = arith.constant 0 : i32
    %c0_i32_0 = arith.constant 0 : i32
    %c0_i32_1 = arith.constant 0 : i32
    return %c0_i32, %c0_i32_0 : i32, i32
  }
  func.func @transform_2(%arg0: i32) -> (i32, i32) {
    %c0_i32 = arith.constant 0 : i32
    %c0_i32_0 = arith.constant 0 : i32
    return %arg0, %c0_i32 : i32, i32
  }
  func.func @transform_3(%arg0: i32) -> (i32, i32) {
    %c0_i32 = arith.constant 0 : i32
    %c0_i32_0 = arith.constant 0 : i32
    return %arg0, %c0_i32 : i32, i32
  }
  func.func @transform_4(%arg0: i32) -> (i32, i32) {
    %c0_i32 = arith.constant 0 : i32
    %c0_i32_0 = arith.constant 0 : i32
    return %arg0, %c0_i32 : i32, i32
  }
}

module attributes {stable_mosaic.version = 14 : i64} {
  func.func @_combine_body(%arg0: i32, %arg1: memref<1x1000x128xf32, #tpu.memory_space<vmem>>, %arg2: memref<1x1000x128xf32, #tpu.memory_space<vmem>>, %arg3: memref<1000x128xf32, #tpu.memory_space<vmem>>, %arg4: memref<1000x1xf32, #tpu.memory_space<vmem>>, %arg5: memref<1000x1xf32, #tpu.memory_space<vmem>>, %arg6: memref<1x128xf32, #tpu.memory_space<vmem>>, %arg7: memref<1000x128xf32, #tpu.memory_space<vmem>>, %arg8: memref<2x128xf32, #tpu.memory_space<vmem>>) attributes {dimension_semantics = [#tpu.dimension_semantics<arbitrary>], iteration_bounds = array<i64: 10>, scalar_prefetch = 0 : i64, scratch_operands = 0 : i64, tpu.core_type = #tpu.core_type<tc>, window_params = [{transform_indices = @transform_0, window_bounds = array<i64: 1, 1000, 128>}, {transform_indices = @transform_1, window_bounds = array<i64: 1, 1000, 128>}, {transform_indices = @transform_2, window_bounds = array<i64: 1000, 128>}, {transform_indices = @transform_3, window_bounds = array<i64: 1000, 1>}, {transform_indices = @transform_4, window_bounds = array<i64: 1000, 1>}, {pipeline_mode = #tpu.pipeline_mode<synchronous>, transform_indices = @transform_5, window_bounds = array<i64: 1, 128>}, {transform_indices = @transform_6, window_bounds = array<i64: 1000, 128>}, {pipeline_mode = #tpu.pipeline_mode<synchronous>, transform_indices = @transform_7, window_bounds = array<i64: 2, 128>}]} {
    %get3A = arith.constant 0 : index
    %get3A_0 = arith.constant 0 : index
    %get3A_1 = vector.load %arg4[%get3A, %get3A_0] : memref<1000x1xf32, #tpu.memory_space<vmem>>, vector<1000x1xf32>
    %get3A_2 = arith.constant 0 : index
    %get3A_3 = arith.constant 0 : index
    %get3A_4 = vector.load %arg5[%get3A_2, %get3A_3] : memref<1000x1xf32, #tpu.memory_space<vmem>>, vector<1000x1xf32>
    %add3A = arith.addf %get3A_1, %get3A_4 : vector<1000x1xf32>
    %add3A_5 = arith.constant 1.000000e+00 : f32
    %add3A_6 = vector.broadcast %add3A_5 : f32 to vector<1000x1xf32>
    %add3A_7 = arith.addf %add3A, %add3A_6 : vector<1000x1xf32>
    %rsqrt3A = math.rsqrt %add3A_7 : vector<1000x1xf32>
    %get3A_8 = arith.constant 0 : index
    %get3A_9 = arith.constant 0 : index
    %get3A_10 = arith.constant 0 : index
    %get3A_11 = vector.load %arg1[%get3A_8, %get3A_9, %get3A_10] : memref<1x1000x128xf32, #tpu.memory_space<vmem>>, vector<1x1000x128xf32>
    %get3A_12 = vector.shape_cast %get3A_11 : vector<1x1000x128xf32> to vector<1000x128xf32>
    %get3A_13 = arith.constant 0 : index
    %get3A_14 = arith.constant 0 : index
    %get3A_15 = arith.constant 0 : index
    %get3A_16 = vector.load %arg2[%get3A_13, %get3A_14, %get3A_15] : memref<1x1000x128xf32, #tpu.memory_space<vmem>>, vector<1x1000x128xf32>
    %get3A_17 = vector.shape_cast %get3A_16 : vector<1x1000x128xf32> to vector<1000x128xf32>
    %add3A_18 = arith.addf %get3A_12, %get3A_17 : vector<1000x128xf32>
    %get3A_19 = arith.constant 0 : index
    %get3A_20 = arith.constant 0 : index
    %get3A_21 = vector.load %arg3[%get3A_19, %get3A_20] : memref<1000x128xf32, #tpu.memory_space<vmem>>, vector<1000x128xf32>
    %add3A_22 = arith.addf %add3A_18, %get3A_21 : vector<1000x128xf32>
    %mul3A = vector.broadcast %rsqrt3A : vector<1000x1xf32> to vector<1000x128xf32>
    %mul3A_23 = arith.mulf %mul3A, %add3A_22 : vector<1000x128xf32>
    %get3A_24 = arith.constant 0 : index
    %get3A_25 = arith.constant 0 : index
    %get3A_26 = vector.load %arg6[%get3A_24, %get3A_25] : memref<1x128xf32, #tpu.memory_space<vmem>>, vector<1x128xf32>
    %add3A_27 = vector.broadcast %get3A_26 : vector<1x128xf32> to vector<1000x128xf32>
    %add3A_28 = arith.addf %mul3A_23, %add3A_27 : vector<1000x128xf32>
    %swap3A = arith.constant 0 : index
    %swap3A_29 = arith.constant 0 : index
    %swap3A_30 = vector.load %arg7[%swap3A, %swap3A_29] : memref<1000x128xf32, #tpu.memory_space<vmem>>, vector<1000x128xf32>
    tpu.vector_store %arg7[%swap3A, %swap3A_29], %add3A_28 {strides = array<i32>} : memref<1000x128xf32, #tpu.memory_space<vmem>>, vector<1000x128xf32>,
    %reduce_sum3A = arith.constant dense<0.000000e+00> : vector<128xf32>
    %reduce_sum3A_31 = vector.multi_reduction <add>, %add3A_28, %reduce_sum3A [0] : vector<1000x128xf32> to vector<128xf32>
    %mul3A_32 = arith.mulf %add3A_28, %add3A_28 : vector<1000x128xf32>
    %reduce_sum3A_33 = arith.constant dense<0.000000e+00> : vector<128xf32>
    %reduce_sum3A_34 = vector.multi_reduction <add>, %mul3A_32, %reduce_sum3A_33 [0] : vector<1000x128xf32> to vector<128xf32>
    %stack3A = vector.shape_cast %reduce_sum3A_31 : vector<128xf32> to vector<1x128xf32>
    %stack3A_35 = vector.shape_cast %reduce_sum3A_34 : vector<128xf32> to vector<1x128xf32>
    %stack3A_36 = tpu.concatenate %stack3A, %stack3A_35 in 0 : vector<1x128xf32>, vector<1x128xf32> -> vector<2x128xf32>
    %eq3A = arith.constant 0 : i32
    %eq3A_37 = arith.cmpi eq, %arg0, %eq3A : i32
    %convert_element_type3A = arith.extui %eq3A_37 : i1 to i32
    %cond3A = arith.constant 0 : i32
    %cond3A_38 = arith.cmpi ne, %convert_element_type3A, %cond3A : i32
    scf.if %cond3A_38 {
      %swap3A_43 = arith.constant 0 : index
      %swap3A_44 = arith.constant 0 : index
      %swap3A_45 = vector.load %arg8[%swap3A_43, %swap3A_44] : memref<2x128xf32, #tpu.memory_space<vmem>>, vector<2x128xf32>
      tpu.vector_store %arg8[%swap3A_43, %swap3A_44], %stack3A_36 {strides = array<i32>} : memref<2x128xf32, #tpu.memory_space<vmem>>, vector<2x128xf32>,
    } else {
    }
    %gt3A = arith.constant 0 : i32
    %gt3A_39 = arith.cmpi sgt, %arg0, %gt3A : i32
    %convert_element_type3A_40 = arith.extui %gt3A_39 : i1 to i32
    %cond3A_41 = arith.constant 0 : i32
    %cond3A_42 = arith.cmpi ne, %convert_element_type3A_40, %cond3A_41 : i32
    scf.if %cond3A_42 {
      %get3A_43 = arith.constant 0 : index
      %get3A_44 = arith.constant 0 : index
      %get3A_45 = vector.load %arg8[%get3A_43, %get3A_44] : memref<2x128xf32, #tpu.memory_space<vmem>>, vector<2x128xf32>
      %add3A_46 = arith.addf %get3A_45, %stack3A_36 : vector<2x128xf32>
      %swap3A_47 = arith.constant 0 : index
      %swap3A_48 = arith.constant 0 : index
      %swap3A_49 = vector.load %arg8[%swap3A_47, %swap3A_48] : memref<2x128xf32, #tpu.memory_space<vmem>>, vector<2x128xf32>
      tpu.vector_store %arg8[%swap3A_47, %swap3A_48], %add3A_46 {strides = array<i32>} : memref<2x128xf32, #tpu.memory_space<vmem>>, vector<2x128xf32>,
    } else {
    }
    return
  }
  func.func @transform_0(%arg0: i32) -> (i32, i32, i32) {
    %c0_i32 = arith.constant 0 : i32
    %c0_i32_0 = arith.constant 0 : i32
    %c0_i32_1 = arith.constant 0 : i32
    return %c0_i32, %arg0, %c0_i32_0 : i32, i32, i32
  }
  func.func @transform_1(%arg0: i32) -> (i32, i32, i32) {
    %c1_i32 = arith.constant 1 : i32
    %c0_i32 = arith.constant 0 : i32
    %c0_i32_0 = arith.constant 0 : i32
    return %c1_i32, %arg0, %c0_i32 : i32, i32, i32
  }
  func.func @transform_2(%arg0: i32) -> (i32, i32) {
    %c0_i32 = arith.constant 0 : i32
    %c0_i32_0 = arith.constant 0 : i32
    return %arg0, %c0_i32 : i32, i32
  }
  func.func @transform_3(%arg0: i32) -> (i32, i32) {
    %c0_i32 = arith.constant 0 : i32
    %c0_i32_0 = arith.constant 0 : i32
    return %arg0, %c0_i32 : i32, i32
  }
  func.func @transform_4(%arg0: i32) -> (i32, i32) {
    %c0_i32 = arith.constant 0 : i32
    %c0_i32_0 = arith.constant 0 : i32
    return %arg0, %c0_i32 : i32, i32
  }
  func.func @transform_5(%arg0: i32) -> (i32, i32) {
    %c0_i32 = arith.constant 0 : i32
    %c0_i32_0 = arith.constant 0 : i32
    %c0_i32_1 = arith.constant 0 : i32
    return %c0_i32, %c0_i32_0 : i32, i32
  }
  func.func @transform_6(%arg0: i32) -> (i32, i32) {
    %c0_i32 = arith.constant 0 : i32
    %c0_i32_0 = arith.constant 0 : i32
    return %arg0, %c0_i32 : i32, i32
  }
  func.func @transform_7(%arg0: i32) -> (i32, i32) {
    %c0_i32 = arith.constant 0 : i32
    %c0_i32_0 = arith.constant 0 : i32
    %c0_i32_1 = arith.constant 0 : i32
    return %c0_i32, %c0_i32_0 : i32, i32
  }
}

module attributes {stable_mosaic.version = 14 : i64} {
  func.func @_bn_body(%arg0: i32, %arg1: memref<1000x128xf32, #tpu.memory_space<vmem>>, %arg2: memref<1000x128xf32, #tpu.memory_space<vmem>>, %arg3: memref<2x128xf32, #tpu.memory_space<vmem>>, %arg4: memref<1x128xf32, #tpu.memory_space<vmem>>, %arg5: memref<1x128xf32, #tpu.memory_space<vmem>>, %arg6: memref<1000x128xf32, #tpu.memory_space<vmem>>) attributes {dimension_semantics = [#tpu.dimension_semantics<arbitrary>], iteration_bounds = array<i64: 10>, scalar_prefetch = 0 : i64, scratch_operands = 0 : i64, tpu.core_type = #tpu.core_type<tc>, window_params = [{transform_indices = @transform_0, window_bounds = array<i64: 1000, 128>}, {transform_indices = @transform_1, window_bounds = array<i64: 1000, 128>}, {pipeline_mode = #tpu.pipeline_mode<synchronous>, transform_indices = @transform_2, window_bounds = array<i64: 2, 128>}, {pipeline_mode = #tpu.pipeline_mode<synchronous>, transform_indices = @transform_3, window_bounds = array<i64: 1, 128>}, {pipeline_mode = #tpu.pipeline_mode<synchronous>, transform_indices = @transform_4, window_bounds = array<i64: 1, 128>}, {transform_indices = @transform_5, window_bounds = array<i64: 1000, 128>}]} {
    %get3A = arith.constant 0 : index
    %get3A_0 = arith.constant 0 : index
    %get3A_1 = vector.load %arg3[%get3A, %get3A_0] : memref<2x128xf32, #tpu.memory_space<vmem>>, vector<1x128xf32>
    %mul3A = arith.constant 9.99999974E-5 : f32
    %mul3A_2 = vector.broadcast %mul3A : f32 to vector<1x128xf32>
    %mul3A_3 = arith.mulf %get3A_1, %mul3A_2 : vector<1x128xf32>
    %get3A_4 = arith.constant 1 : index
    %get3A_5 = arith.constant 0 : index
    %get3A_6 = vector.load %arg3[%get3A_4, %get3A_5] : memref<2x128xf32, #tpu.memory_space<vmem>>, vector<1x128xf32>
    %mul3A_7 = arith.constant 9.99999974E-5 : f32
    %mul3A_8 = vector.broadcast %mul3A_7 : f32 to vector<1x128xf32>
    %mul3A_9 = arith.mulf %get3A_6, %mul3A_8 : vector<1x128xf32>
    %mul3A_10 = arith.mulf %mul3A_3, %mul3A_3 : vector<1x128xf32>
    %sub3A = arith.subf %mul3A_9, %mul3A_10 : vector<1x128xf32>
    %add3A = arith.constant 9.99999974E-6 : f32
    %add3A_11 = vector.broadcast %add3A : f32 to vector<1x128xf32>
    %add3A_12 = arith.addf %sub3A, %add3A_11 : vector<1x128xf32>
    %rsqrt3A = math.rsqrt %add3A_12 : vector<1x128xf32>
    %get3A_13 = arith.constant 0 : index
    %get3A_14 = arith.constant 0 : index
    %get3A_15 = vector.load %arg1[%get3A_13, %get3A_14] : memref<1000x128xf32, #tpu.memory_space<vmem>>, vector<1000x128xf32>
    %sub3A_16 = vector.broadcast %mul3A_3 : vector<1x128xf32> to vector<1000x128xf32>
    %sub3A_17 = arith.subf %get3A_15, %sub3A_16 : vector<1000x128xf32>
    %mul3A_18 = vector.broadcast %rsqrt3A : vector<1x128xf32> to vector<1000x128xf32>
    %mul3A_19 = arith.mulf %sub3A_17, %mul3A_18 : vector<1000x128xf32>
    %get3A_20 = arith.constant 0 : index
    %get3A_21 = arith.constant 0 : index
    %get3A_22 = vector.load %arg4[%get3A_20, %get3A_21] : memref<1x128xf32, #tpu.memory_space<vmem>>, vector<1x128xf32>
    %mul3A_23 = vector.broadcast %get3A_22 : vector<1x128xf32> to vector<1000x128xf32>
    %mul3A_24 = arith.mulf %mul3A_19, %mul3A_23 : vector<1000x128xf32>
    %get3A_25 = arith.constant 0 : index
    %get3A_26 = arith.constant 0 : index
    %get3A_27 = vector.load %arg5[%get3A_25, %get3A_26] : memref<1x128xf32, #tpu.memory_space<vmem>>, vector<1x128xf32>
    %add3A_28 = vector.broadcast %get3A_27 : vector<1x128xf32> to vector<1000x128xf32>
    %add3A_29 = arith.addf %mul3A_24, %add3A_28 : vector<1000x128xf32>
    %gt3A = arith.constant 0.000000e+00 : f32
    %gt3A_30 = vector.broadcast %gt3A : f32 to vector<1000x128xf32>
    %gt3A_31 = arith.cmpf ogt, %add3A_29, %gt3A_30 : vector<1000x128xf32>
    %exp3A = math.exp %add3A_29 : vector<1000x128xf32>
    %sub3A_32 = arith.constant 1.000000e+00 : f32
    %sub3A_33 = vector.broadcast %sub3A_32 : f32 to vector<1000x128xf32>
    %sub3A_34 = arith.subf %exp3A, %sub3A_33 : vector<1000x128xf32>
    %select_n3A = arith.select %gt3A_31, %add3A_29, %sub3A_34 : vector<1000x128xi1>, vector<1000x128xf32>
    %get3A_35 = arith.constant 0 : index
    %get3A_36 = arith.constant 0 : index
    %get3A_37 = vector.load %arg2[%get3A_35, %get3A_36] : memref<1000x128xf32, #tpu.memory_space<vmem>>, vector<1000x128xf32>
    %add3A_38 = arith.addf %select_n3A, %get3A_37 : vector<1000x128xf32>
    %swap3A = arith.constant 0 : index
    %swap3A_39 = arith.constant 0 : index
    %swap3A_40 = vector.load %arg6[%swap3A, %swap3A_39] : memref<1000x128xf32, #tpu.memory_space<vmem>>, vector<1000x128xf32>
    tpu.vector_store %arg6[%swap3A, %swap3A_39], %add3A_38 {strides = array<i32>} : memref<1000x128xf32, #tpu.memory_space<vmem>>, vector<1000x128xf32>,
    return
  }
  func.func @transform_0(%arg0: i32) -> (i32, i32) {
    %c0_i32 = arith.constant 0 : i32
    %c0_i32_0 = arith.constant 0 : i32
    return %arg0, %c0_i32 : i32, i32
  }
  func.func @transform_1(%arg0: i32) -> (i32, i32) {
    %c0_i32 = arith.constant 0 : i32
    %c0_i32_0 = arith.constant 0 : i32
    return %arg0, %c0_i32 : i32, i32
  }
  func.func @transform_2(%arg0: i32) -> (i32, i32) {
    %c0_i32 = arith.constant 0 : i32
    %c0_i32_0 = arith.constant 0 : i32
    %c0_i32_1 = arith.constant 0 : i32
    return %c0_i32, %c0_i32_0 : i32, i32
  }
  func.func @transform_3(%arg0: i32) -> (i32, i32) {
    %c0_i32 = arith.constant 0 : i32
    %c0_i32_0 = arith.constant 0 : i32
    %c0_i32_1 = arith.constant 0 : i32
    return %c0_i32, %c0_i32_0 : i32, i32
  }
  func.func @transform_4(%arg0: i32) -> (i32, i32) {
    %c0_i32 = arith.constant 0 : i32
    %c0_i32_0 = arith.constant 0 : i32
    %c0_i32_1 = arith.constant 0 : i32
    return %c0_i32, %c0_i32_0 : i32, i32
  }
  func.func @transform_5(%arg0: i32) -> (i32, i32) {
    %c0_i32 = arith.constant 0 : i32
    %c0_i32_0 = arith.constant 0 : i32
    return %arg0, %c0_i32 : i32, i32
  }
}

</mosaic_0001>

<sc_bundles>
// kernel: kernel.10.cloned.1.call-start
scs
__scs_entry_jumppad:
0x0: {  	(pc) =	sbr.rel $0x88, $3  }
0x1: {  	(tag) =	ssettag $0x0;
	lr =	simm.s32 $0x1  }
0x2: {  	[smem:$0x3F9B] =	sst lr;
	_ =	strace $0xD0000000  }
0x3: {  	_ = 	snop  }
0x4: {  	_ = 	snop  }
0x5: {  	_ = 	snop  }
0x6: {  	_ = 	snop  }
0x7: {  	_ = 	snop  }
__scs_overlays_trampoline_lowered:
0x8: {  	[smem:$0x3FAA] =	sst s0  }
0x9: {  	[smem:$0x3FAB] =	sst s1  }
0xa: {  	[smem:$0x3FAC] =	sst s2  }
0xb: {  	[smem:$0x3FAD] =	sst s3  }
0xc: {  	[smem:$0x3FAE] =	sst s4  }
0xd: {  	[smem:$0x3FAF] =	sst s5  }
0xe: {  	[smem:$0x3FB0] =	sst s6  }
0xf: {  	[smem:$0x3FB1] =	sst s7  }
0x10: {  	[smem:$0x3FB2] =	sst s8  }
0x11: {  	[smem:$0x3FB3] =	sst s9;
	s0 =	simm.s32 @!p0 $0x0  }
0x12: {  	s1 =	sld [smem:$0x3F99];
	s0 =	simm.s32 @p0 $0x1  }
0x13: {  	[smem:$0x3FB4] =	sst s0;
	s0 =	simm.s32 @!p1 $0x0  }
0x14: {  	s2 =	sld [smem:$0x3F98];
	s0 =	simm.s32 @p1 $0x1  }
0x15: {  	[smem:$0x3FB5] =	sst s0;
	s0 =	simm.s32 @!p2 $0x0  }
0x16: {  	s3 =	sld [smem:$0x3FDB];
	s0 =	simm.s32 @p2 $0x1  }
0x17: {  	s4 =	simm.s32 $0x1BF5;
	[smem:$0x3FB7] =	sst s0  }
0x18: {  	s0 =	sld [smem:$0x3F9A];
	_ =	swait.ge [sflag:s4], $0x0  }
0x19: {  	s7 =	sld [smem:$0x3F9B]  }
0x1a: {  	s8 =	sadd.s32 $0xFFFFE003, lr  }
0x1b: {  	s9 =	sadd.s32 $0xFFFFFEF7, lr;
	s5 =	simm.s32 $0xFFFFFFFF;
	p2 =	slt.u32 s8, $0xFFFFF086  }
0x1c: {  	p1 =	slt.u32 s9, $0xF7A;
	s5 =	simm.s32 @!p2 $0x0  }
0x1d: {  	s5 =	simm.s32 @p1 $0x1;
	p0 =	seq.s32 s7, s2  }
0x1e: {  	s7 =	smul.u32 @!p0 $0xF7A, s2;
	p2 =	seq.s32 @!p0 s5, $0x0  }
0x1f: {  	s9 =	smul.u32 $0xF7A, s1;
	s8 =	simm.s32 @!p0 $0x1BF5;
	p2 =	por !p2, p0  }
0x20: {  	[sflag:s8] =	ssyncset.s32 @!p0 $0xFFFFF086;
	s6 =	sadd.s32 @!p0 s3, s7;
	s7 =	simm.s32 @!p0 $0x108  }
0x21: {  	s3 =	sadd.s32 s3, s9;
	s6 =	sadd.s32 @!p0 $0x88, s6;
	s7 =	simm.s32 @p2 $0x1082  }
0x22: {  	[simem:s7], [sflag:s8] =	dma.local @!p0 [hbm:s6], $0xF7A  }
0x23: {  	s9 =	sor.u32 $0xD0000000, s2;
	s6 =	simm.s32 $0x108;
	_ =	swait.ge @!p0 [sflag:s8], $0x0  }
0x24: {  	s3 =	sadd.s32 $0x88, s3;
	s6 =	simm.s32 @!p1 $0x1082;
	[sflag:s4] =	ssyncset.s32 $0xFFFFF086  }
0x25: {  	[simem:s6], [sflag:s4] =	dma.local [hbm:s3], $0xF7A  }
0x26: {  	[smem:$0x3F9B] =	sst s1;
	(tag) =	ssettag s2;
	_ =	strace s9  }
0x27: {  	s1 =	sld [smem:$0x3FAB]  }
0x28: {  	s2 =	sld [smem:$0x3FAC]  }
0x29: {  	s4 =	sld [smem:$0x3FAE]  }
0x2a: {  	p0 =	seq.s32 s5, $0x0;
	s5 =	sld [smem:$0x3FAF]  }
0x2b: {  	s6 =	sld [smem:$0x3FB0]  }
0x2c: {  	s7 =	sld [smem:$0x3FB1]  }
0x2d: {  	s3 =	simm.s32 $0x108;
	s8 =	sld [smem:$0x3FB2]  }
0x2e: {  	s3 =	simm.s32 @!p0 $0x1082;
	s9 =	sld [smem:$0x3FB3]  }
0x2f: {  	lr =	sadd.s32 s0, s3;
	s0 =	sld [smem:$0x3FAA]  }
0x30: {  	s3 =	sld [smem:$0x3FAD]  }
0x31: {  	[smem:$0x3FB6] =	sst s10  }
0x32: {  	s10 =	sld [smem:$0x3FB4];
	_ =	sdelay $0x3  }
0x33: {  	p0 =	seq.s32 s10, $0x1;
	s10 =	sld [smem:$0x3FB6];
	_ =	sdelay $0x3  }
0x34: {  	[smem:$0x3FB6] =	sst s10  }
0x35: {  	s10 =	sld [smem:$0x3FB5];
	_ =	sdelay $0x3  }
0x36: {  	p1 =	seq.s32 s10, $0x1;
	s10 =	sld [smem:$0x3FB6];
	_ =	sdelay $0x3  }
0x37: {  	[smem:$0x3FB6] =	sst s10  }
0x38: {  	s10 =	sld [smem:$0x3FB7]  }
0x39: {  	_ = 	snop;
	(pc) =	sbr.ind lr, $3  }
0x3a: {  	_ = 	snop  }
0x3b: {  	_ = 	snop  }
0x3c: {  	p2 =	seq.s32 s10, $0x1;
	s10 =	sld [smem:$0x3FB6]  }
0x3d: {  	_ =	shalt  }
0x3e: {  	_ =	shalt  }
0x3f: {  	_ =	shalt  }
0x40: {  	_ =	shalt  }
0x41: {  	_ =	shalt  }
0x42: {  	_ =	shalt  }
0x43: {  	_ =	shalt  }
0x44: {  	_ =	shalt  }
0x45: {  	_ =	shalt  }
0x46: {  	_ =	shalt  }
0x47: {  	_ =	shalt  }
0x48: {  	_ =	shalt  }
0x49: {  	_ =	shalt  }
0x4a: {  	_ =	shalt  }
0x4b: {  	_ =	shalt  }
0x4c: {  	_ =	shalt  }
0x4d: {  	_ =	shalt  }
0x4e: {  	_ =	shalt  }
0x4f: {  	_ =	shalt  }
0x50: {  	_ =	shalt  }
0x51: {  	_ =	shalt  }
0x52: {  	_ =	shalt  }
0x53: {  	_ =	shalt  }
0x54: {  	_ =	shalt  }
0x55: {  	_ =	shalt  }
0x56: {  	_ =	shalt  }
0x57: {  	_ =	shalt  }
0x58: {  	_ =	shalt  }
0x59: {  	_ =	shalt  }
0x5a: {  	_ =	shalt  }
0x5b: {  	_ =	shalt  }
0x5c: {  	_ =	shalt  }
0x5d: {  	_ =	shalt  }
0x5e: {  	_ =	shalt  }
0x5f: {  	_ =	shalt  }
0x60: {  	_ =	shalt  }
0x61: {  	_ =	shalt  }
0x62: {  	_ =	shalt  }
0x63: {  	_ =	shalt  }
0x64: {  	_ =	shalt  }
0x65: {  	_ =	shalt  }
0x66: {  	_ =	shalt  }
0x67: {  	_ =	shalt  }
0x68: {  	_ =	shalt  }
0x69: {  	_ =	shalt  }
0x6a: {  	_ =	shalt  }
0x6b: {  	_ =	shalt  }
0x6c: {  	_ =	shalt  }
0x6d: {  	_ =	shalt  }
0x6e: {  	_ =	shalt  }
0x6f: {  	_ =	shalt  }
0x70: {  	_ =	shalt  }
0x71: {  	_ =	shalt  }
0x72: {  	_ =	shalt  }
0x73: {  	_ =	shalt  }
0x74: {  	_ =	shalt  }
0x75: {  	_ =	shalt  }
0x76: {  	_ =	shalt  }
0x77: {  	_ =	shalt  }
0x78: {  	_ =	shalt  }
0x79: {  	_ =	shalt  }
0x7a: {  	_ =	shalt  }
0x7b: {  	_ =	shalt  }
0x7c: {  	_ =	shalt  }
0x7d: {  	_ =	shalt  }
0x7e: {  	_ =	shalt  }
0x7f: {  	_ =	shalt  }
0x80: {  	_ =	shalt  }
0x81: {  	_ =	shalt  }
0x82: {  	_ =	shalt  }
0x83: {  	_ =	shalt  }
0x84: {  	_ =	shalt  }
0x85: {  	_ =	shalt  }
0x86: {  	_ =	shalt  }
0x87: {  	_ =	shalt  }
.Lfunc_end0:
.L_simem_size_0:
called_computation.1_lowered:
.L_overlay_start_0:
0x88: {  	s2 =	sld [smem:$0x3FD9]  }
0x89: {  	s3 =	sld [smem:$0x3FFE];
	_ =	sdelay $0x1  }
0x8a: {  	s1 =	srdreg.scid  }
0x8b: {  	s0 =	sand.u32 $0x1, s1  }
0x8c: {  	s17 =	sshll.u32 s0, $0xA;
	s2 =	sadd.s32 s3, s2  }
0x8d: {  	s2 =	sadd.s32 s2, s17  }
0x8e: {  	[smem:$0x3FC2] =	sst s2  }
0x8f: {  	_ = 	snop  }
0x90: {  	s2 =	sld [smem:$0x3FD0];
	(tm) =	ssettm $0x1  }
0x91: {  	s18 =	sld [smem:$0x3FFB];
	_ =	sdelay $0x3  }
0x92: {  	_ =	strace s18  }
0x93: {  	s3 =	sld [smem:$0x3FFC];
	_ =	sdelay $0x3  }
0x94: {  	_ =	strace s3  }
0x95: {  	s3 =	sld [smem:$0x3FFD];
	_ =	sdelay $0x3  }
0x96: {  	_ =	strace s3  }
0x97: {  	_ =	strace $0x8FFFFFFF  }
0x98: {  	s19 =	sld [smem:$0x3FDB];
	_ =	sdelay $0x1  }
0x99: {  	s4 =	simm.s32 $_scs_section_size  }
0x9a: {  	s5 =	simm.s32 $_size__tile_overlayer_lowered;
	s6 =	simm.s32 $_tile_overlayer_lowered  }
0x9b: {  	s22 =	simm.s32 $0x1BFF;
	s21 =	sshll.u32 s6, $0x1;
	s3 =	sadd.s32 s4, s19  }
0x9c: {  	s7 =	simm.s32 $0x0;
	s20 =	sshll.u32 s5, $0x1;
	s5 =	sadd.s32 s21, s3  }
0x9d: {  	[timem:s7], [sflag:s22] =	dma.local [hbm:s5], s20  }
0x9e: {  	_ =	swait.ge [sflag:s22], s20  }
0x9f: {  	s4 =	ssub.s32 $0x0, s20;
	[sflag:s22] =	ssyncset.done $0x0  }
0xa0: {  	[sflag:s22] =	ssyncadd.s32 s4;
	_ =	sdelay $0x1  }
0xa1: {  	s23 =	simm.s32 $0x1B8B  }
0xa2: {  	_ =	swait.ge [sflag:s23], $0x1  }
0xa3: {  	[sflag:s23] =	ssyncset.done $0x0  }
0xa4: {  	s25 =	simm.s32 $0x1B8E;
	s24 =	sld [smem:$0x3FFE];
	[sflag:s23] =	ssyncadd.s32 $0xFFFFFFFF  }
0xa5: {  	s26 =	simm.s32 $execute0_lowered;
	[smem:$0x3FD2] =	sst s25  }
0xa6: {  	s5 =	sshll.u32 s26, $0x1;
	_ =	strace $0x80000049;
	[dreg:$0x1] =	wrdreg $0xFFFFFFFF  }
0xa7: {  	s28 =	simm.s32 $_size_execute0_lowered;
	s3 =	sadd.s32 s3, s5;
	[dreg:$0x0] =	wrdreg $0x0  }
0xa8: {  	s5 =	sshll.u32 s28, $0x1;
	[dreg:$0x2] =	wrdreg s3  }
0xa9: {  	[dreg:$0x3] =	wrdreg s5  }
0xaa: {  	[dreg:$0x4] =	wrdreg $0xC0  }
0xab: {  	_ =	task [dreg:s7], $0x5FFFF  }
0xac: {  	[dreg:$0x1] =	wrdreg $0xFFFFFFFF  }
0xad: {  	[dreg:$0x0] =	wrdreg $0x60  }
0xae: {  	[dreg:$0x2] =	wrdreg s24  }
0xaf: {  	[dreg:$0x3] =	wrdreg s2  }
0xb0: {  	[dreg:$0x4] =	wrdreg $0xA1000  }
0xb1: {  	[dreg:$0x5] =	wrdreg $0x9  }
0xb2: {  	_ =	task.clear_ibuf [dreg:s7], $0x6FFFF;
	_ =	strace $0x90000049  }
0xb3: {  	s29 =	simm.s32 $0x9;
	_ =	strace $0x8000004B  }
0xb4: {  	_ =	swait.ge [sflag:s29], $0x1  }
0xb5: {  	[sflag:s29] =	ssyncadd.s32 $0xFFFFFFFF  }
0xb6: {  	_ =	strace $0x9000004B  }
0xb7: {  	_ =	sfence  }
0xb8: {  	s30 =	sld [smem:$0x0];
	_ =	sdelay $0x2  }
0xb9: {  	s31 =	sshll.u32 s1, $0xD;
	s1 =	sshrl.u32 s1, $0x2  }
0xba: {  	s3 =	sand.u32 $0x4000, s31;
	s1 =	sadd.s32 s1, s30  }
0xbb: {  	s0 =	sor.u32 s3, s0;
	s1 =	sshll.u32 s1, $0x11  }
0xbc: {  	s0 =	sor.u32 s1, s0  }
0xbd: {  	s0 =	sadd.s32 $0x8F2B, s0  }
0xbe: {  	[sflag:s0] =	ssyncadd.remote.s32 $0x1  }
0xbf: {  	_ =	sfence.sel $0xFFFF  }
0xc0: {  	[dreg:$0x0] =	wrdreg $0xFFFFFFFF;
	(pc) =	sbr.abs _section_cstart, $3  }
0xc1: {  	[dreg:$0x1] =	wrdreg $0xFFFFFFFF  }
0xc2: {  	_ =	task.clear_ibuf [dreg:s7], $0x2FFFF;
	_ =	strace $0x9FFFFFFF  }
0xc3: {  	(tm) =	ssettm $0x7FFFFFFF  }
tec
execute0_lowered:
.L_overlay_start_1:
0x0: {  	(tag) =	ssettag $0x1  }
0x1: {  	s0 =	rddreg [dreg:$0x0]  }
0x2: {  	s1 =	srdreg.scid;
	s2 =	rddreg [dreg:$0x1]  }
0x3: {  	s3 =	rddreg [dreg:$0x2];
	s19 =	stileid.u32;
	s4 =	simm.s32 $0x0  }
0x4: {  	s30 =	simm.s32 $0x2;
	s31 =	simm.s32 $0x7;
	s1 =	sand.u32 $0x1, s1  }
0x5: {  	[smem:$0x7FF] =	sst s4;
	s7 =	smul.u32 $0x14000, s19;
	s8 =	sadd.s32 $0x3D800, s0  }
0x6: {  	s5 =	sshll.u32 s1, $0x4;
	_ =	strace $0x8000004A;
	s13 =	smul.u32 $0x140000, s1  }
0x7: {  	s6 =	ssub.s32 $0x2, s1;
	s1 =	smul.u32 $0x27100, s1;
	s5 =	sor.u32 s19, s5  }
0x8: {  	s9 =	sshrl.u32 s6, $0x1;
	s10 =	sadd.s32 $0x5000, s7;
	s11 =	sadd.s32 $0x7800, s7  }
0x9: {  	s12 =	sadd.s32 $0xA000, s7;
	s14 =	sadd.s32 $0xC800, s7;
	s15 =	sadd.s32 $0xF000, s7  }
0xa: {  	s16 =	sadd.s32 $0x11800, s7;
	s5 =	smul.u32 $0x2710, s5;
	s6 =	ssub.s32 s6, s9  }
0xb: {  	s9 =	sor.u32 $0x2800, s7;
	s7 =	sadd.s32 s7, s13;
	s18 =	sadd.s32 s13, s10  }
0xc: {  	s24 =	sadd.s32 s13, s11;
	s25 =	sadd.s32 s13, s12;
	s26 =	sadd.s32 s13, s14  }
0xd: {  	s28 =	sadd.s32 s14, s3;
	s29 =	sadd.s32 s15, s3;
	s17 =	sadd.s32 s13, s9  }
0xe: {  	s7 =	sshrl.u32 s7, $0x3;
	s18 =	sshrl.u32 s18, $0x3;
	[dreg:$0x10] =	wrdreg s28  }
0xf: {  	s6 =	smax.u32 s6, $0x1;
	[dreg:$0x11] =	wrdreg s29;
	s5 =	sshrl.u32 s5, $0x3  }
0x10: {  	s17 =	sshrl.u32 s17, $0x3;
	s7 =	sadd.s32 s8, s7;
	[dreg:$0x15] =	wrdreg s6  }
0x11: {  	s23 =	sadd.s32 s8, s18;
	s18 =	sshrl.u32 s26, $0x3;
	[dreg:$0x4] =	wrdreg s7  }
0x12: {  	s6 =	simm.s32 $0x2900;
	s22 =	sadd.s32 s8, s17;
	[dreg:$0x6] =	wrdreg s23  }
0x13: {  	s7 =	sshrl.u32 s24, $0x3;
	s17 =	sshrl.u32 s25, $0x3;
	s23 =	smul.u32 $0x2710, s19  }
0x14: {  	s21 =	sadd.s32 s8, s18;
	s25 =	smul.u32 $0x50000, s19;
	s26 =	sadd.s32 s5, s0  }
0x15: {  	[dreg:$0x5] =	wrdreg s22;
	s7 =	sadd.s32 s8, s7;
	s20 =	sadd.s32 s8, s17  }
0x16: {  	[dreg:$0x9] =	wrdreg s21;
	s22 =	sadd.s32 s13, s15;
	s13 =	sadd.s32 s13, s16  }
0x17: {  	s21 =	sadd.s32 s9, s3;
	s9 =	simm.s32 $0x2800;
	[dreg:$0x7] =	wrdreg s7  }
0x18: {  	[dreg:$0x8] =	wrdreg s20;
	s7 =	sshrl.u32 s22, $0x3;
	s13 =	sshrl.u32 s13, $0x3  }
0x19: {  	s17 =	sadd.s32 s23, s1;
	s1 =	sadd.s32 $0xBA00, s26;
	s22 =	sadd.s32 s10, s3  }
0x1a: {  	s23 =	sadd.s32 s11, s3;
	s26 =	sadd.s32 s12, s3;
	[dreg:$0xd] =	wrdreg s1  }
0x1b: {  	s10 =	simm.s32 $0x5100;
	s11 =	simm.s32 $0x4;
	[dreg:$0xe] =	wrdreg s23  }
0x1c: {  	s7 =	sadd.s32 s8, s7;
	s24 =	sadd.s32 s8, s13;
	[dreg:$0xf] =	wrdreg s26  }
0x1d: {  	s13 =	sadd.s32 $0x1C00, s0;
	s0 =	sadd.s32 $0x15800, s0;
	[dreg:$0x13] =	wrdreg s22  }
0x1e: {  	s8 =	sshrl.u32 s25, $0x2;
	s1 =	sadd.s32 s16, s3;
	[dreg:$0xa] =	wrdreg s7  }
0x1f: {  	s12 =	sadd.s32 $0x190, s17;
	s15 =	sadd.s32 $0x140, s17;
	[dreg:$0xb] =	wrdreg s24  }
0x20: {  	s17 =	sadd.s32 $0xF0, s17;
	[dreg:$0xc] =	wrdreg s0;
	s20 =	sadd.s32 s8, s3  }
0x21: {  	s14 =	sadd.s32 s13, s5;
	s0 =	sshrl.u32 s12, $0x3;
	[dreg:$0x18] =	wrdreg s17  }
0x22: {  	s16 =	sshrl.u32 s15, $0x3;
	s5 =	simm.s32 $0xA;
	[dreg:$0x12] =	wrdreg s1  }
0x23: {  	s7 =	simm.s32 $0x2780;
	s0 =	sadd.s32 s0, s13;
	[dreg:$0x14] =	wrdreg s14  }
0x24: {  	s8 =	simm.s32 $0x50;
	s18 =	sadd.s32 $0xA, s14;
	[dreg:$0x16] =	wrdreg s0  }
0x25: {  	s12 =	simm.s32 $0x1;
	s19 =	sadd.s32 $0x14, s14;
	[dreg:$0x19] =	wrdreg s18  }
0x26: {  	s15 =	simm.s32 $0x7900;
	s24 =	sadd.s32 $0x4CE, s14;
	[dreg:$0x1a] =	wrdreg s19  }
0x27: {  	s17 =	simm.s32 $0x9;
	s25 =	sadd.s32 $0x4D8, s14;
	[dreg:$0x1b] =	wrdreg s24  }
0x28: {  	s14 =	simm.s32 $0x2880;
	s0 =	sadd.s32 s16, s13;
	[dreg:$0x1c] =	wrdreg s25  }
0x29: {  	s25 =	simm.s32 $0x5;
	s24 =	simm.s32 $0x3;
	s16 =	simm.s32 $0x8  }
0x2a: {  	s18 =	simm.s32 $0x0;
	[dreg:$0x17] =	wrdreg s0;
	s0 =	simm.s32 $0x6  }
.LBB2_1:
0x2b: {  	s19 =	rddreg [dreg:$0xd]  }
0x2c: {  	[tilespmem:s4], [sflag:$0xA] =	stream.linear.gather [hbm4b:s19+s4], $0x2710, $0x38;
	[tilespmem:$0x1E100] =	vst v63  }
0x2d: {  	_ =	swait.ge [sflag:s5], $0x2710  }
0x2e: {  	[sflag:s5] =	ssyncset.done $0x0  }
0x2f: {  	s19 =	rddreg [dreg:$0xc];
	[sflag:s5] =	ssyncadd.s32 $0xFFFFD8F0  }
0x30: {  	[tilespmem:s6], [sflag:$0xA] =	stream.linear.gather [hbm4b:s19+s4], $0x2800, $0x38;
	[tilespmem:$0x1E100] =	vst v63  }
0x31: {  	_ =	swait.ge [sflag:s5], $0x2800  }
0x32: {  	[sflag:s5] =	ssyncset.done $0x0  }
0x33: {  	[sflag:s5] =	ssyncadd.s32 $0xFFFFD800  }
0x34: {  	[spmem:s20] =	stream.linear.scatter [tilespmem:s6], [sflag:$0xA], $0x2800, $0x38;
	[tilespmem:$0x1E100] =	vst v63  }
0x35: {  	_ =	swait.ge [sflag:s5], $0x2800  }
0x36: {  	[sflag:s5] =	ssyncset.done $0x0  }
0x37: {  	[sflag:s5] =	ssyncadd.s32 $0xFFFFD800  }
0x38: {  	[spmem:s21] =	stream.linear.scatter [tilespmem:s6], [sflag:$0xA], $0x2800, $0x38;
	[tilespmem:$0x1E100] =	vst v63  }
0x39: {  	_ =	swait.ge [sflag:s5], $0x2800  }
0x3a: {  	[sflag:s5] =	ssyncset.done $0x0  }
0x3b: {  	[sflag:s5] =	ssyncadd.s32 $0xFFFFD800  }
0x3c: {  	[spmem:s22] =	stream.linear.scatter [tilespmem:s6], [sflag:$0xA], $0x2800, $0x38;
	[tilespmem:$0x1E100] =	vst v63  }
0x3d: {  	_ =	swait.ge [sflag:s5], $0x2800  }
0x3e: {  	[sflag:s5] =	ssyncset.done $0x0  }
0x3f: {  	[sflag:s5] =	ssyncadd.s32 $0xFFFFD800  }
0x40: {  	[spmem:s23] =	stream.linear.scatter [tilespmem:s6], [sflag:$0xA], $0x2800, $0x38;
	[tilespmem:$0x1E100] =	vst v63  }
0x41: {  	_ =	swait.ge [sflag:s5], $0x2800  }
0x42: {  	[sflag:s5] =	ssyncset.done $0x0  }
0x43: {  	[sflag:s5] =	ssyncadd.s32 $0xFFFFD800  }
0x44: {  	[spmem:s26] =	stream.linear.scatter [tilespmem:s6], [sflag:$0xA], $0x2800, $0x38;
	[tilespmem:$0x1E100] =	vst v63  }
0x45: {  	_ =	swait.ge [sflag:s5], $0x2800  }
0x46: {  	[sflag:s5] =	ssyncset.done $0x0  }
0x47: {  	s19 =	smov.u32 s28;
	[sflag:s5] =	ssyncadd.s32 $0xFFFFD800  }
0x48: {  	[spmem:s19] =	stream.linear.scatter [tilespmem:s6], [sflag:$0xA], $0x2800, $0x38;
	[tilespmem:$0x1E100] =	vst v63  }
0x49: {  	_ =	swait.ge [sflag:s5], $0x2800  }
0x4a: {  	[sflag:s5] =	ssyncset.done $0x0  }
0x4b: {  	s28 =	smov.u32 s20;
	s20 =	smov.u32 s29;
	[sflag:s5] =	ssyncadd.s32 $0xFFFFD800  }
0x4c: {  	[spmem:s20] =	stream.linear.scatter [tilespmem:s6], [sflag:$0xA], $0x2800, $0x38;
	[tilespmem:$0x1E100] =	vst v63  }
0x4d: {  	_ =	swait.ge [sflag:s5], $0x2800  }
0x4e: {  	[sflag:s5] =	ssyncset.done $0x0  }
0x4f: {  	[sflag:s5] =	ssyncadd.s32 $0xFFFFD800  }
0x50: {  	[spmem:s1] =	stream.linear.scatter [tilespmem:s6], [sflag:$0xA], $0x2800, $0x38;
	[tilespmem:$0x1E100] =	vst v63  }
0x51: {  	_ =	swait.ge [sflag:s5], $0x2800  }
0x52: {  	[sflag:s5] =	ssyncset.done $0x0  }
0x53: {  	[sflag:s5] =	ssyncadd.s32 $0xFFFFD800  }
0x54: {  	[bflag:$0x0] =	sbarrier.arrive $0xFFFF  }
0x55: {  	s20 =	rddreg [dreg:$0x14]  }
0x56: {  	[tilespmem:s7], [sflag:$0x1] =	stream.linear.gather [hbm4b:s20+s4], $0x50, $0x38;
	[tilespmem:$0x1E100] =	vst v63  }
0x57: {  	_ = 	snop  }
0x58: {  	[tilespmem:s6], [sflag:$0x4] =	stream.indirect.gather [hbm4b:s2+s8], $0x80, s4, s8, $0xb8;
	[tilespmem:$0x1E100] =	vst v63  }
0x59: {  	s29 =	smov.u32 s21;
	s21 =	rddreg [dreg:$0x19]  }
0x5a: {  	[tilespmem:s9], [sflag:$0x2] =	stream.linear.gather [hbm4b:s21+s4], $0x50, $0x38;
	[tilespmem:$0x1E100] =	vst v63  }
0x5b: {  	_ = 	snop  }
0x5c: {  	[tilespmem:s10], [sflag:$0x5] =	stream.indirect.gather [hbm4b:s2+s8], $0x80, s8, s8, $0xb8;
	[tilespmem:$0x1E100] =	vst v63  }
0x5d: {  	_ =	swait.ge [sflag:s11], $0x2800  }
0x5e: {  	[sflag:s11] =	ssyncset.done $0x0  }
0x5f: {  	[sflag:s11] =	ssyncadd.s32 $0xFFFFD800  }
0x60: {  	_ =	swait.ge [sflag:s12], $0x50  }
0x61: {  	[sflag:s12] =	ssyncset.done $0x0  }
0x62: {  	[sflag:s12] =	ssyncadd.s32 $0xFFFFFFB0  }
0x63: {  	[spmem:s3] =	stream.indirect.scatter.add.f32 [tilespmem:s6], [sflag:$0x7], $0x80, s7, s8, $0xb8;
	[tilespmem:$0x1E100] =	vst v63  }
0x64: {  	s22 =	rddreg [dreg:$0x1a]  }
0x65: {  	[tilespmem:s14], [sflag:$0x3] =	stream.linear.gather [hbm4b:s22+s4], $0x50, $0x38;
	[tilespmem:$0x1E100] =	vst v63  }
0x66: {  	s23 =	simm.s32 $0xA0  }
0x67: {  	[tilespmem:s15], [sflag:$0x6] =	stream.indirect.gather [hbm4b:s2+s8], $0x80, s23, s8, $0xb8;
	[tilespmem:$0x1E100] =	vst v63  }
0x68: {  	_ =	swait.ge [sflag:s25], $0x2800  }
0x69: {  	[sflag:s25] =	ssyncset.done $0x0  }
0x6a: {  	[sflag:s25] =	ssyncadd.s32 $0xFFFFD800  }
0x6b: {  	_ =	swait.ge [sflag:s30], $0x50  }
0x6c: {  	[sflag:s30] =	ssyncset.done $0x0  }
0x6d: {  	[sflag:s30] =	ssyncadd.s32 $0xFFFFFFB0  }
0x6e: {  	[spmem:s3] =	stream.indirect.scatter.add.f32 [tilespmem:s10], [sflag:$0x8], $0x80, s9, s8, $0xb8;
	[tilespmem:$0x1E100] =	vst v63  }
0x6f: {  	_ =	swait.ge [sflag:s31], $0x2800  }
0x70: {  	s20 =	rddreg [dreg:$0x18]  }
0x71: {  	[sflag:s31] =	ssyncset.done $0x0;
	s26 =	sshrl.u32 s20, $0x3  }
0x72: {  	[sflag:s31] =	ssyncadd.s32 $0xFFFFD800;
	s19 =	sadd.s32 s13, s26  }
0x73: {  	[tilespmem:s7], [sflag:$0x1] =	stream.linear.gather [hbm4b:s19+s4], $0x50, $0x38;
	[tilespmem:$0x1E100] =	vst v63  }
0x74: {  	s1 =	simm.s32 $0xF0  }
0x75: {  	[tilespmem:s6], [sflag:$0x4] =	stream.indirect.gather [hbm4b:s2+s8], $0x80, s1, s8, $0xb8;
	[tilespmem:$0x1E100] =	vst v63  }
0x76: {  	_ =	swait.ge [sflag:s0], $0x2800  }
0x77: {  	[sflag:s0] =	ssyncset.done $0x0  }
0x78: {  	[sflag:s0] =	ssyncadd.s32 $0xFFFFD800  }
0x79: {  	_ =	swait.ge [sflag:s24], $0x50  }
0x7a: {  	[sflag:s24] =	ssyncset.done $0x0  }
0x7b: {  	[sflag:s24] =	ssyncadd.s32 $0xFFFFFFB0  }
0x7c: {  	[spmem:s3] =	stream.indirect.scatter.add.f32 [tilespmem:s15], [sflag:$0x9], $0x80, s14, s8, $0xb8;
	[tilespmem:$0x1E100] =	vst v63  }
0x7d: {  	_ =	swait.ge [sflag:s16], $0x2800  }
0x7e: {  	[sflag:s16] =	ssyncset.done $0x0  }
0x7f: {  	s22 =	rddreg [dreg:$0x17];
	[sflag:s16] =	ssyncadd.s32 $0xFFFFD800  }
0x80: {  	[tilespmem:s9], [sflag:$0x2] =	stream.linear.gather [hbm4b:s22+s4], $0x50, $0x38;
	[tilespmem:$0x1E100] =	vst v63  }
0x81: {  	s21 =	simm.s32 $0x140  }
0x82: {  	[tilespmem:s10], [sflag:$0x5] =	stream.indirect.gather [hbm4b:s2+s8], $0x80, s21, s8, $0xb8;
	[tilespmem:$0x1E100] =	vst v63  }
0x83: {  	_ =	swait.ge [sflag:s11], $0x2800  }
0x84: {  	[sflag:s11] =	ssyncset.done $0x0  }
0x85: {  	[sflag:s11] =	ssyncadd.s32 $0xFFFFD800  }
0x86: {  	_ =	swait.ge [sflag:s12], $0x50  }
0x87: {  	[sflag:s12] =	ssyncset.done $0x0  }
0x88: {  	[sflag:s12] =	ssyncadd.s32 $0xFFFFFFB0  }
0x89: {  	[spmem:s3] =	stream.indirect.scatter.add.f32 [tilespmem:s6], [sflag:$0x7], $0x80, s7, s8, $0xb8;
	[tilespmem:$0x1E100] =	vst v63  }
0x8a: {  	_ =	swait.ge [sflag:s17], $0x2800  }
0x8b: {  	[sflag:s17] =	ssyncset.done $0x0  }
0x8c: {  	s23 =	rddreg [dreg:$0x16];
	[sflag:s17] =	ssyncadd.s32 $0xFFFFD800  }
0x8d: {  	[tilespmem:s14], [sflag:$0x3] =	stream.linear.gather [hbm4b:s23+s4], $0x50, $0x38;
	[tilespmem:$0x1E100] =	vst v63  }
0x8e: {  	s26 =	simm.s32 $0x190  }
0x8f: {  	[tilespmem:s15], [sflag:$0x6] =	stream.indirect.gather [hbm4b:s2+s8], $0x80, s26, s8, $0xb8;
	[tilespmem:$0x1E100] =	vst v63  }
0x90: {  	_ =	swait.ge [sflag:s25], $0x2800  }
0x91: {  	[sflag:s25] =	ssyncset.done $0x0  }
0x92: {  	[sflag:s25] =	ssyncadd.s32 $0xFFFFD800  }
0x93: {  	_ =	swait.ge [sflag:s30], $0x50  }
0x94: {  	s20 =	sadd.s32 $0xF0, s20;
	s19 =	simm.s32 $0x3C0;
	[sflag:s30] =	ssyncset.done $0x0  }
0x95: {  	s22 =	sadd.s32 $0x1E, s22;
	s21 =	sadd.s32 $0x1E, s23;
	[sflag:s30] =	ssyncadd.s32 $0xFFFFFFB0  }
.LBB2_2:
0x96: {  	[spmem:s3] =	stream.indirect.scatter.add.f32 [tilespmem:s10], [sflag:$0x8], $0x80, s9, s8, $0xb8;
	[tilespmem:$0x1E100] =	vst v63  }
0x97: {  	s23 =	smov.u32 s19  }
0x98: {  	p0 =	sne.s32 s19, $0x9240;
	s19 =	sadd.s32 $0x3C0, s19;
	_ =	swait.ge [sflag:s31], $0x2800  }
0x99: {  	s26 =	sshrl.u32 s20, $0x3;
	[sflag:s31] =	ssyncset.done $0x0  }
0x9a: {  	s26 =	sadd.s32 s13, s26;
	s23 =	sshra.s32 s23, $0x2;
	[sflag:s31] =	ssyncadd.s32 $0xFFFFD800  }
0x9b: {  	[tilespmem:s7], [sflag:$0x1] =	stream.linear.gather [hbm4b:s26+s4], $0x50, $0x38;
	[tilespmem:$0x1E100] =	vst v63  }
0x9c: {  	s26 =	sadd.s32 $0xF0, s23  }
0x9d: {  	[tilespmem:s6], [sflag:$0x4] =	stream.indirect.gather [hbm4b:s2+s8], $0x80, s26, s8, $0xb8;
	[tilespmem:$0x1E100] =	vst v63  }
0x9e: {  	_ =	swait.ge [sflag:s0], $0x2800  }
0x9f: {  	[sflag:s0] =	ssyncset.done $0x0  }
0xa0: {  	[sflag:s0] =	ssyncadd.s32 $0xFFFFD800  }
0xa1: {  	_ =	swait.ge [sflag:s24], $0x50  }
0xa2: {  	[sflag:s24] =	ssyncset.done $0x0  }
0xa3: {  	[sflag:s24] =	ssyncadd.s32 $0xFFFFFFB0  }
0xa4: {  	[spmem:s3] =	stream.indirect.scatter.add.f32 [tilespmem:s15], [sflag:$0x9], $0x80, s14, s8, $0xb8;
	[tilespmem:$0x1E100] =	vst v63  }
0xa5: {  	_ =	swait.ge [sflag:s16], $0x2800  }
0xa6: {  	[sflag:s16] =	ssyncset.done $0x0  }
0xa7: {  	[sflag:s16] =	ssyncadd.s32 $0xFFFFD800  }
0xa8: {  	[tilespmem:s9], [sflag:$0x2] =	stream.linear.gather [hbm4b:s22+s4], $0x50, $0x38;
	[tilespmem:$0x1E100] =	vst v63  }
0xa9: {  	s26 =	sadd.s32 $0x140, s23  }
0xaa: {  	[tilespmem:s10], [sflag:$0x5] =	stream.indirect.gather [hbm4b:s2+s8], $0x80, s26, s8, $0xb8;
	[tilespmem:$0x1E100] =	vst v63  }
0xab: {  	_ =	swait.ge [sflag:s11], $0x2800  }
0xac: {  	[sflag:s11] =	ssyncset.done $0x0  }
0xad: {  	[sflag:s11] =	ssyncadd.s32 $0xFFFFD800  }
0xae: {  	_ =	swait.ge [sflag:s12], $0x50  }
0xaf: {  	[sflag:s12] =	ssyncset.done $0x0  }
0xb0: {  	[sflag:s12] =	ssyncadd.s32 $0xFFFFFFB0  }
0xb1: {  	[spmem:s3] =	stream.indirect.scatter.add.f32 [tilespmem:s6], [sflag:$0x7], $0x80, s7, s8, $0xb8;
	[tilespmem:$0x1E100] =	vst v63  }
0xb2: {  	_ =	swait.ge [sflag:s17], $0x2800  }
0xb3: {  	[sflag:s17] =	ssyncset.done $0x0  }
0xb4: {  	[sflag:s17] =	ssyncadd.s32 $0xFFFFD800  }
0xb5: {  	[tilespmem:s14], [sflag:$0x3] =	stream.linear.gather [hbm4b:s21+s4], $0x50, $0x38;
	[tilespmem:$0x1E100] =	vst v63  }
0xb6: {  	s23 =	sadd.s32 $0x190, s23  }
0xb7: {  	[tilespmem:s15], [sflag:$0x6] =	stream.indirect.gather [hbm4b:s2+s8], $0x80, s23, s8, $0xb8;
	[tilespmem:$0x1E100] =	vst v63  }
0xb8: {  	_ =	swait.ge [sflag:s25], $0x2800  }
.Ltmp0:
0xb9: {  	[sflag:s25] =	ssyncset.done $0x0;
	(pc) =	sbr.rel @p0 .LBB2_2-.Ltmp0, $4  }
0xba: {  	[sflag:s25] =	ssyncadd.s32 $0xFFFFD800  }
0xbb: {  	_ =	swait.ge [sflag:s30], $0x50  }
0xbc: {  	s20 =	sadd.s32 $0xF0, s20;
	[sflag:s30] =	ssyncset.done $0x0  }
0xbd: {  	s22 =	sadd.s32 $0x1E, s22;
	s21 =	sadd.s32 $0x1E, s21;
	[sflag:s30] =	ssyncadd.s32 $0xFFFFFFB0  }
0xbe: {  	[spmem:s3] =	stream.indirect.scatter.add.f32 [tilespmem:s10], [sflag:$0x8], $0x80, s9, s8, $0xb8;
	[tilespmem:$0x1E100] =	vst v63  }
0xbf: {  	_ =	swait.ge [sflag:s31], $0x2800  }
0xc0: {  	[sflag:s31] =	ssyncset.done $0x0  }
0xc1: {  	s1 =	rddreg [dreg:$0x1b];
	[sflag:s31] =	ssyncadd.s32 $0xFFFFD800  }
0xc2: {  	[tilespmem:s7], [sflag:$0x1] =	stream.linear.gather [hbm4b:s1+s4], $0x50, $0x38;
	[tilespmem:$0x1E100] =	vst v63  }
0xc3: {  	s19 =	simm.s32 $0x2670  }
0xc4: {  	[tilespmem:s6], [sflag:$0x4] =	stream.indirect.gather [hbm4b:s2+s8], $0x80, s19, s8, $0xb8;
	[tilespmem:$0x1E100] =	vst v63  }
0xc5: {  	_ =	swait.ge [sflag:s0], $0x2800  }
0xc6: {  	[sflag:s0] =	ssyncset.done $0x0  }
0xc7: {  	[sflag:s0] =	ssyncadd.s32 $0xFFFFD800  }
0xc8: {  	_ =	swait.ge [sflag:s24], $0x50  }
0xc9: {  	[sflag:s24] =	ssyncset.done $0x0  }
0xca: {  	[sflag:s24] =	ssyncadd.s32 $0xFFFFFFB0  }
0xcb: {  	[spmem:s3] =	stream.indirect.scatter.add.f32 [tilespmem:s15], [sflag:$0x9], $0x80, s14, s8, $0xb8;
	[tilespmem:$0x1E100] =	vst v63  }
0xcc: {  	_ =	swait.ge [sflag:s16], $0x2800  }
0xcd: {  	[sflag:s16] =	ssyncset.done $0x0  }
0xce: {  	s20 =	rddreg [dreg:$0x1c];
	[sflag:s16] =	ssyncadd.s32 $0xFFFFD800  }
0xcf: {  	[tilespmem:s9], [sflag:$0x2] =	stream.linear.gather [hbm4b:s20+s4], $0x50, $0x38;
	[tilespmem:$0x1E100] =	vst v63  }
0xd0: {  	s19 =	simm.s32 $0x26C0  }
0xd1: {  	[tilespmem:s10], [sflag:$0x5] =	stream.indirect.gather [hbm4b:s2+s8], $0x80, s19, s8, $0xb8;
	[tilespmem:$0x1E100] =	vst v63  }
0xd2: {  	_ =	swait.ge [sflag:s11], $0x2800  }
0xd3: {  	[sflag:s11] =	ssyncset.done $0x0  }
0xd4: {  	[sflag:s11] =	ssyncadd.s32 $0xFFFFD800  }
0xd5: {  	_ =	swait.ge [sflag:s12], $0x50  }
0xd6: {  	[sflag:s12] =	ssyncset.done $0x0  }
0xd7: {  	[sflag:s12] =	ssyncadd.s32 $0xFFFFFFB0  }
0xd8: {  	[spmem:s3] =	stream.indirect.scatter.add.f32 [tilespmem:s6], [sflag:$0x7], $0x80, s7, s8, $0xb8;
	[tilespmem:$0x1E100] =	vst v63  }
0xd9: {  	_ =	swait.ge [sflag:s17], $0x2800  }
0xda: {  	[sflag:s17] =	ssyncset.done $0x0  }
0xdb: {  	[sflag:s17] =	ssyncadd.s32 $0xFFFFD800  }
0xdc: {  	[tilespmem:s14], [sflag:$0x3] =	stream.linear.gather [hbm4b:s20+s4], $0x50, $0x38;
	[tilespmem:$0x1E100] =	vst v63  }
0xdd: {  	_ = 	snop  }
0xde: {  	[tilespmem:s15], [sflag:$0x6] =	stream.indirect.gather [hbm4b:s2+s8], $0x80, s19, s8, $0xb8;
	[tilespmem:$0x1E100] =	vst v63  }
0xdf: {  	_ =	swait.ge [sflag:s25], $0x2800  }
0xe0: {  	[sflag:s25] =	ssyncset.done $0x0  }
0xe1: {  	[sflag:s25] =	ssyncadd.s32 $0xFFFFD800  }
0xe2: {  	_ =	swait.ge [sflag:s30], $0x50  }
0xe3: {  	[sflag:s30] =	ssyncset.done $0x0  }
0xe4: {  	[sflag:s30] =	ssyncadd.s32 $0xFFFFFFB0  }
0xe5: {  	[spmem:s3] =	stream.indirect.scatter.add.f32 [tilespmem:s10], [sflag:$0x8], $0x80, s9, s8, $0xb8;
	[tilespmem:$0x1E100] =	vst v63  }
0xe6: {  	_ =	swait.ge [sflag:s31], $0x2800  }
0xe7: {  	[sflag:s31] =	ssyncset.done $0x0  }
0xe8: {  	[sflag:s31] =	ssyncadd.s32 $0xFFFFD800  }
0xe9: {  	_ =	swait.ge [sflag:s16], $0x2800  }
0xea: {  	[sflag:s16] =	ssyncset.done $0x0  }
0xeb: {  	[sflag:s16] =	ssyncadd.s32 $0xFFFFD800  }
0xec: {  	_ =	swait.ge [sflag:s0], $0x2800  }
0xed: {  	[sflag:s0] =	ssyncset.done $0x0  }
0xee: {  	[sflag:s0] =	ssyncadd.s32 $0xFFFFD800  }
0xef: {  	_ =	swait.ge [sflag:s24], $0x50  }
0xf0: {  	[sflag:s24] =	ssyncset.done $0x0  }
0xf1: {  	[sflag:s24] =	ssyncadd.s32 $0xFFFFFFB0  }
0xf2: {  	[bflag:$0x0] =	sbarrier.arrive $0xFFFF  }
0xf3: {  	[tilespmem:s6], [sflag:$0xA] =	stream.linear.gather [spmem:s28], $0x2800, $0x38;
	[tilespmem:$0x1E100] =	vst v63  }
0xf4: {  	_ =	swait.ge [sflag:s5], $0x2800  }
0xf5: {  	[sflag:s5] =	ssyncset.done $0x0  }
0xf6: {  	s21 =	rddreg [dreg:$0x4];
	[sflag:s5] =	ssyncadd.s32 $0xFFFFD800  }
0xf7: {  	[hbm4b:s21+s4] =	stream.linear.scatter [tilespmem:s6], [sflag:$0xA], $0x2800, $0x38;
	[tilespmem:$0x1E100] =	vst v63  }
0xf8: {  	_ =	swait.ge [sflag:s5], $0x2800  }
0xf9: {  	[sflag:s5] =	ssyncset.done $0x0  }
0xfa: {  	[sflag:s5] =	ssyncadd.s32 $0xFFFFD800  }
0xfb: {  	[tilespmem:s6], [sflag:$0xA] =	stream.linear.gather [spmem:s29], $0x2800, $0x38;
	[tilespmem:$0x1E100] =	vst v63  }
0xfc: {  	_ =	swait.ge [sflag:s5], $0x2800  }
0xfd: {  	[sflag:s5] =	ssyncset.done $0x0  }
0xfe: {  	s22 =	rddreg [dreg:$0x5];
	[sflag:s5] =	ssyncadd.s32 $0xFFFFD800  }
0xff: {  	[hbm4b:s22+s4] =	stream.linear.scatter [tilespmem:s6], [sflag:$0xA], $0x2800, $0x38;
	[tilespmem:$0x1E100] =	vst v63  }
0x100: {  	_ =	swait.ge [sflag:s5], $0x2800  }
0x101: {  	[sflag:s5] =	ssyncset.done $0x0  }
0x102: {  	s22 =	rddreg [dreg:$0x13];
	[sflag:s5] =	ssyncadd.s32 $0xFFFFD800  }
0x103: {  	[tilespmem:s6], [sflag:$0xA] =	stream.linear.gather [spmem:s22], $0x2800, $0x38;
	[tilespmem:$0x1E100] =	vst v63  }
0x104: {  	_ =	swait.ge [sflag:s5], $0x2800  }
0x105: {  	[sflag:s5] =	ssyncset.done $0x0  }
0x106: {  	s23 =	rddreg [dreg:$0x6];
	[sflag:s5] =	ssyncadd.s32 $0xFFFFD800  }
0x107: {  	[hbm4b:s23+s4] =	stream.linear.scatter [tilespmem:s6], [sflag:$0xA], $0x2800, $0x38;
	[tilespmem:$0x1E100] =	vst v63  }
0x108: {  	_ =	swait.ge [sflag:s5], $0x2800  }
0x109: {  	[sflag:s5] =	ssyncset.done $0x0  }
0x10a: {  	s23 =	rddreg [dreg:$0xe];
	[sflag:s5] =	ssyncadd.s32 $0xFFFFD800  }
0x10b: {  	[tilespmem:s6], [sflag:$0xA] =	stream.linear.gather [spmem:s23], $0x2800, $0x38;
	[tilespmem:$0x1E100] =	vst v63  }
0x10c: {  	_ =	swait.ge [sflag:s5], $0x2800  }
0x10d: {  	[sflag:s5] =	ssyncset.done $0x0  }
0x10e: {  	s26 =	rddreg [dreg:$0x7];
	[sflag:s5] =	ssyncadd.s32 $0xFFFFD800  }
0x10f: {  	[hbm4b:s26+s4] =	stream.linear.scatter [tilespmem:s6], [sflag:$0xA], $0x2800, $0x38;
	[tilespmem:$0x1E100] =	vst v63  }
0x110: {  	_ =	swait.ge [sflag:s5], $0x2800  }
0x111: {  	[sflag:s5] =	ssyncset.done $0x0  }
0x112: {  	s26 =	rddreg [dreg:$0xf];
	[sflag:s5] =	ssyncadd.s32 $0xFFFFD800  }
0x113: {  	[tilespmem:s6], [sflag:$0xA] =	stream.linear.gather [spmem:s26], $0x2800, $0x38;
	[tilespmem:$0x1E100] =	vst v63  }
0x114: {  	_ =	swait.ge [sflag:s5], $0x2800  }
0x115: {  	[sflag:s5] =	ssyncset.done $0x0  }
0x116: {  	s1 =	rddreg [dreg:$0x8];
	[sflag:s5] =	ssyncadd.s32 $0xFFFFD800  }
0x117: {  	[hbm4b:s1+s4] =	stream.linear.scatter [tilespmem:s6], [sflag:$0xA], $0x2800, $0x38;
	[tilespmem:$0x1E100] =	vst v63  }
0x118: {  	_ =	swait.ge [sflag:s5], $0x2800  }
0x119: {  	[sflag:s5] =	ssyncset.done $0x0  }
0x11a: {  	s20 =	smov.u32 s28;
	s28 =	rddreg [dreg:$0x10];
	[sflag:s5] =	ssyncadd.s32 $0xFFFFD800  }
0x11b: {  	[tilespmem:s6], [sflag:$0xA] =	stream.linear.gather [spmem:s28], $0x2800, $0x38;
	[tilespmem:$0x1E100] =	vst v63  }
0x11c: {  	_ =	swait.ge [sflag:s5], $0x2800  }
0x11d: {  	[sflag:s5] =	ssyncset.done $0x0  }
0x11e: {  	s1 =	rddreg [dreg:$0x9];
	[sflag:s5] =	ssyncadd.s32 $0xFFFFD800  }
0x11f: {  	[hbm4b:s1+s4] =	stream.linear.scatter [tilespmem:s6], [sflag:$0xA], $0x2800, $0x38;
	[tilespmem:$0x1E100] =	vst v63  }
0x120: {  	_ =	swait.ge [sflag:s5], $0x2800  }
0x121: {  	[sflag:s5] =	ssyncset.done $0x0  }
0x122: {  	s21 =	smov.u32 s29;
	s29 =	rddreg [dreg:$0x11];
	[sflag:s5] =	ssyncadd.s32 $0xFFFFD800  }
0x123: {  	[tilespmem:s6], [sflag:$0xA] =	stream.linear.gather [spmem:s29], $0x2800, $0x38;
	[tilespmem:$0x1E100] =	vst v63  }
0x124: {  	_ =	swait.ge [sflag:s5], $0x2800  }
0x125: {  	[sflag:s5] =	ssyncset.done $0x0  }
0x126: {  	s1 =	rddreg [dreg:$0xa];
	[sflag:s5] =	ssyncadd.s32 $0xFFFFD800  }
0x127: {  	[hbm4b:s1+s4] =	stream.linear.scatter [tilespmem:s6], [sflag:$0xA], $0x2800, $0x38;
	[tilespmem:$0x1E100] =	vst v63  }
0x128: {  	_ =	swait.ge [sflag:s5], $0x2800  }
0x129: {  	[sflag:s5] =	ssyncset.done $0x0  }
0x12a: {  	s1 =	rddreg [dreg:$0x12];
	[sflag:s5] =	ssyncadd.s32 $0xFFFFD800  }
0x12b: {  	[tilespmem:s6], [sflag:$0xA] =	stream.linear.gather [spmem:s1], $0x2800, $0x38;
	[tilespmem:$0x1E100] =	vst v63  }
0x12c: {  	_ =	swait.ge [sflag:s5], $0x2800  }
0x12d: {  	[sflag:s5] =	ssyncset.done $0x0  }
0x12e: {  	s19 =	rddreg [dreg:$0xb];
	[sflag:s5] =	ssyncadd.s32 $0xFFFFD800  }
0x12f: {  	[hbm4b:s19+s4] =	stream.linear.scatter [tilespmem:s6], [sflag:$0xA], $0x2800, $0x38;
	[tilespmem:$0x1E100] =	vst v63  }
0x130: {  	_ =	swait.ge [sflag:s5], $0x2800  }
0x131: {  	s18 =	sadd.s32 $0x1, s18;
	s19 =	rddreg [dreg:$0x15]  }
0x132: {  	p0 =	sne.s32 s18, s19  }
.Ltmp1:
0x133: {  	_ = 	snop;
	(pc) =	sbr.rel @p0 .LBB2_1-.Ltmp1, $3  }
0x134: {  	_ =	sdelay $0x1  }
0x135: {  	[sflag:s5] =	ssyncset.done $0x0  }
0x136: {  	[sflag:s5] =	ssyncadd.s32 $0xFFFFD800  }
0x137: {  	_ =	sfence.sel $0x180000  }
0x138: {  	[bflag:$0x0] =	sbarrier.arrive $0xFFFF  }
0x139: {  	_ =	strace $0x9000004A  }
0x13a: {  	s0 =	stileid.u32;
	[bflag:$0x2] =	sbarrier.arrive $0xFFFF  }
0x13b: {  	p0 =	sne.s32 s0, $0x0;
	s0 =	rddreg [dreg:$0x3]  }
0x13c: {  	s0 =	sadd.s32 @!p0 $0x100000, s0  }
0x13d: {  	[sflag:s0] =	ssyncadd.tile.s32 @!p0 $0x1;
	_ =	shalt  }
.Lfunc_end2:
_tile_overlayer_lowered:
.L_overlay_start_2:
0x13e: {  	(tag) =	ssettag $0x2  }
0x13f: {  	s0 =	rddreg [dreg:$0x0];
	s2 =	stileid.u32  }
0x140: {  	s1 =	rddreg [dreg:$0x1];
	p0 =	sne.s32 s2, $0x0  }
0x141: {  	s3 =	rddreg [dreg:$0x2];
	[bflag:$0x3] =	sbarrier.arrive $0xFFFF;
	s2 =	simm.s32 @!p0 $0x1C0A  }
0x142: {  	[timem:s3], [sflag:s2] =	dma.local @!p0 [hbm:s0], s1  }
0x143: {  	s0 =	simm.s32 @!p0 $0xA  }
0x144: {  	_ =	swait.ge @!p0 [sflag:s0], s1  }
0x145: {  	s1 =	ssub.s32 @!p0 $0x0, s1;
	[sflag:s0] =	ssyncset.done @!p0 $0x0  }
0x146: {  	[sflag:s0] =	ssyncadd.s32 @!p0 s1  }
0x147: {  	[bflag:$0x3] =	sbarrier.arrive $0xFFFF  }
0x148: {  	_ =	shalt  }

// kernel: kernel.7.cloned.1.call-start
scs
__scs_entry_jumppad:
0x0: {  	(pc) =	sbr.rel $0x88, $3  }
0x1: {  	(tag) =	ssettag $0x0;
	lr =	simm.s32 $0x1  }
0x2: {  	[smem:$0x3F9B] =	sst lr;
	_ =	strace $0xD0000000  }
0x3: {  	_ = 	snop  }
0x4: {  	_ = 	snop  }
0x5: {  	_ = 	snop  }
0x6: {  	_ = 	snop  }
0x7: {  	_ = 	snop  }
__scs_overlays_trampoline_lowered:
0x8: {  	[smem:$0x3FAA] =	sst s0  }
0x9: {  	[smem:$0x3FAB] =	sst s1  }
0xa: {  	[smem:$0x3FAC] =	sst s2  }
0xb: {  	[smem:$0x3FAD] =	sst s3  }
0xc: {  	[smem:$0x3FAE] =	sst s4  }
0xd: {  	[smem:$0x3FAF] =	sst s5  }
0xe: {  	[smem:$0x3FB0] =	sst s6  }
0xf: {  	[smem:$0x3FB1] =	sst s7  }
0x10: {  	[smem:$0x3FB2] =	sst s8  }
0x11: {  	[smem:$0x3FB3] =	sst s9;
	s0 =	simm.s32 @!p0 $0x0  }
0x12: {  	s1 =	sld [smem:$0x3F99];
	s0 =	simm.s32 @p0 $0x1  }
0x13: {  	[smem:$0x3FB4] =	sst s0;
	s0 =	simm.s32 @!p1 $0x0  }
0x14: {  	s2 =	sld [smem:$0x3F98];
	s0 =	simm.s32 @p1 $0x1  }
0x15: {  	[smem:$0x3FB5] =	sst s0;
	s0 =	simm.s32 @!p2 $0x0  }
0x16: {  	s3 =	sld [smem:$0x3FDB];
	s0 =	simm.s32 @p2 $0x1  }
0x17: {  	s4 =	simm.s32 $0x1BF5;
	[smem:$0x3FB7] =	sst s0  }
0x18: {  	s0 =	sld [smem:$0x3F9A];
	_ =	swait.ge [sflag:s4], $0x0  }
0x19: {  	s7 =	sld [smem:$0x3F9B]  }
0x1a: {  	s8 =	sadd.s32 $0xFFFFE003, lr  }
0x1b: {  	s9 =	sadd.s32 $0xFFFFFEF7, lr;
	s5 =	simm.s32 $0xFFFFFFFF;
	p2 =	slt.u32 s8, $0xFFFFF086  }
0x1c: {  	p1 =	slt.u32 s9, $0xF7A;
	s5 =	simm.s32 @!p2 $0x0  }
0x1d: {  	s5 =	simm.s32 @p1 $0x1;
	p0 =	seq.s32 s7, s2  }
0x1e: {  	s7 =	smul.u32 @!p0 $0xF7A, s2;
	p2 =	seq.s32 @!p0 s5, $0x0  }
0x1f: {  	s9 =	smul.u32 $0xF7A, s1;
	s8 =	simm.s32 @!p0 $0x1BF5;
	p2 =	por !p2, p0  }
0x20: {  	[sflag:s8] =	ssyncset.s32 @!p0 $0xFFFFF086;
	s6 =	sadd.s32 @!p0 s3, s7;
	s7 =	simm.s32 @!p0 $0x108  }
0x21: {  	s3 =	sadd.s32 s3, s9;
	s6 =	sadd.s32 @!p0 $0x88, s6;
	s7 =	simm.s32 @p2 $0x1082  }
0x22: {  	[simem:s7], [sflag:s8] =	dma.local @!p0 [hbm:s6], $0xF7A  }
0x23: {  	s9 =	sor.u32 $0xD0000000, s2;
	s6 =	simm.s32 $0x108;
	_ =	swait.ge @!p0 [sflag:s8], $0x0  }
0x24: {  	s3 =	sadd.s32 $0x88, s3;
	s6 =	simm.s32 @!p1 $0x1082;
	[sflag:s4] =	ssyncset.s32 $0xFFFFF086  }
0x25: {  	[simem:s6], [sflag:s4] =	dma.local [hbm:s3], $0xF7A  }
0x26: {  	[smem:$0x3F9B] =	sst s1;
	(tag) =	ssettag s2;
	_ =	strace s9  }
0x27: {  	s1 =	sld [smem:$0x3FAB]  }
0x28: {  	s2 =	sld [smem:$0x3FAC]  }
0x29: {  	s4 =	sld [smem:$0x3FAE]  }
0x2a: {  	p0 =	seq.s32 s5, $0x0;
	s5 =	sld [smem:$0x3FAF]  }
0x2b: {  	s6 =	sld [smem:$0x3FB0]  }
0x2c: {  	s7 =	sld [smem:$0x3FB1]  }
0x2d: {  	s3 =	simm.s32 $0x108;
	s8 =	sld [smem:$0x3FB2]  }
0x2e: {  	s3 =	simm.s32 @!p0 $0x1082;
	s9 =	sld [smem:$0x3FB3]  }
0x2f: {  	lr =	sadd.s32 s0, s3;
	s0 =	sld [smem:$0x3FAA]  }
0x30: {  	s3 =	sld [smem:$0x3FAD]  }
0x31: {  	[smem:$0x3FB6] =	sst s10  }
0x32: {  	s10 =	sld [smem:$0x3FB4];
	_ =	sdelay $0x3  }
0x33: {  	p0 =	seq.s32 s10, $0x1;
	s10 =	sld [smem:$0x3FB6];
	_ =	sdelay $0x3  }
0x34: {  	[smem:$0x3FB6] =	sst s10  }
0x35: {  	s10 =	sld [smem:$0x3FB5];
	_ =	sdelay $0x3  }
0x36: {  	p1 =	seq.s32 s10, $0x1;
	s10 =	sld [smem:$0x3FB6];
	_ =	sdelay $0x3  }
0x37: {  	[smem:$0x3FB6] =	sst s10  }
0x38: {  	s10 =	sld [smem:$0x3FB7]  }
0x39: {  	_ = 	snop;
	(pc) =	sbr.ind lr, $3  }
0x3a: {  	_ = 	snop  }
0x3b: {  	_ = 	snop  }
0x3c: {  	p2 =	seq.s32 s10, $0x1;
	s10 =	sld [smem:$0x3FB6]  }
0x3d: {  	_ =	shalt  }
0x3e: {  	_ =	shalt  }
0x3f: {  	_ =	shalt  }
0x40: {  	_ =	shalt  }
0x41: {  	_ =	shalt  }
0x42: {  	_ =	shalt  }
0x43: {  	_ =	shalt  }
0x44: {  	_ =	shalt  }
0x45: {  	_ =	shalt  }
0x46: {  	_ =	shalt  }
0x47: {  	_ =	shalt  }
0x48: {  	_ =	shalt  }
0x49: {  	_ =	shalt  }
0x4a: {  	_ =	shalt  }
0x4b: {  	_ =	shalt  }
0x4c: {  	_ =	shalt  }
0x4d: {  	_ =	shalt  }
0x4e: {  	_ =	shalt  }
0x4f: {  	_ =	shalt  }
0x50: {  	_ =	shalt  }
0x51: {  	_ =	shalt  }
0x52: {  	_ =	shalt  }
0x53: {  	_ =	shalt  }
0x54: {  	_ =	shalt  }
0x55: {  	_ =	shalt  }
0x56: {  	_ =	shalt  }
0x57: {  	_ =	shalt  }
0x58: {  	_ =	shalt  }
0x59: {  	_ =	shalt  }
0x5a: {  	_ =	shalt  }
0x5b: {  	_ =	shalt  }
0x5c: {  	_ =	shalt  }
0x5d: {  	_ =	shalt  }
0x5e: {  	_ =	shalt  }
0x5f: {  	_ =	shalt  }
0x60: {  	_ =	shalt  }
0x61: {  	_ =	shalt  }
0x62: {  	_ =	shalt  }
0x63: {  	_ =	shalt  }
0x64: {  	_ =	shalt  }
0x65: {  	_ =	shalt  }
0x66: {  	_ =	shalt  }
0x67: {  	_ =	shalt  }
0x68: {  	_ =	shalt  }
0x69: {  	_ =	shalt  }
0x6a: {  	_ =	shalt  }
0x6b: {  	_ =	shalt  }
0x6c: {  	_ =	shalt  }
0x6d: {  	_ =	shalt  }
0x6e: {  	_ =	shalt  }
0x6f: {  	_ =	shalt  }
0x70: {  	_ =	shalt  }
0x71: {  	_ =	shalt  }
0x72: {  	_ =	shalt  }
0x73: {  	_ =	shalt  }
0x74: {  	_ =	shalt  }
0x75: {  	_ =	shalt  }
0x76: {  	_ =	shalt  }
0x77: {  	_ =	shalt  }
0x78: {  	_ =	shalt  }
0x79: {  	_ =	shalt  }
0x7a: {  	_ =	shalt  }
0x7b: {  	_ =	shalt  }
0x7c: {  	_ =	shalt  }
0x7d: {  	_ =	shalt  }
0x7e: {  	_ =	shalt  }
0x7f: {  	_ =	shalt  }
0x80: {  	_ =	shalt  }
0x81: {  	_ =	shalt  }
0x82: {  	_ =	shalt  }
0x83: {  	_ =	shalt  }
0x84: {  	_ =	shalt  }
0x85: {  	_ =	shalt  }
0x86: {  	_ =	shalt  }
0x87: {  	_ =	shalt  }
.Lfunc_end0:
.L_simem_size_0:
called_computation_lowered:
.L_overlay_start_0:
0x88: {  	s2 =	sld [smem:$0x3FD9]  }
0x89: {  	s3 =	sld [smem:$0x3FFE];
	_ =	sdelay $0x1  }
0x8a: {  	s1 =	srdreg.scid  }
0x8b: {  	s0 =	sand.u32 $0x1, s1  }
0x8c: {  	s17 =	sshll.u32 s0, $0xA;
	s2 =	sadd.s32 s3, s2  }
0x8d: {  	s2 =	sadd.s32 s2, s17  }
0x8e: {  	[smem:$0x3FC2] =	sst s2  }
0x8f: {  	_ = 	snop  }
0x90: {  	s2 =	sld [smem:$0x3FD0];
	(tm) =	ssettm $0x1  }
0x91: {  	s18 =	sld [smem:$0x3FFB];
	_ =	sdelay $0x3  }
0x92: {  	_ =	strace s18  }
0x93: {  	s3 =	sld [smem:$0x3FFC];
	_ =	sdelay $0x3  }
0x94: {  	_ =	strace s3  }
0x95: {  	s3 =	sld [smem:$0x3FFD];
	_ =	sdelay $0x3  }
0x96: {  	_ =	strace s3  }
0x97: {  	_ =	strace $0x8FFFFFFF  }
0x98: {  	s19 =	sld [smem:$0x3FDB];
	_ =	sdelay $0x1  }
0x99: {  	s4 =	simm.s32 $_scs_section_size  }
0x9a: {  	s5 =	simm.s32 $_size__tile_overlayer_lowered;
	s6 =	simm.s32 $_tile_overlayer_lowered  }
0x9b: {  	s22 =	simm.s32 $0x1BFF;
	s21 =	sshll.u32 s6, $0x1;
	s3 =	sadd.s32 s4, s19  }
0x9c: {  	s7 =	simm.s32 $0x0;
	s20 =	sshll.u32 s5, $0x1;
	s5 =	sadd.s32 s21, s3  }
0x9d: {  	[timem:s7], [sflag:s22] =	dma.local [hbm:s5], s20  }
0x9e: {  	_ =	swait.ge [sflag:s22], s20  }
0x9f: {  	s4 =	ssub.s32 $0x0, s20;
	[sflag:s22] =	ssyncset.done $0x0  }
0xa0: {  	[sflag:s22] =	ssyncadd.s32 s4;
	_ =	sdelay $0x1  }
0xa1: {  	s23 =	simm.s32 $0x1B8B  }
0xa2: {  	_ =	swait.ge [sflag:s23], $0x1  }
0xa3: {  	[sflag:s23] =	ssyncset.done $0x0  }
0xa4: {  	s25 =	simm.s32 $0x1B8E;
	s24 =	sld [smem:$0x3FFE];
	[sflag:s23] =	ssyncadd.s32 $0xFFFFFFFF  }
0xa5: {  	s26 =	simm.s32 $execute0_lowered;
	[smem:$0x3FD2] =	sst s25  }
0xa6: {  	s5 =	sshll.u32 s26, $0x1;
	_ =	strace $0x80000046;
	[dreg:$0x1] =	wrdreg $0xFFFFFFFF  }
0xa7: {  	s28 =	simm.s32 $_size_execute0_lowered;
	s3 =	sadd.s32 s3, s5;
	[dreg:$0x0] =	wrdreg $0x0  }
0xa8: {  	s5 =	sshll.u32 s28, $0x1;
	[dreg:$0x2] =	wrdreg s3  }
0xa9: {  	[dreg:$0x3] =	wrdreg s5  }
0xaa: {  	[dreg:$0x4] =	wrdreg $0xC0  }
0xab: {  	_ =	task [dreg:s7], $0x5FFFF  }
0xac: {  	[dreg:$0x1] =	wrdreg $0xFFFFFFFF  }
0xad: {  	[dreg:$0x0] =	wrdreg $0x60  }
0xae: {  	[dreg:$0x2] =	wrdreg s24  }
0xaf: {  	[dreg:$0x3] =	wrdreg s2  }
0xb0: {  	[dreg:$0x4] =	wrdreg $0x0  }
0xb1: {  	[dreg:$0x5] =	wrdreg $0x9  }
0xb2: {  	_ =	task.clear_ibuf [dreg:s7], $0x6FFFF;
	_ =	strace $0x90000046  }
0xb3: {  	s29 =	simm.s32 $0x9;
	_ =	strace $0x80000048  }
0xb4: {  	_ =	swait.ge [sflag:s29], $0x1  }
0xb5: {  	[sflag:s29] =	ssyncadd.s32 $0xFFFFFFFF  }
0xb6: {  	_ =	strace $0x90000048  }
0xb7: {  	_ =	sfence  }
0xb8: {  	s30 =	sld [smem:$0x0];
	_ =	sdelay $0x2  }
0xb9: {  	s31 =	sshll.u32 s1, $0xD;
	s1 =	sshrl.u32 s1, $0x2  }
0xba: {  	s3 =	sand.u32 $0x4000, s31;
	s1 =	sadd.s32 s1, s30  }
0xbb: {  	s0 =	sor.u32 s3, s0;
	s1 =	sshll.u32 s1, $0x11  }
0xbc: {  	s0 =	sor.u32 s1, s0  }
0xbd: {  	s0 =	sadd.s32 $0x8F2B, s0  }
0xbe: {  	[sflag:s0] =	ssyncadd.remote.s32 $0x1  }
0xbf: {  	_ =	sfence.sel $0xFFFF  }
0xc0: {  	[dreg:$0x0] =	wrdreg $0xFFFFFFFF;
	(pc) =	sbr.abs _section_cstart, $3  }
0xc1: {  	[dreg:$0x1] =	wrdreg $0xFFFFFFFF  }
0xc2: {  	_ =	task.clear_ibuf [dreg:s7], $0x2FFFF;
	_ =	strace $0x9FFFFFFF  }
0xc3: {  	(tm) =	ssettm $0x7FFFFFFF  }
tec
execute0_lowered:
.L_overlay_start_1:
0x0: {  	(tag) =	ssettag $0x1  }
0x1: {  	s0 =	srdreg.scid  }
0x2: {  	s5 =	sand.u32 $0x1, s0  }
0x3: {  	s0 =	stileid.u32;
	s2 =	sshll.u32 s5, $0x4  }
0x4: {  	s2 =	sor.u32 s0, s2  }
0x5: {  	s1 =	rddreg [dreg:$0x0];
	s4 =	smul.u32 $0x2710, s2  }
0x6: {  	s3 =	rddreg [dreg:$0x1]  }
0x7: {  	[dreg:$0x4] =	wrdreg s3;
	s3 =	simm.s32 $0x0;
	s4 =	sshrl.u32 s4, $0x3  }
0x8: {  	[smem:$0x7FF] =	sst s3;
	s7 =	sadd.s32 s4, s1  }
0x9: {  	s2 =	rddreg [dreg:$0x2];
	s4 =	sadd.s32 $0x1C00, s7  }
0xa: {  	_ =	strace $0x80000047;
	s25 =	sadd.s32 $0x1C0A, s7;
	[dreg:$0x5] =	wrdreg s4  }
0xb: {  	s26 =	sadd.s32 $0x1C14, s7;
	[dreg:$0x6] =	wrdreg s25  }
0xc: {  	s6 =	sadd.s32 $0x1C1E, s7;
	[dreg:$0x7] =	wrdreg s26  }
0xd: {  	s8 =	sadd.s32 $0x1C28, s7;
	[dreg:$0x8] =	wrdreg s6  }
0xe: {  	s9 =	sadd.s32 $0x1C32, s7;
	[dreg:$0x9] =	wrdreg s8  }
0xf: {  	s10 =	sadd.s32 $0x1C3C, s7;
	[dreg:$0xa] =	wrdreg s9  }
0x10: {  	s11 =	sadd.s32 $0x1C46, s7;
	[dreg:$0xb] =	wrdreg s10  }
0x11: {  	s12 =	sadd.s32 $0x1C50, s7;
	[dreg:$0xc] =	wrdreg s11  }
0x12: {  	s13 =	sadd.s32 $0x1C5A, s7;
	[dreg:$0xd] =	wrdreg s12  }
0x13: {  	s14 =	sadd.s32 $0x1C64, s7;
	[dreg:$0xe] =	wrdreg s13  }
0x14: {  	s15 =	sadd.s32 $0x1C6E, s7;
	[dreg:$0xf] =	wrdreg s14  }
0x15: {  	s16 =	sadd.s32 $0x1C78, s7;
	[dreg:$0x10] =	wrdreg s15  }
0x16: {  	s17 =	sadd.s32 $0x1C82, s7;
	[dreg:$0x11] =	wrdreg s16  }
0x17: {  	s18 =	sadd.s32 $0x1C8C, s7;
	[dreg:$0x12] =	wrdreg s17  }
0x18: {  	s19 =	sadd.s32 $0x1C96, s7;
	[dreg:$0x13] =	wrdreg s18  }
0x19: {  	s20 =	sadd.s32 $0x1CA0, s7;
	[dreg:$0x14] =	wrdreg s19  }
0x1a: {  	s21 =	sadd.s32 $0x1CAA, s7;
	[dreg:$0x15] =	wrdreg s20  }
0x1b: {  	s22 =	sadd.s32 $0x1CB4, s7;
	[dreg:$0x16] =	wrdreg s21  }
0x1c: {  	s23 =	sadd.s32 $0x1CBE, s7;
	[dreg:$0x17] =	wrdreg s22  }
0x1d: {  	s24 =	sadd.s32 $0x1CC8, s7;
	[dreg:$0x18] =	wrdreg s23  }
0x1e: {  	[dreg:$0x19] =	wrdreg s24;
	s25 =	sadd.s32 $0x1CD2, s7  }
0x1f: {  	s26 =	sadd.s32 $0x1CDC, s7;
	[dreg:$0x1a] =	wrdreg s25  }
0x20: {  	s6 =	sadd.s32 $0x1CE6, s7;
	[dreg:$0x1b] =	wrdreg s26  }
0x21: {  	s8 =	sadd.s32 $0x1CF0, s7;
	[dreg:$0x1c] =	wrdreg s6  }
0x22: {  	s9 =	sadd.s32 $0x1CFA, s7;
	[dreg:$0x1d] =	wrdreg s8  }
0x23: {  	s10 =	sadd.s32 $0x1D04, s7;
	[dreg:$0x1e] =	wrdreg s9  }
0x24: {  	s11 =	sadd.s32 $0x1D0E, s7;
	[dreg:$0x1f] =	wrdreg s10  }
0x25: {  	s12 =	sadd.s32 $0x1D18, s7;
	[smem:$0x79E] =	sst s11  }
0x26: {  	s13 =	sadd.s32 $0x1D22, s7;
	[smem:$0x79F] =	sst s12  }
0x27: {  	s14 =	sadd.s32 $0x1D2C, s7;
	[smem:$0x7A0] =	sst s13  }
0x28: {  	s15 =	sadd.s32 $0x1D36, s7;
	[smem:$0x7A1] =	sst s14  }
0x29: {  	s16 =	sadd.s32 $0x1D40, s7;
	[smem:$0x7A2] =	sst s15  }
0x2a: {  	s17 =	sadd.s32 $0x1D4A, s7;
	[smem:$0x7A3] =	sst s16  }
0x2b: {  	s18 =	sadd.s32 $0x1D54, s7;
	[smem:$0x7A4] =	sst s17  }
0x2c: {  	s19 =	sadd.s32 $0x1D5E, s7;
	[smem:$0x7A5] =	sst s18  }
0x2d: {  	s20 =	sadd.s32 $0x1D68, s7;
	[smem:$0x7A6] =	sst s19  }
0x2e: {  	s21 =	sadd.s32 $0x1D72, s7;
	[smem:$0x7A7] =	sst s20  }
0x2f: {  	s22 =	sadd.s32 $0x1D7C, s7;
	[smem:$0x7A8] =	sst s21  }
0x30: {  	s23 =	sadd.s32 $0x1D86, s7;
	[smem:$0x7A9] =	sst s22  }
0x31: {  	s24 =	sadd.s32 $0x1D90, s7;
	[smem:$0x7AA] =	sst s23  }
0x32: {  	[smem:$0x7AB] =	sst s24;
	s25 =	sadd.s32 $0x1D9A, s7  }
0x33: {  	s26 =	sadd.s32 $0x1DA4, s7;
	[smem:$0x7AC] =	sst s25  }
0x34: {  	s6 =	sadd.s32 $0x1DAE, s7;
	[smem:$0x7AD] =	sst s26  }
0x35: {  	s8 =	sadd.s32 $0x1DB8, s7;
	[smem:$0x7AE] =	sst s6  }
0x36: {  	s9 =	sadd.s32 $0x1DC2, s7;
	[smem:$0x7AF] =	sst s8  }
0x37: {  	s10 =	sadd.s32 $0x1DCC, s7;
	[smem:$0x7B0] =	sst s9  }
0x38: {  	s11 =	sadd.s32 $0x1DD6, s7;
	[smem:$0x7B1] =	sst s10  }
0x39: {  	s12 =	sadd.s32 $0x1DE0, s7;
	[smem:$0x7B2] =	sst s11  }
0x3a: {  	s13 =	sadd.s32 $0x1DEA, s7;
	[smem:$0x7B3] =	sst s12  }
0x3b: {  	s14 =	sadd.s32 $0x1DF4, s7;
	[smem:$0x7B4] =	sst s13  }
0x3c: {  	s15 =	sadd.s32 $0x1DFE, s7;
	[smem:$0x7B5] =	sst s14  }
0x3d: {  	s16 =	sadd.s32 $0x1E08, s7;
	[smem:$0x7B6] =	sst s15  }
0x3e: {  	s17 =	sadd.s32 $0x1E12, s7;
	[smem:$0x7B7] =	sst s16  }
0x3f: {  	s18 =	sadd.s32 $0x1E1C, s7;
	[smem:$0x7B8] =	sst s17  }
0x40: {  	s19 =	sadd.s32 $0x1E26, s7;
	[smem:$0x7B9] =	sst s18  }
0x41: {  	s20 =	sadd.s32 $0x1E30, s7;
	[smem:$0x7BA] =	sst s19  }
0x42: {  	s21 =	sadd.s32 $0x1E3A, s7;
	[smem:$0x7BB] =	sst s20  }
0x43: {  	s22 =	sadd.s32 $0x1E44, s7;
	[smem:$0x7BC] =	sst s21  }
0x44: {  	s23 =	sadd.s32 $0x1E4E, s7;
	[smem:$0x7BD] =	sst s22  }
0x45: {  	s24 =	sadd.s32 $0x1E58, s7;
	[smem:$0x7BE] =	sst s23  }
0x46: {  	[smem:$0x7BF] =	sst s24;
	s25 =	sadd.s32 $0x1E62, s7  }
0x47: {  	s26 =	sadd.s32 $0x1E6C, s7;
	[smem:$0x7C0] =	sst s25  }
0x48: {  	s6 =	sadd.s32 $0x1E76, s7;
	[smem:$0x7C1] =	sst s26  }
0x49: {  	s8 =	sadd.s32 $0x1E80, s7;
	[smem:$0x7C2] =	sst s6  }
0x4a: {  	s9 =	sadd.s32 $0x1E8A, s7;
	[smem:$0x7C3] =	sst s8  }
0x4b: {  	s10 =	sadd.s32 $0x1E94, s7;
	[smem:$0x7C4] =	sst s9  }
0x4c: {  	s11 =	sadd.s32 $0x1E9E, s7;
	[smem:$0x7C5] =	sst s10  }
0x4d: {  	s12 =	sadd.s32 $0x1EA8, s7;
	[smem:$0x7C6] =	sst s11  }
0x4e: {  	s13 =	sadd.s32 $0x1EB2, s7;
	[smem:$0x7C7] =	sst s12  }
0x4f: {  	s14 =	sadd.s32 $0x1EBC, s7;
	[smem:$0x7C8] =	sst s13  }
0x50: {  	s15 =	sadd.s32 $0x1EC6, s7;
	[smem:$0x7C9] =	sst s14  }
0x51: {  	s16 =	sadd.s32 $0x1ED0, s7;
	[smem:$0x7CA] =	sst s15  }
0x52: {  	s17 =	sadd.s32 $0x1EDA, s7;
	[smem:$0x7CB] =	sst s16  }
0x53: {  	s18 =	sadd.s32 $0x1EE4, s7;
	[smem:$0x7CC] =	sst s17  }
0x54: {  	s19 =	sadd.s32 $0x1EEE, s7;
	[smem:$0x7CD] =	sst s18  }
0x55: {  	s20 =	sadd.s32 $0x1EF8, s7;
	[smem:$0x7CE] =	sst s19  }
0x56: {  	s21 =	sadd.s32 $0x1F02, s7;
	[smem:$0x7CF] =	sst s20  }
0x57: {  	s22 =	sadd.s32 $0x1F0C, s7;
	[smem:$0x7D0] =	sst s21  }
0x58: {  	s23 =	sadd.s32 $0x1F16, s7;
	[smem:$0x7D1] =	sst s22  }
0x59: {  	s24 =	sadd.s32 $0x1F20, s7;
	[smem:$0x7D2] =	sst s23  }
0x5a: {  	[smem:$0x7D3] =	sst s24;
	s25 =	sadd.s32 $0x1F2A, s7  }
0x5b: {  	s26 =	sadd.s32 $0x1F34, s7;
	[smem:$0x7D4] =	sst s25  }
0x5c: {  	s6 =	sadd.s32 $0x1F3E, s7;
	[smem:$0x7D5] =	sst s26  }
0x5d: {  	s8 =	sadd.s32 $0x1F48, s7;
	[smem:$0x7D6] =	sst s6  }
0x5e: {  	s9 =	sadd.s32 $0x1F52, s7;
	[smem:$0x7D7] =	sst s8  }
0x5f: {  	s10 =	sadd.s32 $0x1F5C, s7;
	[smem:$0x7D8] =	sst s9  }
0x60: {  	s11 =	sadd.s32 $0x1F66, s7;
	[smem:$0x7D9] =	sst s10  }
0x61: {  	s12 =	sadd.s32 $0x1F70, s7;
	[smem:$0x7DA] =	sst s11  }
0x62: {  	s13 =	sadd.s32 $0x1F7A, s7;
	[smem:$0x7DB] =	sst s12  }
0x63: {  	s14 =	sadd.s32 $0x1F84, s7;
	[smem:$0x7DC] =	sst s13  }
0x64: {  	s15 =	sadd.s32 $0x1F8E, s7;
	[smem:$0x7DD] =	sst s14  }
0x65: {  	s16 =	sadd.s32 $0x1F98, s7;
	[smem:$0x7DE] =	sst s15  }
0x66: {  	s17 =	sadd.s32 $0x1FA2, s7;
	[smem:$0x7DF] =	sst s16  }
0x67: {  	s18 =	sadd.s32 $0x1FAC, s7;
	[smem:$0x7E0] =	sst s17  }
0x68: {  	s19 =	sadd.s32 $0x1FB6, s7;
	[smem:$0x7E1] =	sst s18  }
0x69: {  	s20 =	sadd.s32 $0x1FC0, s7;
	[smem:$0x7E2] =	sst s19  }
0x6a: {  	s21 =	sadd.s32 $0x1FCA, s7;
	[smem:$0x7E3] =	sst s20  }
0x6b: {  	s22 =	sadd.s32 $0x1FD4, s7;
	[smem:$0x7E4] =	sst s21  }
0x6c: {  	s23 =	sadd.s32 $0x1FDE, s7;
	[smem:$0x7E5] =	sst s22  }
0x6d: {  	s24 =	sadd.s32 $0x1FE8, s7;
	[smem:$0x7E6] =	sst s23  }
0x6e: {  	[smem:$0x7E7] =	sst s24;
	s25 =	sadd.s32 $0x1FF2, s7  }
0x6f: {  	s26 =	sadd.s32 $0x1FFC, s7;
	[smem:$0x7E8] =	sst s25  }
0x70: {  	s6 =	sadd.s32 $0x2006, s7;
	[smem:$0x7E9] =	sst s26  }
0x71: {  	s8 =	sadd.s32 $0x2010, s7;
	[smem:$0x7EA] =	sst s6  }
0x72: {  	s9 =	sadd.s32 $0x201A, s7;
	[smem:$0x7EB] =	sst s8  }
0x73: {  	s10 =	sadd.s32 $0x2024, s7;
	[smem:$0x7EC] =	sst s9  }
0x74: {  	s11 =	sadd.s32 $0x202E, s7;
	[smem:$0x7ED] =	sst s10  }
0x75: {  	s12 =	sadd.s32 $0x2038, s7;
	[smem:$0x7EE] =	sst s11  }
0x76: {  	s13 =	sadd.s32 $0x2042, s7;
	[smem:$0x7EF] =	sst s12  }
0x77: {  	s14 =	sadd.s32 $0x204C, s7;
	[smem:$0x7F0] =	sst s13  }
0x78: {  	s15 =	sadd.s32 $0x2056, s7;
	[smem:$0x7F1] =	sst s14  }
0x79: {  	s16 =	sadd.s32 $0x2060, s7;
	[smem:$0x7F2] =	sst s15  }
0x7a: {  	s17 =	sadd.s32 $0x206A, s7;
	[smem:$0x7F3] =	sst s16  }
0x7b: {  	s18 =	sadd.s32 $0x2074, s7;
	[smem:$0x7F4] =	sst s17  }
0x7c: {  	s19 =	sadd.s32 $0x207E, s7;
	[smem:$0x7F5] =	sst s18  }
0x7d: {  	s28 =	simm.s32 $0xD00;
	s20 =	sadd.s32 $0x2088, s7;
	[smem:$0x7F6] =	sst s19  }
0x7e: {  	s29 =	simm.s32 $0x1;
	s21 =	sadd.s32 $0x2092, s7;
	[smem:$0x7F7] =	sst s20  }
0x7f: {  	s30 =	simm.s32 $0x50;
	s22 =	sadd.s32 $0x209C, s7;
	[smem:$0x7F8] =	sst s21  }
0x80: {  	s31 =	simm.s32 $0x280;
	s23 =	sadd.s32 $0x20A6, s7;
	[smem:$0x7F9] =	sst s22  }
0x81: {  	p0 =	seq.s32 s5, $0x1;
	s24 =	sadd.s32 $0x20B0, s7;
	[smem:$0x7FA] =	sst s23  }
0x82: {  	s6 =	ssub.s32 $0x2, s5;
	s9 =	smul.u32 $0x280, s0;
	[smem:$0x7FB] =	sst s24  }
0x83: {  	s25 =	sadd.s32 $0x20BA, s7;
	s10 =	simm.s32 $0x15800;
	s26 =	sadd.s32 $0x20C4, s7  }
0x84: {  	s11 =	simm.s32 $0x3;
	s12 =	simm.s32 $0x580;
	s13 =	simm.s32 $0x600  }
0x85: {  	s14 =	simm.s32 $0x680;
	s15 =	simm.s32 $0x700;
	s16 =	simm.s32 $0x780  }
0x86: {  	s17 =	simm.s32 $0x800;
	s18 =	simm.s32 $0x880;
	s19 =	simm.s32 $0x900  }
0x87: {  	s20 =	simm.s32 $0x980;
	s21 =	simm.s32 $0xA00;
	s22 =	simm.s32 $0xA80  }
0x88: {  	s23 =	simm.s32 $0xB00;
	s24 =	simm.s32 $0xB80;
	[smem:$0x7FC] =	sst s25  }
0x89: {  	s8 =	sshrl.u32 s6, $0x1;
	[smem:$0x7FD] =	sst s26;
	s10 =	simm.s32 @!p0 $0x15E00  }
0x8a: {  	s25 =	simm.s32 $0xC00;
	s26 =	simm.s32 $0xC80;
	s8 =	ssub.s32 s6, s8  }
0x8b: {  	s4 =	sadd.s32 s9, s2;
	s6 =	sadd.s32 $0x20CE, s7;
	s7 =	sadd.s32 $0x20D8, s7  }
0x8c: {  	s9 =	sshrl.u32 s9, $0x3;
	s1 =	sadd.s32 s10, s1;
	s10 =	simm.s32 $0x300  }
0x8d: {  	v0 =	vimm.f32 $1.000000000e+00;
	s8 =	smax.u32 s8, $0x1;
	s9 =	sadd.s32 s1, s9;
	s1 =	simm.s32 $0x2  }
.LBB2_1:
0x8e: {  	[tilespmem:$0x280] =	vst v0  }
0x8f: {  	[tilespmem:$0x290] =	vst v0  }
0x90: {  	[tilespmem:$0x2A0] =	vst v0  }
0x91: {  	[tilespmem:$0x2B0] =	vst v0  }
0x92: {  	s0 =	rddreg [dreg:$0x4];
	[tilespmem:$0x2C0] =	vst v0  }
0x93: {  	[tilespmem:s10], [sflag:$0x3] =	stream.linear.gather [hbm4b:s0+s3], $0x280, $0x38;
	[tilespmem:$0xD80] =	vst v63  }
0x94: {  	_ =	swait.ge [sflag:s11], $0x280  }
0x95: {  	[sflag:s11] =	ssyncset.done $0x0  }
0x96: {  	[sflag:s11] =	ssyncadd.s32 $0xFFFFFD80  }
0x97: {  	[spmem:s4] =	stream.linear.scatter [tilespmem:s10], [sflag:$0x3], $0x280, $0x38;
	[tilespmem:$0xD80] =	vst v63  }
0x98: {  	_ =	swait.ge [sflag:s11], $0x280  }
0x99: {  	[sflag:s11] =	ssyncset.done $0x0  }
0x9a: {  	[sflag:s11] =	ssyncadd.s32 $0xFFFFFD80  }
0x9b: {  	[bflag:$0x0] =	sbarrier.arrive $0xFFFF  }
0x9c: {  	s0 =	rddreg [dreg:$0x5]  }
0x9d: {  	[tilespmem:s12], [sflag:$0x1] =	stream.linear.gather [hbm4b:s0+s3], $0x50, $0x38;
	[tilespmem:$0xD80] =	vst v63  }
0x9e: {  	s5 =	rddreg [dreg:$0x6]  }
0x9f: {  	[tilespmem:s13], [sflag:$0x1] =	stream.linear.gather [hbm4b:s5+s3], $0x50, $0x38;
	[tilespmem:$0xD80] =	vst v63  }
0xa0: {  	s0 =	rddreg [dreg:$0x7]  }
0xa1: {  	[tilespmem:s14], [sflag:$0x1] =	stream.linear.gather [hbm4b:s0+s3], $0x50, $0x38;
	[tilespmem:$0xD80] =	vst v63  }
0xa2: {  	s5 =	rddreg [dreg:$0x8]  }
0xa3: {  	[tilespmem:s15], [sflag:$0x1] =	stream.linear.gather [hbm4b:s5+s3], $0x50, $0x38;
	[tilespmem:$0xD80] =	vst v63  }
0xa4: {  	s0 =	rddreg [dreg:$0x9]  }
0xa5: {  	[tilespmem:s16], [sflag:$0x1] =	stream.linear.gather [hbm4b:s0+s3], $0x50, $0x38;
	[tilespmem:$0xD80] =	vst v63  }
0xa6: {  	s5 =	rddreg [dreg:$0xa]  }
0xa7: {  	[tilespmem:s17], [sflag:$0x1] =	stream.linear.gather [hbm4b:s5+s3], $0x50, $0x38;
	[tilespmem:$0xD80] =	vst v63  }
0xa8: {  	s0 =	rddreg [dreg:$0xb]  }
0xa9: {  	[tilespmem:s18], [sflag:$0x1] =	stream.linear.gather [hbm4b:s0+s3], $0x50, $0x38;
	[tilespmem:$0xD80] =	vst v63  }
0xaa: {  	s5 =	rddreg [dreg:$0xc]  }
0xab: {  	[tilespmem:s19], [sflag:$0x1] =	stream.linear.gather [hbm4b:s5+s3], $0x50, $0x38;
	[tilespmem:$0xD80] =	vst v63  }
0xac: {  	s0 =	rddreg [dreg:$0xd]  }
0xad: {  	[tilespmem:s20], [sflag:$0x1] =	stream.linear.gather [hbm4b:s0+s3], $0x50, $0x38;
	[tilespmem:$0xD80] =	vst v63  }
0xae: {  	s5 =	rddreg [dreg:$0xe]  }
0xaf: {  	[tilespmem:s21], [sflag:$0x1] =	stream.linear.gather [hbm4b:s5+s3], $0x50, $0x38;
	[tilespmem:$0xD80] =	vst v63  }
0xb0: {  	s0 =	rddreg [dreg:$0xf]  }
0xb1: {  	[tilespmem:s22], [sflag:$0x1] =	stream.linear.gather [hbm4b:s0+s3], $0x50, $0x38;
	[tilespmem:$0xD80] =	vst v63  }
0xb2: {  	s5 =	rddreg [dreg:$0x10]  }
0xb3: {  	[tilespmem:s23], [sflag:$0x1] =	stream.linear.gather [hbm4b:s5+s3], $0x50, $0x38;
	[tilespmem:$0xD80] =	vst v63  }
0xb4: {  	s0 =	rddreg [dreg:$0x11]  }
0xb5: {  	[tilespmem:s24], [sflag:$0x1] =	stream.linear.gather [hbm4b:s0+s3], $0x50, $0x38;
	[tilespmem:$0xD80] =	vst v63  }
0xb6: {  	s5 =	rddreg [dreg:$0x12]  }
0xb7: {  	[tilespmem:s25], [sflag:$0x1] =	stream.linear.gather [hbm4b:s5+s3], $0x50, $0x38;
	[tilespmem:$0xD80] =	vst v63  }
0xb8: {  	s0 =	rddreg [dreg:$0x13]  }
0xb9: {  	[tilespmem:s26], [sflag:$0x1] =	stream.linear.gather [hbm4b:s0+s3], $0x50, $0x38;
	[tilespmem:$0xD80] =	vst v63  }
0xba: {  	s5 =	rddreg [dreg:$0x14]  }
0xbb: {  	[tilespmem:s28], [sflag:$0x1] =	stream.linear.gather [hbm4b:s5+s3], $0x50, $0x38;
	[tilespmem:$0xD80] =	vst v63  }
0xbc: {  	_ =	swait.ge [sflag:s29], $0x50  }
0xbd: {  	[sflag:s29] =	ssyncset.done $0x0  }
0xbe: {  	[sflag:s29] =	ssyncadd.s32 $0xFFFFFFB0  }
0xbf: {  	_ =	swait.ge [sflag:s29], $0x50  }
0xc0: {  	[sflag:s29] =	ssyncset.done $0x0  }
0xc1: {  	[sflag:s29] =	ssyncadd.s32 $0xFFFFFFB0  }
0xc2: {  	_ =	swait.ge [sflag:s29], $0x50  }
0xc3: {  	[sflag:s29] =	ssyncset.done $0x0  }
0xc4: {  	[sflag:s29] =	ssyncadd.s32 $0xFFFFFFB0  }
0xc5: {  	_ =	swait.ge [sflag:s29], $0x50  }
0xc6: {  	[sflag:s29] =	ssyncset.done $0x0  }
0xc7: {  	[sflag:s29] =	ssyncadd.s32 $0xFFFFFFB0  }
0xc8: {  	_ =	swait.ge [sflag:s29], $0x50  }
0xc9: {  	[sflag:s29] =	ssyncset.done $0x0  }
0xca: {  	[sflag:s29] =	ssyncadd.s32 $0xFFFFFFB0  }
0xcb: {  	_ =	swait.ge [sflag:s29], $0x50  }
0xcc: {  	[sflag:s29] =	ssyncset.done $0x0  }
0xcd: {  	[sflag:s29] =	ssyncadd.s32 $0xFFFFFFB0  }
0xce: {  	_ =	swait.ge [sflag:s29], $0x50  }
0xcf: {  	[sflag:s29] =	ssyncset.done $0x0  }
0xd0: {  	[sflag:s29] =	ssyncadd.s32 $0xFFFFFFB0  }
0xd1: {  	_ =	swait.ge [sflag:s29], $0x50  }
0xd2: {  	[sflag:s29] =	ssyncset.done $0x0  }
0xd3: {  	[sflag:s29] =	ssyncadd.s32 $0xFFFFFFB0  }
0xd4: {  	_ =	swait.ge [sflag:s29], $0x50  }
0xd5: {  	[sflag:s29] =	ssyncset.done $0x0  }
0xd6: {  	[sflag:s29] =	ssyncadd.s32 $0xFFFFFFB0  }
0xd7: {  	_ =	swait.ge [sflag:s29], $0x50  }
0xd8: {  	[sflag:s29] =	ssyncset.done $0x0  }
0xd9: {  	[sflag:s29] =	ssyncadd.s32 $0xFFFFFFB0  }
0xda: {  	_ =	swait.ge [sflag:s29], $0x50  }
0xdb: {  	[sflag:s29] =	ssyncset.done $0x0  }
0xdc: {  	[sflag:s29] =	ssyncadd.s32 $0xFFFFFFB0  }
0xdd: {  	_ =	swait.ge [sflag:s29], $0x50  }
0xde: {  	[sflag:s29] =	ssyncset.done $0x0  }
0xdf: {  	[sflag:s29] =	ssyncadd.s32 $0xFFFFFFB0  }
0xe0: {  	_ =	swait.ge [sflag:s29], $0x50  }
0xe1: {  	[sflag:s29] =	ssyncset.done $0x0  }
0xe2: {  	[sflag:s29] =	ssyncadd.s32 $0xFFFFFFB0  }
0xe3: {  	_ =	swait.ge [sflag:s29], $0x50  }
0xe4: {  	[sflag:s29] =	ssyncset.done $0x0  }
0xe5: {  	[sflag:s29] =	ssyncadd.s32 $0xFFFFFFB0  }
0xe6: {  	_ =	swait.ge [sflag:s29], $0x50  }
0xe7: {  	[sflag:s29] =	ssyncset.done $0x0  }
0xe8: {  	[sflag:s29] =	ssyncadd.s32 $0xFFFFFFB0  }
0xe9: {  	_ =	swait.ge [sflag:s29], $0x50  }
0xea: {  	[sflag:s29] =	ssyncset.done $0x0  }
0xeb: {  	[sflag:s29] =	ssyncadd.s32 $0xFFFFFFB0  }
0xec: {  	[spmem:s2] =	stream.indirect.scatter.add.f32 [tilespmem:s31], [sflag:$0x2], $0x1, s12, s30, $0xb8;
	[tilespmem:$0xD80] =	vst v63  }
0xed: {  	_ = 	snop  }
0xee: {  	[spmem:s2] =	stream.indirect.scatter.add.f32 [tilespmem:s31], [sflag:$0x2], $0x1, s13, s30, $0xb8;
	[tilespmem:$0xD80] =	vst v63  }
0xef: {  	_ = 	snop  }
0xf0: {  	[spmem:s2] =	stream.indirect.scatter.add.f32 [tilespmem:s31], [sflag:$0x2], $0x1, s14, s30, $0xb8;
	[tilespmem:$0xD80] =	vst v63  }
0xf1: {  	_ = 	snop  }
0xf2: {  	[spmem:s2] =	stream.indirect.scatter.add.f32 [tilespmem:s31], [sflag:$0x2], $0x1, s15, s30, $0xb8;
	[tilespmem:$0xD80] =	vst v63  }
0xf3: {  	_ = 	snop  }
0xf4: {  	[spmem:s2] =	stream.indirect.scatter.add.f32 [tilespmem:s31], [sflag:$0x2], $0x1, s16, s30, $0xb8;
	[tilespmem:$0xD80] =	vst v63  }
0xf5: {  	_ = 	snop  }
0xf6: {  	[spmem:s2] =	stream.indirect.scatter.add.f32 [tilespmem:s31], [sflag:$0x2], $0x1, s17, s30, $0xb8;
	[tilespmem:$0xD80] =	vst v63  }
0xf7: {  	_ = 	snop  }
0xf8: {  	[spmem:s2] =	stream.indirect.scatter.add.f32 [tilespmem:s31], [sflag:$0x2], $0x1, s18, s30, $0xb8;
	[tilespmem:$0xD80] =	vst v63  }
0xf9: {  	_ = 	snop  }
0xfa: {  	[spmem:s2] =	stream.indirect.scatter.add.f32 [tilespmem:s31], [sflag:$0x2], $0x1, s19, s30, $0xb8;
	[tilespmem:$0xD80] =	vst v63  }
0xfb: {  	_ = 	snop  }
0xfc: {  	[spmem:s2] =	stream.indirect.scatter.add.f32 [tilespmem:s31], [sflag:$0x2], $0x1, s20, s30, $0xb8;
	[tilespmem:$0xD80] =	vst v63  }
0xfd: {  	_ = 	snop  }
0xfe: {  	[spmem:s2] =	stream.indirect.scatter.add.f32 [tilespmem:s31], [sflag:$0x2], $0x1, s21, s30, $0xb8;
	[tilespmem:$0xD80] =	vst v63  }
0xff: {  	_ = 	snop  }
0x100: {  	[spmem:s2] =	stream.indirect.scatter.add.f32 [tilespmem:s31], [sflag:$0x2], $0x1, s22, s30, $0xb8;
	[tilespmem:$0xD80] =	vst v63  }
0x101: {  	_ = 	snop  }
0x102: {  	[spmem:s2] =	stream.indirect.scatter.add.f32 [tilespmem:s31], [sflag:$0x2], $0x1, s23, s30, $0xb8;
	[tilespmem:$0xD80] =	vst v63  }
0x103: {  	_ = 	snop  }
0x104: {  	[spmem:s2] =	stream.indirect.scatter.add.f32 [tilespmem:s31], [sflag:$0x2], $0x1, s24, s30, $0xb8;
	[tilespmem:$0xD80] =	vst v63  }
0x105: {  	_ = 	snop  }
0x106: {  	[spmem:s2] =	stream.indirect.scatter.add.f32 [tilespmem:s31], [sflag:$0x2], $0x1, s25, s30, $0xb8;
	[tilespmem:$0xD80] =	vst v63  }
0x107: {  	_ = 	snop  }
0x108: {  	[spmem:s2] =	stream.indirect.scatter.add.f32 [tilespmem:s31], [sflag:$0x2], $0x1, s26, s30, $0xb8;
	[tilespmem:$0xD80] =	vst v63  }
0x109: {  	_ = 	snop  }
0x10a: {  	[spmem:s2] =	stream.indirect.scatter.add.f32 [tilespmem:s31], [sflag:$0x2], $0x1, s28, s30, $0xb8;
	[tilespmem:$0xD80] =	vst v63  }
0x10b: {  	_ =	swait.ge [sflag:s1], $0x50  }
0x10c: {  	[sflag:s1] =	ssyncset.done $0x0  }
0x10d: {  	[sflag:s1] =	ssyncadd.s32 $0xFFFFFFB0  }
0x10e: {  	_ =	swait.ge [sflag:s1], $0x50  }
0x10f: {  	[sflag:s1] =	ssyncset.done $0x0  }
0x110: {  	[sflag:s1] =	ssyncadd.s32 $0xFFFFFFB0  }
0x111: {  	_ =	swait.ge [sflag:s1], $0x50  }
0x112: {  	[sflag:s1] =	ssyncset.done $0x0  }
0x113: {  	[sflag:s1] =	ssyncadd.s32 $0xFFFFFFB0  }
0x114: {  	_ =	swait.ge [sflag:s1], $0x50  }
0x115: {  	[sflag:s1] =	ssyncset.done $0x0  }
0x116: {  	[sflag:s1] =	ssyncadd.s32 $0xFFFFFFB0  }
0x117: {  	_ =	swait.ge [sflag:s1], $0x50  }
0x118: {  	[sflag:s1] =	ssyncset.done $0x0  }
0x119: {  	[sflag:s1] =	ssyncadd.s32 $0xFFFFFFB0  }
0x11a: {  	_ =	swait.ge [sflag:s1], $0x50  }
0x11b: {  	[sflag:s1] =	ssyncset.done $0x0  }
0x11c: {  	[sflag:s1] =	ssyncadd.s32 $0xFFFFFFB0  }
0x11d: {  	_ =	swait.ge [sflag:s1], $0x50  }
0x11e: {  	[sflag:s1] =	ssyncset.done $0x0  }
0x11f: {  	[sflag:s1] =	ssyncadd.s32 $0xFFFFFFB0  }
0x120: {  	_ =	swait.ge [sflag:s1], $0x50  }
0x121: {  	[sflag:s1] =	ssyncset.done $0x0  }
0x122: {  	[sflag:s1] =	ssyncadd.s32 $0xFFFFFFB0  }
0x123: {  	_ =	swait.ge [sflag:s1], $0x50  }
0x124: {  	[sflag:s1] =	ssyncset.done $0x0  }
0x125: {  	[sflag:s1] =	ssyncadd.s32 $0xFFFFFFB0  }
0x126: {  	_ =	swait.ge [sflag:s1], $0x50  }
0x127: {  	[sflag:s1] =	ssyncset.done $0x0  }
0x128: {  	[sflag:s1] =	ssyncadd.s32 $0xFFFFFFB0  }
0x129: {  	_ =	swait.ge [sflag:s1], $0x50  }
0x12a: {  	[sflag:s1] =	ssyncset.done $0x0  }
0x12b: {  	[sflag:s1] =	ssyncadd.s32 $0xFFFFFFB0  }
0x12c: {  	_ =	swait.ge [sflag:s1], $0x50  }
0x12d: {  	[sflag:s1] =	ssyncset.done $0x0  }
0x12e: {  	[sflag:s1] =	ssyncadd.s32 $0xFFFFFFB0  }
0x12f: {  	_ =	swait.ge [sflag:s1], $0x50  }
0x130: {  	[sflag:s1] =	ssyncset.done $0x0  }
0x131: {  	[sflag:s1] =	ssyncadd.s32 $0xFFFFFFB0  }
0x132: {  	_ =	swait.ge [sflag:s1], $0x50  }
0x133: {  	[sflag:s1] =	ssyncset.done $0x0  }
0x134: {  	[sflag:s1] =	ssyncadd.s32 $0xFFFFFFB0  }
0x135: {  	_ =	swait.ge [sflag:s1], $0x50  }
0x136: {  	[sflag:s1] =	ssyncset.done $0x0  }
0x137: {  	[sflag:s1] =	ssyncadd.s32 $0xFFFFFFB0  }
0x138: {  	_ =	swait.ge [sflag:s1], $0x50  }
0x139: {  	s0 =	rddreg [dreg:$0x15];
	[sflag:s1] =	ssyncset.done $0x0  }
0x13a: {  	s5 =	rddreg [dreg:$0x16];
	[sflag:s1] =	ssyncadd.s32 $0xFFFFFFB0  }
0x13b: {  	[tilespmem:s12], [sflag:$0x1] =	stream.linear.gather [hbm4b:s0+s3], $0x50, $0x38;
	[tilespmem:$0xD80] =	vst v63  }
0x13c: {  	s0 =	rddreg [dreg:$0x17]  }
0x13d: {  	[tilespmem:s13], [sflag:$0x1] =	stream.linear.gather [hbm4b:s5+s3], $0x50, $0x38;
	[tilespmem:$0xD80] =	vst v63  }
0x13e: {  	s5 =	rddreg [dreg:$0x18]  }
0x13f: {  	[tilespmem:s14], [sflag:$0x1] =	stream.linear.gather [hbm4b:s0+s3], $0x50, $0x38;
	[tilespmem:$0xD80] =	vst v63  }
0x140: {  	s0 =	rddreg [dreg:$0x19]  }
0x141: {  	[tilespmem:s15], [sflag:$0x1] =	stream.linear.gather [hbm4b:s5+s3], $0x50, $0x38;
	[tilespmem:$0xD80] =	vst v63  }
0x142: {  	s5 =	rddreg [dreg:$0x1a]  }
0x143: {  	[tilespmem:s16], [sflag:$0x1] =	stream.linear.gather [hbm4b:s0+s3], $0x50, $0x38;
	[tilespmem:$0xD80] =	vst v63  }
0x144: {  	s0 =	rddreg [dreg:$0x1b]  }
0x145: {  	[tilespmem:s17], [sflag:$0x1] =	stream.linear.gather [hbm4b:s5+s3], $0x50, $0x38;
	[tilespmem:$0xD80] =	vst v63  }
0x146: {  	s5 =	rddreg [dreg:$0x1c]  }
0x147: {  	[tilespmem:s18], [sflag:$0x1] =	stream.linear.gather [hbm4b:s0+s3], $0x50, $0x38;
	[tilespmem:$0xD80] =	vst v63  }
0x148: {  	s0 =	rddreg [dreg:$0x1d]  }
0x149: {  	[tilespmem:s19], [sflag:$0x1] =	stream.linear.gather [hbm4b:s5+s3], $0x50, $0x38;
	[tilespmem:$0xD80] =	vst v63  }
0x14a: {  	s5 =	rddreg [dreg:$0x1e]  }
0x14b: {  	[tilespmem:s20], [sflag:$0x1] =	stream.linear.gather [hbm4b:s0+s3], $0x50, $0x38;
	[tilespmem:$0xD80] =	vst v63  }
0x14c: {  	s0 =	rddreg [dreg:$0x1f]  }
0x14d: {  	[tilespmem:s21], [sflag:$0x1] =	stream.linear.gather [hbm4b:s5+s3], $0x50, $0x38;
	[tilespmem:$0xD80] =	vst v63  }
0x14e: {  	s5 =	sld [smem:$0x79E]  }
0x14f: {  	[tilespmem:s22], [sflag:$0x1] =	stream.linear.gather [hbm4b:s0+s3], $0x50, $0x38;
	[tilespmem:$0xD80] =	vst v63  }
0x150: {  	s0 =	sld [smem:$0x79F]  }
0x151: {  	[tilespmem:s23], [sflag:$0x1] =	stream.linear.gather [hbm4b:s5+s3], $0x50, $0x38;
	[tilespmem:$0xD80] =	vst v63  }
0x152: {  	s5 =	sld [smem:$0x7A0]  }
0x153: {  	[tilespmem:s24], [sflag:$0x1] =	stream.linear.gather [hbm4b:s0+s3], $0x50, $0x38;
	[tilespmem:$0xD80] =	vst v63  }
0x154: {  	s0 =	sld [smem:$0x7A1]  }
0x155: {  	[tilespmem:s25], [sflag:$0x1] =	stream.linear.gather [hbm4b:s5+s3], $0x50, $0x38;
	[tilespmem:$0xD80] =	vst v63  }
0x156: {  	s5 =	sld [smem:$0x7A2]  }
0x157: {  	[tilespmem:s26], [sflag:$0x1] =	stream.linear.gather [hbm4b:s0+s3], $0x50, $0x38;
	[tilespmem:$0xD80] =	vst v63  }
0x158: {  	_ = 	snop  }
0x159: {  	[tilespmem:s28], [sflag:$0x1] =	stream.linear.gather [hbm4b:s5+s3], $0x50, $0x38;
	[tilespmem:$0xD80] =	vst v63  }
0x15a: {  	_ =	swait.ge [sflag:s29], $0x50  }
0x15b: {  	[sflag:s29] =	ssyncset.done $0x0  }
0x15c: {  	[sflag:s29] =	ssyncadd.s32 $0xFFFFFFB0  }
0x15d: {  	_ =	swait.ge [sflag:s29], $0x50  }
0x15e: {  	[sflag:s29] =	ssyncset.done $0x0  }
0x15f: {  	[sflag:s29] =	ssyncadd.s32 $0xFFFFFFB0  }
0x160: {  	_ =	swait.ge [sflag:s29], $0x50  }
0x161: {  	[sflag:s29] =	ssyncset.done $0x0  }
0x162: {  	[sflag:s29] =	ssyncadd.s32 $0xFFFFFFB0  }
0x163: {  	_ =	swait.ge [sflag:s29], $0x50  }
0x164: {  	[sflag:s29] =	ssyncset.done $0x0  }
0x165: {  	[sflag:s29] =	ssyncadd.s32 $0xFFFFFFB0  }
0x166: {  	_ =	swait.ge [sflag:s29], $0x50  }
0x167: {  	[sflag:s29] =	ssyncset.done $0x0  }
0x168: {  	[sflag:s29] =	ssyncadd.s32 $0xFFFFFFB0  }
0x169: {  	_ =	swait.ge [sflag:s29], $0x50  }
0x16a: {  	[sflag:s29] =	ssyncset.done $0x0  }
0x16b: {  	[sflag:s29] =	ssyncadd.s32 $0xFFFFFFB0  }
0x16c: {  	_ =	swait.ge [sflag:s29], $0x50  }
0x16d: {  	[sflag:s29] =	ssyncset.done $0x0  }
0x16e: {  	[sflag:s29] =	ssyncadd.s32 $0xFFFFFFB0  }
0x16f: {  	_ =	swait.ge [sflag:s29], $0x50  }
0x170: {  	[sflag:s29] =	ssyncset.done $0x0  }
0x171: {  	[sflag:s29] =	ssyncadd.s32 $0xFFFFFFB0  }
0x172: {  	_ =	swait.ge [sflag:s29], $0x50  }
0x173: {  	[sflag:s29] =	ssyncset.done $0x0  }
0x174: {  	[sflag:s29] =	ssyncadd.s32 $0xFFFFFFB0  }
0x175: {  	_ =	swait.ge [sflag:s29], $0x50  }
0x176: {  	[sflag:s29] =	ssyncset.done $0x0  }
0x177: {  	[sflag:s29] =	ssyncadd.s32 $0xFFFFFFB0  }
0x178: {  	_ =	swait.ge [sflag:s29], $0x50  }
0x179: {  	[sflag:s29] =	ssyncset.done $0x0  }
0x17a: {  	[sflag:s29] =	ssyncadd.s32 $0xFFFFFFB0  }
0x17b: {  	_ =	swait.ge [sflag:s29], $0x50  }
0x17c: {  	[sflag:s29] =	ssyncset.done $0x0  }
0x17d: {  	[sflag:s29] =	ssyncadd.s32 $0xFFFFFFB0  }
0x17e: {  	_ =	swait.ge [sflag:s29], $0x50  }
0x17f: {  	[sflag:s29] =	ssyncset.done $0x0  }
0x180: {  	[sflag:s29] =	ssyncadd.s32 $0xFFFFFFB0  }
0x181: {  	_ =	swait.ge [sflag:s29], $0x50  }
0x182: {  	[sflag:s29] =	ssyncset.done $0x0  }
0x183: {  	[sflag:s29] =	ssyncadd.s32 $0xFFFFFFB0  }
0x184: {  	_ =	swait.ge [sflag:s29], $0x50  }
0x185: {  	[sflag:s29] =	ssyncset.done $0x0  }
0x186: {  	[sflag:s29] =	ssyncadd.s32 $0xFFFFFFB0  }
0x187: {  	_ =	swait.ge [sflag:s29], $0x50  }
0x188: {  	[sflag:s29] =	ssyncset.done $0x0  }
0x189: {  	[sflag:s29] =	ssyncadd.s32 $0xFFFFFFB0  }
0x18a: {  	[spmem:s2] =	stream.indirect.scatter.add.f32 [tilespmem:s31], [sflag:$0x2], $0x1, s12, s30, $0xb8;
	[tilespmem:$0xD80] =	vst v63  }
0x18b: {  	_ = 	snop  }
0x18c: {  	[spmem:s2] =	stream.indirect.scatter.add.f32 [tilespmem:s31], [sflag:$0x2], $0x1, s13, s30, $0xb8;
	[tilespmem:$0xD80] =	vst v63  }
0x18d: {  	_ = 	snop  }
0x18e: {  	[spmem:s2] =	stream.indirect.scatter.add.f32 [tilespmem:s31], [sflag:$0x2], $0x1, s14, s30, $0xb8;
	[tilespmem:$0xD80] =	vst v63  }
0x18f: {  	_ = 	snop  }
0x190: {  	[spmem:s2] =	stream.indirect.scatter.add.f32 [tilespmem:s31], [sflag:$0x2], $0x1, s15, s30, $0xb8;
	[tilespmem:$0xD80] =	vst v63  }
0x191: {  	_ = 	snop  }
0x192: {  	[spmem:s2] =	stream.indirect.scatter.add.f32 [tilespmem:s31], [sflag:$0x2], $0x1, s16, s30, $0xb8;
	[tilespmem:$0xD80] =	vst v63  }
0x193: {  	_ = 	snop  }
0x194: {  	[spmem:s2] =	stream.indirect.scatter.add.f32 [tilespmem:s31], [sflag:$0x2], $0x1, s17, s30, $0xb8;
	[tilespmem:$0xD80] =	vst v63  }
0x195: {  	_ = 	snop  }
0x196: {  	[spmem:s2] =	stream.indirect.scatter.add.f32 [tilespmem:s31], [sflag:$0x2], $0x1, s18, s30, $0xb8;
	[tilespmem:$0xD80] =	vst v63  }
0x197: {  	_ = 	snop  }
0x198: {  	[spmem:s2] =	stream.indirect.scatter.add.f32 [tilespmem:s31], [sflag:$0x2], $0x1, s19, s30, $0xb8;
	[tilespmem:$0xD80] =	vst v63  }
0x199: {  	_ = 	snop  }
0x19a: {  	[spmem:s2] =	stream.indirect.scatter.add.f32 [tilespmem:s31], [sflag:$0x2], $0x1, s20, s30, $0xb8;
	[tilespmem:$0xD80] =	vst v63  }
0x19b: {  	_ = 	snop  }
0x19c: {  	[spmem:s2] =	stream.indirect.scatter.add.f32 [tilespmem:s31], [sflag:$0x2], $0x1, s21, s30, $0xb8;
	[tilespmem:$0xD80] =	vst v63  }
0x19d: {  	_ = 	snop  }
0x19e: {  	[spmem:s2] =	stream.indirect.scatter.add.f32 [tilespmem:s31], [sflag:$0x2], $0x1, s22, s30, $0xb8;
	[tilespmem:$0xD80] =	vst v63  }
0x19f: {  	_ = 	snop  }
0x1a0: {  	[spmem:s2] =	stream.indirect.scatter.add.f32 [tilespmem:s31], [sflag:$0x2], $0x1, s23, s30, $0xb8;
	[tilespmem:$0xD80] =	vst v63  }
0x1a1: {  	_ = 	snop  }
0x1a2: {  	[spmem:s2] =	stream.indirect.scatter.add.f32 [tilespmem:s31], [sflag:$0x2], $0x1, s24, s30, $0xb8;
	[tilespmem:$0xD80] =	vst v63  }
0x1a3: {  	_ = 	snop  }
0x1a4: {  	[spmem:s2] =	stream.indirect.scatter.add.f32 [tilespmem:s31], [sflag:$0x2], $0x1, s25, s30, $0xb8;
	[tilespmem:$0xD80] =	vst v63  }
0x1a5: {  	_ = 	snop  }
0x1a6: {  	[spmem:s2] =	stream.indirect.scatter.add.f32 [tilespmem:s31], [sflag:$0x2], $0x1, s26, s30, $0xb8;
	[tilespmem:$0xD80] =	vst v63  }
0x1a7: {  	_ = 	snop  }
0x1a8: {  	[spmem:s2] =	stream.indirect.scatter.add.f32 [tilespmem:s31], [sflag:$0x2], $0x1, s28, s30, $0xb8;
	[tilespmem:$0xD80] =	vst v63  }
0x1a9: {  	_ =	swait.ge [sflag:s1], $0x50  }
0x1aa: {  	[sflag:s1] =	ssyncset.done $0x0  }
0x1ab: {  	[sflag:s1] =	ssyncadd.s32 $0xFFFFFFB0  }
0x1ac: {  	_ =	swait.ge [sflag:s1], $0x50  }
0x1ad: {  	[sflag:s1] =	ssyncset.done $0x0  }
0x1ae: {  	[sflag:s1] =	ssyncadd.s32 $0xFFFFFFB0  }
0x1af: {  	_ =	swait.ge [sflag:s1], $0x50  }
0x1b0: {  	[sflag:s1] =	ssyncset.done $0x0  }
0x1b1: {  	[sflag:s1] =	ssyncadd.s32 $0xFFFFFFB0  }
0x1b2: {  	_ =	swait.ge [sflag:s1], $0x50  }
0x1b3: {  	[sflag:s1] =	ssyncset.done $0x0  }
0x1b4: {  	[sflag:s1] =	ssyncadd.s32 $0xFFFFFFB0  }
0x1b5: {  	_ =	swait.ge [sflag:s1], $0x50  }
0x1b6: {  	[sflag:s1] =	ssyncset.done $0x0  }
0x1b7: {  	[sflag:s1] =	ssyncadd.s32 $0xFFFFFFB0  }
0x1b8: {  	_ =	swait.ge [sflag:s1], $0x50  }
0x1b9: {  	[sflag:s1] =	ssyncset.done $0x0  }
0x1ba: {  	[sflag:s1] =	ssyncadd.s32 $0xFFFFFFB0  }
0x1bb: {  	_ =	swait.ge [sflag:s1], $0x50  }
0x1bc: {  	[sflag:s1] =	ssyncset.done $0x0  }
0x1bd: {  	[sflag:s1] =	ssyncadd.s32 $0xFFFFFFB0  }
0x1be: {  	_ =	swait.ge [sflag:s1], $0x50  }
0x1bf: {  	[sflag:s1] =	ssyncset.done $0x0  }
0x1c0: {  	[sflag:s1] =	ssyncadd.s32 $0xFFFFFFB0  }
0x1c1: {  	_ =	swait.ge [sflag:s1], $0x50  }
0x1c2: {  	[sflag:s1] =	ssyncset.done $0x0  }
0x1c3: {  	[sflag:s1] =	ssyncadd.s32 $0xFFFFFFB0  }
0x1c4: {  	_ =	swait.ge [sflag:s1], $0x50  }
0x1c5: {  	[sflag:s1] =	ssyncset.done $0x0  }
0x1c6: {  	[sflag:s1] =	ssyncadd.s32 $0xFFFFFFB0  }
0x1c7: {  	_ =	swait.ge [sflag:s1], $0x50  }
0x1c8: {  	[sflag:s1] =	ssyncset.done $0x0  }
0x1c9: {  	[sflag:s1] =	ssyncadd.s32 $0xFFFFFFB0  }
0x1ca: {  	_ =	swait.ge [sflag:s1], $0x50  }
0x1cb: {  	[sflag:s1] =	ssyncset.done $0x0  }
0x1cc: {  	[sflag:s1] =	ssyncadd.s32 $0xFFFFFFB0  }
0x1cd: {  	_ =	swait.ge [sflag:s1], $0x50  }
0x1ce: {  	[sflag:s1] =	ssyncset.done $0x0  }
0x1cf: {  	[sflag:s1] =	ssyncadd.s32 $0xFFFFFFB0  }
0x1d0: {  	_ =	swait.ge [sflag:s1], $0x50  }
0x1d1: {  	[sflag:s1] =	ssyncset.done $0x0  }
0x1d2: {  	[sflag:s1] =	ssyncadd.s32 $0xFFFFFFB0  }
0x1d3: {  	_ =	swait.ge [sflag:s1], $0x50  }
0x1d4: {  	[sflag:s1] =	ssyncset.done $0x0  }
0x1d5: {  	[sflag:s1] =	ssyncadd.s32 $0xFFFFFFB0  }
0x1d6: {  	_ =	swait.ge [sflag:s1], $0x50  }
0x1d7: {  	s0 =	sld [smem:$0x7A3]  }
0x1d8: {  	[sflag:s1] =	ssyncset.done $0x0  }
0x1d9: {  	s5 =	sld [smem:$0x7A4];
	[sflag:s1] =	ssyncadd.s32 $0xFFFFFFB0  }
0x1da: {  	[tilespmem:s12], [sflag:$0x1] =	stream.linear.gather [hbm4b:s0+s3], $0x50, $0x38;
	[tilespmem:$0xD80] =	vst v63  }
0x1db: {  	s0 =	sld [smem:$0x7A5]  }
0x1dc: {  	[tilespmem:s13], [sflag:$0x1] =	stream.linear.gather [hbm4b:s5+s3], $0x50, $0x38;
	[tilespmem:$0xD80] =	vst v63  }
0x1dd: {  	s5 =	sld [smem:$0x7A6]  }
0x1de: {  	[tilespmem:s14], [sflag:$0x1] =	stream.linear.gather [hbm4b:s0+s3], $0x50, $0x38;
	[tilespmem:$0xD80] =	vst v63  }
0x1df: {  	s0 =	sld [smem:$0x7A7]  }
0x1e0: {  	[tilespmem:s15], [sflag:$0x1] =	stream.linear.gather [hbm4b:s5+s3], $0x50, $0x38;
	[tilespmem:$0xD80] =	vst v63  }
0x1e1: {  	s5 =	sld [smem:$0x7A8]  }
0x1e2: {  	[tilespmem:s16], [sflag:$0x1] =	stream.linear.gather [hbm4b:s0+s3], $0x50, $0x38;
	[tilespmem:$0xD80] =	vst v63  }
0x1e3: {  	s0 =	sld [smem:$0x7A9]  }
0x1e4: {  	[tilespmem:s17], [sflag:$0x1] =	stream.linear.gather [hbm4b:s5+s3], $0x50, $0x38;
	[tilespmem:$0xD80] =	vst v63  }
0x1e5: {  	s5 =	sld [smem:$0x7AA]  }
0x1e6: {  	[tilespmem:s18], [sflag:$0x1] =	stream.linear.gather [hbm4b:s0+s3], $0x50, $0x38;
	[tilespmem:$0xD80] =	vst v63  }
0x1e7: {  	s0 =	sld [smem:$0x7AB]  }
0x1e8: {  	[tilespmem:s19], [sflag:$0x1] =	stream.linear.gather [hbm4b:s5+s3], $0x50, $0x38;
	[tilespmem:$0xD80] =	vst v63  }
0x1e9: {  	s5 =	sld [smem:$0x7AC]  }
0x1ea: {  	[tilespmem:s20], [sflag:$0x1] =	stream.linear.gather [hbm4b:s0+s3], $0x50, $0x38;
	[tilespmem:$0xD80] =	vst v63  }
0x1eb: {  	s0 =	sld [smem:$0x7AD]  }
0x1ec: {  	[tilespmem:s21], [sflag:$0x1] =	stream.linear.gather [hbm4b:s5+s3], $0x50, $0x38;
	[tilespmem:$0xD80] =	vst v63  }
0x1ed: {  	s5 =	sld [smem:$0x7AE]  }
0x1ee: {  	[tilespmem:s22], [sflag:$0x1] =	stream.linear.gather [hbm4b:s0+s3], $0x50, $0x38;
	[tilespmem:$0xD80] =	vst v63  }
0x1ef: {  	s0 =	sld [smem:$0x7AF]  }
0x1f0: {  	[tilespmem:s23], [sflag:$0x1] =	stream.linear.gather [hbm4b:s5+s3], $0x50, $0x38;
	[tilespmem:$0xD80] =	vst v63  }
0x1f1: {  	s5 =	sld [smem:$0x7B0]  }
0x1f2: {  	[tilespmem:s24], [sflag:$0x1] =	stream.linear.gather [hbm4b:s0+s3], $0x50, $0x38;
	[tilespmem:$0xD80] =	vst v63  }
0x1f3: {  	s0 =	sld [smem:$0x7B1]  }
0x1f4: {  	[tilespmem:s25], [sflag:$0x1] =	stream.linear.gather [hbm4b:s5+s3], $0x50, $0x38;
	[tilespmem:$0xD80] =	vst v63  }
0x1f5: {  	s5 =	sld [smem:$0x7B2]  }
0x1f6: {  	[tilespmem:s26], [sflag:$0x1] =	stream.linear.gather [hbm4b:s0+s3], $0x50, $0x38;
	[tilespmem:$0xD80] =	vst v63  }
0x1f7: {  	_ = 	snop  }
0x1f8: {  	[tilespmem:s28], [sflag:$0x1] =	stream.linear.gather [hbm4b:s5+s3], $0x50, $0x38;
	[tilespmem:$0xD80] =	vst v63  }
0x1f9: {  	_ =	swait.ge [sflag:s29], $0x50  }
0x1fa: {  	[sflag:s29] =	ssyncset.done $0x0  }
0x1fb: {  	[sflag:s29] =	ssyncadd.s32 $0xFFFFFFB0  }
0x1fc: {  	_ =	swait.ge [sflag:s29], $0x50  }
0x1fd: {  	[sflag:s29] =	ssyncset.done $0x0  }
0x1fe: {  	[sflag:s29] =	ssyncadd.s32 $0xFFFFFFB0  }
0x1ff: {  	_ =	swait.ge [sflag:s29], $0x50  }
0x200: {  	[sflag:s29] =	ssyncset.done $0x0  }
0x201: {  	[sflag:s29] =	ssyncadd.s32 $0xFFFFFFB0  }
0x202: {  	_ =	swait.ge [sflag:s29], $0x50  }
0x203: {  	[sflag:s29] =	ssyncset.done $0x0  }
0x204: {  	[sflag:s29] =	ssyncadd.s32 $0xFFFFFFB0  }
0x205: {  	_ =	swait.ge [sflag:s29], $0x50  }
0x206: {  	[sflag:s29] =	ssyncset.done $0x0  }
0x207: {  	[sflag:s29] =	ssyncadd.s32 $0xFFFFFFB0  }
0x208: {  	_ =	swait.ge [sflag:s29], $0x50  }
0x209: {  	[sflag:s29] =	ssyncset.done $0x0  }
0x20a: {  	[sflag:s29] =	ssyncadd.s32 $0xFFFFFFB0  }
0x20b: {  	_ =	swait.ge [sflag:s29], $0x50  }
0x20c: {  	[sflag:s29] =	ssyncset.done $0x0  }
0x20d: {  	[sflag:s29] =	ssyncadd.s32 $0xFFFFFFB0  }
0x20e: {  	_ =	swait.ge [sflag:s29], $0x50  }
0x20f: {  	[sflag:s29] =	ssyncset.done $0x0  }
0x210: {  	[sflag:s29] =	ssyncadd.s32 $0xFFFFFFB0  }
0x211: {  	_ =	swait.ge [sflag:s29], $0x50  }
0x212: {  	[sflag:s29] =	ssyncset.done $0x0  }
0x213: {  	[sflag:s29] =	ssyncadd.s32 $0xFFFFFFB0  }
0x214: {  	_ =	swait.ge [sflag:s29], $0x50  }
0x215: {  	[sflag:s29] =	ssyncset.done $0x0  }
0x216: {  	[sflag:s29] =	ssyncadd.s32 $0xFFFFFFB0  }
0x217: {  	_ =	swait.ge [sflag:s29], $0x50  }
0x218: {  	[sflag:s29] =	ssyncset.done $0x0  }
0x219: {  	[sflag:s29] =	ssyncadd.s32 $0xFFFFFFB0  }
0x21a: {  	_ =	swait.ge [sflag:s29], $0x50  }
0x21b: {  	[sflag:s29] =	ssyncset.done $0x0  }
0x21c: {  	[sflag:s29] =	ssyncadd.s32 $0xFFFFFFB0  }
0x21d: {  	_ =	swait.ge [sflag:s29], $0x50  }
0x21e: {  	[sflag:s29] =	ssyncset.done $0x0  }
0x21f: {  	[sflag:s29] =	ssyncadd.s32 $0xFFFFFFB0  }
0x220: {  	_ =	swait.ge [sflag:s29], $0x50  }
0x221: {  	[sflag:s29] =	ssyncset.done $0x0  }
0x222: {  	[sflag:s29] =	ssyncadd.s32 $0xFFFFFFB0  }
0x223: {  	_ =	swait.ge [sflag:s29], $0x50  }
0x224: {  	[sflag:s29] =	ssyncset.done $0x0  }
0x225: {  	[sflag:s29] =	ssyncadd.s32 $0xFFFFFFB0  }
0x226: {  	_ =	swait.ge [sflag:s29], $0x50  }
0x227: {  	[sflag:s29] =	ssyncset.done $0x0  }
0x228: {  	[sflag:s29] =	ssyncadd.s32 $0xFFFFFFB0  }
0x229: {  	[spmem:s2] =	stream.indirect.scatter.add.f32 [tilespmem:s31], [sflag:$0x2], $0x1, s12, s30, $0xb8;
	[tilespmem:$0xD80] =	vst v63  }
0x22a: {  	_ = 	snop  }
0x22b: {  	[spmem:s2] =	stream.indirect.scatter.add.f32 [tilespmem:s31], [sflag:$0x2], $0x1, s13, s30, $0xb8;
	[tilespmem:$0xD80] =	vst v63  }
0x22c: {  	_ = 	snop  }
0x22d: {  	[spmem:s2] =	stream.indirect.scatter.add.f32 [tilespmem:s31], [sflag:$0x2], $0x1, s14, s30, $0xb8;
	[tilespmem:$0xD80] =	vst v63  }
0x22e: {  	_ = 	snop  }
0x22f: {  	[spmem:s2] =	stream.indirect.scatter.add.f32 [tilespmem:s31], [sflag:$0x2], $0x1, s15, s30, $0xb8;
	[tilespmem:$0xD80] =	vst v63  }
0x230: {  	_ = 	snop  }
0x231: {  	[spmem:s2] =	stream.indirect.scatter.add.f32 [tilespmem:s31], [sflag:$0x2], $0x1, s16, s30, $0xb8;
	[tilespmem:$0xD80] =	vst v63  }
0x232: {  	_ = 	snop  }
0x233: {  	[spmem:s2] =	stream.indirect.scatter.add.f32 [tilespmem:s31], [sflag:$0x2], $0x1, s17, s30, $0xb8;
	[tilespmem:$0xD80] =	vst v63  }
0x234: {  	_ = 	snop  }
0x235: {  	[spmem:s2] =	stream.indirect.scatter.add.f32 [tilespmem:s31], [sflag:$0x2], $0x1, s18, s30, $0xb8;
	[tilespmem:$0xD80] =	vst v63  }
0x236: {  	_ = 	snop  }
0x237: {  	[spmem:s2] =	stream.indirect.scatter.add.f32 [tilespmem:s31], [sflag:$0x2], $0x1, s19, s30, $0xb8;
	[tilespmem:$0xD80] =	vst v63  }
0x238: {  	_ = 	snop  }
0x239: {  	[spmem:s2] =	stream.indirect.scatter.add.f32 [tilespmem:s31], [sflag:$0x2], $0x1, s20, s30, $0xb8;
	[tilespmem:$0xD80] =	vst v63  }
0x23a: {  	_ = 	snop  }
0x23b: {  	[spmem:s2] =	stream.indirect.scatter.add.f32 [tilespmem:s31], [sflag:$0x2], $0x1, s21, s30, $0xb8;
	[tilespmem:$0xD80] =	vst v63  }
0x23c: {  	_ = 	snop  }
0x23d: {  	[spmem:s2] =	stream.indirect.scatter.add.f32 [tilespmem:s31], [sflag:$0x2], $0x1, s22, s30, $0xb8;
	[tilespmem:$0xD80] =	vst v63  }
0x23e: {  	_ = 	snop  }
0x23f: {  	[spmem:s2] =	stream.indirect.scatter.add.f32 [tilespmem:s31], [sflag:$0x2], $0x1, s23, s30, $0xb8;
	[tilespmem:$0xD80] =	vst v63  }
0x240: {  	_ = 	snop  }
0x241: {  	[spmem:s2] =	stream.indirect.scatter.add.f32 [tilespmem:s31], [sflag:$0x2], $0x1, s24, s30, $0xb8;
	[tilespmem:$0xD80] =	vst v63  }
0x242: {  	_ = 	snop  }
0x243: {  	[spmem:s2] =	stream.indirect.scatter.add.f32 [tilespmem:s31], [sflag:$0x2], $0x1, s25, s30, $0xb8;
	[tilespmem:$0xD80] =	vst v63  }
0x244: {  	_ = 	snop  }
0x245: {  	[spmem:s2] =	stream.indirect.scatter.add.f32 [tilespmem:s31], [sflag:$0x2], $0x1, s26, s30, $0xb8;
	[tilespmem:$0xD80] =	vst v63  }
0x246: {  	_ = 	snop  }
0x247: {  	[spmem:s2] =	stream.indirect.scatter.add.f32 [tilespmem:s31], [sflag:$0x2], $0x1, s28, s30, $0xb8;
	[tilespmem:$0xD80] =	vst v63  }
0x248: {  	_ =	swait.ge [sflag:s1], $0x50  }
0x249: {  	[sflag:s1] =	ssyncset.done $0x0  }
0x24a: {  	[sflag:s1] =	ssyncadd.s32 $0xFFFFFFB0  }
0x24b: {  	_ =	swait.ge [sflag:s1], $0x50  }
0x24c: {  	[sflag:s1] =	ssyncset.done $0x0  }
0x24d: {  	[sflag:s1] =	ssyncadd.s32 $0xFFFFFFB0  }
0x24e: {  	_ =	swait.ge [sflag:s1], $0x50  }
0x24f: {  	[sflag:s1] =	ssyncset.done $0x0  }
0x250: {  	[sflag:s1] =	ssyncadd.s32 $0xFFFFFFB0  }
0x251: {  	_ =	swait.ge [sflag:s1], $0x50  }
0x252: {  	[sflag:s1] =	ssyncset.done $0x0  }
0x253: {  	[sflag:s1] =	ssyncadd.s32 $0xFFFFFFB0  }
0x254: {  	_ =	swait.ge [sflag:s1], $0x50  }
0x255: {  	[sflag:s1] =	ssyncset.done $0x0  }
0x256: {  	[sflag:s1] =	ssyncadd.s32 $0xFFFFFFB0  }
0x257: {  	_ =	swait.ge [sflag:s1], $0x50  }
0x258: {  	[sflag:s1] =	ssyncset.done $0x0  }
0x259: {  	[sflag:s1] =	ssyncadd.s32 $0xFFFFFFB0  }
0x25a: {  	_ =	swait.ge [sflag:s1], $0x50  }
0x25b: {  	[sflag:s1] =	ssyncset.done $0x0  }
0x25c: {  	[sflag:s1] =	ssyncadd.s32 $0xFFFFFFB0  }
0x25d: {  	_ =	swait.ge [sflag:s1], $0x50  }
0x25e: {  	[sflag:s1] =	ssyncset.done $0x0  }
0x25f: {  	[sflag:s1] =	ssyncadd.s32 $0xFFFFFFB0  }
0x260: {  	_ =	swait.ge [sflag:s1], $0x50  }
0x261: {  	[sflag:s1] =	ssyncset.done $0x0  }
0x262: {  	[sflag:s1] =	ssyncadd.s32 $0xFFFFFFB0  }
0x263: {  	_ =	swait.ge [sflag:s1], $0x50  }
0x264: {  	[sflag:s1] =	ssyncset.done $0x0  }
0x265: {  	[sflag:s1] =	ssyncadd.s32 $0xFFFFFFB0  }
0x266: {  	_ =	swait.ge [sflag:s1], $0x50  }
0x267: {  	[sflag:s1] =	ssyncset.done $0x0  }
0x268: {  	[sflag:s1] =	ssyncadd.s32 $0xFFFFFFB0  }
0x269: {  	_ =	swait.ge [sflag:s1], $0x50  }
0x26a: {  	[sflag:s1] =	ssyncset.done $0x0  }
0x26b: {  	[sflag:s1] =	ssyncadd.s32 $0xFFFFFFB0  }
0x26c: {  	_ =	swait.ge [sflag:s1], $0x50  }
0x26d: {  	[sflag:s1] =	ssyncset.done $0x0  }
0x26e: {  	[sflag:s1] =	ssyncadd.s32 $0xFFFFFFB0  }
0x26f: {  	_ =	swait.ge [sflag:s1], $0x50  }
0x270: {  	[sflag:s1] =	ssyncset.done $0x0  }
0x271: {  	[sflag:s1] =	ssyncadd.s32 $0xFFFFFFB0  }
0x272: {  	_ =	swait.ge [sflag:s1], $0x50  }
0x273: {  	[sflag:s1] =	ssyncset.done $0x0  }
0x274: {  	[sflag:s1] =	ssyncadd.s32 $0xFFFFFFB0  }
0x275: {  	_ =	swait.ge [sflag:s1], $0x50  }
0x276: {  	s0 =	sld [smem:$0x7B3]  }
0x277: {  	[sflag:s1] =	ssyncset.done $0x0  }
0x278: {  	s5 =	sld [smem:$0x7B4];
	[sflag:s1] =	ssyncadd.s32 $0xFFFFFFB0  }
0x279: {  	[tilespmem:s12], [sflag:$0x1] =	stream.linear.gather [hbm4b:s0+s3], $0x50, $0x38;
	[tilespmem:$0xD80] =	vst v63  }
0x27a: {  	s0 =	sld [smem:$0x7B5]  }
0x27b: {  	[tilespmem:s13], [sflag:$0x1] =	stream.linear.gather [hbm4b:s5+s3], $0x50, $0x38;
	[tilespmem:$0xD80] =	vst v63  }
0x27c: {  	s5 =	sld [smem:$0x7B6]  }
0x27d: {  	[tilespmem:s14], [sflag:$0x1] =	stream.linear.gather [hbm4b:s0+s3], $0x50, $0x38;
	[tilespmem:$0xD80] =	vst v63  }
0x27e: {  	s0 =	sld [smem:$0x7B7]  }
0x27f: {  	[tilespmem:s15], [sflag:$0x1] =	stream.linear.gather [hbm4b:s5+s3], $0x50, $0x38;
	[tilespmem:$0xD80] =	vst v63  }
0x280: {  	s5 =	sld [smem:$0x7B8]  }
0x281: {  	[tilespmem:s16], [sflag:$0x1] =	stream.linear.gather [hbm4b:s0+s3], $0x50, $0x38;
	[tilespmem:$0xD80] =	vst v63  }
0x282: {  	s0 =	sld [smem:$0x7B9]  }
0x283: {  	[tilespmem:s17], [sflag:$0x1] =	stream.linear.gather [hbm4b:s5+s3], $0x50, $0x38;
	[tilespmem:$0xD80] =	vst v63  }
0x284: {  	s5 =	sld [smem:$0x7BA]  }
0x285: {  	[tilespmem:s18], [sflag:$0x1] =	stream.linear.gather [hbm4b:s0+s3], $0x50, $0x38;
	[tilespmem:$0xD80] =	vst v63  }
0x286: {  	s0 =	sld [smem:$0x7BB]  }
0x287: {  	[tilespmem:s19], [sflag:$0x1] =	stream.linear.gather [hbm4b:s5+s3], $0x50, $0x38;
	[tilespmem:$0xD80] =	vst v63  }
0x288: {  	s5 =	sld [smem:$0x7BC]  }
0x289: {  	[tilespmem:s20], [sflag:$0x1] =	stream.linear.gather [hbm4b:s0+s3], $0x50, $0x38;
	[tilespmem:$0xD80] =	vst v63  }
0x28a: {  	s0 =	sld [smem:$0x7BD]  }
0x28b: {  	[tilespmem:s21], [sflag:$0x1] =	stream.linear.gather [hbm4b:s5+s3], $0x50, $0x38;
	[tilespmem:$0xD80] =	vst v63  }
0x28c: {  	s5 =	sld [smem:$0x7BE]  }
0x28d: {  	[tilespmem:s22], [sflag:$0x1] =	stream.linear.gather [hbm4b:s0+s3], $0x50, $0x38;
	[tilespmem:$0xD80] =	vst v63  }
0x28e: {  	s0 =	sld [smem:$0x7BF]  }
0x28f: {  	[tilespmem:s23], [sflag:$0x1] =	stream.linear.gather [hbm4b:s5+s3], $0x50, $0x38;
	[tilespmem:$0xD80] =	vst v63  }
0x290: {  	s5 =	sld [smem:$0x7C0]  }
0x291: {  	[tilespmem:s24], [sflag:$0x1] =	stream.linear.gather [hbm4b:s0+s3], $0x50, $0x38;
	[tilespmem:$0xD80] =	vst v63  }
0x292: {  	s0 =	sld [smem:$0x7C1]  }
0x293: {  	[tilespmem:s25], [sflag:$0x1] =	stream.linear.gather [hbm4b:s5+s3], $0x50, $0x38;
	[tilespmem:$0xD80] =	vst v63  }
0x294: {  	s5 =	sld [smem:$0x7C2]  }
0x295: {  	[tilespmem:s26], [sflag:$0x1] =	stream.linear.gather [hbm4b:s0+s3], $0x50, $0x38;
	[tilespmem:$0xD80] =	vst v63  }
0x296: {  	_ = 	snop  }
0x297: {  	[tilespmem:s28], [sflag:$0x1] =	stream.linear.gather [hbm4b:s5+s3], $0x50, $0x38;
	[tilespmem:$0xD80] =	vst v63  }
0x298: {  	_ =	swait.ge [sflag:s29], $0x50  }
0x299: {  	[sflag:s29] =	ssyncset.done $0x0  }
0x29a: {  	[sflag:s29] =	ssyncadd.s32 $0xFFFFFFB0  }
0x29b: {  	_ =	swait.ge [sflag:s29], $0x50  }
0x29c: {  	[sflag:s29] =	ssyncset.done $0x0  }
0x29d: {  	[sflag:s29] =	ssyncadd.s32 $0xFFFFFFB0  }
0x29e: {  	_ =	swait.ge [sflag:s29], $0x50  }
0x29f: {  	[sflag:s29] =	ssyncset.done $0x0  }
0x2a0: {  	[sflag:s29] =	ssyncadd.s32 $0xFFFFFFB0  }
0x2a1: {  	_ =	swait.ge [sflag:s29], $0x50  }
0x2a2: {  	[sflag:s29] =	ssyncset.done $0x0  }
0x2a3: {  	[sflag:s29] =	ssyncadd.s32 $0xFFFFFFB0  }
0x2a4: {  	_ =	swait.ge [sflag:s29], $0x50  }
0x2a5: {  	[sflag:s29] =	ssyncset.done $0x0  }
0x2a6: {  	[sflag:s29] =	ssyncadd.s32 $0xFFFFFFB0  }
0x2a7: {  	_ =	swait.ge [sflag:s29], $0x50  }
0x2a8: {  	[sflag:s29] =	ssyncset.done $0x0  }
0x2a9: {  	[sflag:s29] =	ssyncadd.s32 $0xFFFFFFB0  }
0x2aa: {  	_ =	swait.ge [sflag:s29], $0x50  }
0x2ab: {  	[sflag:s29] =	ssyncset.done $0x0  }
0x2ac: {  	[sflag:s29] =	ssyncadd.s32 $0xFFFFFFB0  }
0x2ad: {  	_ =	swait.ge [sflag:s29], $0x50  }
0x2ae: {  	[sflag:s29] =	ssyncset.done $0x0  }
0x2af: {  	[sflag:s29] =	ssyncadd.s32 $0xFFFFFFB0  }
0x2b0: {  	_ =	swait.ge [sflag:s29], $0x50  }
0x2b1: {  	[sflag:s29] =	ssyncset.done $0x0  }
0x2b2: {  	[sflag:s29] =	ssyncadd.s32 $0xFFFFFFB0  }
0x2b3: {  	_ =	swait.ge [sflag:s29], $0x50  }
0x2b4: {  	[sflag:s29] =	ssyncset.done $0x0  }
0x2b5: {  	[sflag:s29] =	ssyncadd.s32 $0xFFFFFFB0  }
0x2b6: {  	_ =	swait.ge [sflag:s29], $0x50  }
0x2b7: {  	[sflag:s29] =	ssyncset.done $0x0  }
0x2b8: {  	[sflag:s29] =	ssyncadd.s32 $0xFFFFFFB0  }
0x2b9: {  	_ =	swait.ge [sflag:s29], $0x50  }
0x2ba: {  	[sflag:s29] =	ssyncset.done $0x0  }
0x2bb: {  	[sflag:s29] =	ssyncadd.s32 $0xFFFFFFB0  }
0x2bc: {  	_ =	swait.ge [sflag:s29], $0x50  }
0x2bd: {  	[sflag:s29] =	ssyncset.done $0x0  }
0x2be: {  	[sflag:s29] =	ssyncadd.s32 $0xFFFFFFB0  }
0x2bf: {  	_ =	swait.ge [sflag:s29], $0x50  }
0x2c0: {  	[sflag:s29] =	ssyncset.done $0x0  }
0x2c1: {  	[sflag:s29] =	ssyncadd.s32 $0xFFFFFFB0  }
0x2c2: {  	_ =	swait.ge [sflag:s29], $0x50  }
0x2c3: {  	[sflag:s29] =	ssyncset.done $0x0  }
0x2c4: {  	[sflag:s29] =	ssyncadd.s32 $0xFFFFFFB0  }
0x2c5: {  	_ =	swait.ge [sflag:s29], $0x50  }
0x2c6: {  	[sflag:s29] =	ssyncset.done $0x0  }
0x2c7: {  	[sflag:s29] =	ssyncadd.s32 $0xFFFFFFB0  }
0x2c8: {  	[spmem:s2] =	stream.indirect.scatter.add.f32 [tilespmem:s31], [sflag:$0x2], $0x1, s12, s30, $0xb8;
	[tilespmem:$0xD80] =	vst v63  }
0x2c9: {  	_ = 	snop  }
0x2ca: {  	[spmem:s2] =	stream.indirect.scatter.add.f32 [tilespmem:s31], [sflag:$0x2], $0x1, s13, s30, $0xb8;
	[tilespmem:$0xD80] =	vst v63  }
0x2cb: {  	_ = 	snop  }
0x2cc: {  	[spmem:s2] =	stream.indirect.scatter.add.f32 [tilespmem:s31], [sflag:$0x2], $0x1, s14, s30, $0xb8;
	[tilespmem:$0xD80] =	vst v63  }
0x2cd: {  	_ = 	snop  }
0x2ce: {  	[spmem:s2] =	stream.indirect.scatter.add.f32 [tilespmem:s31], [sflag:$0x2], $0x1, s15, s30, $0xb8;
	[tilespmem:$0xD80] =	vst v63  }
0x2cf: {  	_ = 	snop  }
0x2d0: {  	[spmem:s2] =	stream.indirect.scatter.add.f32 [tilespmem:s31], [sflag:$0x2], $0x1, s16, s30, $0xb8;
	[tilespmem:$0xD80] =	vst v63  }
0x2d1: {  	_ = 	snop  }
0x2d2: {  	[spmem:s2] =	stream.indirect.scatter.add.f32 [tilespmem:s31], [sflag:$0x2], $0x1, s17, s30, $0xb8;
	[tilespmem:$0xD80] =	vst v63  }
0x2d3: {  	_ = 	snop  }
0x2d4: {  	[spmem:s2] =	stream.indirect.scatter.add.f32 [tilespmem:s31], [sflag:$0x2], $0x1, s18, s30, $0xb8;
	[tilespmem:$0xD80] =	vst v63  }
0x2d5: {  	_ = 	snop  }
0x2d6: {  	[spmem:s2] =	stream.indirect.scatter.add.f32 [tilespmem:s31], [sflag:$0x2], $0x1, s19, s30, $0xb8;
	[tilespmem:$0xD80] =	vst v63  }
0x2d7: {  	_ = 	snop  }
0x2d8: {  	[spmem:s2] =	stream.indirect.scatter.add.f32 [tilespmem:s31], [sflag:$0x2], $0x1, s20, s30, $0xb8;
	[tilespmem:$0xD80] =	vst v63  }
0x2d9: {  	_ = 	snop  }
0x2da: {  	[spmem:s2] =	stream.indirect.scatter.add.f32 [tilespmem:s31], [sflag:$0x2], $0x1, s21, s30, $0xb8;
	[tilespmem:$0xD80] =	vst v63  }
0x2db: {  	_ = 	snop  }
0x2dc: {  	[spmem:s2] =	stream.indirect.scatter.add.f32 [tilespmem:s31], [sflag:$0x2], $0x1, s22, s30, $0xb8;
	[tilespmem:$0xD80] =	vst v63  }
0x2dd: {  	_ = 	snop  }
0x2de: {  	[spmem:s2] =	stream.indirect.scatter.add.f32 [tilespmem:s31], [sflag:$0x2], $0x1, s23, s30, $0xb8;
	[tilespmem:$0xD80] =	vst v63  }
0x2df: {  	_ = 	snop  }
0x2e0: {  	[spmem:s2] =	stream.indirect.scatter.add.f32 [tilespmem:s31], [sflag:$0x2], $0x1, s24, s30, $0xb8;
	[tilespmem:$0xD80] =	vst v63  }
0x2e1: {  	_ = 	snop  }
0x2e2: {  	[spmem:s2] =	stream.indirect.scatter.add.f32 [tilespmem:s31], [sflag:$0x2], $0x1, s25, s30, $0xb8;
	[tilespmem:$0xD80] =	vst v63  }
0x2e3: {  	_ = 	snop  }
0x2e4: {  	[spmem:s2] =	stream.indirect.scatter.add.f32 [tilespmem:s31], [sflag:$0x2], $0x1, s26, s30, $0xb8;
	[tilespmem:$0xD80] =	vst v63  }
0x2e5: {  	_ = 	snop  }
0x2e6: {  	[spmem:s2] =	stream.indirect.scatter.add.f32 [tilespmem:s31], [sflag:$0x2], $0x1, s28, s30, $0xb8;
	[tilespmem:$0xD80] =	vst v63  }
0x2e7: {  	_ =	swait.ge [sflag:s1], $0x50  }
0x2e8: {  	[sflag:s1] =	ssyncset.done $0x0  }
0x2e9: {  	[sflag:s1] =	ssyncadd.s32 $0xFFFFFFB0  }
0x2ea: {  	_ =	swait.ge [sflag:s1], $0x50  }
0x2eb: {  	[sflag:s1] =	ssyncset.done $0x0  }
0x2ec: {  	[sflag:s1] =	ssyncadd.s32 $0xFFFFFFB0  }
0x2ed: {  	_ =	swait.ge [sflag:s1], $0x50  }
0x2ee: {  	[sflag:s1] =	ssyncset.done $0x0  }
0x2ef: {  	[sflag:s1] =	ssyncadd.s32 $0xFFFFFFB0  }
0x2f0: {  	_ =	swait.ge [sflag:s1], $0x50  }
0x2f1: {  	[sflag:s1] =	ssyncset.done $0x0  }
0x2f2: {  	[sflag:s1] =	ssyncadd.s32 $0xFFFFFFB0  }
0x2f3: {  	_ =	swait.ge [sflag:s1], $0x50  }
0x2f4: {  	[sflag:s1] =	ssyncset.done $0x0  }
0x2f5: {  	[sflag:s1] =	ssyncadd.s32 $0xFFFFFFB0  }
0x2f6: {  	_ =	swait.ge [sflag:s1], $0x50  }
0x2f7: {  	[sflag:s1] =	ssyncset.done $0x0  }
0x2f8: {  	[sflag:s1] =	ssyncadd.s32 $0xFFFFFFB0  }
0x2f9: {  	_ =	swait.ge [sflag:s1], $0x50  }
0x2fa: {  	[sflag:s1] =	ssyncset.done $0x0  }
0x2fb: {  	[sflag:s1] =	ssyncadd.s32 $0xFFFFFFB0  }
0x2fc: {  	_ =	swait.ge [sflag:s1], $0x50  }
0x2fd: {  	[sflag:s1] =	ssyncset.done $0x0  }
0x2fe: {  	[sflag:s1] =	ssyncadd.s32 $0xFFFFFFB0  }
0x2ff: {  	_ =	swait.ge [sflag:s1], $0x50  }
0x300: {  	[sflag:s1] =	ssyncset.done $0x0  }
0x301: {  	[sflag:s1] =	ssyncadd.s32 $0xFFFFFFB0  }
0x302: {  	_ =	swait.ge [sflag:s1], $0x50  }
0x303: {  	[sflag:s1] =	ssyncset.done $0x0  }
0x304: {  	[sflag:s1] =	ssyncadd.s32 $0xFFFFFFB0  }
0x305: {  	_ =	swait.ge [sflag:s1], $0x50  }
0x306: {  	[sflag:s1] =	ssyncset.done $0x0  }
0x307: {  	[sflag:s1] =	ssyncadd.s32 $0xFFFFFFB0  }
0x308: {  	_ =	swait.ge [sflag:s1], $0x50  }
0x309: {  	[sflag:s1] =	ssyncset.done $0x0  }
0x30a: {  	[sflag:s1] =	ssyncadd.s32 $0xFFFFFFB0  }
0x30b: {  	_ =	swait.ge [sflag:s1], $0x50  }
0x30c: {  	[sflag:s1] =	ssyncset.done $0x0  }
0x30d: {  	[sflag:s1] =	ssyncadd.s32 $0xFFFFFFB0  }
0x30e: {  	_ =	swait.ge [sflag:s1], $0x50  }
0x30f: {  	[sflag:s1] =	ssyncset.done $0x0  }
0x310: {  	[sflag:s1] =	ssyncadd.s32 $0xFFFFFFB0  }
0x311: {  	_ =	swait.ge [sflag:s1], $0x50  }
0x312: {  	[sflag:s1] =	ssyncset.done $0x0  }
0x313: {  	[sflag:s1] =	ssyncadd.s32 $0xFFFFFFB0  }
0x314: {  	_ =	swait.ge [sflag:s1], $0x50  }
0x315: {  	s0 =	sld [smem:$0x7C3]  }
0x316: {  	[sflag:s1] =	ssyncset.done $0x0  }
0x317: {  	s5 =	sld [smem:$0x7C4];
	[sflag:s1] =	ssyncadd.s32 $0xFFFFFFB0  }
0x318: {  	[tilespmem:s12], [sflag:$0x1] =	stream.linear.gather [hbm4b:s0+s3], $0x50, $0x38;
	[tilespmem:$0xD80] =	vst v63  }
0x319: {  	s0 =	sld [smem:$0x7C5]  }
0x31a: {  	[tilespmem:s13], [sflag:$0x1] =	stream.linear.gather [hbm4b:s5+s3], $0x50, $0x38;
	[tilespmem:$0xD80] =	vst v63  }
0x31b: {  	s5 =	sld [smem:$0x7C6]  }
0x31c: {  	[tilespmem:s14], [sflag:$0x1] =	stream.linear.gather [hbm4b:s0+s3], $0x50, $0x38;
	[tilespmem:$0xD80] =	vst v63  }
0x31d: {  	s0 =	sld [smem:$0x7C7]  }
0x31e: {  	[tilespmem:s15], [sflag:$0x1] =	stream.linear.gather [hbm4b:s5+s3], $0x50, $0x38;
	[tilespmem:$0xD80] =	vst v63  }
0x31f: {  	s5 =	sld [smem:$0x7C8]  }
0x320: {  	[tilespmem:s16], [sflag:$0x1] =	stream.linear.gather [hbm4b:s0+s3], $0x50, $0x38;
	[tilespmem:$0xD80] =	vst v63  }
0x321: {  	s0 =	sld [smem:$0x7C9]  }
0x322: {  	[tilespmem:s17], [sflag:$0x1] =	stream.linear.gather [hbm4b:s5+s3], $0x50, $0x38;
	[tilespmem:$0xD80] =	vst v63  }
0x323: {  	s5 =	sld [smem:$0x7CA]  }
0x324: {  	[tilespmem:s18], [sflag:$0x1] =	stream.linear.gather [hbm4b:s0+s3], $0x50, $0x38;
	[tilespmem:$0xD80] =	vst v63  }
0x325: {  	s0 =	sld [smem:$0x7CB]  }
0x326: {  	[tilespmem:s19], [sflag:$0x1] =	stream.linear.gather [hbm4b:s5+s3], $0x50, $0x38;
	[tilespmem:$0xD80] =	vst v63  }
0x327: {  	s5 =	sld [smem:$0x7CC]  }
0x328: {  	[tilespmem:s20], [sflag:$0x1] =	stream.linear.gather [hbm4b:s0+s3], $0x50, $0x38;
	[tilespmem:$0xD80] =	vst v63  }
0x329: {  	s0 =	sld [smem:$0x7CD]  }
0x32a: {  	[tilespmem:s21], [sflag:$0x1] =	stream.linear.gather [hbm4b:s5+s3], $0x50, $0x38;
	[tilespmem:$0xD80] =	vst v63  }
0x32b: {  	s5 =	sld [smem:$0x7CE]  }
0x32c: {  	[tilespmem:s22], [sflag:$0x1] =	stream.linear.gather [hbm4b:s0+s3], $0x50, $0x38;
	[tilespmem:$0xD80] =	vst v63  }
0x32d: {  	s0 =	sld [smem:$0x7CF]  }
0x32e: {  	[tilespmem:s23], [sflag:$0x1] =	stream.linear.gather [hbm4b:s5+s3], $0x50, $0x38;
	[tilespmem:$0xD80] =	vst v63  }
0x32f: {  	s5 =	sld [smem:$0x7D0]  }
0x330: {  	[tilespmem:s24], [sflag:$0x1] =	stream.linear.gather [hbm4b:s0+s3], $0x50, $0x38;
	[tilespmem:$0xD80] =	vst v63  }
0x331: {  	s0 =	sld [smem:$0x7D1]  }
0x332: {  	[tilespmem:s25], [sflag:$0x1] =	stream.linear.gather [hbm4b:s5+s3], $0x50, $0x38;
	[tilespmem:$0xD80] =	vst v63  }
0x333: {  	s5 =	sld [smem:$0x7D2]  }
0x334: {  	[tilespmem:s26], [sflag:$0x1] =	stream.linear.gather [hbm4b:s0+s3], $0x50, $0x38;
	[tilespmem:$0xD80] =	vst v63  }
0x335: {  	_ = 	snop  }
0x336: {  	[tilespmem:s28], [sflag:$0x1] =	stream.linear.gather [hbm4b:s5+s3], $0x50, $0x38;
	[tilespmem:$0xD80] =	vst v63  }
0x337: {  	_ =	swait.ge [sflag:s29], $0x50  }
0x338: {  	[sflag:s29] =	ssyncset.done $0x0  }
0x339: {  	[sflag:s29] =	ssyncadd.s32 $0xFFFFFFB0  }
0x33a: {  	_ =	swait.ge [sflag:s29], $0x50  }
0x33b: {  	[sflag:s29] =	ssyncset.done $0x0  }
0x33c: {  	[sflag:s29] =	ssyncadd.s32 $0xFFFFFFB0  }
0x33d: {  	_ =	swait.ge [sflag:s29], $0x50  }
0x33e: {  	[sflag:s29] =	ssyncset.done $0x0  }
0x33f: {  	[sflag:s29] =	ssyncadd.s32 $0xFFFFFFB0  }
0x340: {  	_ =	swait.ge [sflag:s29], $0x50  }
0x341: {  	[sflag:s29] =	ssyncset.done $0x0  }
0x342: {  	[sflag:s29] =	ssyncadd.s32 $0xFFFFFFB0  }
0x343: {  	_ =	swait.ge [sflag:s29], $0x50  }
0x344: {  	[sflag:s29] =	ssyncset.done $0x0  }
0x345: {  	[sflag:s29] =	ssyncadd.s32 $0xFFFFFFB0  }
0x346: {  	_ =	swait.ge [sflag:s29], $0x50  }
0x347: {  	[sflag:s29] =	ssyncset.done $0x0  }
0x348: {  	[sflag:s29] =	ssyncadd.s32 $0xFFFFFFB0  }
0x349: {  	_ =	swait.ge [sflag:s29], $0x50  }
0x34a: {  	[sflag:s29] =	ssyncset.done $0x0  }
0x34b: {  	[sflag:s29] =	ssyncadd.s32 $0xFFFFFFB0  }
0x34c: {  	_ =	swait.ge [sflag:s29], $0x50  }
0x34d: {  	[sflag:s29] =	ssyncset.done $0x0  }
0x34e: {  	[sflag:s29] =	ssyncadd.s32 $0xFFFFFFB0  }
0x34f: {  	_ =	swait.ge [sflag:s29], $0x50  }
0x350: {  	[sflag:s29] =	ssyncset.done $0x0  }
0x351: {  	[sflag:s29] =	ssyncadd.s32 $0xFFFFFFB0  }
0x352: {  	_ =	swait.ge [sflag:s29], $0x50  }
0x353: {  	[sflag:s29] =	ssyncset.done $0x0  }
0x354: {  	[sflag:s29] =	ssyncadd.s32 $0xFFFFFFB0  }
0x355: {  	_ =	swait.ge [sflag:s29], $0x50  }
0x356: {  	[sflag:s29] =	ssyncset.done $0x0  }
0x357: {  	[sflag:s29] =	ssyncadd.s32 $0xFFFFFFB0  }
0x358: {  	_ =	swait.ge [sflag:s29], $0x50  }
0x359: {  	[sflag:s29] =	ssyncset.done $0x0  }
0x35a: {  	[sflag:s29] =	ssyncadd.s32 $0xFFFFFFB0  }
0x35b: {  	_ =	swait.ge [sflag:s29], $0x50  }
0x35c: {  	[sflag:s29] =	ssyncset.done $0x0  }
0x35d: {  	[sflag:s29] =	ssyncadd.s32 $0xFFFFFFB0  }
0x35e: {  	_ =	swait.ge [sflag:s29], $0x50  }
0x35f: {  	[sflag:s29] =	ssyncset.done $0x0  }
0x360: {  	[sflag:s29] =	ssyncadd.s32 $0xFFFFFFB0  }
0x361: {  	_ =	swait.ge [sflag:s29], $0x50  }
0x362: {  	[sflag:s29] =	ssyncset.done $0x0  }
0x363: {  	[sflag:s29] =	ssyncadd.s32 $0xFFFFFFB0  }
0x364: {  	_ =	swait.ge [sflag:s29], $0x50  }
0x365: {  	[sflag:s29] =	ssyncset.done $0x0  }
0x366: {  	[sflag:s29] =	ssyncadd.s32 $0xFFFFFFB0  }
0x367: {  	[spmem:s2] =	stream.indirect.scatter.add.f32 [tilespmem:s31], [sflag:$0x2], $0x1, s12, s30, $0xb8;
	[tilespmem:$0xD80] =	vst v63  }
0x368: {  	_ = 	snop  }
0x369: {  	[spmem:s2] =	stream.indirect.scatter.add.f32 [tilespmem:s31], [sflag:$0x2], $0x1, s13, s30, $0xb8;
	[tilespmem:$0xD80] =	vst v63  }
0x36a: {  	_ = 	snop  }
0x36b: {  	[spmem:s2] =	stream.indirect.scatter.add.f32 [tilespmem:s31], [sflag:$0x2], $0x1, s14, s30, $0xb8;
	[tilespmem:$0xD80] =	vst v63  }
0x36c: {  	_ = 	snop  }
0x36d: {  	[spmem:s2] =	stream.indirect.scatter.add.f32 [tilespmem:s31], [sflag:$0x2], $0x1, s15, s30, $0xb8;
	[tilespmem:$0xD80] =	vst v63  }
0x36e: {  	_ = 	snop  }
0x36f: {  	[spmem:s2] =	stream.indirect.scatter.add.f32 [tilespmem:s31], [sflag:$0x2], $0x1, s16, s30, $0xb8;
	[tilespmem:$0xD80] =	vst v63  }
0x370: {  	_ = 	snop  }
0x371: {  	[spmem:s2] =	stream.indirect.scatter.add.f32 [tilespmem:s31], [sflag:$0x2], $0x1, s17, s30, $0xb8;
	[tilespmem:$0xD80] =	vst v63  }
0x372: {  	_ = 	snop  }
0x373: {  	[spmem:s2] =	stream.indirect.scatter.add.f32 [tilespmem:s31], [sflag:$0x2], $0x1, s18, s30, $0xb8;
	[tilespmem:$0xD80] =	vst v63  }
0x374: {  	_ = 	snop  }
0x375: {  	[spmem:s2] =	stream.indirect.scatter.add.f32 [tilespmem:s31], [sflag:$0x2], $0x1, s19, s30, $0xb8;
	[tilespmem:$0xD80] =	vst v63  }
0x376: {  	_ = 	snop  }
0x377: {  	[spmem:s2] =	stream.indirect.scatter.add.f32 [tilespmem:s31], [sflag:$0x2], $0x1, s20, s30, $0xb8;
	[tilespmem:$0xD80] =	vst v63  }
0x378: {  	_ = 	snop  }
0x379: {  	[spmem:s2] =	stream.indirect.scatter.add.f32 [tilespmem:s31], [sflag:$0x2], $0x1, s21, s30, $0xb8;
	[tilespmem:$0xD80] =	vst v63  }
0x37a: {  	_ = 	snop  }
0x37b: {  	[spmem:s2] =	stream.indirect.scatter.add.f32 [tilespmem:s31], [sflag:$0x2], $0x1, s22, s30, $0xb8;
	[tilespmem:$0xD80] =	vst v63  }
0x37c: {  	_ = 	snop  }
0x37d: {  	[spmem:s2] =	stream.indirect.scatter.add.f32 [tilespmem:s31], [sflag:$0x2], $0x1, s23, s30, $0xb8;
	[tilespmem:$0xD80] =	vst v63  }
0x37e: {  	_ = 	snop  }
0x37f: {  	[spmem:s2] =	stream.indirect.scatter.add.f32 [tilespmem:s31], [sflag:$0x2], $0x1, s24, s30, $0xb8;
	[tilespmem:$0xD80] =	vst v63  }
0x380: {  	_ = 	snop  }
0x381: {  	[spmem:s2] =	stream.indirect.scatter.add.f32 [tilespmem:s31], [sflag:$0x2], $0x1, s25, s30, $0xb8;
	[tilespmem:$0xD80] =	vst v63  }
0x382: {  	_ = 	snop  }
0x383: {  	[spmem:s2] =	stream.indirect.scatter.add.f32 [tilespmem:s31], [sflag:$0x2], $0x1, s26, s30, $0xb8;
	[tilespmem:$0xD80] =	vst v63  }
0x384: {  	_ = 	snop  }
0x385: {  	[spmem:s2] =	stream.indirect.scatter.add.f32 [tilespmem:s31], [sflag:$0x2], $0x1, s28, s30, $0xb8;
	[tilespmem:$0xD80] =	vst v63  }
0x386: {  	_ =	swait.ge [sflag:s1], $0x50  }
0x387: {  	[sflag:s1] =	ssyncset.done $0x0  }
0x388: {  	[sflag:s1] =	ssyncadd.s32 $0xFFFFFFB0  }
0x389: {  	_ =	swait.ge [sflag:s1], $0x50  }
0x38a: {  	[sflag:s1] =	ssyncset.done $0x0  }
0x38b: {  	[sflag:s1] =	ssyncadd.s32 $0xFFFFFFB0  }
0x38c: {  	_ =	swait.ge [sflag:s1], $0x50  }
0x38d: {  	[sflag:s1] =	ssyncset.done $0x0  }
0x38e: {  	[sflag:s1] =	ssyncadd.s32 $0xFFFFFFB0  }
0x38f: {  	_ =	swait.ge [sflag:s1], $0x50  }
0x390: {  	[sflag:s1] =	ssyncset.done $0x0  }
0x391: {  	[sflag:s1] =	ssyncadd.s32 $0xFFFFFFB0  }
0x392: {  	_ =	swait.ge [sflag:s1], $0x50  }
0x393: {  	[sflag:s1] =	ssyncset.done $0x0  }
0x394: {  	[sflag:s1] =	ssyncadd.s32 $0xFFFFFFB0  }
0x395: {  	_ =	swait.ge [sflag:s1], $0x50  }
0x396: {  	[sflag:s1] =	ssyncset.done $0x0  }
0x397: {  	[sflag:s1] =	ssyncadd.s32 $0xFFFFFFB0  }
0x398: {  	_ =	swait.ge [sflag:s1], $0x50  }
0x399: {  	[sflag:s1] =	ssyncset.done $0x0  }
0x39a: {  	[sflag:s1] =	ssyncadd.s32 $0xFFFFFFB0  }
0x39b: {  	_ =	swait.ge [sflag:s1], $0x50  }
0x39c: {  	[sflag:s1] =	ssyncset.done $0x0  }
0x39d: {  	[sflag:s1] =	ssyncadd.s32 $0xFFFFFFB0  }
0x39e: {  	_ =	swait.ge [sflag:s1], $0x50  }
0x39f: {  	[sflag:s1] =	ssyncset.done $0x0  }
0x3a0: {  	[sflag:s1] =	ssyncadd.s32 $0xFFFFFFB0  }
0x3a1: {  	_ =	swait.ge [sflag:s1], $0x50  }
0x3a2: {  	[sflag:s1] =	ssyncset.done $0x0  }
0x3a3: {  	[sflag:s1] =	ssyncadd.s32 $0xFFFFFFB0  }
0x3a4: {  	_ =	swait.ge [sflag:s1], $0x50  }
0x3a5: {  	[sflag:s1] =	ssyncset.done $0x0  }
0x3a6: {  	[sflag:s1] =	ssyncadd.s32 $0xFFFFFFB0  }
0x3a7: {  	_ =	swait.ge [sflag:s1], $0x50  }
0x3a8: {  	[sflag:s1] =	ssyncset.done $0x0  }
0x3a9: {  	[sflag:s1] =	ssyncadd.s32 $0xFFFFFFB0  }
0x3aa: {  	_ =	swait.ge [sflag:s1], $0x50  }
0x3ab: {  	[sflag:s1] =	ssyncset.done $0x0  }
0x3ac: {  	[sflag:s1] =	ssyncadd.s32 $0xFFFFFFB0  }
0x3ad: {  	_ =	swait.ge [sflag:s1], $0x50  }
0x3ae: {  	[sflag:s1] =	ssyncset.done $0x0  }
0x3af: {  	[sflag:s1] =	ssyncadd.s32 $0xFFFFFFB0  }
0x3b0: {  	_ =	swait.ge [sflag:s1], $0x50  }
0x3b1: {  	[sflag:s1] =	ssyncset.done $0x0  }
0x3b2: {  	[sflag:s1] =	ssyncadd.s32 $0xFFFFFFB0  }
0x3b3: {  	_ =	swait.ge [sflag:s1], $0x50  }
0x3b4: {  	s0 =	sld [smem:$0x7D3]  }
0x3b5: {  	[sflag:s1] =	ssyncset.done $0x0  }
0x3b6: {  	s5 =	sld [smem:$0x7D4];
	[sflag:s1] =	ssyncadd.s32 $0xFFFFFFB0  }
0x3b7: {  	[tilespmem:s12], [sflag:$0x1] =	stream.linear.gather [hbm4b:s0+s3], $0x50, $0x38;
	[tilespmem:$0xD80] =	vst v63  }
0x3b8: {  	s0 =	sld [smem:$0x7D5]  }
0x3b9: {  	[tilespmem:s13], [sflag:$0x1] =	stream.linear.gather [hbm4b:s5+s3], $0x50, $0x38;
	[tilespmem:$0xD80] =	vst v63  }
0x3ba: {  	s5 =	sld [smem:$0x7D6]  }
0x3bb: {  	[tilespmem:s14], [sflag:$0x1] =	stream.linear.gather [hbm4b:s0+s3], $0x50, $0x38;
	[tilespmem:$0xD80] =	vst v63  }
0x3bc: {  	s0 =	sld [smem:$0x7D7]  }
0x3bd: {  	[tilespmem:s15], [sflag:$0x1] =	stream.linear.gather [hbm4b:s5+s3], $0x50, $0x38;
	[tilespmem:$0xD80] =	vst v63  }
0x3be: {  	s5 =	sld [smem:$0x7D8]  }
0x3bf: {  	[tilespmem:s16], [sflag:$0x1] =	stream.linear.gather [hbm4b:s0+s3], $0x50, $0x38;
	[tilespmem:$0xD80] =	vst v63  }
0x3c0: {  	s0 =	sld [smem:$0x7D9]  }
0x3c1: {  	[tilespmem:s17], [sflag:$0x1] =	stream.linear.gather [hbm4b:s5+s3], $0x50, $0x38;
	[tilespmem:$0xD80] =	vst v63  }
0x3c2: {  	s5 =	sld [smem:$0x7DA]  }
0x3c3: {  	[tilespmem:s18], [sflag:$0x1] =	stream.linear.gather [hbm4b:s0+s3], $0x50, $0x38;
	[tilespmem:$0xD80] =	vst v63  }
0x3c4: {  	s0 =	sld [smem:$0x7DB]  }
0x3c5: {  	[tilespmem:s19], [sflag:$0x1] =	stream.linear.gather [hbm4b:s5+s3], $0x50, $0x38;
	[tilespmem:$0xD80] =	vst v63  }
0x3c6: {  	s5 =	sld [smem:$0x7DC]  }
0x3c7: {  	[tilespmem:s20], [sflag:$0x1] =	stream.linear.gather [hbm4b:s0+s3], $0x50, $0x38;
	[tilespmem:$0xD80] =	vst v63  }
0x3c8: {  	s0 =	sld [smem:$0x7DD]  }
0x3c9: {  	[tilespmem:s21], [sflag:$0x1] =	stream.linear.gather [hbm4b:s5+s3], $0x50, $0x38;
	[tilespmem:$0xD80] =	vst v63  }
0x3ca: {  	s5 =	sld [smem:$0x7DE]  }
0x3cb: {  	[tilespmem:s22], [sflag:$0x1] =	stream.linear.gather [hbm4b:s0+s3], $0x50, $0x38;
	[tilespmem:$0xD80] =	vst v63  }
0x3cc: {  	s0 =	sld [smem:$0x7DF]  }
0x3cd: {  	[tilespmem:s23], [sflag:$0x1] =	stream.linear.gather [hbm4b:s5+s3], $0x50, $0x38;
	[tilespmem:$0xD80] =	vst v63  }
0x3ce: {  	s5 =	sld [smem:$0x7E0]  }
0x3cf: {  	[tilespmem:s24], [sflag:$0x1] =	stream.linear.gather [hbm4b:s0+s3], $0x50, $0x38;
	[tilespmem:$0xD80] =	vst v63  }
0x3d0: {  	s0 =	sld [smem:$0x7E1]  }
0x3d1: {  	[tilespmem:s25], [sflag:$0x1] =	stream.linear.gather [hbm4b:s5+s3], $0x50, $0x38;
	[tilespmem:$0xD80] =	vst v63  }
0x3d2: {  	s5 =	sld [smem:$0x7E2]  }
0x3d3: {  	[tilespmem:s26], [sflag:$0x1] =	stream.linear.gather [hbm4b:s0+s3], $0x50, $0x38;
	[tilespmem:$0xD80] =	vst v63  }
0x3d4: {  	_ = 	snop  }
0x3d5: {  	[tilespmem:s28], [sflag:$0x1] =	stream.linear.gather [hbm4b:s5+s3], $0x50, $0x38;
	[tilespmem:$0xD80] =	vst v63  }
0x3d6: {  	_ =	swait.ge [sflag:s29], $0x50  }
0x3d7: {  	[sflag:s29] =	ssyncset.done $0x0  }
0x3d8: {  	[sflag:s29] =	ssyncadd.s32 $0xFFFFFFB0  }
0x3d9: {  	_ =	swait.ge [sflag:s29], $0x50  }
0x3da: {  	[sflag:s29] =	ssyncset.done $0x0  }
0x3db: {  	[sflag:s29] =	ssyncadd.s32 $0xFFFFFFB0  }
0x3dc: {  	_ =	swait.ge [sflag:s29], $0x50  }
0x3dd: {  	[sflag:s29] =	ssyncset.done $0x0  }
0x3de: {  	[sflag:s29] =	ssyncadd.s32 $0xFFFFFFB0  }
0x3df: {  	_ =	swait.ge [sflag:s29], $0x50  }
0x3e0: {  	[sflag:s29] =	ssyncset.done $0x0  }
0x3e1: {  	[sflag:s29] =	ssyncadd.s32 $0xFFFFFFB0  }
0x3e2: {  	_ =	swait.ge [sflag:s29], $0x50  }
0x3e3: {  	[sflag:s29] =	ssyncset.done $0x0  }
0x3e4: {  	[sflag:s29] =	ssyncadd.s32 $0xFFFFFFB0  }
0x3e5: {  	_ =	swait.ge [sflag:s29], $0x50  }
0x3e6: {  	[sflag:s29] =	ssyncset.done $0x0  }
0x3e7: {  	[sflag:s29] =	ssyncadd.s32 $0xFFFFFFB0  }
0x3e8: {  	_ =	swait.ge [sflag:s29], $0x50  }
0x3e9: {  	[sflag:s29] =	ssyncset.done $0x0  }
0x3ea: {  	[sflag:s29] =	ssyncadd.s32 $0xFFFFFFB0  }
0x3eb: {  	_ =	swait.ge [sflag:s29], $0x50  }
0x3ec: {  	[sflag:s29] =	ssyncset.done $0x0  }
0x3ed: {  	[sflag:s29] =	ssyncadd.s32 $0xFFFFFFB0  }
0x3ee: {  	_ =	swait.ge [sflag:s29], $0x50  }
0x3ef: {  	[sflag:s29] =	ssyncset.done $0x0  }
0x3f0: {  	[sflag:s29] =	ssyncadd.s32 $0xFFFFFFB0  }
0x3f1: {  	_ =	swait.ge [sflag:s29], $0x50  }
0x3f2: {  	[sflag:s29] =	ssyncset.done $0x0  }
0x3f3: {  	[sflag:s29] =	ssyncadd.s32 $0xFFFFFFB0  }
0x3f4: {  	_ =	swait.ge [sflag:s29], $0x50  }
0x3f5: {  	[sflag:s29] =	ssyncset.done $0x0  }
0x3f6: {  	[sflag:s29] =	ssyncadd.s32 $0xFFFFFFB0  }
0x3f7: {  	_ =	swait.ge [sflag:s29], $0x50  }
0x3f8: {  	[sflag:s29] =	ssyncset.done $0x0  }
0x3f9: {  	[sflag:s29] =	ssyncadd.s32 $0xFFFFFFB0  }
0x3fa: {  	_ =	swait.ge [sflag:s29], $0x50  }
0x3fb: {  	[sflag:s29] =	ssyncset.done $0x0  }
0x3fc: {  	[sflag:s29] =	ssyncadd.s32 $0xFFFFFFB0  }
0x3fd: {  	_ =	swait.ge [sflag:s29], $0x50  }
0x3fe: {  	[sflag:s29] =	ssyncset.done $0x0  }
0x3ff: {  	[sflag:s29] =	ssyncadd.s32 $0xFFFFFFB0  }
0x400: {  	_ =	swait.ge [sflag:s29], $0x50  }
0x401: {  	[sflag:s29] =	ssyncset.done $0x0  }
0x402: {  	[sflag:s29] =	ssyncadd.s32 $0xFFFFFFB0  }
0x403: {  	_ =	swait.ge [sflag:s29], $0x50  }
0x404: {  	[sflag:s29] =	ssyncset.done $0x0  }
0x405: {  	[sflag:s29] =	ssyncadd.s32 $0xFFFFFFB0  }
0x406: {  	[spmem:s2] =	stream.indirect.scatter.add.f32 [tilespmem:s31], [sflag:$0x2], $0x1, s12, s30, $0xb8;
	[tilespmem:$0xD80] =	vst v63  }
0x407: {  	_ = 	snop  }
0x408: {  	[spmem:s2] =	stream.indirect.scatter.add.f32 [tilespmem:s31], [sflag:$0x2], $0x1, s13, s30, $0xb8;
	[tilespmem:$0xD80] =	vst v63  }
0x409: {  	_ = 	snop  }
0x40a: {  	[spmem:s2] =	stream.indirect.scatter.add.f32 [tilespmem:s31], [sflag:$0x2], $0x1, s14, s30, $0xb8;
	[tilespmem:$0xD80] =	vst v63  }
0x40b: {  	_ = 	snop  }
0x40c: {  	[spmem:s2] =	stream.indirect.scatter.add.f32 [tilespmem:s31], [sflag:$0x2], $0x1, s15, s30, $0xb8;
	[tilespmem:$0xD80] =	vst v63  }
0x40d: {  	_ = 	snop  }
0x40e: {  	[spmem:s2] =	stream.indirect.scatter.add.f32 [tilespmem:s31], [sflag:$0x2], $0x1, s16, s30, $0xb8;
	[tilespmem:$0xD80] =	vst v63  }
0x40f: {  	_ = 	snop  }
0x410: {  	[spmem:s2] =	stream.indirect.scatter.add.f32 [tilespmem:s31], [sflag:$0x2], $0x1, s17, s30, $0xb8;
	[tilespmem:$0xD80] =	vst v63  }
0x411: {  	_ = 	snop  }
0x412: {  	[spmem:s2] =	stream.indirect.scatter.add.f32 [tilespmem:s31], [sflag:$0x2], $0x1, s18, s30, $0xb8;
	[tilespmem:$0xD80] =	vst v63  }
0x413: {  	_ = 	snop  }
0x414: {  	[spmem:s2] =	stream.indirect.scatter.add.f32 [tilespmem:s31], [sflag:$0x2], $0x1, s19, s30, $0xb8;
	[tilespmem:$0xD80] =	vst v63  }
0x415: {  	_ = 	snop  }
0x416: {  	[spmem:s2] =	stream.indirect.scatter.add.f32 [tilespmem:s31], [sflag:$0x2], $0x1, s20, s30, $0xb8;
	[tilespmem:$0xD80] =	vst v63  }
0x417: {  	_ = 	snop  }
0x418: {  	[spmem:s2] =	stream.indirect.scatter.add.f32 [tilespmem:s31], [sflag:$0x2], $0x1, s21, s30, $0xb8;
	[tilespmem:$0xD80] =	vst v63  }
0x419: {  	_ = 	snop  }
0x41a: {  	[spmem:s2] =	stream.indirect.scatter.add.f32 [tilespmem:s31], [sflag:$0x2], $0x1, s22, s30, $0xb8;
	[tilespmem:$0xD80] =	vst v63  }
0x41b: {  	_ = 	snop  }
0x41c: {  	[spmem:s2] =	stream.indirect.scatter.add.f32 [tilespmem:s31], [sflag:$0x2], $0x1, s23, s30, $0xb8;
	[tilespmem:$0xD80] =	vst v63  }
0x41d: {  	_ = 	snop  }
0x41e: {  	[spmem:s2] =	stream.indirect.scatter.add.f32 [tilespmem:s31], [sflag:$0x2], $0x1, s24, s30, $0xb8;
	[tilespmem:$0xD80] =	vst v63  }
0x41f: {  	_ = 	snop  }
0x420: {  	[spmem:s2] =	stream.indirect.scatter.add.f32 [tilespmem:s31], [sflag:$0x2], $0x1, s25, s30, $0xb8;
	[tilespmem:$0xD80] =	vst v63  }
0x421: {  	_ = 	snop  }
0x422: {  	[spmem:s2] =	stream.indirect.scatter.add.f32 [tilespmem:s31], [sflag:$0x2], $0x1, s26, s30, $0xb8;
	[tilespmem:$0xD80] =	vst v63  }
0x423: {  	_ = 	snop  }
0x424: {  	[spmem:s2] =	stream.indirect.scatter.add.f32 [tilespmem:s31], [sflag:$0x2], $0x1, s28, s30, $0xb8;
	[tilespmem:$0xD80] =	vst v63  }
0x425: {  	_ =	swait.ge [sflag:s1], $0x50  }
0x426: {  	[sflag:s1] =	ssyncset.done $0x0  }
0x427: {  	[sflag:s1] =	ssyncadd.s32 $0xFFFFFFB0  }
0x428: {  	_ =	swait.ge [sflag:s1], $0x50  }
0x429: {  	[sflag:s1] =	ssyncset.done $0x0  }
0x42a: {  	[sflag:s1] =	ssyncadd.s32 $0xFFFFFFB0  }
0x42b: {  	_ =	swait.ge [sflag:s1], $0x50  }
0x42c: {  	[sflag:s1] =	ssyncset.done $0x0  }
0x42d: {  	[sflag:s1] =	ssyncadd.s32 $0xFFFFFFB0  }
0x42e: {  	_ =	swait.ge [sflag:s1], $0x50  }
0x42f: {  	[sflag:s1] =	ssyncset.done $0x0  }
0x430: {  	[sflag:s1] =	ssyncadd.s32 $0xFFFFFFB0  }
0x431: {  	_ =	swait.ge [sflag:s1], $0x50  }
0x432: {  	[sflag:s1] =	ssyncset.done $0x0  }
0x433: {  	[sflag:s1] =	ssyncadd.s32 $0xFFFFFFB0  }
0x434: {  	_ =	swait.ge [sflag:s1], $0x50  }
0x435: {  	[sflag:s1] =	ssyncset.done $0x0  }
0x436: {  	[sflag:s1] =	ssyncadd.s32 $0xFFFFFFB0  }
0x437: {  	_ =	swait.ge [sflag:s1], $0x50  }
0x438: {  	[sflag:s1] =	ssyncset.done $0x0  }
0x439: {  	[sflag:s1] =	ssyncadd.s32 $0xFFFFFFB0  }
0x43a: {  	_ =	swait.ge [sflag:s1], $0x50  }
0x43b: {  	[sflag:s1] =	ssyncset.done $0x0  }
0x43c: {  	[sflag:s1] =	ssyncadd.s32 $0xFFFFFFB0  }
0x43d: {  	_ =	swait.ge [sflag:s1], $0x50  }
0x43e: {  	[sflag:s1] =	ssyncset.done $0x0  }
0x43f: {  	[sflag:s1] =	ssyncadd.s32 $0xFFFFFFB0  }
0x440: {  	_ =	swait.ge [sflag:s1], $0x50  }
0x441: {  	[sflag:s1] =	ssyncset.done $0x0  }
0x442: {  	[sflag:s1] =	ssyncadd.s32 $0xFFFFFFB0  }
0x443: {  	_ =	swait.ge [sflag:s1], $0x50  }
0x444: {  	[sflag:s1] =	ssyncset.done $0x0  }
0x445: {  	[sflag:s1] =	ssyncadd.s32 $0xFFFFFFB0  }
0x446: {  	_ =	swait.ge [sflag:s1], $0x50  }
0x447: {  	[sflag:s1] =	ssyncset.done $0x0  }
0x448: {  	[sflag:s1] =	ssyncadd.s32 $0xFFFFFFB0  }
0x449: {  	_ =	swait.ge [sflag:s1], $0x50  }
0x44a: {  	[sflag:s1] =	ssyncset.done $0x0  }
0x44b: {  	[sflag:s1] =	ssyncadd.s32 $0xFFFFFFB0  }
0x44c: {  	_ =	swait.ge [sflag:s1], $0x50  }
0x44d: {  	[sflag:s1] =	ssyncset.done $0x0  }
0x44e: {  	[sflag:s1] =	ssyncadd.s32 $0xFFFFFFB0  }
0x44f: {  	_ =	swait.ge [sflag:s1], $0x50  }
0x450: {  	[sflag:s1] =	ssyncset.done $0x0  }
0x451: {  	[sflag:s1] =	ssyncadd.s32 $0xFFFFFFB0  }
0x452: {  	_ =	swait.ge [sflag:s1], $0x50  }
0x453: {  	s0 =	sld [smem:$0x7E3]  }
0x454: {  	[sflag:s1] =	ssyncset.done $0x0  }
0x455: {  	s5 =	sld [smem:$0x7E4];
	[sflag:s1] =	ssyncadd.s32 $0xFFFFFFB0  }
0x456: {  	[tilespmem:s12], [sflag:$0x1] =	stream.linear.gather [hbm4b:s0+s3], $0x50, $0x38;
	[tilespmem:$0xD80] =	vst v63  }
0x457: {  	s0 =	sld [smem:$0x7E5]  }
0x458: {  	[tilespmem:s13], [sflag:$0x1] =	stream.linear.gather [hbm4b:s5+s3], $0x50, $0x38;
	[tilespmem:$0xD80] =	vst v63  }
0x459: {  	s5 =	sld [smem:$0x7E6]  }
0x45a: {  	[tilespmem:s14], [sflag:$0x1] =	stream.linear.gather [hbm4b:s0+s3], $0x50, $0x38;
	[tilespmem:$0xD80] =	vst v63  }
0x45b: {  	s0 =	sld [smem:$0x7E7]  }
0x45c: {  	[tilespmem:s15], [sflag:$0x1] =	stream.linear.gather [hbm4b:s5+s3], $0x50, $0x38;
	[tilespmem:$0xD80] =	vst v63  }
0x45d: {  	s5 =	sld [smem:$0x7E8]  }
0x45e: {  	[tilespmem:s16], [sflag:$0x1] =	stream.linear.gather [hbm4b:s0+s3], $0x50, $0x38;
	[tilespmem:$0xD80] =	vst v63  }
0x45f: {  	s0 =	sld [smem:$0x7E9]  }
0x460: {  	[tilespmem:s17], [sflag:$0x1] =	stream.linear.gather [hbm4b:s5+s3], $0x50, $0x38;
	[tilespmem:$0xD80] =	vst v63  }
0x461: {  	s5 =	sld [smem:$0x7EA]  }
0x462: {  	[tilespmem:s18], [sflag:$0x1] =	stream.linear.gather [hbm4b:s0+s3], $0x50, $0x38;
	[tilespmem:$0xD80] =	vst v63  }
0x463: {  	s0 =	sld [smem:$0x7EB]  }
0x464: {  	[tilespmem:s19], [sflag:$0x1] =	stream.linear.gather [hbm4b:s5+s3], $0x50, $0x38;
	[tilespmem:$0xD80] =	vst v63  }
0x465: {  	s5 =	sld [smem:$0x7EC]  }
0x466: {  	[tilespmem:s20], [sflag:$0x1] =	stream.linear.gather [hbm4b:s0+s3], $0x50, $0x38;
	[tilespmem:$0xD80] =	vst v63  }
0x467: {  	s0 =	sld [smem:$0x7ED]  }
0x468: {  	[tilespmem:s21], [sflag:$0x1] =	stream.linear.gather [hbm4b:s5+s3], $0x50, $0x38;
	[tilespmem:$0xD80] =	vst v63  }
0x469: {  	s5 =	sld [smem:$0x7EE]  }
0x46a: {  	[tilespmem:s22], [sflag:$0x1] =	stream.linear.gather [hbm4b:s0+s3], $0x50, $0x38;
	[tilespmem:$0xD80] =	vst v63  }
0x46b: {  	s0 =	sld [smem:$0x7EF]  }
0x46c: {  	[tilespmem:s23], [sflag:$0x1] =	stream.linear.gather [hbm4b:s5+s3], $0x50, $0x38;
	[tilespmem:$0xD80] =	vst v63  }
0x46d: {  	s5 =	sld [smem:$0x7F0]  }
0x46e: {  	[tilespmem:s24], [sflag:$0x1] =	stream.linear.gather [hbm4b:s0+s3], $0x50, $0x38;
	[tilespmem:$0xD80] =	vst v63  }
0x46f: {  	s0 =	sld [smem:$0x7F1]  }
0x470: {  	[tilespmem:s25], [sflag:$0x1] =	stream.linear.gather [hbm4b:s5+s3], $0x50, $0x38;
	[tilespmem:$0xD80] =	vst v63  }
0x471: {  	s5 =	sld [smem:$0x7F2]  }
0x472: {  	[tilespmem:s26], [sflag:$0x1] =	stream.linear.gather [hbm4b:s0+s3], $0x50, $0x38;
	[tilespmem:$0xD80] =	vst v63  }
0x473: {  	_ = 	snop  }
0x474: {  	[tilespmem:s28], [sflag:$0x1] =	stream.linear.gather [hbm4b:s5+s3], $0x50, $0x38;
	[tilespmem:$0xD80] =	vst v63  }
0x475: {  	_ =	swait.ge [sflag:s29], $0x50  }
0x476: {  	[sflag:s29] =	ssyncset.done $0x0  }
0x477: {  	[sflag:s29] =	ssyncadd.s32 $0xFFFFFFB0  }
0x478: {  	_ =	swait.ge [sflag:s29], $0x50  }
0x479: {  	[sflag:s29] =	ssyncset.done $0x0  }
0x47a: {  	[sflag:s29] =	ssyncadd.s32 $0xFFFFFFB0  }
0x47b: {  	_ =	swait.ge [sflag:s29], $0x50  }
0x47c: {  	[sflag:s29] =	ssyncset.done $0x0  }
0x47d: {  	[sflag:s29] =	ssyncadd.s32 $0xFFFFFFB0  }
0x47e: {  	_ =	swait.ge [sflag:s29], $0x50  }
0x47f: {  	[sflag:s29] =	ssyncset.done $0x0  }
0x480: {  	[sflag:s29] =	ssyncadd.s32 $0xFFFFFFB0  }
0x481: {  	_ =	swait.ge [sflag:s29], $0x50  }
0x482: {  	[sflag:s29] =	ssyncset.done $0x0  }
0x483: {  	[sflag:s29] =	ssyncadd.s32 $0xFFFFFFB0  }
0x484: {  	_ =	swait.ge [sflag:s29], $0x50  }
0x485: {  	[sflag:s29] =	ssyncset.done $0x0  }
0x486: {  	[sflag:s29] =	ssyncadd.s32 $0xFFFFFFB0  }
0x487: {  	_ =	swait.ge [sflag:s29], $0x50  }
0x488: {  	[sflag:s29] =	ssyncset.done $0x0  }
0x489: {  	[sflag:s29] =	ssyncadd.s32 $0xFFFFFFB0  }
0x48a: {  	_ =	swait.ge [sflag:s29], $0x50  }
0x48b: {  	[sflag:s29] =	ssyncset.done $0x0  }
0x48c: {  	[sflag:s29] =	ssyncadd.s32 $0xFFFFFFB0  }
0x48d: {  	_ =	swait.ge [sflag:s29], $0x50  }
0x48e: {  	[sflag:s29] =	ssyncset.done $0x0  }
0x48f: {  	[sflag:s29] =	ssyncadd.s32 $0xFFFFFFB0  }
0x490: {  	_ =	swait.ge [sflag:s29], $0x50  }
0x491: {  	[sflag:s29] =	ssyncset.done $0x0  }
0x492: {  	[sflag:s29] =	ssyncadd.s32 $0xFFFFFFB0  }
0x493: {  	_ =	swait.ge [sflag:s29], $0x50  }
0x494: {  	[sflag:s29] =	ssyncset.done $0x0  }
0x495: {  	[sflag:s29] =	ssyncadd.s32 $0xFFFFFFB0  }
0x496: {  	_ =	swait.ge [sflag:s29], $0x50  }
0x497: {  	[sflag:s29] =	ssyncset.done $0x0  }
0x498: {  	[sflag:s29] =	ssyncadd.s32 $0xFFFFFFB0  }
0x499: {  	_ =	swait.ge [sflag:s29], $0x50  }
0x49a: {  	[sflag:s29] =	ssyncset.done $0x0  }
0x49b: {  	[sflag:s29] =	ssyncadd.s32 $0xFFFFFFB0  }
0x49c: {  	_ =	swait.ge [sflag:s29], $0x50  }
0x49d: {  	[sflag:s29] =	ssyncset.done $0x0  }
0x49e: {  	[sflag:s29] =	ssyncadd.s32 $0xFFFFFFB0  }
0x49f: {  	_ =	swait.ge [sflag:s29], $0x50  }
0x4a0: {  	[sflag:s29] =	ssyncset.done $0x0  }
0x4a1: {  	[sflag:s29] =	ssyncadd.s32 $0xFFFFFFB0  }
0x4a2: {  	_ =	swait.ge [sflag:s29], $0x50  }
0x4a3: {  	[sflag:s29] =	ssyncset.done $0x0  }
0x4a4: {  	[sflag:s29] =	ssyncadd.s32 $0xFFFFFFB0  }
0x4a5: {  	[spmem:s2] =	stream.indirect.scatter.add.f32 [tilespmem:s31], [sflag:$0x2], $0x1, s12, s30, $0xb8;
	[tilespmem:$0xD80] =	vst v63  }
0x4a6: {  	_ = 	snop  }
0x4a7: {  	[spmem:s2] =	stream.indirect.scatter.add.f32 [tilespmem:s31], [sflag:$0x2], $0x1, s13, s30, $0xb8;
	[tilespmem:$0xD80] =	vst v63  }
0x4a8: {  	_ = 	snop  }
0x4a9: {  	[spmem:s2] =	stream.indirect.scatter.add.f32 [tilespmem:s31], [sflag:$0x2], $0x1, s14, s30, $0xb8;
	[tilespmem:$0xD80] =	vst v63  }
0x4aa: {  	_ = 	snop  }
0x4ab: {  	[spmem:s2] =	stream.indirect.scatter.add.f32 [tilespmem:s31], [sflag:$0x2], $0x1, s15, s30, $0xb8;
	[tilespmem:$0xD80] =	vst v63  }
0x4ac: {  	_ = 	snop  }
0x4ad: {  	[spmem:s2] =	stream.indirect.scatter.add.f32 [tilespmem:s31], [sflag:$0x2], $0x1, s16, s30, $0xb8;
	[tilespmem:$0xD80] =	vst v63  }
0x4ae: {  	_ = 	snop  }
0x4af: {  	[spmem:s2] =	stream.indirect.scatter.add.f32 [tilespmem:s31], [sflag:$0x2], $0x1, s17, s30, $0xb8;
	[tilespmem:$0xD80] =	vst v63  }
0x4b0: {  	_ = 	snop  }
0x4b1: {  	[spmem:s2] =	stream.indirect.scatter.add.f32 [tilespmem:s31], [sflag:$0x2], $0x1, s18, s30, $0xb8;
	[tilespmem:$0xD80] =	vst v63  }
0x4b2: {  	_ = 	snop  }
0x4b3: {  	[spmem:s2] =	stream.indirect.scatter.add.f32 [tilespmem:s31], [sflag:$0x2], $0x1, s19, s30, $0xb8;
	[tilespmem:$0xD80] =	vst v63  }
0x4b4: {  	_ = 	snop  }
0x4b5: {  	[spmem:s2] =	stream.indirect.scatter.add.f32 [tilespmem:s31], [sflag:$0x2], $0x1, s20, s30, $0xb8;
	[tilespmem:$0xD80] =	vst v63  }
0x4b6: {  	_ = 	snop  }
0x4b7: {  	[spmem:s2] =	stream.indirect.scatter.add.f32 [tilespmem:s31], [sflag:$0x2], $0x1, s21, s30, $0xb8;
	[tilespmem:$0xD80] =	vst v63  }
0x4b8: {  	_ = 	snop  }
0x4b9: {  	[spmem:s2] =	stream.indirect.scatter.add.f32 [tilespmem:s31], [sflag:$0x2], $0x1, s22, s30, $0xb8;
	[tilespmem:$0xD80] =	vst v63  }
0x4ba: {  	_ = 	snop  }
0x4bb: {  	[spmem:s2] =	stream.indirect.scatter.add.f32 [tilespmem:s31], [sflag:$0x2], $0x1, s23, s30, $0xb8;
	[tilespmem:$0xD80] =	vst v63  }
0x4bc: {  	_ = 	snop  }
0x4bd: {  	[spmem:s2] =	stream.indirect.scatter.add.f32 [tilespmem:s31], [sflag:$0x2], $0x1, s24, s30, $0xb8;
	[tilespmem:$0xD80] =	vst v63  }
0x4be: {  	_ = 	snop  }
0x4bf: {  	[spmem:s2] =	stream.indirect.scatter.add.f32 [tilespmem:s31], [sflag:$0x2], $0x1, s25, s30, $0xb8;
	[tilespmem:$0xD80] =	vst v63  }
0x4c0: {  	_ = 	snop  }
0x4c1: {  	[spmem:s2] =	stream.indirect.scatter.add.f32 [tilespmem:s31], [sflag:$0x2], $0x1, s26, s30, $0xb8;
	[tilespmem:$0xD80] =	vst v63  }
0x4c2: {  	_ = 	snop  }
0x4c3: {  	[spmem:s2] =	stream.indirect.scatter.add.f32 [tilespmem:s31], [sflag:$0x2], $0x1, s28, s30, $0xb8;
	[tilespmem:$0xD80] =	vst v63  }
0x4c4: {  	_ =	swait.ge [sflag:s1], $0x50  }
0x4c5: {  	[sflag:s1] =	ssyncset.done $0x0  }
0x4c6: {  	[sflag:s1] =	ssyncadd.s32 $0xFFFFFFB0  }
0x4c7: {  	_ =	swait.ge [sflag:s1], $0x50  }
0x4c8: {  	[sflag:s1] =	ssyncset.done $0x0  }
0x4c9: {  	[sflag:s1] =	ssyncadd.s32 $0xFFFFFFB0  }
0x4ca: {  	_ =	swait.ge [sflag:s1], $0x50  }
0x4cb: {  	[sflag:s1] =	ssyncset.done $0x0  }
0x4cc: {  	[sflag:s1] =	ssyncadd.s32 $0xFFFFFFB0  }
0x4cd: {  	_ =	swait.ge [sflag:s1], $0x50  }
0x4ce: {  	[sflag:s1] =	ssyncset.done $0x0  }
0x4cf: {  	[sflag:s1] =	ssyncadd.s32 $0xFFFFFFB0  }
0x4d0: {  	_ =	swait.ge [sflag:s1], $0x50  }
0x4d1: {  	[sflag:s1] =	ssyncset.done $0x0  }
0x4d2: {  	[sflag:s1] =	ssyncadd.s32 $0xFFFFFFB0  }
0x4d3: {  	_ =	swait.ge [sflag:s1], $0x50  }
0x4d4: {  	[sflag:s1] =	ssyncset.done $0x0  }
0x4d5: {  	[sflag:s1] =	ssyncadd.s32 $0xFFFFFFB0  }
0x4d6: {  	_ =	swait.ge [sflag:s1], $0x50  }
0x4d7: {  	[sflag:s1] =	ssyncset.done $0x0  }
0x4d8: {  	[sflag:s1] =	ssyncadd.s32 $0xFFFFFFB0  }
0x4d9: {  	_ =	swait.ge [sflag:s1], $0x50  }
0x4da: {  	[sflag:s1] =	ssyncset.done $0x0  }
0x4db: {  	[sflag:s1] =	ssyncadd.s32 $0xFFFFFFB0  }
0x4dc: {  	_ =	swait.ge [sflag:s1], $0x50  }
0x4dd: {  	[sflag:s1] =	ssyncset.done $0x0  }
0x4de: {  	[sflag:s1] =	ssyncadd.s32 $0xFFFFFFB0  }
0x4df: {  	_ =	swait.ge [sflag:s1], $0x50  }
0x4e0: {  	[sflag:s1] =	ssyncset.done $0x0  }
0x4e1: {  	[sflag:s1] =	ssyncadd.s32 $0xFFFFFFB0  }
0x4e2: {  	_ =	swait.ge [sflag:s1], $0x50  }
0x4e3: {  	[sflag:s1] =	ssyncset.done $0x0  }
0x4e4: {  	[sflag:s1] =	ssyncadd.s32 $0xFFFFFFB0  }
0x4e5: {  	_ =	swait.ge [sflag:s1], $0x50  }
0x4e6: {  	[sflag:s1] =	ssyncset.done $0x0  }
0x4e7: {  	[sflag:s1] =	ssyncadd.s32 $0xFFFFFFB0  }
0x4e8: {  	_ =	swait.ge [sflag:s1], $0x50  }
0x4e9: {  	[sflag:s1] =	ssyncset.done $0x0  }
0x4ea: {  	[sflag:s1] =	ssyncadd.s32 $0xFFFFFFB0  }
0x4eb: {  	_ =	swait.ge [sflag:s1], $0x50  }
0x4ec: {  	[sflag:s1] =	ssyncset.done $0x0  }
0x4ed: {  	[sflag:s1] =	ssyncadd.s32 $0xFFFFFFB0  }
0x4ee: {  	_ =	swait.ge [sflag:s1], $0x50  }
0x4ef: {  	[sflag:s1] =	ssyncset.done $0x0  }
0x4f0: {  	[sflag:s1] =	ssyncadd.s32 $0xFFFFFFB0  }
0x4f1: {  	_ =	swait.ge [sflag:s1], $0x50  }
0x4f2: {  	s0 =	sld [smem:$0x7F3]  }
0x4f3: {  	[sflag:s1] =	ssyncset.done $0x0  }
0x4f4: {  	s5 =	sld [smem:$0x7F4];
	[sflag:s1] =	ssyncadd.s32 $0xFFFFFFB0  }
0x4f5: {  	[tilespmem:s12], [sflag:$0x1] =	stream.linear.gather [hbm4b:s0+s3], $0x50, $0x38;
	[tilespmem:$0xD80] =	vst v63  }
0x4f6: {  	s0 =	sld [smem:$0x7F5]  }
0x4f7: {  	[tilespmem:s13], [sflag:$0x1] =	stream.linear.gather [hbm4b:s5+s3], $0x50, $0x38;
	[tilespmem:$0xD80] =	vst v63  }
0x4f8: {  	s5 =	sld [smem:$0x7F6]  }
0x4f9: {  	[tilespmem:s14], [sflag:$0x1] =	stream.linear.gather [hbm4b:s0+s3], $0x50, $0x38;
	[tilespmem:$0xD80] =	vst v63  }
0x4fa: {  	s0 =	sld [smem:$0x7F7]  }
0x4fb: {  	[tilespmem:s15], [sflag:$0x1] =	stream.linear.gather [hbm4b:s5+s3], $0x50, $0x38;
	[tilespmem:$0xD80] =	vst v63  }
0x4fc: {  	s5 =	sld [smem:$0x7F8]  }
0x4fd: {  	[tilespmem:s16], [sflag:$0x1] =	stream.linear.gather [hbm4b:s0+s3], $0x50, $0x38;
	[tilespmem:$0xD80] =	vst v63  }
0x4fe: {  	s0 =	sld [smem:$0x7F9]  }
0x4ff: {  	[tilespmem:s17], [sflag:$0x1] =	stream.linear.gather [hbm4b:s5+s3], $0x50, $0x38;
	[tilespmem:$0xD80] =	vst v63  }
0x500: {  	s5 =	sld [smem:$0x7FA]  }
0x501: {  	[tilespmem:s18], [sflag:$0x1] =	stream.linear.gather [hbm4b:s0+s3], $0x50, $0x38;
	[tilespmem:$0xD80] =	vst v63  }
0x502: {  	s0 =	sld [smem:$0x7FB]  }
0x503: {  	[tilespmem:s19], [sflag:$0x1] =	stream.linear.gather [hbm4b:s5+s3], $0x50, $0x38;
	[tilespmem:$0xD80] =	vst v63  }
0x504: {  	s5 =	sld [smem:$0x7FC]  }
0x505: {  	[tilespmem:s20], [sflag:$0x1] =	stream.linear.gather [hbm4b:s0+s3], $0x50, $0x38;
	[tilespmem:$0xD80] =	vst v63  }
0x506: {  	_ = 	snop  }
0x507: {  	[tilespmem:s21], [sflag:$0x1] =	stream.linear.gather [hbm4b:s5+s3], $0x50, $0x38;
	[tilespmem:$0xD80] =	vst v63  }
0x508: {  	s5 =	sld [smem:$0x7FD];
	_ =	sdelay $0x2  }
0x509: {  	[tilespmem:s22], [sflag:$0x1] =	stream.linear.gather [hbm4b:s5+s3], $0x50, $0x38;
	[tilespmem:$0xD80] =	vst v63  }
0x50a: {  	_ = 	snop  }
0x50b: {  	[tilespmem:s23], [sflag:$0x1] =	stream.linear.gather [hbm4b:s6+s3], $0x50, $0x38;
	[tilespmem:$0xD80] =	vst v63  }
0x50c: {  	_ = 	snop  }
0x50d: {  	[tilespmem:s24], [sflag:$0x1] =	stream.linear.gather [hbm4b:s7+s3], $0x50, $0x38;
	[tilespmem:$0xD80] =	vst v63  }
0x50e: {  	_ =	swait.ge [sflag:s29], $0x50  }
0x50f: {  	[sflag:s29] =	ssyncset.done $0x0  }
0x510: {  	[sflag:s29] =	ssyncadd.s32 $0xFFFFFFB0  }
0x511: {  	_ =	swait.ge [sflag:s29], $0x50  }
0x512: {  	[sflag:s29] =	ssyncset.done $0x0  }
0x513: {  	[sflag:s29] =	ssyncadd.s32 $0xFFFFFFB0  }
0x514: {  	_ =	swait.ge [sflag:s29], $0x50  }
0x515: {  	[sflag:s29] =	ssyncset.done $0x0  }
0x516: {  	[sflag:s29] =	ssyncadd.s32 $0xFFFFFFB0  }
0x517: {  	_ =	swait.ge [sflag:s29], $0x50  }
0x518: {  	[sflag:s29] =	ssyncset.done $0x0  }
0x519: {  	[sflag:s29] =	ssyncadd.s32 $0xFFFFFFB0  }
0x51a: {  	_ =	swait.ge [sflag:s29], $0x50  }
0x51b: {  	[sflag:s29] =	ssyncset.done $0x0  }
0x51c: {  	[sflag:s29] =	ssyncadd.s32 $0xFFFFFFB0  }
0x51d: {  	_ =	swait.ge [sflag:s29], $0x50  }
0x51e: {  	[sflag:s29] =	ssyncset.done $0x0  }
0x51f: {  	[sflag:s29] =	ssyncadd.s32 $0xFFFFFFB0  }
0x520: {  	_ =	swait.ge [sflag:s29], $0x50  }
0x521: {  	[sflag:s29] =	ssyncset.done $0x0  }
0x522: {  	[sflag:s29] =	ssyncadd.s32 $0xFFFFFFB0  }
0x523: {  	_ =	swait.ge [sflag:s29], $0x50  }
0x524: {  	[sflag:s29] =	ssyncset.done $0x0  }
0x525: {  	[sflag:s29] =	ssyncadd.s32 $0xFFFFFFB0  }
0x526: {  	_ =	swait.ge [sflag:s29], $0x50  }
0x527: {  	[sflag:s29] =	ssyncset.done $0x0  }
0x528: {  	[sflag:s29] =	ssyncadd.s32 $0xFFFFFFB0  }
0x529: {  	_ =	swait.ge [sflag:s29], $0x50  }
0x52a: {  	[sflag:s29] =	ssyncset.done $0x0  }
0x52b: {  	[sflag:s29] =	ssyncadd.s32 $0xFFFFFFB0  }
0x52c: {  	_ =	swait.ge [sflag:s29], $0x50  }
0x52d: {  	[sflag:s29] =	ssyncset.done $0x0  }
0x52e: {  	[sflag:s29] =	ssyncadd.s32 $0xFFFFFFB0  }
0x52f: {  	_ =	swait.ge [sflag:s29], $0x50  }
0x530: {  	[sflag:s29] =	ssyncset.done $0x0  }
0x531: {  	[sflag:s29] =	ssyncadd.s32 $0xFFFFFFB0  }
0x532: {  	_ =	swait.ge [sflag:s29], $0x50  }
0x533: {  	[sflag:s29] =	ssyncset.done $0x0  }
0x534: {  	[sflag:s29] =	ssyncadd.s32 $0xFFFFFFB0  }
0x535: {  	[spmem:s2] =	stream.indirect.scatter.add.f32 [tilespmem:s31], [sflag:$0x2], $0x1, s12, s30, $0xb8;
	[tilespmem:$0xD80] =	vst v63  }
0x536: {  	_ = 	snop  }
0x537: {  	[spmem:s2] =	stream.indirect.scatter.add.f32 [tilespmem:s31], [sflag:$0x2], $0x1, s13, s30, $0xb8;
	[tilespmem:$0xD80] =	vst v63  }
0x538: {  	_ = 	snop  }
0x539: {  	[spmem:s2] =	stream.indirect.scatter.add.f32 [tilespmem:s31], [sflag:$0x2], $0x1, s14, s30, $0xb8;
	[tilespmem:$0xD80] =	vst v63  }
0x53a: {  	_ = 	snop  }
0x53b: {  	[spmem:s2] =	stream.indirect.scatter.add.f32 [tilespmem:s31], [sflag:$0x2], $0x1, s15, s30, $0xb8;
	[tilespmem:$0xD80] =	vst v63  }
0x53c: {  	_ = 	snop  }
0x53d: {  	[spmem:s2] =	stream.indirect.scatter.add.f32 [tilespmem:s31], [sflag:$0x2], $0x1, s16, s30, $0xb8;
	[tilespmem:$0xD80] =	vst v63  }
0x53e: {  	_ = 	snop  }
0x53f: {  	[spmem:s2] =	stream.indirect.scatter.add.f32 [tilespmem:s31], [sflag:$0x2], $0x1, s17, s30, $0xb8;
	[tilespmem:$0xD80] =	vst v63  }
0x540: {  	_ = 	snop  }
0x541: {  	[spmem:s2] =	stream.indirect.scatter.add.f32 [tilespmem:s31], [sflag:$0x2], $0x1, s18, s30, $0xb8;
	[tilespmem:$0xD80] =	vst v63  }
0x542: {  	_ = 	snop  }
0x543: {  	[spmem:s2] =	stream.indirect.scatter.add.f32 [tilespmem:s31], [sflag:$0x2], $0x1, s19, s30, $0xb8;
	[tilespmem:$0xD80] =	vst v63  }
0x544: {  	_ = 	snop  }
0x545: {  	[spmem:s2] =	stream.indirect.scatter.add.f32 [tilespmem:s31], [sflag:$0x2], $0x1, s20, s30, $0xb8;
	[tilespmem:$0xD80] =	vst v63  }
0x546: {  	_ = 	snop  }
0x547: {  	[spmem:s2] =	stream.indirect.scatter.add.f32 [tilespmem:s31], [sflag:$0x2], $0x1, s21, s30, $0xb8;
	[tilespmem:$0xD80] =	vst v63  }
0x548: {  	_ = 	snop  }
0x549: {  	[spmem:s2] =	stream.indirect.scatter.add.f32 [tilespmem:s31], [sflag:$0x2], $0x1, s22, s30, $0xb8;
	[tilespmem:$0xD80] =	vst v63  }
0x54a: {  	_ = 	snop  }
0x54b: {  	[spmem:s2] =	stream.indirect.scatter.add.f32 [tilespmem:s31], [sflag:$0x2], $0x1, s23, s30, $0xb8;
	[tilespmem:$0xD80] =	vst v63  }
0x54c: {  	_ = 	snop  }
0x54d: {  	[spmem:s2] =	stream.indirect.scatter.add.f32 [tilespmem:s31], [sflag:$0x2], $0x1, s24, s30, $0xb8;
	[tilespmem:$0xD80] =	vst v63  }
0x54e: {  	_ =	swait.ge [sflag:s1], $0x50  }
0x54f: {  	[sflag:s1] =	ssyncset.done $0x0  }
0x550: {  	[sflag:s1] =	ssyncadd.s32 $0xFFFFFFB0  }
0x551: {  	_ =	swait.ge [sflag:s1], $0x50  }
0x552: {  	[sflag:s1] =	ssyncset.done $0x0  }
0x553: {  	[sflag:s1] =	ssyncadd.s32 $0xFFFFFFB0  }
0x554: {  	_ =	swait.ge [sflag:s1], $0x50  }
0x555: {  	[sflag:s1] =	ssyncset.done $0x0  }
0x556: {  	[sflag:s1] =	ssyncadd.s32 $0xFFFFFFB0  }
0x557: {  	_ =	swait.ge [sflag:s1], $0x50  }
0x558: {  	[sflag:s1] =	ssyncset.done $0x0  }
0x559: {  	[sflag:s1] =	ssyncadd.s32 $0xFFFFFFB0  }
0x55a: {  	_ =	swait.ge [sflag:s1], $0x50  }
0x55b: {  	[sflag:s1] =	ssyncset.done $0x0  }
0x55c: {  	[sflag:s1] =	ssyncadd.s32 $0xFFFFFFB0  }
0x55d: {  	_ =	swait.ge [sflag:s1], $0x50  }
0x55e: {  	[sflag:s1] =	ssyncset.done $0x0  }
0x55f: {  	[sflag:s1] =	ssyncadd.s32 $0xFFFFFFB0  }
0x560: {  	_ =	swait.ge [sflag:s1], $0x50  }
0x561: {  	[sflag:s1] =	ssyncset.done $0x0  }
0x562: {  	[sflag:s1] =	ssyncadd.s32 $0xFFFFFFB0  }
0x563: {  	_ =	swait.ge [sflag:s1], $0x50  }
0x564: {  	[sflag:s1] =	ssyncset.done $0x0  }
0x565: {  	[sflag:s1] =	ssyncadd.s32 $0xFFFFFFB0  }
0x566: {  	_ =	swait.ge [sflag:s1], $0x50  }
0x567: {  	[sflag:s1] =	ssyncset.done $0x0  }
0x568: {  	[sflag:s1] =	ssyncadd.s32 $0xFFFFFFB0  }
0x569: {  	_ =	swait.ge [sflag:s1], $0x50  }
0x56a: {  	[sflag:s1] =	ssyncset.done $0x0  }
0x56b: {  	[sflag:s1] =	ssyncadd.s32 $0xFFFFFFB0  }
0x56c: {  	_ =	swait.ge [sflag:s1], $0x50  }
0x56d: {  	[sflag:s1] =	ssyncset.done $0x0  }
0x56e: {  	[sflag:s1] =	ssyncadd.s32 $0xFFFFFFB0  }
0x56f: {  	_ =	swait.ge [sflag:s1], $0x50  }
0x570: {  	[sflag:s1] =	ssyncset.done $0x0  }
0x571: {  	[sflag:s1] =	ssyncadd.s32 $0xFFFFFFB0  }
0x572: {  	_ =	swait.ge [sflag:s1], $0x50  }
0x573: {  	[sflag:s1] =	ssyncset.done $0x0  }
0x574: {  	[sflag:s1] =	ssyncadd.s32 $0xFFFFFFB0  }
0x575: {  	[bflag:$0x0] =	sbarrier.arrive $0xFFFF  }
0x576: {  	[tilespmem:s10], [sflag:$0x3] =	stream.linear.gather [spmem:s4], $0x280, $0x38;
	[tilespmem:$0xD80] =	vst v63  }
0x577: {  	_ =	swait.ge [sflag:s11], $0x280  }
0x578: {  	p0 =	sne.s32 s8, $0x1;
	[sflag:s11] =	ssyncset.done $0x0  }
.Ltmp0:
0x579: {  	[sflag:s11] =	ssyncadd.s32 $0xFFFFFD80;
	(pc) =	sbr.rel @p0 .LBB2_1-.Ltmp0, $4  }
0x57a: {  	[hbm4b:s9+s3] =	stream.linear.scatter [tilespmem:s10], [sflag:$0x3], $0x280, $0x38;
	[tilespmem:$0xD80] =	vst v63  }
0x57b: {  	_ =	swait.ge [sflag:s11], $0x280  }
0x57c: {  	[sflag:s11] =	ssyncset.done $0x0  }
0x57d: {  	s8 =	sadd.s32 $0xFFFFFFFF, s8;
	[sflag:s11] =	ssyncadd.s32 $0xFFFFFD80  }
0x57e: {  	_ =	sfence.sel $0x180000  }
0x57f: {  	[bflag:$0x0] =	sbarrier.arrive $0xFFFF  }
0x580: {  	_ =	strace $0x90000047  }
0x581: {  	s0 =	stileid.u32;
	[bflag:$0x2] =	sbarrier.arrive $0xFFFF  }
0x582: {  	p0 =	sne.s32 s0, $0x0;
	s0 =	rddreg [dreg:$0x3]  }
0x583: {  	s0 =	sadd.s32 @!p0 $0x100000, s0  }
0x584: {  	[sflag:s0] =	ssyncadd.tile.s32 @!p0 $0x1;
	_ =	shalt  }
.Lfunc_end2:
_tile_overlayer_lowered:
.L_overlay_start_2:
0x585: {  	(tag) =	ssettag $0x2  }
0x586: {  	s0 =	rddreg [dreg:$0x0];
	s2 =	stileid.u32  }
0x587: {  	s1 =	rddreg [dreg:$0x1];
	p0 =	sne.s32 s2, $0x0  }
0x588: {  	s3 =	rddreg [dreg:$0x2];
	[bflag:$0x3] =	sbarrier.arrive $0xFFFF;
	s2 =	simm.s32 @!p0 $0x1C03  }
0x589: {  	[timem:s3], [sflag:s2] =	dma.local @!p0 [hbm:s0], s1  }
0x58a: {  	s0 =	simm.s32 @!p0 $0x3  }
0x58b: {  	_ =	swait.ge @!p0 [sflag:s0], s1  }
0x58c: {  	s1 =	ssub.s32 @!p0 $0x0, s1;
	[sflag:s0] =	ssyncset.done @!p0 $0x0  }
0x58d: {  	[sflag:s0] =	ssyncadd.s32 @!p0 s1  }
0x58e: {  	[bflag:$0x3] =	sbarrier.arrive $0xFFFF  }
0x58f: {  	_ =	shalt  }

</sc_bundles>
